<compile_context>
chip_gen: v7x
topology: tpu7x:2x2x1
jax: 0.10.2.dev20260603
libtpu: 0.0.44.dev20260713+nightly
codegen_flags: <defaults>
</compile_context>

<pallas_src>
import functools
from math import gcd as _gcd

import jax
import jax.numpy as jnp
from jax import lax
from jax.experimental import pallas as pl
from jax.experimental.pallas import tpu as pltpu
from jax.experimental.pallas import tpu_sc as plsc

NC = 2
NS = 16
NW = NC * NS
L = 80
_D = 4
_DI = 8
_AI = 4
_AG = 2
_S = 2
_SD = 6
_DD = 12
_AD = 6
LD = 128


def _deg_body(ei_hbm, zeros_hbm, out_hbm, dst_v, ones_v, deg_sh, isem, dsem,
              NCH, SLAB):
    c = lax.axis_index("c")
    s = lax.axis_index("s")
    w = c * NS + s
    nbase = NCH // NW
    extra = NCH - nbase * NW
    hi = nbase + jnp.where(w < extra, 1, 0)
    pltpu.sync_copy(zeros_hbm, deg_sh.at[pl.ds(s * SLAB, SLAB)])
    for k in range(LD // 16):
        ones_v[pl.ds(k * 16, 16)] = jnp.ones((16,), jnp.float32)
    plsc.subcore_barrier()

    def chunk_src(t):
        return ei_hbm.at[pl.ds(0, 2), pl.ds((w + NW * t) * LD, LD)]

    for j in range(_AD):
        @pl.when(j <= hi - 1)
        def _(j=j):
            pltpu.async_copy(chunk_src(j), dst_v.at[j % _DD], isem[j % _DD])

    U = _SD * _DD // _gcd(_SD, _DD)

    def body(j, carry):
        for u in range(U):

            @pl.when(j % U == u)
            def _(u=u):
                p = u % _SD
                ui = u % _DD

                @pl.when(j >= _SD)
                def _():
                    pltpu.make_async_copy(
                        ones_v, deg_sh.at[dst_v.at[(u - _SD) % _DD, 1]],
                        dsem[p]).wait()

                @pl.when(j + _AD <= hi - 1)
                def _():
                    si = (u + _AD) % _DD
                    pltpu.async_copy(chunk_src(j + _AD), dst_v.at[si],
                                     isem[si])

                pltpu.make_async_copy(chunk_src(j), dst_v.at[ui],
                                      isem[ui]).wait()
                pltpu.async_copy(ones_v, deg_sh.at[dst_v.at[ui, 1]], dsem[p],
                                 add=True)

        return carry

    lax.fori_loop(0, hi, body, 0)
    for p in range(_SD):
        @pl.when(p <= hi - 1)
        def _(p=p):
            pltpu.make_async_copy(ones_v, deg_sh.at[dst_v.at[0, 1]],
                                  dsem[p]).wait()
    plsc.subcore_barrier()
    pltpu.sync_copy(deg_sh.at[pl.ds(s * SLAB, SLAB)],
                    out_hbm.at[c, pl.ds(s * SLAB, SLAB)])


def _edge_body(hp_hbm, ei_hbm, zeros_hbm, out_hbm,
               idx_v, rows, acc_sh, isem, gsem, ssem, K, SLAB, EP):
    c = lax.axis_index("c")
    s = lax.axis_index("s")
    w = c * NS + s
    base = w * (K * L)
    pltpu.sync_copy(zeros_hbm, acc_sh.at[pl.ds(s * SLAB, SLAB)])
    plsc.subcore_barrier()

    def load_idx(j, si):
        pltpu.async_copy(ei_hbm.at[pl.ds(base + j * L, L)],
                         idx_v.at[si, 0], isem[si])
        pltpu.async_copy(ei_hbm.at[pl.ds(EP + base + j * L, L)],
                         idx_v.at[si, 1], isem[si])

    def wait_idx(j, si):
        pltpu.make_async_copy(ei_hbm.at[pl.ds(base + j * L, L)],
                              idx_v.at[si, 0], isem[si]).wait()
        pltpu.make_async_copy(ei_hbm.at[pl.ds(EP + base + j * L, L)],
                              idx_v.at[si, 1], isem[si]).wait()

    for j in range(min(_AI, K)):
        load_idx(j, j % _DI)
    for j in range(min(_AG, K)):
        si = j % _DI
        wait_idx(j, si)
        pltpu.async_copy(hp_hbm.at[idx_v.at[si, 0]], rows[j % _D],
                         gsem[j % _D])

    U = _D * _DI // _gcd(_D, _DI)

    def body(j, carry):
        for u in range(U):

            @pl.when(j % U == u)
            def _(u=u):
                p = u % _D

                @pl.when(j >= _S)
                def _():
                    q = (u - _S) % _D
                    qi = (u - _S) % _DI
                    pltpu.make_async_copy(
                        rows[q], acc_sh.at[idx_v.at[qi, 1]], ssem[q]).wait()

                @pl.when(j + _AI <= K - 1)
                def _():
                    load_idx(j + _AI, (u + _AI) % _DI)

                @pl.when(j + _AG <= K - 1)
                def _():
                    sg = (u + _AG) % _DI
                    rq = (u + _AG) % _D
                    wait_idx(j + _AG, sg)
                    pltpu.async_copy(hp_hbm.at[idx_v.at[sg, 0]], rows[rq],
                                     gsem[rq])

                ui = u % _DI
                pltpu.make_async_copy(hp_hbm.at[idx_v.at[ui, 0]], rows[p],
                                      gsem[p]).wait()
                pltpu.async_copy(rows[p], acc_sh.at[idx_v.at[ui, 1]], ssem[p],
                                 add=True)

        return carry

    lax.fori_loop(0, K, body, 0)
    for j in range(max(K - _S, 0), K):
        pltpu.make_async_copy(rows[j % _D], acc_sh.at[idx_v.at[j % _DI, 1]],
                              ssem[j % _D]).wait()
    plsc.subcore_barrier()
    pltpu.sync_copy(acc_sh.at[pl.ds(s * SLAB, SLAB)],
                    out_hbm.at[c, pl.ds(s * SLAB, SLAB)])


def _dis_col(degs_ref):
    d2 = lax.dot_general(degs_ref[...], jnp.eye(2, dtype=jnp.float32),
                         (((0,), (0,)), ((), ())),
                         preferred_element_type=jnp.float32)
    return lax.rsqrt(d2[:, 0:1] + d2[:, 1:2] + 1.0)


def _mm_body(x_ref, wg_ref, h_ref):
    h_ref[...] = jnp.dot(x_ref[...], wg_ref[...],
                         preferred_element_type=jnp.float32)


def _scale_body(h_ref, degs_ref, hp_ref):
    hp_ref[...] = h_ref[...] * _dis_col(degs_ref)


def _tail_body(acc_ref, hp_ref, degs_ref, bg_ref, w1_ref, b1_ref, w2_ref,
               b2_ref, y_ref):
    agg = acc_ref[0] + acc_ref[1] + hp_ref[...]
    m = jnp.maximum(agg * _dis_col(degs_ref) + bg_ref[...], 0.0)
    h2 = jnp.maximum(
        jnp.dot(m, w1_ref[...], preferred_element_type=jnp.float32)
        + b1_ref[...], 0.0)
    y_ref[...] = (jnp.dot(h2, w2_ref[...], preferred_element_type=jnp.float32)
                  + b2_ref[...])


def kernel(x, edge_index, Wg, bg, W1, b1, W2, b2):
    N, F = x.shape
    E = edge_index.shape[1]
    K = -(-E // (NW * L))
    EP = NW * K * L
    NP = ((N + NS * 8 - 1) // (NS * 8)) * (NS * 8) + NS * 8
    SLAB = NP // NS

    ei = edge_index.astype(jnp.int32)
    if EP != E:
        padcol = jnp.stack([jnp.zeros((EP - E,), jnp.int32),
                            jnp.full((EP - E,), N, jnp.int32)])
        ei = jnp.concatenate([ei, padcol], axis=1)
    ei1 = ei.reshape(-1)
    zeros1 = jnp.zeros((SLAB,), jnp.float32)
    zeros2 = jnp.zeros((SLAB, F), jnp.float32)

    mesh = plsc.VectorSubcoreMesh(core_axis_name="c", subcore_axis_name="s")

    if E % LD:
        padd = LD - E % LD
        ei_deg = jnp.concatenate(
            [ei, jnp.stack([jnp.zeros((padd,), jnp.int32),
                            jnp.full((padd,), N, jnp.int32)])], axis=1)
    else:
        ei_deg = ei
    NCH = ei_deg.shape[1] // LD
    deg_call = pl.kernel(
        functools.partial(_deg_body, NCH=NCH, SLAB=SLAB),
        out_type=jax.ShapeDtypeStruct((NC, NP), jnp.float32),
        mesh=mesh,
        scratch_types=[
            pltpu.VMEM((_DD, 2, LD), jnp.int32),
            pltpu.VMEM((LD,), jnp.float32),
            pltpu.VMEM_SHARED((NP,), jnp.float32),
            tuple(pltpu.SemaphoreType.DMA for _ in range(_DD)),
            tuple(pltpu.SemaphoreType.DMA for _ in range(_SD)),
        ],
    )
    degs = deg_call(ei_deg, zeros1)

    RB = 2048
    grid = -(-N // RB)
    h = pl.pallas_call(
        _mm_body,
        grid=(grid,),
        in_specs=[
            pl.BlockSpec((RB, F), lambda i: (i, 0)),
            pl.BlockSpec((F, F), lambda i: (0, 0)),
        ],
        out_specs=pl.BlockSpec((RB, F), lambda i: (i, 0)),
        out_shape=jax.ShapeDtypeStruct((N, F), jnp.float32),
    )(x, Wg)
    hp = pl.pallas_call(
        _scale_body,
        grid=(grid,),
        in_specs=[
            pl.BlockSpec((RB, F), lambda i: (i, 0)),
            pl.BlockSpec((NC, RB), lambda i: (0, i)),
        ],
        out_specs=pl.BlockSpec((RB, F), lambda i: (i, 0)),
        out_shape=jax.ShapeDtypeStruct((N, F), jnp.float32),
    )(h, degs)

    edge_call = pl.kernel(
        functools.partial(_edge_body, K=K, SLAB=SLAB, EP=EP),
        out_type=jax.ShapeDtypeStruct((NC, NP, F), jnp.float32),
        mesh=mesh,
        scratch_types=[
            pltpu.VMEM((_DI, 2, L), jnp.int32),
            tuple(pltpu.VMEM((L, F), jnp.float32) for _ in range(_D)),
            pltpu.VMEM_SHARED((NP, F), jnp.float32),
            tuple(pltpu.SemaphoreType.DMA for _ in range(_DI)),
            tuple(pltpu.SemaphoreType.DMA for _ in range(_D)),
            tuple(pltpu.SemaphoreType.DMA for _ in range(_D)),
        ],
    )
    acc = edge_call(hp, ei1, zeros2)

    y = pl.pallas_call(
        _tail_body,
        grid=(grid,),
        in_specs=[
            pl.BlockSpec((NC, RB, F), lambda i: (0, i, 0)),
            pl.BlockSpec((RB, F), lambda i: (i, 0)),
            pl.BlockSpec((NC, RB), lambda i: (0, i)),
            pl.BlockSpec((1, F), lambda i: (0, 0)),
            pl.BlockSpec((F, F), lambda i: (0, 0)),
            pl.BlockSpec((1, F), lambda i: (0, 0)),
            pl.BlockSpec((F, 1), lambda i: (0, 0)),
            pl.BlockSpec((1, 1), lambda i: (0, 0)),
        ],
        out_specs=pl.BlockSpec((RB, 1), lambda i: (i, 0)),
        out_shape=jax.ShapeDtypeStruct((N, 1), jnp.float32),
    )(acc, hp, degs, bg.reshape(1, F), W1, b1.reshape(1, F),
      W2, b2.reshape(1, 1))
    return y

# --- scband reference (transcript-rebuilt; emitter-appended) ---
"""Pipeline reference for scband-temperature-gnn-60842506715481 (READ-ONLY COPY).

The authoritative reference and input builder live on the scoring server;
editing this copy changes nothing except your own understanding.
"""

import jax, jax.numpy as jnp
import numpy as np

N = 10000
E = 320000
IN_CH = 128
HID = 128
OUT = 1


def setup_inputs(seed: int = 0) -> dict:
    key = jax.random.key(seed)
    k1, k2, k3, k4, k5, k6, k7, k8 = jax.random.split(key, 8)
    x = jax.random.normal(k1, (N, IN_CH), dtype=jnp.float32)
    edge_index = jax.random.randint(k2, (2, E), 0, N)
    Wg = jax.random.normal(k3, (IN_CH, HID), dtype=jnp.float32) * (1.0 / np.sqrt(IN_CH))
    bg = jnp.zeros((HID,), dtype=jnp.float32)
    W1 = jax.random.normal(k4, (HID, HID), dtype=jnp.float32) * (1.0 / np.sqrt(HID))
    b1 = jax.random.normal(k5, (HID,), dtype=jnp.float32) * 0.01
    W2 = jax.random.normal(k6, (HID, OUT), dtype=jnp.float32) * (1.0 / np.sqrt(HID))
    b2 = jax.random.normal(k7, (OUT,), dtype=jnp.float32) * 0.01
    return {"x": x, "edge_index": edge_index, "Wg": Wg, "bg": bg, "W1": W1, "b1": b1, "W2": W2, "b2": b2}


def gcn_conv(x, edge_index, Wg, bg):
    n = x.shape[0]
    src = edge_index[0]
    dst = edge_index[1]
    loop = jnp.arange(n, dtype=src.dtype)
    src = jnp.concatenate([src, loop])
    dst = jnp.concatenate([dst, loop])
    # symmetric normalization D^{-1/2} (A+I) D^{-1/2}
    deg = jnp.zeros((n,), dtype=x.dtype).at[dst].add(jnp.ones_like(dst, dtype=x.dtype))
    dis = jnp.where(deg > 0, 1.0 / jnp.sqrt(deg), 0.0)
    norm = dis[src] * dis[dst]
    h = x @ Wg
    msg = h[src] * norm[:, None]
    out = jnp.zeros((n, h.shape[1]), dtype=x.dtype).at[dst].add(msg)
    return out + bg


def reference(x, edge_index, Wg, bg, W1, b1, W2, b2):
    h = jax.nn.relu(gcn_conv(x, edge_index, Wg, bg))
    h = jax.nn.relu(h @ W1 + b1)
    return h @ W2 + b2

if __name__ == "__main__":
    import jax
    _d = setup_inputs()
    print(jax.jit(kernel)(*tuple(_d.values())))

</pallas_src>

<mosaic_0001>
#map = affine_map<(d0, d1) -> (0, 0)>
#map1 = affine_map<(d0, d1) -> (0)>
#map2 = affine_map<(d0, d1) -> (0, 0, 0)>
module attributes {stable_mosaic.version = 14 : i64} {
  func.func @_edge_body(%arg0: i32, %arg1: i32, %arg2: memref<10000x128xf32, #tpu.memory_space<hbm>>, %arg3: memref<640000xi32, #tpu.memory_space<hbm>>, %arg4: memref<640x128xf32, #tpu.memory_space<hbm>>, %arg5: memref<2x10240x128xf32, #tpu.memory_space<hbm>>, %arg6: memref<8x2x80xi32, #tpu.memory_space<vmem>>, %arg7: memref<80x128xf32, #tpu.memory_space<vmem>>, %arg8: memref<80x128xf32, #tpu.memory_space<vmem>>, %arg9: memref<80x128xf32, #tpu.memory_space<vmem>>, %arg10: memref<80x128xf32, #tpu.memory_space<vmem>>, %arg11: memref<10240x128xf32, #tpu.memory_space<vmem_shared>>, %arg12: memref<!tpu.dma_semaphore, #tpu.memory_space<semaphore_mem>>, %arg13: memref<!tpu.dma_semaphore, #tpu.memory_space<semaphore_mem>>, %arg14: memref<!tpu.dma_semaphore, #tpu.memory_space<semaphore_mem>>, %arg15: memref<!tpu.dma_semaphore, #tpu.memory_space<semaphore_mem>>, %arg16: memref<!tpu.dma_semaphore, #tpu.memory_space<semaphore_mem>>, %arg17: memref<!tpu.dma_semaphore, #tpu.memory_space<semaphore_mem>>, %arg18: memref<!tpu.dma_semaphore, #tpu.memory_space<semaphore_mem>>, %arg19: memref<!tpu.dma_semaphore, #tpu.memory_space<semaphore_mem>>, %arg20: memref<!tpu.dma_semaphore, #tpu.memory_space<semaphore_mem>>, %arg21: memref<!tpu.dma_semaphore, #tpu.memory_space<semaphore_mem>>, %arg22: memref<!tpu.dma_semaphore, #tpu.memory_space<semaphore_mem>>, %arg23: memref<!tpu.dma_semaphore, #tpu.memory_space<semaphore_mem>>, %arg24: memref<!tpu.dma_semaphore, #tpu.memory_space<semaphore_mem>>, %arg25: memref<!tpu.dma_semaphore, #tpu.memory_space<semaphore_mem>>, %arg26: memref<!tpu.dma_semaphore, #tpu.memory_space<semaphore_mem>>, %arg27: memref<!tpu.dma_semaphore, #tpu.memory_space<semaphore_mem>>) attributes {dimension_semantics = [#tpu.dimension_semantics<core_parallel>, #tpu.dimension_semantics<subcore_parallel>], iteration_bounds = array<i64: 2, 16>, scalar_prefetch = 0 : i64, scratch_operands = 22 : i64, tpu.core_type = #tpu.core_type<sc_vector_subcore>, window_params = [{transform_indices = #map}, {transform_indices = #map1}, {transform_indices = #map}, {transform_indices = #map2}]} {
    %mul3A = arith.constant 16 : i32
    %mul3A_0 = arith.muli %arg0, %mul3A : i32
    %add3A = arith.addi %mul3A_0, %arg1 : i32
    %mul3A_1 = arith.constant 10000 : i32
    %mul3A_2 = arith.muli %add3A, %mul3A_1 : i32
    %mul3A_3 = arith.constant 640 : i32
    %mul3A_4 = arith.muli %arg1, %mul3A_3 : i32
    "tpu.region"() ({
      %run_scoped3A = tpu.sem_alloc : memref<!tpu.dma_semaphore, #tpu.memory_space<semaphore_mem>>
      %dma_start3A_201 = arith.constant 0 : i32
      %dma_start3A_202 = tpu.memref_slice %arg11[%mul3A_4, %dma_start3A_201] : memref<10240x128xf32, #tpu.memory_space<vmem_shared>> -> memref<640x128xf32, #tpu.memory_space<vmem_shared>>
      tpu.enqueue_dma source(%arg4 : memref<640x128xf32, #tpu.memory_space<hbm>>) target(%dma_start3A_202 : memref<640x128xf32, #tpu.memory_space<vmem_shared>>) target_semaphore(%run_scoped3A : memref<!tpu.dma_semaphore, #tpu.memory_space<semaphore_mem>>)
      %dma_wait3A_203 = arith.constant 0 : i32
      %dma_wait3A_204 = tpu.memref_slice %arg11[%mul3A_4, %dma_wait3A_203] : memref<10240x128xf32, #tpu.memory_space<vmem_shared>> -> memref<640x128xf32, #tpu.memory_space<vmem_shared>>
      tpu.wait_dma2 semaphore(%run_scoped3A : memref<!tpu.dma_semaphore, #tpu.memory_space<semaphore_mem>>) src(%arg4 : memref<640x128xf32, #tpu.memory_space<hbm>>) dst(%dma_wait3A_204 : memref<640x128xf32, #tpu.memory_space<vmem_shared>>)
      tpu.yield
    }) : () -> ()
    %barrier3A = arith.constant 0 : index
    tpu.barrier barrier_id(%barrier3A)
    %add3A_5 = arith.constant 0 : i32
    %add3A_6 = arith.addi %mul3A_2, %add3A_5 : i32
    %dma_start3A = arith.constant 0 : i32
    %dma_start3A_7 = arith.constant 0 : i32
    %dma_start3A_8 = arith.constant 0 : i32
    %dma_start3A_9 = tpu.memref_slice %arg6[%dma_start3A, %dma_start3A_7, %dma_start3A_8] : memref<8x2x80xi32, #tpu.memory_space<vmem>> -> memref<1x1x80xi32, #tpu.memory_space<vmem>>
    %dma_start3A_10 = tpu.memref_squeeze %dma_start3A_9 : memref<1x1x80xi32, #tpu.memory_space<vmem>> -> memref<80xi32, #tpu.memory_space<vmem>>
    %dma_start3A_11 = tpu.memref_slice %arg3[%add3A_6] : memref<640000xi32, #tpu.memory_space<hbm>> -> memref<80xi32, #tpu.memory_space<hbm>>
    %dma_start3A_12 = arith.constant 0 : i32
    %dma_start3A_13 = tpu.memref_slice %arg6[%dma_start3A, %dma_start3A_7, %dma_start3A_12] : memref<8x2x80xi32, #tpu.memory_space<vmem>> -> memref<1x1x80xi32, #tpu.memory_space<vmem>>
    %dma_start3A_14 = tpu.memref_squeeze %dma_start3A_13 : memref<1x1x80xi32, #tpu.memory_space<vmem>> -> memref<80xi32, #tpu.memory_space<vmem>>
    %dma_start3A_15 = tpu.memref_slice %arg3[%add3A_6] : memref<640000xi32, #tpu.memory_space<hbm>> -> memref<80xi32, #tpu.memory_space<hbm>>
    tpu.enqueue_dma source(%dma_start3A_15 : memref<80xi32, #tpu.memory_space<hbm>>) target(%dma_start3A_14 : memref<80xi32, #tpu.memory_space<vmem>>) target_semaphore(%arg12 : memref<!tpu.dma_semaphore, #tpu.memory_space<semaphore_mem>>)
    %add3A_16 = arith.constant 320000 : i32
    %add3A_17 = arith.addi %add3A_16, %mul3A_2 : i32
    %add3A_18 = arith.constant 0 : i32
    %add3A_19 = arith.addi %add3A_17, %add3A_18 : i32
    %dma_start3A_20 = arith.constant 0 : i32
    %dma_start3A_21 = arith.constant 1 : i32
    %dma_start3A_22 = arith.constant 0 : i32
    %dma_start3A_23 = tpu.memref_slice %arg6[%dma_start3A_20, %dma_start3A_21, %dma_start3A_22] : memref<8x2x80xi32, #tpu.memory_space<vmem>> -> memref<1x1x80xi32, #tpu.memory_space<vmem>>
    %dma_start3A_24 = tpu.memref_squeeze %dma_start3A_23 : memref<1x1x80xi32, #tpu.memory_space<vmem>> -> memref<80xi32, #tpu.memory_space<vmem>>
    %dma_start3A_25 = tpu.memref_slice %arg3[%add3A_19] : memref<640000xi32, #tpu.memory_space<hbm>> -> memref<80xi32, #tpu.memory_space<hbm>>
    %dma_start3A_26 = arith.constant 0 : i32
    %dma_start3A_27 = tpu.memref_slice %arg6[%dma_start3A_20, %dma_start3A_21, %dma_start3A_26] : memref<8x2x80xi32, #tpu.memory_space<vmem>> -> memref<1x1x80xi32, #tpu.memory_space<vmem>>
    %dma_start3A_28 = tpu.memref_squeeze %dma_start3A_27 : memref<1x1x80xi32, #tpu.memory_space<vmem>> -> memref<80xi32, #tpu.memory_space<vmem>>
    %dma_start3A_29 = tpu.memref_slice %arg3[%add3A_19] : memref<640000xi32, #tpu.memory_space<hbm>> -> memref<80xi32, #tpu.memory_space<hbm>>
    tpu.enqueue_dma source(%dma_start3A_29 : memref<80xi32, #tpu.memory_space<hbm>>) target(%dma_start3A_28 : memref<80xi32, #tpu.memory_space<vmem>>) target_semaphore(%arg12 : memref<!tpu.dma_semaphore, #tpu.memory_space<semaphore_mem>>)
    %add3A_30 = arith.constant 80 : i32
    %add3A_31 = arith.addi %mul3A_2, %add3A_30 : i32
    %dma_start3A_32 = arith.constant 1 : i32
    %dma_start3A_33 = arith.constant 0 : i32
    %dma_start3A_34 = arith.constant 0 : i32
    %dma_start3A_35 = tpu.memref_slice %arg6[%dma_start3A_32, %dma_start3A_33, %dma_start3A_34] : memref<8x2x80xi32, #tpu.memory_space<vmem>> -> memref<1x1x80xi32, #tpu.memory_space<vmem>>
    %dma_start3A_36 = tpu.memref_squeeze %dma_start3A_35 : memref<1x1x80xi32, #tpu.memory_space<vmem>> -> memref<80xi32, #tpu.memory_space<vmem>>
    %dma_start3A_37 = tpu.memref_slice %arg3[%add3A_31] : memref<640000xi32, #tpu.memory_space<hbm>> -> memref<80xi32, #tpu.memory_space<hbm>>
    %dma_start3A_38 = arith.constant 0 : i32
    %dma_start3A_39 = tpu.memref_slice %arg6[%dma_start3A_32, %dma_start3A_33, %dma_start3A_38] : memref<8x2x80xi32, #tpu.memory_space<vmem>> -> memref<1x1x80xi32, #tpu.memory_space<vmem>>
    %dma_start3A_40 = tpu.memref_squeeze %dma_start3A_39 : memref<1x1x80xi32, #tpu.memory_space<vmem>> -> memref<80xi32, #tpu.memory_space<vmem>>
    %dma_start3A_41 = tpu.memref_slice %arg3[%add3A_31] : memref<640000xi32, #tpu.memory_space<hbm>> -> memref<80xi32, #tpu.memory_space<hbm>>
    tpu.enqueue_dma source(%dma_start3A_41 : memref<80xi32, #tpu.memory_space<hbm>>) target(%dma_start3A_40 : memref<80xi32, #tpu.memory_space<vmem>>) target_semaphore(%arg13 : memref<!tpu.dma_semaphore, #tpu.memory_space<semaphore_mem>>)
    %add3A_42 = arith.constant 320000 : i32
    %add3A_43 = arith.addi %add3A_42, %mul3A_2 : i32
    %add3A_44 = arith.constant 80 : i32
    %add3A_45 = arith.addi %add3A_43, %add3A_44 : i32
    %dma_start3A_46 = arith.constant 1 : i32
    %dma_start3A_47 = arith.constant 1 : i32
    %dma_start3A_48 = arith.constant 0 : i32
    %dma_start3A_49 = tpu.memref_slice %arg6[%dma_start3A_46, %dma_start3A_47, %dma_start3A_48] : memref<8x2x80xi32, #tpu.memory_space<vmem>> -> memref<1x1x80xi32, #tpu.memory_space<vmem>>
    %dma_start3A_50 = tpu.memref_squeeze %dma_start3A_49 : memref<1x1x80xi32, #tpu.memory_space<vmem>> -> memref<80xi32, #tpu.memory_space<vmem>>
    %dma_start3A_51 = tpu.memref_slice %arg3[%add3A_45] : memref<640000xi32, #tpu.memory_space<hbm>> -> memref<80xi32, #tpu.memory_space<hbm>>
    %dma_start3A_52 = arith.constant 0 : i32
    %dma_start3A_53 = tpu.memref_slice %arg6[%dma_start3A_46, %dma_start3A_47, %dma_start3A_52] : memref<8x2x80xi32, #tpu.memory_space<vmem>> -> memref<1x1x80xi32, #tpu.memory_space<vmem>>
    %dma_start3A_54 = tpu.memref_squeeze %dma_start3A_53 : memref<1x1x80xi32, #tpu.memory_space<vmem>> -> memref<80xi32, #tpu.memory_space<vmem>>
    %dma_start3A_55 = tpu.memref_slice %arg3[%add3A_45] : memref<640000xi32, #tpu.memory_space<hbm>> -> memref<80xi32, #tpu.memory_space<hbm>>
    tpu.enqueue_dma source(%dma_start3A_55 : memref<80xi32, #tpu.memory_space<hbm>>) target(%dma_start3A_54 : memref<80xi32, #tpu.memory_space<vmem>>) target_semaphore(%arg13 : memref<!tpu.dma_semaphore, #tpu.memory_space<semaphore_mem>>)
    %add3A_56 = arith.constant 160 : i32
    %add3A_57 = arith.addi %mul3A_2, %add3A_56 : i32
    %dma_start3A_58 = arith.constant 2 : i32
    %dma_start3A_59 = arith.constant 0 : i32
    %dma_start3A_60 = arith.constant 0 : i32
    %dma_start3A_61 = tpu.memref_slice %arg6[%dma_start3A_58, %dma_start3A_59, %dma_start3A_60] : memref<8x2x80xi32, #tpu.memory_space<vmem>> -> memref<1x1x80xi32, #tpu.memory_space<vmem>>
    %dma_start3A_62 = tpu.memref_squeeze %dma_start3A_61 : memref<1x1x80xi32, #tpu.memory_space<vmem>> -> memref<80xi32, #tpu.memory_space<vmem>>
    %dma_start3A_63 = tpu.memref_slice %arg3[%add3A_57] : memref<640000xi32, #tpu.memory_space<hbm>> -> memref<80xi32, #tpu.memory_space<hbm>>
    %dma_start3A_64 = arith.constant 0 : i32
    %dma_start3A_65 = tpu.memref_slice %arg6[%dma_start3A_58, %dma_start3A_59, %dma_start3A_64] : memref<8x2x80xi32, #tpu.memory_space<vmem>> -> memref<1x1x80xi32, #tpu.memory_space<vmem>>
    %dma_start3A_66 = tpu.memref_squeeze %dma_start3A_65 : memref<1x1x80xi32, #tpu.memory_space<vmem>> -> memref<80xi32, #tpu.memory_space<vmem>>
    %dma_start3A_67 = tpu.memref_slice %arg3[%add3A_57] : memref<640000xi32, #tpu.memory_space<hbm>> -> memref<80xi32, #tpu.memory_space<hbm>>
    tpu.enqueue_dma source(%dma_start3A_67 : memref<80xi32, #tpu.memory_space<hbm>>) target(%dma_start3A_66 : memref<80xi32, #tpu.memory_space<vmem>>) target_semaphore(%arg14 : memref<!tpu.dma_semaphore, #tpu.memory_space<semaphore_mem>>)
    %add3A_68 = arith.constant 320000 : i32
    %add3A_69 = arith.addi %add3A_68, %mul3A_2 : i32
    %add3A_70 = arith.constant 160 : i32
    %add3A_71 = arith.addi %add3A_69, %add3A_70 : i32
    %dma_start3A_72 = arith.constant 2 : i32
    %dma_start3A_73 = arith.constant 1 : i32
    %dma_start3A_74 = arith.constant 0 : i32
    %dma_start3A_75 = tpu.memref_slice %arg6[%dma_start3A_72, %dma_start3A_73, %dma_start3A_74] : memref<8x2x80xi32, #tpu.memory_space<vmem>> -> memref<1x1x80xi32, #tpu.memory_space<vmem>>
    %dma_start3A_76 = tpu.memref_squeeze %dma_start3A_75 : memref<1x1x80xi32, #tpu.memory_space<vmem>> -> memref<80xi32, #tpu.memory_space<vmem>>
    %dma_start3A_77 = tpu.memref_slice %arg3[%add3A_71] : memref<640000xi32, #tpu.memory_space<hbm>> -> memref<80xi32, #tpu.memory_space<hbm>>
    %dma_start3A_78 = arith.constant 0 : i32
    %dma_start3A_79 = tpu.memref_slice %arg6[%dma_start3A_72, %dma_start3A_73, %dma_start3A_78] : memref<8x2x80xi32, #tpu.memory_space<vmem>> -> memref<1x1x80xi32, #tpu.memory_space<vmem>>
    %dma_start3A_80 = tpu.memref_squeeze %dma_start3A_79 : memref<1x1x80xi32, #tpu.memory_space<vmem>> -> memref<80xi32, #tpu.memory_space<vmem>>
    %dma_start3A_81 = tpu.memref_slice %arg3[%add3A_71] : memref<640000xi32, #tpu.memory_space<hbm>> -> memref<80xi32, #tpu.memory_space<hbm>>
    tpu.enqueue_dma source(%dma_start3A_81 : memref<80xi32, #tpu.memory_space<hbm>>) target(%dma_start3A_80 : memref<80xi32, #tpu.memory_space<vmem>>) target_semaphore(%arg14 : memref<!tpu.dma_semaphore, #tpu.memory_space<semaphore_mem>>)
    %add3A_82 = arith.constant 240 : i32
    %add3A_83 = arith.addi %mul3A_2, %add3A_82 : i32
    %dma_start3A_84 = arith.constant 3 : i32
    %dma_start3A_85 = arith.constant 0 : i32
    %dma_start3A_86 = arith.constant 0 : i32
    %dma_start3A_87 = tpu.memref_slice %arg6[%dma_start3A_84, %dma_start3A_85, %dma_start3A_86] : memref<8x2x80xi32, #tpu.memory_space<vmem>> -> memref<1x1x80xi32, #tpu.memory_space<vmem>>
    %dma_start3A_88 = tpu.memref_squeeze %dma_start3A_87 : memref<1x1x80xi32, #tpu.memory_space<vmem>> -> memref<80xi32, #tpu.memory_space<vmem>>
    %dma_start3A_89 = tpu.memref_slice %arg3[%add3A_83] : memref<640000xi32, #tpu.memory_space<hbm>> -> memref<80xi32, #tpu.memory_space<hbm>>
    %dma_start3A_90 = arith.constant 0 : i32
    %dma_start3A_91 = tpu.memref_slice %arg6[%dma_start3A_84, %dma_start3A_85, %dma_start3A_90] : memref<8x2x80xi32, #tpu.memory_space<vmem>> -> memref<1x1x80xi32, #tpu.memory_space<vmem>>
    %dma_start3A_92 = tpu.memref_squeeze %dma_start3A_91 : memref<1x1x80xi32, #tpu.memory_space<vmem>> -> memref<80xi32, #tpu.memory_space<vmem>>
    %dma_start3A_93 = tpu.memref_slice %arg3[%add3A_83] : memref<640000xi32, #tpu.memory_space<hbm>> -> memref<80xi32, #tpu.memory_space<hbm>>
    tpu.enqueue_dma source(%dma_start3A_93 : memref<80xi32, #tpu.memory_space<hbm>>) target(%dma_start3A_92 : memref<80xi32, #tpu.memory_space<vmem>>) target_semaphore(%arg15 : memref<!tpu.dma_semaphore, #tpu.memory_space<semaphore_mem>>)
    %add3A_94 = arith.constant 320000 : i32
    %add3A_95 = arith.addi %add3A_94, %mul3A_2 : i32
    %add3A_96 = arith.constant 240 : i32
    %add3A_97 = arith.addi %add3A_95, %add3A_96 : i32
    %dma_start3A_98 = arith.constant 3 : i32
    %dma_start3A_99 = arith.constant 1 : i32
    %dma_start3A_100 = arith.constant 0 : i32
    %dma_start3A_101 = tpu.memref_slice %arg6[%dma_start3A_98, %dma_start3A_99, %dma_start3A_100] : memref<8x2x80xi32, #tpu.memory_space<vmem>> -> memref<1x1x80xi32, #tpu.memory_space<vmem>>
    %dma_start3A_102 = tpu.memref_squeeze %dma_start3A_101 : memref<1x1x80xi32, #tpu.memory_space<vmem>> -> memref<80xi32, #tpu.memory_space<vmem>>
    %dma_start3A_103 = tpu.memref_slice %arg3[%add3A_97] : memref<640000xi32, #tpu.memory_space<hbm>> -> memref<80xi32, #tpu.memory_space<hbm>>
    %dma_start3A_104 = arith.constant 0 : i32
    %dma_start3A_105 = tpu.memref_slice %arg6[%dma_start3A_98, %dma_start3A_99, %dma_start3A_104] : memref<8x2x80xi32, #tpu.memory_space<vmem>> -> memref<1x1x80xi32, #tpu.memory_space<vmem>>
    %dma_start3A_106 = tpu.memref_squeeze %dma_start3A_105 : memref<1x1x80xi32, #tpu.memory_space<vmem>> -> memref<80xi32, #tpu.memory_space<vmem>>
    %dma_start3A_107 = tpu.memref_slice %arg3[%add3A_97] : memref<640000xi32, #tpu.memory_space<hbm>> -> memref<80xi32, #tpu.memory_space<hbm>>
    tpu.enqueue_dma source(%dma_start3A_107 : memref<80xi32, #tpu.memory_space<hbm>>) target(%dma_start3A_106 : memref<80xi32, #tpu.memory_space<vmem>>) target_semaphore(%arg15 : memref<!tpu.dma_semaphore, #tpu.memory_space<semaphore_mem>>)
    %add3A_108 = arith.constant 0 : i32
    %add3A_109 = arith.addi %mul3A_2, %add3A_108 : i32
    %dma_wait3A = arith.constant 0 : i32
    %dma_wait3A_110 = arith.constant 0 : i32
    %dma_wait3A_111 = arith.constant 0 : i32
    %dma_wait3A_112 = tpu.memref_slice %arg6[%dma_wait3A, %dma_wait3A_110, %dma_wait3A_111] : memref<8x2x80xi32, #tpu.memory_space<vmem>> -> memref<1x1x80xi32, #tpu.memory_space<vmem>>
    %dma_wait3A_113 = tpu.memref_squeeze %dma_wait3A_112 : memref<1x1x80xi32, #tpu.memory_space<vmem>> -> memref<80xi32, #tpu.memory_space<vmem>>
    %dma_wait3A_114 = tpu.memref_slice %arg3[%add3A_109] : memref<640000xi32, #tpu.memory_space<hbm>> -> memref<80xi32, #tpu.memory_space<hbm>>
    %dma_wait3A_115 = arith.constant 0 : i32
    %dma_wait3A_116 = tpu.memref_slice %arg6[%dma_wait3A, %dma_wait3A_110, %dma_wait3A_115] : memref<8x2x80xi32, #tpu.memory_space<vmem>> -> memref<1x1x80xi32, #tpu.memory_space<vmem>>
    %dma_wait3A_117 = tpu.memref_squeeze %dma_wait3A_116 : memref<1x1x80xi32, #tpu.memory_space<vmem>> -> memref<80xi32, #tpu.memory_space<vmem>>
    %dma_wait3A_118 = tpu.memref_slice %arg3[%add3A_109] : memref<640000xi32, #tpu.memory_space<hbm>> -> memref<80xi32, #tpu.memory_space<hbm>>
    tpu.wait_dma2 semaphore(%arg12 : memref<!tpu.dma_semaphore, #tpu.memory_space<semaphore_mem>>) src(%dma_wait3A_118 : memref<80xi32, #tpu.memory_space<hbm>>) dst(%dma_wait3A_117 : memref<80xi32, #tpu.memory_space<vmem>>)
    %add3A_119 = arith.constant 320000 : i32
    %add3A_120 = arith.addi %add3A_119, %mul3A_2 : i32
    %add3A_121 = arith.constant 0 : i32
    %add3A_122 = arith.addi %add3A_120, %add3A_121 : i32
    %dma_wait3A_123 = arith.constant 0 : i32
    %dma_wait3A_124 = arith.constant 1 : i32
    %dma_wait3A_125 = arith.constant 0 : i32
    %dma_wait3A_126 = tpu.memref_slice %arg6[%dma_wait3A_123, %dma_wait3A_124, %dma_wait3A_125] : memref<8x2x80xi32, #tpu.memory_space<vmem>> -> memref<1x1x80xi32, #tpu.memory_space<vmem>>
    %dma_wait3A_127 = tpu.memref_squeeze %dma_wait3A_126 : memref<1x1x80xi32, #tpu.memory_space<vmem>> -> memref<80xi32, #tpu.memory_space<vmem>>
    %dma_wait3A_128 = tpu.memref_slice %arg3[%add3A_122] : memref<640000xi32, #tpu.memory_space<hbm>> -> memref<80xi32, #tpu.memory_space<hbm>>
    %dma_wait3A_129 = arith.constant 0 : i32
    %dma_wait3A_130 = tpu.memref_slice %arg6[%dma_wait3A_123, %dma_wait3A_124, %dma_wait3A_129] : memref<8x2x80xi32, #tpu.memory_space<vmem>> -> memref<1x1x80xi32, #tpu.memory_space<vmem>>
    %dma_wait3A_131 = tpu.memref_squeeze %dma_wait3A_130 : memref<1x1x80xi32, #tpu.memory_space<vmem>> -> memref<80xi32, #tpu.memory_space<vmem>>
    %dma_wait3A_132 = tpu.memref_slice %arg3[%add3A_122] : memref<640000xi32, #tpu.memory_space<hbm>> -> memref<80xi32, #tpu.memory_space<hbm>>
    tpu.wait_dma2 semaphore(%arg12 : memref<!tpu.dma_semaphore, #tpu.memory_space<semaphore_mem>>) src(%dma_wait3A_132 : memref<80xi32, #tpu.memory_space<hbm>>) dst(%dma_wait3A_131 : memref<80xi32, #tpu.memory_space<vmem>>)
    %dma_start3A_133 = arith.constant 0 : i32
    %dma_start3A_134 = arith.constant 0 : i32
    %dma_start3A_135 = arith.constant 0 : i32
    %dma_start3A_136 = tpu.memref_slice %arg6[%dma_start3A_133, %dma_start3A_134, %dma_start3A_135] : memref<8x2x80xi32, #tpu.memory_space<vmem>> -> memref<1x1x80xi32, #tpu.memory_space<vmem>>
    %dma_start3A_137 = tpu.memref_squeeze %dma_start3A_136 : memref<1x1x80xi32, #tpu.memory_space<vmem>> -> memref<80xi32, #tpu.memory_space<vmem>>
    %dma_start3A_138 = arith.constant 0 : i32
    %dma_start3A_139 = arith.constant 0 : i32
    %dma_start3A_140 = tpu.memref_slice %arg2[%dma_start3A_138, %dma_start3A_139] : memref<10000x128xf32, #tpu.memory_space<hbm>> -> memref<10000x128xf32, #tpu.memory_space<hbm>>
    tpu.enqueue_indirect_dma source(%dma_start3A_140 : memref<10000x128xf32, #tpu.memory_space<hbm>>) target(%arg7 : memref<80x128xf32, #tpu.memory_space<vmem>>) offsets(%dma_start3A_137 : memref<80xi32, #tpu.memory_space<vmem>>) semaphore(%arg20 : memref<!tpu.dma_semaphore, #tpu.memory_space<semaphore_mem>>)
    %add3A_141 = arith.constant 80 : i32
    %add3A_142 = arith.addi %mul3A_2, %add3A_141 : i32
    %dma_wait3A_143 = arith.constant 1 : i32
    %dma_wait3A_144 = arith.constant 0 : i32
    %dma_wait3A_145 = arith.constant 0 : i32
    %dma_wait3A_146 = tpu.memref_slice %arg6[%dma_wait3A_143, %dma_wait3A_144, %dma_wait3A_145] : memref<8x2x80xi32, #tpu.memory_space<vmem>> -> memref<1x1x80xi32, #tpu.memory_space<vmem>>
    %dma_wait3A_147 = tpu.memref_squeeze %dma_wait3A_146 : memref<1x1x80xi32, #tpu.memory_space<vmem>> -> memref<80xi32, #tpu.memory_space<vmem>>
    %dma_wait3A_148 = tpu.memref_slice %arg3[%add3A_142] : memref<640000xi32, #tpu.memory_space<hbm>> -> memref<80xi32, #tpu.memory_space<hbm>>
    %dma_wait3A_149 = arith.constant 0 : i32
    %dma_wait3A_150 = tpu.memref_slice %arg6[%dma_wait3A_143, %dma_wait3A_144, %dma_wait3A_149] : memref<8x2x80xi32, #tpu.memory_space<vmem>> -> memref<1x1x80xi32, #tpu.memory_space<vmem>>
    %dma_wait3A_151 = tpu.memref_squeeze %dma_wait3A_150 : memref<1x1x80xi32, #tpu.memory_space<vmem>> -> memref<80xi32, #tpu.memory_space<vmem>>
    %dma_wait3A_152 = tpu.memref_slice %arg3[%add3A_142] : memref<640000xi32, #tpu.memory_space<hbm>> -> memref<80xi32, #tpu.memory_space<hbm>>
    tpu.wait_dma2 semaphore(%arg13 : memref<!tpu.dma_semaphore, #tpu.memory_space<semaphore_mem>>) src(%dma_wait3A_152 : memref<80xi32, #tpu.memory_space<hbm>>) dst(%dma_wait3A_151 : memref<80xi32, #tpu.memory_space<vmem>>)
    %add3A_153 = arith.constant 320000 : i32
    %add3A_154 = arith.addi %add3A_153, %mul3A_2 : i32
    %add3A_155 = arith.constant 80 : i32
    %add3A_156 = arith.addi %add3A_154, %add3A_155 : i32
    %dma_wait3A_157 = arith.constant 1 : i32
    %dma_wait3A_158 = arith.constant 1 : i32
    %dma_wait3A_159 = arith.constant 0 : i32
    %dma_wait3A_160 = tpu.memref_slice %arg6[%dma_wait3A_157, %dma_wait3A_158, %dma_wait3A_159] : memref<8x2x80xi32, #tpu.memory_space<vmem>> -> memref<1x1x80xi32, #tpu.memory_space<vmem>>
    %dma_wait3A_161 = tpu.memref_squeeze %dma_wait3A_160 : memref<1x1x80xi32, #tpu.memory_space<vmem>> -> memref<80xi32, #tpu.memory_space<vmem>>
    %dma_wait3A_162 = tpu.memref_slice %arg3[%add3A_156] : memref<640000xi32, #tpu.memory_space<hbm>> -> memref<80xi32, #tpu.memory_space<hbm>>
    %dma_wait3A_163 = arith.constant 0 : i32
    %dma_wait3A_164 = tpu.memref_slice %arg6[%dma_wait3A_157, %dma_wait3A_158, %dma_wait3A_163] : memref<8x2x80xi32, #tpu.memory_space<vmem>> -> memref<1x1x80xi32, #tpu.memory_space<vmem>>
    %dma_wait3A_165 = tpu.memref_squeeze %dma_wait3A_164 : memref<1x1x80xi32, #tpu.memory_space<vmem>> -> memref<80xi32, #tpu.memory_space<vmem>>
    %dma_wait3A_166 = tpu.memref_slice %arg3[%add3A_156] : memref<640000xi32, #tpu.memory_space<hbm>> -> memref<80xi32, #tpu.memory_space<hbm>>
    tpu.wait_dma2 semaphore(%arg13 : memref<!tpu.dma_semaphore, #tpu.memory_space<semaphore_mem>>) src(%dma_wait3A_166 : memref<80xi32, #tpu.memory_space<hbm>>) dst(%dma_wait3A_165 : memref<80xi32, #tpu.memory_space<vmem>>)
    %dma_start3A_167 = arith.constant 1 : i32
    %dma_start3A_168 = arith.constant 0 : i32
    %dma_start3A_169 = arith.constant 0 : i32
    %dma_start3A_170 = tpu.memref_slice %arg6[%dma_start3A_167, %dma_start3A_168, %dma_start3A_169] : memref<8x2x80xi32, #tpu.memory_space<vmem>> -> memref<1x1x80xi32, #tpu.memory_space<vmem>>
    %dma_start3A_171 = tpu.memref_squeeze %dma_start3A_170 : memref<1x1x80xi32, #tpu.memory_space<vmem>> -> memref<80xi32, #tpu.memory_space<vmem>>
    %dma_start3A_172 = arith.constant 0 : i32
    %dma_start3A_173 = arith.constant 0 : i32
    %dma_start3A_174 = tpu.memref_slice %arg2[%dma_start3A_172, %dma_start3A_173] : memref<10000x128xf32, #tpu.memory_space<hbm>> -> memref<10000x128xf32, #tpu.memory_space<hbm>>
    tpu.enqueue_indirect_dma source(%dma_start3A_174 : memref<10000x128xf32, #tpu.memory_space<hbm>>) target(%arg8 : memref<80x128xf32, #tpu.memory_space<vmem>>) offsets(%dma_start3A_171 : memref<80xi32, #tpu.memory_space<vmem>>) semaphore(%arg21 : memref<!tpu.dma_semaphore, #tpu.memory_space<semaphore_mem>>)
    %scan3A = arith.constant 0 : i32
    %scan3A_175 = arith.constant 0 : i32
    %scan3A_176 = arith.constant 125 : i32
    %scan3A_177 = arith.addi %scan3A_175, %scan3A_176 : i32
    %scan3A_178 = arith.constant 1 : i32
    scf.for %scan3A_201 = %scan3A_175 to %scan3A_177 step %scan3A_178  : i32 {
      %jit3A = arith.constant 8 : i32
      %eq3A = arith.constant 0 : i32
      %eq3A_202 = arith.cmpi eq, %jit3A, %eq3A : i32
      %jit3A_203 = arith.constant 1 : i32
      %select_n3A = arith.select %eq3A_202, %jit3A_203, %jit3A : i32
      %rem3A = arith.remsi %scan3A_201, %select_n3A : i32
      %ne3A = arith.constant 0 : i32
      %ne3A_204 = arith.cmpi ne, %rem3A, %ne3A : i32
      %lt3A = arith.constant 0 : i32
      %lt3A_205 = arith.cmpi slt, %rem3A, %lt3A : i32
      %lt3A_206 = arith.constant 0 : i32
      %lt3A_207 = arith.cmpi slt, %select_n3A, %lt3A_206 : i32
      %ne3A_208 = arith.xori %lt3A_205, %lt3A_207 : i1
      %and3A = arith.andi %ne3A_208, %ne3A_204 : i1
      %add3A_209 = arith.addi %rem3A, %select_n3A : i32
      %select_n3A_210 = arith.select %and3A, %add3A_209, %rem3A : i32
      %eq3A_211 = arith.constant 0 : i32
      %eq3A_212 = arith.cmpi eq, %select_n3A_210, %eq3A_211 : i32
      %convert_element_type3A = arith.extui %eq3A_212 : i1 to i32
      %cond3A = arith.constant 0 : i32
      %cond3A_213 = arith.cmpi ne, %convert_element_type3A, %cond3A : i32
      scf.if %cond3A_213 {
        %ge3A = arith.constant 2 : i32
        %ge3A_361 = arith.cmpi sge, %scan3A_201, %ge3A : i32
        %convert_element_type3A_362 = arith.extui %ge3A_361 : i1 to i32
        %cond3A_363 = arith.constant 0 : i32
        %cond3A_364 = arith.cmpi ne, %convert_element_type3A_362, %cond3A_363 : i32
        scf.if %cond3A_364 {
          %dma_wait3A_394 = arith.constant 6 : i32
          %dma_wait3A_395 = arith.constant 1 : i32
          %dma_wait3A_396 = arith.constant 0 : i32
          %dma_wait3A_397 = tpu.memref_slice %arg6[%dma_wait3A_394, %dma_wait3A_395, %dma_wait3A_396] : memref<8x2x80xi32, #tpu.memory_space<vmem>> -> memref<1x1x80xi32, #tpu.memory_space<vmem>>
          %dma_wait3A_398 = tpu.memref_squeeze %dma_wait3A_397 : memref<1x1x80xi32, #tpu.memory_space<vmem>> -> memref<80xi32, #tpu.memory_space<vmem>>
          %dma_wait3A_399 = arith.constant 0 : i32
          %dma_wait3A_400 = arith.constant 0 : i32
          %dma_wait3A_401 = tpu.memref_slice %arg11[%dma_wait3A_399, %dma_wait3A_400] : memref<10240x128xf32, #tpu.memory_space<vmem_shared>> -> memref<10240x128xf32, #tpu.memory_space<vmem_shared>>
          tpu.wait_indirect_dma semaphore(%arg26 : memref<!tpu.dma_semaphore, #tpu.memory_space<semaphore_mem>>) src(%arg9 : memref<80x128xf32, #tpu.memory_space<vmem>>) dst(%dma_wait3A_401 : memref<10240x128xf32, #tpu.memory_space<vmem_shared>>)
        } else {
        }
        %add3A_365 = arith.constant 4 : i32
        %add3A_366 = arith.addi %scan3A_201, %add3A_365 : i32
        %le3A = arith.constant 124 : i32
        %le3A_367 = arith.cmpi sle, %add3A_366, %le3A : i32
        %convert_element_type3A_368 = arith.extui %le3A_367 : i1 to i32
        %cond3A_369 = arith.constant 0 : i32
        %cond3A_370 = arith.cmpi ne, %convert_element_type3A_368, %cond3A_369 : i32
        scf.if %cond3A_370 {
          %add3A_394 = arith.constant 4 : i32
          %add3A_395 = arith.addi %scan3A_201, %add3A_394 : i32
          %mul3A_396 = arith.constant 80 : i32
          %mul3A_397 = arith.muli %add3A_395, %mul3A_396 : i32
          %add3A_398 = arith.addi %mul3A_2, %mul3A_397 : i32
          %dma_start3A_399 = arith.constant 4 : i32
          %dma_start3A_400 = arith.constant 0 : i32
          %dma_start3A_401 = arith.constant 0 : i32
          %dma_start3A_402 = tpu.memref_slice %arg6[%dma_start3A_399, %dma_start3A_400, %dma_start3A_401] : memref<8x2x80xi32, #tpu.memory_space<vmem>> -> memref<1x1x80xi32, #tpu.memory_space<vmem>>
          %dma_start3A_403 = tpu.memref_squeeze %dma_start3A_402 : memref<1x1x80xi32, #tpu.memory_space<vmem>> -> memref<80xi32, #tpu.memory_space<vmem>>
          %dma_start3A_404 = tpu.memref_slice %arg3[%add3A_398] : memref<640000xi32, #tpu.memory_space<hbm>> -> memref<80xi32, #tpu.memory_space<hbm>>
          %dma_start3A_405 = arith.constant 0 : i32
          %dma_start3A_406 = tpu.memref_slice %arg6[%dma_start3A_399, %dma_start3A_400, %dma_start3A_405] : memref<8x2x80xi32, #tpu.memory_space<vmem>> -> memref<1x1x80xi32, #tpu.memory_space<vmem>>
          %dma_start3A_407 = tpu.memref_squeeze %dma_start3A_406 : memref<1x1x80xi32, #tpu.memory_space<vmem>> -> memref<80xi32, #tpu.memory_space<vmem>>
          %dma_start3A_408 = tpu.memref_slice %arg3[%add3A_398] : memref<640000xi32, #tpu.memory_space<hbm>> -> memref<80xi32, #tpu.memory_space<hbm>>
          tpu.enqueue_dma source(%dma_start3A_408 : memref<80xi32, #tpu.memory_space<hbm>>) target(%dma_start3A_407 : memref<80xi32, #tpu.memory_space<vmem>>) target_semaphore(%arg16 : memref<!tpu.dma_semaphore, #tpu.memory_space<semaphore_mem>>)
          %add3A_409 = arith.constant 320000 : i32
          %add3A_410 = arith.addi %add3A_409, %mul3A_2 : i32
          %mul3A_411 = arith.constant 80 : i32
          %mul3A_412 = arith.muli %add3A_395, %mul3A_411 : i32
          %add3A_413 = arith.addi %add3A_410, %mul3A_412 : i32
          %dma_start3A_414 = arith.constant 4 : i32
          %dma_start3A_415 = arith.constant 1 : i32
          %dma_start3A_416 = arith.constant 0 : i32
          %dma_start3A_417 = tpu.memref_slice %arg6[%dma_start3A_414, %dma_start3A_415, %dma_start3A_416] : memref<8x2x80xi32, #tpu.memory_space<vmem>> -> memref<1x1x80xi32, #tpu.memory_space<vmem>>
          %dma_start3A_418 = tpu.memref_squeeze %dma_start3A_417 : memref<1x1x80xi32, #tpu.memory_space<vmem>> -> memref<80xi32, #tpu.memory_space<vmem>>
          %dma_start3A_419 = tpu.memref_slice %arg3[%add3A_413] : memref<640000xi32, #tpu.memory_space<hbm>> -> memref<80xi32, #tpu.memory_space<hbm>>
          %dma_start3A_420 = arith.constant 0 : i32
          %dma_start3A_421 = tpu.memref_slice %arg6[%dma_start3A_414, %dma_start3A_415, %dma_start3A_420] : memref<8x2x80xi32, #tpu.memory_space<vmem>> -> memref<1x1x80xi32, #tpu.memory_space<vmem>>
          %dma_start3A_422 = tpu.memref_squeeze %dma_start3A_421 : memref<1x1x80xi32, #tpu.memory_space<vmem>> -> memref<80xi32, #tpu.memory_space<vmem>>
          %dma_start3A_423 = tpu.memref_slice %arg3[%add3A_413] : memref<640000xi32, #tpu.memory_space<hbm>> -> memref<80xi32, #tpu.memory_space<hbm>>
          tpu.enqueue_dma source(%dma_start3A_423 : memref<80xi32, #tpu.memory_space<hbm>>) target(%dma_start3A_422 : memref<80xi32, #tpu.memory_space<vmem>>) target_semaphore(%arg16 : memref<!tpu.dma_semaphore, #tpu.memory_space<semaphore_mem>>)
        } else {
        }
        %add3A_371 = arith.constant 2 : i32
        %add3A_372 = arith.addi %scan3A_201, %add3A_371 : i32
        %le3A_373 = arith.constant 124 : i32
        %le3A_374 = arith.cmpi sle, %add3A_372, %le3A_373 : i32
        %convert_element_type3A_375 = arith.extui %le3A_374 : i1 to i32
        %cond3A_376 = arith.constant 0 : i32
        %cond3A_377 = arith.cmpi ne, %convert_element_type3A_375, %cond3A_376 : i32
        scf.if %cond3A_377 {
          %add3A_394 = arith.constant 2 : i32
          %add3A_395 = arith.addi %scan3A_201, %add3A_394 : i32
          %mul3A_396 = arith.constant 80 : i32
          %mul3A_397 = arith.muli %add3A_395, %mul3A_396 : i32
          %add3A_398 = arith.addi %mul3A_2, %mul3A_397 : i32
          %dma_wait3A_399 = arith.constant 2 : i32
          %dma_wait3A_400 = arith.constant 0 : i32
          %dma_wait3A_401 = arith.constant 0 : i32
          %dma_wait3A_402 = tpu.memref_slice %arg6[%dma_wait3A_399, %dma_wait3A_400, %dma_wait3A_401] : memref<8x2x80xi32, #tpu.memory_space<vmem>> -> memref<1x1x80xi32, #tpu.memory_space<vmem>>
          %dma_wait3A_403 = tpu.memref_squeeze %dma_wait3A_402 : memref<1x1x80xi32, #tpu.memory_space<vmem>> -> memref<80xi32, #tpu.memory_space<vmem>>
          %dma_wait3A_404 = tpu.memref_slice %arg3[%add3A_398] : memref<640000xi32, #tpu.memory_space<hbm>> -> memref<80xi32, #tpu.memory_space<hbm>>
          %dma_wait3A_405 = arith.constant 0 : i32
          %dma_wait3A_406 = tpu.memref_slice %arg6[%dma_wait3A_399, %dma_wait3A_400, %dma_wait3A_405] : memref<8x2x80xi32, #tpu.memory_space<vmem>> -> memref<1x1x80xi32, #tpu.memory_space<vmem>>
          %dma_wait3A_407 = tpu.memref_squeeze %dma_wait3A_406 : memref<1x1x80xi32, #tpu.memory_space<vmem>> -> memref<80xi32, #tpu.memory_space<vmem>>
          %dma_wait3A_408 = tpu.memref_slice %arg3[%add3A_398] : memref<640000xi32, #tpu.memory_space<hbm>> -> memref<80xi32, #tpu.memory_space<hbm>>
          tpu.wait_dma2 semaphore(%arg14 : memref<!tpu.dma_semaphore, #tpu.memory_space<semaphore_mem>>) src(%dma_wait3A_408 : memref<80xi32, #tpu.memory_space<hbm>>) dst(%dma_wait3A_407 : memref<80xi32, #tpu.memory_space<vmem>>)
          %add3A_409 = arith.constant 320000 : i32
          %add3A_410 = arith.addi %add3A_409, %mul3A_2 : i32
          %mul3A_411 = arith.constant 80 : i32
          %mul3A_412 = arith.muli %add3A_395, %mul3A_411 : i32
          %add3A_413 = arith.addi %add3A_410, %mul3A_412 : i32
          %dma_wait3A_414 = arith.constant 2 : i32
          %dma_wait3A_415 = arith.constant 1 : i32
          %dma_wait3A_416 = arith.constant 0 : i32
          %dma_wait3A_417 = tpu.memref_slice %arg6[%dma_wait3A_414, %dma_wait3A_415, %dma_wait3A_416] : memref<8x2x80xi32, #tpu.memory_space<vmem>> -> memref<1x1x80xi32, #tpu.memory_space<vmem>>
          %dma_wait3A_418 = tpu.memref_squeeze %dma_wait3A_417 : memref<1x1x80xi32, #tpu.memory_space<vmem>> -> memref<80xi32, #tpu.memory_space<vmem>>
          %dma_wait3A_419 = tpu.memref_slice %arg3[%add3A_413] : memref<640000xi32, #tpu.memory_space<hbm>> -> memref<80xi32, #tpu.memory_space<hbm>>
          %dma_wait3A_420 = arith.constant 0 : i32
          %dma_wait3A_421 = tpu.memref_slice %arg6[%dma_wait3A_414, %dma_wait3A_415, %dma_wait3A_420] : memref<8x2x80xi32, #tpu.memory_space<vmem>> -> memref<1x1x80xi32, #tpu.memory_space<vmem>>
          %dma_wait3A_422 = tpu.memref_squeeze %dma_wait3A_421 : memref<1x1x80xi32, #tpu.memory_space<vmem>> -> memref<80xi32, #tpu.memory_space<vmem>>
          %dma_wait3A_423 = tpu.memref_slice %arg3[%add3A_413] : memref<640000xi32, #tpu.memory_space<hbm>> -> memref<80xi32, #tpu.memory_space<hbm>>
          tpu.wait_dma2 semaphore(%arg14 : memref<!tpu.dma_semaphore, #tpu.memory_space<semaphore_mem>>) src(%dma_wait3A_423 : memref<80xi32, #tpu.memory_space<hbm>>) dst(%dma_wait3A_422 : memref<80xi32, #tpu.memory_space<vmem>>)
          %dma_start3A_424 = arith.constant 2 : i32
          %dma_start3A_425 = arith.constant 0 : i32
          %dma_start3A_426 = arith.constant 0 : i32
          %dma_start3A_427 = tpu.memref_slice %arg6[%dma_start3A_424, %dma_start3A_425, %dma_start3A_426] : memref<8x2x80xi32, #tpu.memory_space<vmem>> -> memref<1x1x80xi32, #tpu.memory_space<vmem>>
          %dma_start3A_428 = tpu.memref_squeeze %dma_start3A_427 : memref<1x1x80xi32, #tpu.memory_space<vmem>> -> memref<80xi32, #tpu.memory_space<vmem>>
          %dma_start3A_429 = arith.constant 0 : i32
          %dma_start3A_430 = arith.constant 0 : i32
          %dma_start3A_431 = tpu.memref_slice %arg2[%dma_start3A_429, %dma_start3A_430] : memref<10000x128xf32, #tpu.memory_space<hbm>> -> memref<10000x128xf32, #tpu.memory_space<hbm>>
          tpu.enqueue_indirect_dma source(%dma_start3A_431 : memref<10000x128xf32, #tpu.memory_space<hbm>>) target(%arg9 : memref<80x128xf32, #tpu.memory_space<vmem>>) offsets(%dma_start3A_428 : memref<80xi32, #tpu.memory_space<vmem>>) semaphore(%arg22 : memref<!tpu.dma_semaphore, #tpu.memory_space<semaphore_mem>>)
        } else {
        }
        %dma_wait3A_378 = arith.constant 0 : i32
        %dma_wait3A_379 = arith.constant 0 : i32
        %dma_wait3A_380 = arith.constant 0 : i32
        %dma_wait3A_381 = tpu.memref_slice %arg6[%dma_wait3A_378, %dma_wait3A_379, %dma_wait3A_380] : memref<8x2x80xi32, #tpu.memory_space<vmem>> -> memref<1x1x80xi32, #tpu.memory_space<vmem>>
        %dma_wait3A_382 = tpu.memref_squeeze %dma_wait3A_381 : memref<1x1x80xi32, #tpu.memory_space<vmem>> -> memref<80xi32, #tpu.memory_space<vmem>>
        %dma_wait3A_383 = arith.constant 0 : i32
        %dma_wait3A_384 = arith.constant 0 : i32
        %dma_wait3A_385 = tpu.memref_slice %arg2[%dma_wait3A_383, %dma_wait3A_384] : memref<10000x128xf32, #tpu.memory_space<hbm>> -> memref<10000x128xf32, #tpu.memory_space<hbm>>
        tpu.wait_indirect_dma semaphore(%arg20 : memref<!tpu.dma_semaphore, #tpu.memory_space<semaphore_mem>>) src(%dma_wait3A_385 : memref<10000x128xf32, #tpu.memory_space<hbm>>) dst(%arg7 : memref<80x128xf32, #tpu.memory_space<vmem>>)
        %dma_start3A_386 = arith.constant 0 : i32
        %dma_start3A_387 = arith.constant 1 : i32
        %dma_start3A_388 = arith.constant 0 : i32
        %dma_start3A_389 = tpu.memref_slice %arg6[%dma_start3A_386, %dma_start3A_387, %dma_start3A_388] : memref<8x2x80xi32, #tpu.memory_space<vmem>> -> memref<1x1x80xi32, #tpu.memory_space<vmem>>
        %dma_start3A_390 = tpu.memref_squeeze %dma_start3A_389 : memref<1x1x80xi32, #tpu.memory_space<vmem>> -> memref<80xi32, #tpu.memory_space<vmem>>
        %dma_start3A_391 = arith.constant 0 : i32
        %dma_start3A_392 = arith.constant 0 : i32
        %dma_start3A_393 = tpu.memref_slice %arg11[%dma_start3A_391, %dma_start3A_392] : memref<10240x128xf32, #tpu.memory_space<vmem_shared>> -> memref<10240x128xf32, #tpu.memory_space<vmem_shared>>
        tpu.enqueue_indirect_dma source(%arg7 : memref<80x128xf32, #tpu.memory_space<vmem>>) target(%dma_start3A_393 : memref<10240x128xf32, #tpu.memory_space<vmem_shared>>) offsets(%dma_start3A_390 : memref<80xi32, #tpu.memory_space<vmem>>) semaphore(%arg24 : memref<!tpu.dma_semaphore, #tpu.memory_space<semaphore_mem>>) {add = true}
      } else {
      }
      %jit3A_214 = arith.constant 8 : i32
      %eq3A_215 = arith.constant 0 : i32
      %eq3A_216 = arith.cmpi eq, %jit3A_214, %eq3A_215 : i32
      %jit3A_217 = arith.constant 1 : i32
      %select_n3A_218 = arith.select %eq3A_216, %jit3A_217, %jit3A_214 : i32
      %rem3A_219 = arith.remsi %scan3A_201, %select_n3A_218 : i32
      %ne3A_220 = arith.constant 0 : i32
      %ne3A_221 = arith.cmpi ne, %rem3A_219, %ne3A_220 : i32
      %lt3A_222 = arith.constant 0 : i32
      %lt3A_223 = arith.cmpi slt, %rem3A_219, %lt3A_222 : i32
      %lt3A_224 = arith.constant 0 : i32
      %lt3A_225 = arith.cmpi slt, %select_n3A_218, %lt3A_224 : i32
      %ne3A_226 = arith.xori %lt3A_223, %lt3A_225 : i1
      %and3A_227 = arith.andi %ne3A_226, %ne3A_221 : i1
      %add3A_228 = arith.addi %rem3A_219, %select_n3A_218 : i32
      %select_n3A_229 = arith.select %and3A_227, %add3A_228, %rem3A_219 : i32
      %eq3A_230 = arith.constant 1 : i32
      %eq3A_231 = arith.cmpi eq, %select_n3A_229, %eq3A_230 : i32
      %convert_element_type3A_232 = arith.extui %eq3A_231 : i1 to i32
      %cond3A_233 = arith.constant 0 : i32
      %cond3A_234 = arith.cmpi ne, %convert_element_type3A_232, %cond3A_233 : i32
      scf.if %cond3A_234 {
        %ge3A = arith.constant 2 : i32
        %ge3A_361 = arith.cmpi sge, %scan3A_201, %ge3A : i32
        %convert_element_type3A_362 = arith.extui %ge3A_361 : i1 to i32
        %cond3A_363 = arith.constant 0 : i32
        %cond3A_364 = arith.cmpi ne, %convert_element_type3A_362, %cond3A_363 : i32
        scf.if %cond3A_364 {
          %dma_wait3A_394 = arith.constant 7 : i32
          %dma_wait3A_395 = arith.constant 1 : i32
          %dma_wait3A_396 = arith.constant 0 : i32
          %dma_wait3A_397 = tpu.memref_slice %arg6[%dma_wait3A_394, %dma_wait3A_395, %dma_wait3A_396] : memref<8x2x80xi32, #tpu.memory_space<vmem>> -> memref<1x1x80xi32, #tpu.memory_space<vmem>>
          %dma_wait3A_398 = tpu.memref_squeeze %dma_wait3A_397 : memref<1x1x80xi32, #tpu.memory_space<vmem>> -> memref<80xi32, #tpu.memory_space<vmem>>
          %dma_wait3A_399 = arith.constant 0 : i32
          %dma_wait3A_400 = arith.constant 0 : i32
          %dma_wait3A_401 = tpu.memref_slice %arg11[%dma_wait3A_399, %dma_wait3A_400] : memref<10240x128xf32, #tpu.memory_space<vmem_shared>> -> memref<10240x128xf32, #tpu.memory_space<vmem_shared>>
          tpu.wait_indirect_dma semaphore(%arg27 : memref<!tpu.dma_semaphore, #tpu.memory_space<semaphore_mem>>) src(%arg10 : memref<80x128xf32, #tpu.memory_space<vmem>>) dst(%dma_wait3A_401 : memref<10240x128xf32, #tpu.memory_space<vmem_shared>>)
        } else {
        }
        %add3A_365 = arith.constant 4 : i32
        %add3A_366 = arith.addi %scan3A_201, %add3A_365 : i32
        %le3A = arith.constant 124 : i32
        %le3A_367 = arith.cmpi sle, %add3A_366, %le3A : i32
        %convert_element_type3A_368 = arith.extui %le3A_367 : i1 to i32
        %cond3A_369 = arith.constant 0 : i32
        %cond3A_370 = arith.cmpi ne, %convert_element_type3A_368, %cond3A_369 : i32
        scf.if %cond3A_370 {
          %add3A_394 = arith.constant 4 : i32
          %add3A_395 = arith.addi %scan3A_201, %add3A_394 : i32
          %mul3A_396 = arith.constant 80 : i32
          %mul3A_397 = arith.muli %add3A_395, %mul3A_396 : i32
          %add3A_398 = arith.addi %mul3A_2, %mul3A_397 : i32
          %dma_start3A_399 = arith.constant 5 : i32
          %dma_start3A_400 = arith.constant 0 : i32
          %dma_start3A_401 = arith.constant 0 : i32
          %dma_start3A_402 = tpu.memref_slice %arg6[%dma_start3A_399, %dma_start3A_400, %dma_start3A_401] : memref<8x2x80xi32, #tpu.memory_space<vmem>> -> memref<1x1x80xi32, #tpu.memory_space<vmem>>
          %dma_start3A_403 = tpu.memref_squeeze %dma_start3A_402 : memref<1x1x80xi32, #tpu.memory_space<vmem>> -> memref<80xi32, #tpu.memory_space<vmem>>
          %dma_start3A_404 = tpu.memref_slice %arg3[%add3A_398] : memref<640000xi32, #tpu.memory_space<hbm>> -> memref<80xi32, #tpu.memory_space<hbm>>
          %dma_start3A_405 = arith.constant 0 : i32
          %dma_start3A_406 = tpu.memref_slice %arg6[%dma_start3A_399, %dma_start3A_400, %dma_start3A_405] : memref<8x2x80xi32, #tpu.memory_space<vmem>> -> memref<1x1x80xi32, #tpu.memory_space<vmem>>
          %dma_start3A_407 = tpu.memref_squeeze %dma_start3A_406 : memref<1x1x80xi32, #tpu.memory_space<vmem>> -> memref<80xi32, #tpu.memory_space<vmem>>
          %dma_start3A_408 = tpu.memref_slice %arg3[%add3A_398] : memref<640000xi32, #tpu.memory_space<hbm>> -> memref<80xi32, #tpu.memory_space<hbm>>
          tpu.enqueue_dma source(%dma_start3A_408 : memref<80xi32, #tpu.memory_space<hbm>>) target(%dma_start3A_407 : memref<80xi32, #tpu.memory_space<vmem>>) target_semaphore(%arg17 : memref<!tpu.dma_semaphore, #tpu.memory_space<semaphore_mem>>)
          %add3A_409 = arith.constant 320000 : i32
          %add3A_410 = arith.addi %add3A_409, %mul3A_2 : i32
          %mul3A_411 = arith.constant 80 : i32
          %mul3A_412 = arith.muli %add3A_395, %mul3A_411 : i32
          %add3A_413 = arith.addi %add3A_410, %mul3A_412 : i32
          %dma_start3A_414 = arith.constant 5 : i32
          %dma_start3A_415 = arith.constant 1 : i32
          %dma_start3A_416 = arith.constant 0 : i32
          %dma_start3A_417 = tpu.memref_slice %arg6[%dma_start3A_414, %dma_start3A_415, %dma_start3A_416] : memref<8x2x80xi32, #tpu.memory_space<vmem>> -> memref<1x1x80xi32, #tpu.memory_space<vmem>>
          %dma_start3A_418 = tpu.memref_squeeze %dma_start3A_417 : memref<1x1x80xi32, #tpu.memory_space<vmem>> -> memref<80xi32, #tpu.memory_space<vmem>>
          %dma_start3A_419 = tpu.memref_slice %arg3[%add3A_413] : memref<640000xi32, #tpu.memory_space<hbm>> -> memref<80xi32, #tpu.memory_space<hbm>>
          %dma_start3A_420 = arith.constant 0 : i32
          %dma_start3A_421 = tpu.memref_slice %arg6[%dma_start3A_414, %dma_start3A_415, %dma_start3A_420] : memref<8x2x80xi32, #tpu.memory_space<vmem>> -> memref<1x1x80xi32, #tpu.memory_space<vmem>>
          %dma_start3A_422 = tpu.memref_squeeze %dma_start3A_421 : memref<1x1x80xi32, #tpu.memory_space<vmem>> -> memref<80xi32, #tpu.memory_space<vmem>>
          %dma_start3A_423 = tpu.memref_slice %arg3[%add3A_413] : memref<640000xi32, #tpu.memory_space<hbm>> -> memref<80xi32, #tpu.memory_space<hbm>>
          tpu.enqueue_dma source(%dma_start3A_423 : memref<80xi32, #tpu.memory_space<hbm>>) target(%dma_start3A_422 : memref<80xi32, #tpu.memory_space<vmem>>) target_semaphore(%arg17 : memref<!tpu.dma_semaphore, #tpu.memory_space<semaphore_mem>>)
        } else {
        }
        %add3A_371 = arith.constant 2 : i32
        %add3A_372 = arith.addi %scan3A_201, %add3A_371 : i32
        %le3A_373 = arith.constant 124 : i32
        %le3A_374 = arith.cmpi sle, %add3A_372, %le3A_373 : i32
        %convert_element_type3A_375 = arith.extui %le3A_374 : i1 to i32
        %cond3A_376 = arith.constant 0 : i32
        %cond3A_377 = arith.cmpi ne, %convert_element_type3A_375, %cond3A_376 : i32
        scf.if %cond3A_377 {
          %add3A_394 = arith.constant 2 : i32
          %add3A_395 = arith.addi %scan3A_201, %add3A_394 : i32
          %mul3A_396 = arith.constant 80 : i32
          %mul3A_397 = arith.muli %add3A_395, %mul3A_396 : i32
          %add3A_398 = arith.addi %mul3A_2, %mul3A_397 : i32
          %dma_wait3A_399 = arith.constant 3 : i32
          %dma_wait3A_400 = arith.constant 0 : i32
          %dma_wait3A_401 = arith.constant 0 : i32
          %dma_wait3A_402 = tpu.memref_slice %arg6[%dma_wait3A_399, %dma_wait3A_400, %dma_wait3A_401] : memref<8x2x80xi32, #tpu.memory_space<vmem>> -> memref<1x1x80xi32, #tpu.memory_space<vmem>>
          %dma_wait3A_403 = tpu.memref_squeeze %dma_wait3A_402 : memref<1x1x80xi32, #tpu.memory_space<vmem>> -> memref<80xi32, #tpu.memory_space<vmem>>
          %dma_wait3A_404 = tpu.memref_slice %arg3[%add3A_398] : memref<640000xi32, #tpu.memory_space<hbm>> -> memref<80xi32, #tpu.memory_space<hbm>>
          %dma_wait3A_405 = arith.constant 0 : i32
          %dma_wait3A_406 = tpu.memref_slice %arg6[%dma_wait3A_399, %dma_wait3A_400, %dma_wait3A_405] : memref<8x2x80xi32, #tpu.memory_space<vmem>> -> memref<1x1x80xi32, #tpu.memory_space<vmem>>
          %dma_wait3A_407 = tpu.memref_squeeze %dma_wait3A_406 : memref<1x1x80xi32, #tpu.memory_space<vmem>> -> memref<80xi32, #tpu.memory_space<vmem>>
          %dma_wait3A_408 = tpu.memref_slice %arg3[%add3A_398] : memref<640000xi32, #tpu.memory_space<hbm>> -> memref<80xi32, #tpu.memory_space<hbm>>
          tpu.wait_dma2 semaphore(%arg15 : memref<!tpu.dma_semaphore, #tpu.memory_space<semaphore_mem>>) src(%dma_wait3A_408 : memref<80xi32, #tpu.memory_space<hbm>>) dst(%dma_wait3A_407 : memref<80xi32, #tpu.memory_space<vmem>>)
          %add3A_409 = arith.constant 320000 : i32
          %add3A_410 = arith.addi %add3A_409, %mul3A_2 : i32
          %mul3A_411 = arith.constant 80 : i32
          %mul3A_412 = arith.muli %add3A_395, %mul3A_411 : i32
          %add3A_413 = arith.addi %add3A_410, %mul3A_412 : i32
          %dma_wait3A_414 = arith.constant 3 : i32
          %dma_wait3A_415 = arith.constant 1 : i32
          %dma_wait3A_416 = arith.constant 0 : i32
          %dma_wait3A_417 = tpu.memref_slice %arg6[%dma_wait3A_414, %dma_wait3A_415, %dma_wait3A_416] : memref<8x2x80xi32, #tpu.memory_space<vmem>> -> memref<1x1x80xi32, #tpu.memory_space<vmem>>
          %dma_wait3A_418 = tpu.memref_squeeze %dma_wait3A_417 : memref<1x1x80xi32, #tpu.memory_space<vmem>> -> memref<80xi32, #tpu.memory_space<vmem>>
          %dma_wait3A_419 = tpu.memref_slice %arg3[%add3A_413] : memref<640000xi32, #tpu.memory_space<hbm>> -> memref<80xi32, #tpu.memory_space<hbm>>
          %dma_wait3A_420 = arith.constant 0 : i32
          %dma_wait3A_421 = tpu.memref_slice %arg6[%dma_wait3A_414, %dma_wait3A_415, %dma_wait3A_420] : memref<8x2x80xi32, #tpu.memory_space<vmem>> -> memref<1x1x80xi32, #tpu.memory_space<vmem>>
          %dma_wait3A_422 = tpu.memref_squeeze %dma_wait3A_421 : memref<1x1x80xi32, #tpu.memory_space<vmem>> -> memref<80xi32, #tpu.memory_space<vmem>>
          %dma_wait3A_423 = tpu.memref_slice %arg3[%add3A_413] : memref<640000xi32, #tpu.memory_space<hbm>> -> memref<80xi32, #tpu.memory_space<hbm>>
          tpu.wait_dma2 semaphore(%arg15 : memref<!tpu.dma_semaphore, #tpu.memory_space<semaphore_mem>>) src(%dma_wait3A_423 : memref<80xi32, #tpu.memory_space<hbm>>) dst(%dma_wait3A_422 : memref<80xi32, #tpu.memory_space<vmem>>)
          %dma_start3A_424 = arith.constant 3 : i32
          %dma_start3A_425 = arith.constant 0 : i32
          %dma_start3A_426 = arith.constant 0 : i32
          %dma_start3A_427 = tpu.memref_slice %arg6[%dma_start3A_424, %dma_start3A_425, %dma_start3A_426] : memref<8x2x80xi32, #tpu.memory_space<vmem>> -> memref<1x1x80xi32, #tpu.memory_space<vmem>>
          %dma_start3A_428 = tpu.memref_squeeze %dma_start3A_427 : memref<1x1x80xi32, #tpu.memory_space<vmem>> -> memref<80xi32, #tpu.memory_space<vmem>>
          %dma_start3A_429 = arith.constant 0 : i32
          %dma_start3A_430 = arith.constant 0 : i32
          %dma_start3A_431 = tpu.memref_slice %arg2[%dma_start3A_429, %dma_start3A_430] : memref<10000x128xf32, #tpu.memory_space<hbm>> -> memref<10000x128xf32, #tpu.memory_space<hbm>>
          tpu.enqueue_indirect_dma source(%dma_start3A_431 : memref<10000x128xf32, #tpu.memory_space<hbm>>) target(%arg10 : memref<80x128xf32, #tpu.memory_space<vmem>>) offsets(%dma_start3A_428 : memref<80xi32, #tpu.memory_space<vmem>>) semaphore(%arg23 : memref<!tpu.dma_semaphore, #tpu.memory_space<semaphore_mem>>)
        } else {
        }
        %dma_wait3A_378 = arith.constant 1 : i32
        %dma_wait3A_379 = arith.constant 0 : i32
        %dma_wait3A_380 = arith.constant 0 : i32
        %dma_wait3A_381 = tpu.memref_slice %arg6[%dma_wait3A_378, %dma_wait3A_379, %dma_wait3A_380] : memref<8x2x80xi32, #tpu.memory_space<vmem>> -> memref<1x1x80xi32, #tpu.memory_space<vmem>>
        %dma_wait3A_382 = tpu.memref_squeeze %dma_wait3A_381 : memref<1x1x80xi32, #tpu.memory_space<vmem>> -> memref<80xi32, #tpu.memory_space<vmem>>
        %dma_wait3A_383 = arith.constant 0 : i32
        %dma_wait3A_384 = arith.constant 0 : i32
        %dma_wait3A_385 = tpu.memref_slice %arg2[%dma_wait3A_383, %dma_wait3A_384] : memref<10000x128xf32, #tpu.memory_space<hbm>> -> memref<10000x128xf32, #tpu.memory_space<hbm>>
        tpu.wait_indirect_dma semaphore(%arg21 : memref<!tpu.dma_semaphore, #tpu.memory_space<semaphore_mem>>) src(%dma_wait3A_385 : memref<10000x128xf32, #tpu.memory_space<hbm>>) dst(%arg8 : memref<80x128xf32, #tpu.memory_space<vmem>>)
        %dma_start3A_386 = arith.constant 1 : i32
        %dma_start3A_387 = arith.constant 1 : i32
        %dma_start3A_388 = arith.constant 0 : i32
        %dma_start3A_389 = tpu.memref_slice %arg6[%dma_start3A_386, %dma_start3A_387, %dma_start3A_388] : memref<8x2x80xi32, #tpu.memory_space<vmem>> -> memref<1x1x80xi32, #tpu.memory_space<vmem>>
        %dma_start3A_390 = tpu.memref_squeeze %dma_start3A_389 : memref<1x1x80xi32, #tpu.memory_space<vmem>> -> memref<80xi32, #tpu.memory_space<vmem>>
        %dma_start3A_391 = arith.constant 0 : i32
        %dma_start3A_392 = arith.constant 0 : i32
        %dma_start3A_393 = tpu.memref_slice %arg11[%dma_start3A_391, %dma_start3A_392] : memref<10240x128xf32, #tpu.memory_space<vmem_shared>> -> memref<10240x128xf32, #tpu.memory_space<vmem_shared>>
        tpu.enqueue_indirect_dma source(%arg8 : memref<80x128xf32, #tpu.memory_space<vmem>>) target(%dma_start3A_393 : memref<10240x128xf32, #tpu.memory_space<vmem_shared>>) offsets(%dma_start3A_390 : memref<80xi32, #tpu.memory_space<vmem>>) semaphore(%arg25 : memref<!tpu.dma_semaphore, #tpu.memory_space<semaphore_mem>>) {add = true}
      } else {
      }
      %jit3A_235 = arith.constant 8 : i32
      %eq3A_236 = arith.constant 0 : i32
      %eq3A_237 = arith.cmpi eq, %jit3A_235, %eq3A_236 : i32
      %jit3A_238 = arith.constant 1 : i32
      %select_n3A_239 = arith.select %eq3A_237, %jit3A_238, %jit3A_235 : i32
      %rem3A_240 = arith.remsi %scan3A_201, %select_n3A_239 : i32
      %ne3A_241 = arith.constant 0 : i32
      %ne3A_242 = arith.cmpi ne, %rem3A_240, %ne3A_241 : i32
      %lt3A_243 = arith.constant 0 : i32
      %lt3A_244 = arith.cmpi slt, %rem3A_240, %lt3A_243 : i32
      %lt3A_245 = arith.constant 0 : i32
      %lt3A_246 = arith.cmpi slt, %select_n3A_239, %lt3A_245 : i32
      %ne3A_247 = arith.xori %lt3A_244, %lt3A_246 : i1
      %and3A_248 = arith.andi %ne3A_247, %ne3A_242 : i1
      %add3A_249 = arith.addi %rem3A_240, %select_n3A_239 : i32
      %select_n3A_250 = arith.select %and3A_248, %add3A_249, %rem3A_240 : i32
      %eq3A_251 = arith.constant 2 : i32
      %eq3A_252 = arith.cmpi eq, %select_n3A_250, %eq3A_251 : i32
      %convert_element_type3A_253 = arith.extui %eq3A_252 : i1 to i32
      %cond3A_254 = arith.constant 0 : i32
      %cond3A_255 = arith.cmpi ne, %convert_element_type3A_253, %cond3A_254 : i32
      scf.if %cond3A_255 {
        %ge3A = arith.constant 2 : i32
        %ge3A_361 = arith.cmpi sge, %scan3A_201, %ge3A : i32
        %convert_element_type3A_362 = arith.extui %ge3A_361 : i1 to i32
        %cond3A_363 = arith.constant 0 : i32
        %cond3A_364 = arith.cmpi ne, %convert_element_type3A_362, %cond3A_363 : i32
        scf.if %cond3A_364 {
          %dma_wait3A_394 = arith.constant 0 : i32
          %dma_wait3A_395 = arith.constant 1 : i32
          %dma_wait3A_396 = arith.constant 0 : i32
          %dma_wait3A_397 = tpu.memref_slice %arg6[%dma_wait3A_394, %dma_wait3A_395, %dma_wait3A_396] : memref<8x2x80xi32, #tpu.memory_space<vmem>> -> memref<1x1x80xi32, #tpu.memory_space<vmem>>
          %dma_wait3A_398 = tpu.memref_squeeze %dma_wait3A_397 : memref<1x1x80xi32, #tpu.memory_space<vmem>> -> memref<80xi32, #tpu.memory_space<vmem>>
          %dma_wait3A_399 = arith.constant 0 : i32
          %dma_wait3A_400 = arith.constant 0 : i32
          %dma_wait3A_401 = tpu.memref_slice %arg11[%dma_wait3A_399, %dma_wait3A_400] : memref<10240x128xf32, #tpu.memory_space<vmem_shared>> -> memref<10240x128xf32, #tpu.memory_space<vmem_shared>>
          tpu.wait_indirect_dma semaphore(%arg24 : memref<!tpu.dma_semaphore, #tpu.memory_space<semaphore_mem>>) src(%arg7 : memref<80x128xf32, #tpu.memory_space<vmem>>) dst(%dma_wait3A_401 : memref<10240x128xf32, #tpu.memory_space<vmem_shared>>)
        } else {
        }
        %add3A_365 = arith.constant 4 : i32
        %add3A_366 = arith.addi %scan3A_201, %add3A_365 : i32
        %le3A = arith.constant 124 : i32
        %le3A_367 = arith.cmpi sle, %add3A_366, %le3A : i32
        %convert_element_type3A_368 = arith.extui %le3A_367 : i1 to i32
        %cond3A_369 = arith.constant 0 : i32
        %cond3A_370 = arith.cmpi ne, %convert_element_type3A_368, %cond3A_369 : i32
        scf.if %cond3A_370 {
          %add3A_394 = arith.constant 4 : i32
          %add3A_395 = arith.addi %scan3A_201, %add3A_394 : i32
          %mul3A_396 = arith.constant 80 : i32
          %mul3A_397 = arith.muli %add3A_395, %mul3A_396 : i32
          %add3A_398 = arith.addi %mul3A_2, %mul3A_397 : i32
          %dma_start3A_399 = arith.constant 6 : i32
          %dma_start3A_400 = arith.constant 0 : i32
          %dma_start3A_401 = arith.constant 0 : i32
          %dma_start3A_402 = tpu.memref_slice %arg6[%dma_start3A_399, %dma_start3A_400, %dma_start3A_401] : memref<8x2x80xi32, #tpu.memory_space<vmem>> -> memref<1x1x80xi32, #tpu.memory_space<vmem>>
          %dma_start3A_403 = tpu.memref_squeeze %dma_start3A_402 : memref<1x1x80xi32, #tpu.memory_space<vmem>> -> memref<80xi32, #tpu.memory_space<vmem>>
          %dma_start3A_404 = tpu.memref_slice %arg3[%add3A_398] : memref<640000xi32, #tpu.memory_space<hbm>> -> memref<80xi32, #tpu.memory_space<hbm>>
          %dma_start3A_405 = arith.constant 0 : i32
          %dma_start3A_406 = tpu.memref_slice %arg6[%dma_start3A_399, %dma_start3A_400, %dma_start3A_405] : memref<8x2x80xi32, #tpu.memory_space<vmem>> -> memref<1x1x80xi32, #tpu.memory_space<vmem>>
          %dma_start3A_407 = tpu.memref_squeeze %dma_start3A_406 : memref<1x1x80xi32, #tpu.memory_space<vmem>> -> memref<80xi32, #tpu.memory_space<vmem>>
          %dma_start3A_408 = tpu.memref_slice %arg3[%add3A_398] : memref<640000xi32, #tpu.memory_space<hbm>> -> memref<80xi32, #tpu.memory_space<hbm>>
          tpu.enqueue_dma source(%dma_start3A_408 : memref<80xi32, #tpu.memory_space<hbm>>) target(%dma_start3A_407 : memref<80xi32, #tpu.memory_space<vmem>>) target_semaphore(%arg18 : memref<!tpu.dma_semaphore, #tpu.memory_space<semaphore_mem>>)
          %add3A_409 = arith.constant 320000 : i32
          %add3A_410 = arith.addi %add3A_409, %mul3A_2 : i32
          %mul3A_411 = arith.constant 80 : i32
          %mul3A_412 = arith.muli %add3A_395, %mul3A_411 : i32
          %add3A_413 = arith.addi %add3A_410, %mul3A_412 : i32
          %dma_start3A_414 = arith.constant 6 : i32
          %dma_start3A_415 = arith.constant 1 : i32
          %dma_start3A_416 = arith.constant 0 : i32
          %dma_start3A_417 = tpu.memref_slice %arg6[%dma_start3A_414, %dma_start3A_415, %dma_start3A_416] : memref<8x2x80xi32, #tpu.memory_space<vmem>> -> memref<1x1x80xi32, #tpu.memory_space<vmem>>
          %dma_start3A_418 = tpu.memref_squeeze %dma_start3A_417 : memref<1x1x80xi32, #tpu.memory_space<vmem>> -> memref<80xi32, #tpu.memory_space<vmem>>
          %dma_start3A_419 = tpu.memref_slice %arg3[%add3A_413] : memref<640000xi32, #tpu.memory_space<hbm>> -> memref<80xi32, #tpu.memory_space<hbm>>
          %dma_start3A_420 = arith.constant 0 : i32
          %dma_start3A_421 = tpu.memref_slice %arg6[%dma_start3A_414, %dma_start3A_415, %dma_start3A_420] : memref<8x2x80xi32, #tpu.memory_space<vmem>> -> memref<1x1x80xi32, #tpu.memory_space<vmem>>
          %dma_start3A_422 = tpu.memref_squeeze %dma_start3A_421 : memref<1x1x80xi32, #tpu.memory_space<vmem>> -> memref<80xi32, #tpu.memory_space<vmem>>
          %dma_start3A_423 = tpu.memref_slice %arg3[%add3A_413] : memref<640000xi32, #tpu.memory_space<hbm>> -> memref<80xi32, #tpu.memory_space<hbm>>
          tpu.enqueue_dma source(%dma_start3A_423 : memref<80xi32, #tpu.memory_space<hbm>>) target(%dma_start3A_422 : memref<80xi32, #tpu.memory_space<vmem>>) target_semaphore(%arg18 : memref<!tpu.dma_semaphore, #tpu.memory_space<semaphore_mem>>)
        } else {
        }
        %add3A_371 = arith.constant 2 : i32
        %add3A_372 = arith.addi %scan3A_201, %add3A_371 : i32
        %le3A_373 = arith.constant 124 : i32
        %le3A_374 = arith.cmpi sle, %add3A_372, %le3A_373 : i32
        %convert_element_type3A_375 = arith.extui %le3A_374 : i1 to i32
        %cond3A_376 = arith.constant 0 : i32
        %cond3A_377 = arith.cmpi ne, %convert_element_type3A_375, %cond3A_376 : i32
        scf.if %cond3A_377 {
          %add3A_394 = arith.constant 2 : i32
          %add3A_395 = arith.addi %scan3A_201, %add3A_394 : i32
          %mul3A_396 = arith.constant 80 : i32
          %mul3A_397 = arith.muli %add3A_395, %mul3A_396 : i32
          %add3A_398 = arith.addi %mul3A_2, %mul3A_397 : i32
          %dma_wait3A_399 = arith.constant 4 : i32
          %dma_wait3A_400 = arith.constant 0 : i32
          %dma_wait3A_401 = arith.constant 0 : i32
          %dma_wait3A_402 = tpu.memref_slice %arg6[%dma_wait3A_399, %dma_wait3A_400, %dma_wait3A_401] : memref<8x2x80xi32, #tpu.memory_space<vmem>> -> memref<1x1x80xi32, #tpu.memory_space<vmem>>
          %dma_wait3A_403 = tpu.memref_squeeze %dma_wait3A_402 : memref<1x1x80xi32, #tpu.memory_space<vmem>> -> memref<80xi32, #tpu.memory_space<vmem>>
          %dma_wait3A_404 = tpu.memref_slice %arg3[%add3A_398] : memref<640000xi32, #tpu.memory_space<hbm>> -> memref<80xi32, #tpu.memory_space<hbm>>
          %dma_wait3A_405 = arith.constant 0 : i32
          %dma_wait3A_406 = tpu.memref_slice %arg6[%dma_wait3A_399, %dma_wait3A_400, %dma_wait3A_405] : memref<8x2x80xi32, #tpu.memory_space<vmem>> -> memref<1x1x80xi32, #tpu.memory_space<vmem>>
          %dma_wait3A_407 = tpu.memref_squeeze %dma_wait3A_406 : memref<1x1x80xi32, #tpu.memory_space<vmem>> -> memref<80xi32, #tpu.memory_space<vmem>>
          %dma_wait3A_408 = tpu.memref_slice %arg3[%add3A_398] : memref<640000xi32, #tpu.memory_space<hbm>> -> memref<80xi32, #tpu.memory_space<hbm>>
          tpu.wait_dma2 semaphore(%arg16 : memref<!tpu.dma_semaphore, #tpu.memory_space<semaphore_mem>>) src(%dma_wait3A_408 : memref<80xi32, #tpu.memory_space<hbm>>) dst(%dma_wait3A_407 : memref<80xi32, #tpu.memory_space<vmem>>)
          %add3A_409 = arith.constant 320000 : i32
          %add3A_410 = arith.addi %add3A_409, %mul3A_2 : i32
          %mul3A_411 = arith.constant 80 : i32
          %mul3A_412 = arith.muli %add3A_395, %mul3A_411 : i32
          %add3A_413 = arith.addi %add3A_410, %mul3A_412 : i32
          %dma_wait3A_414 = arith.constant 4 : i32
          %dma_wait3A_415 = arith.constant 1 : i32
          %dma_wait3A_416 = arith.constant 0 : i32
          %dma_wait3A_417 = tpu.memref_slice %arg6[%dma_wait3A_414, %dma_wait3A_415, %dma_wait3A_416] : memref<8x2x80xi32, #tpu.memory_space<vmem>> -> memref<1x1x80xi32, #tpu.memory_space<vmem>>
          %dma_wait3A_418 = tpu.memref_squeeze %dma_wait3A_417 : memref<1x1x80xi32, #tpu.memory_space<vmem>> -> memref<80xi32, #tpu.memory_space<vmem>>
          %dma_wait3A_419 = tpu.memref_slice %arg3[%add3A_413] : memref<640000xi32, #tpu.memory_space<hbm>> -> memref<80xi32, #tpu.memory_space<hbm>>
          %dma_wait3A_420 = arith.constant 0 : i32
          %dma_wait3A_421 = tpu.memref_slice %arg6[%dma_wait3A_414, %dma_wait3A_415, %dma_wait3A_420] : memref<8x2x80xi32, #tpu.memory_space<vmem>> -> memref<1x1x80xi32, #tpu.memory_space<vmem>>
          %dma_wait3A_422 = tpu.memref_squeeze %dma_wait3A_421 : memref<1x1x80xi32, #tpu.memory_space<vmem>> -> memref<80xi32, #tpu.memory_space<vmem>>
          %dma_wait3A_423 = tpu.memref_slice %arg3[%add3A_413] : memref<640000xi32, #tpu.memory_space<hbm>> -> memref<80xi32, #tpu.memory_space<hbm>>
          tpu.wait_dma2 semaphore(%arg16 : memref<!tpu.dma_semaphore, #tpu.memory_space<semaphore_mem>>) src(%dma_wait3A_423 : memref<80xi32, #tpu.memory_space<hbm>>) dst(%dma_wait3A_422 : memref<80xi32, #tpu.memory_space<vmem>>)
          %dma_start3A_424 = arith.constant 4 : i32
          %dma_start3A_425 = arith.constant 0 : i32
          %dma_start3A_426 = arith.constant 0 : i32
          %dma_start3A_427 = tpu.memref_slice %arg6[%dma_start3A_424, %dma_start3A_425, %dma_start3A_426] : memref<8x2x80xi32, #tpu.memory_space<vmem>> -> memref<1x1x80xi32, #tpu.memory_space<vmem>>
          %dma_start3A_428 = tpu.memref_squeeze %dma_start3A_427 : memref<1x1x80xi32, #tpu.memory_space<vmem>> -> memref<80xi32, #tpu.memory_space<vmem>>
          %dma_start3A_429 = arith.constant 0 : i32
          %dma_start3A_430 = arith.constant 0 : i32
          %dma_start3A_431 = tpu.memref_slice %arg2[%dma_start3A_429, %dma_start3A_430] : memref<10000x128xf32, #tpu.memory_space<hbm>> -> memref<10000x128xf32, #tpu.memory_space<hbm>>
          tpu.enqueue_indirect_dma source(%dma_start3A_431 : memref<10000x128xf32, #tpu.memory_space<hbm>>) target(%arg7 : memref<80x128xf32, #tpu.memory_space<vmem>>) offsets(%dma_start3A_428 : memref<80xi32, #tpu.memory_space<vmem>>) semaphore(%arg20 : memref<!tpu.dma_semaphore, #tpu.memory_space<semaphore_mem>>)
        } else {
        }
        %dma_wait3A_378 = arith.constant 2 : i32
        %dma_wait3A_379 = arith.constant 0 : i32
        %dma_wait3A_380 = arith.constant 0 : i32
        %dma_wait3A_381 = tpu.memref_slice %arg6[%dma_wait3A_378, %dma_wait3A_379, %dma_wait3A_380] : memref<8x2x80xi32, #tpu.memory_space<vmem>> -> memref<1x1x80xi32, #tpu.memory_space<vmem>>
        %dma_wait3A_382 = tpu.memref_squeeze %dma_wait3A_381 : memref<1x1x80xi32, #tpu.memory_space<vmem>> -> memref<80xi32, #tpu.memory_space<vmem>>
        %dma_wait3A_383 = arith.constant 0 : i32
        %dma_wait3A_384 = arith.constant 0 : i32
        %dma_wait3A_385 = tpu.memref_slice %arg2[%dma_wait3A_383, %dma_wait3A_384] : memref<10000x128xf32, #tpu.memory_space<hbm>> -> memref<10000x128xf32, #tpu.memory_space<hbm>>
        tpu.wait_indirect_dma semaphore(%arg22 : memref<!tpu.dma_semaphore, #tpu.memory_space<semaphore_mem>>) src(%dma_wait3A_385 : memref<10000x128xf32, #tpu.memory_space<hbm>>) dst(%arg9 : memref<80x128xf32, #tpu.memory_space<vmem>>)
        %dma_start3A_386 = arith.constant 2 : i32
        %dma_start3A_387 = arith.constant 1 : i32
        %dma_start3A_388 = arith.constant 0 : i32
        %dma_start3A_389 = tpu.memref_slice %arg6[%dma_start3A_386, %dma_start3A_387, %dma_start3A_388] : memref<8x2x80xi32, #tpu.memory_space<vmem>> -> memref<1x1x80xi32, #tpu.memory_space<vmem>>
        %dma_start3A_390 = tpu.memref_squeeze %dma_start3A_389 : memref<1x1x80xi32, #tpu.memory_space<vmem>> -> memref<80xi32, #tpu.memory_space<vmem>>
        %dma_start3A_391 = arith.constant 0 : i32
        %dma_start3A_392 = arith.constant 0 : i32
        %dma_start3A_393 = tpu.memref_slice %arg11[%dma_start3A_391, %dma_start3A_392] : memref<10240x128xf32, #tpu.memory_space<vmem_shared>> -> memref<10240x128xf32, #tpu.memory_space<vmem_shared>>
        tpu.enqueue_indirect_dma source(%arg9 : memref<80x128xf32, #tpu.memory_space<vmem>>) target(%dma_start3A_393 : memref<10240x128xf32, #tpu.memory_space<vmem_shared>>) offsets(%dma_start3A_390 : memref<80xi32, #tpu.memory_space<vmem>>) semaphore(%arg26 : memref<!tpu.dma_semaphore, #tpu.memory_space<semaphore_mem>>) {add = true}
      } else {
      }
      %jit3A_256 = arith.constant 8 : i32
      %eq3A_257 = arith.constant 0 : i32
      %eq3A_258 = arith.cmpi eq, %jit3A_256, %eq3A_257 : i32
      %jit3A_259 = arith.constant 1 : i32
      %select_n3A_260 = arith.select %eq3A_258, %jit3A_259, %jit3A_256 : i32
      %rem3A_261 = arith.remsi %scan3A_201, %select_n3A_260 : i32
      %ne3A_262 = arith.constant 0 : i32
      %ne3A_263 = arith.cmpi ne, %rem3A_261, %ne3A_262 : i32
      %lt3A_264 = arith.constant 0 : i32
      %lt3A_265 = arith.cmpi slt, %rem3A_261, %lt3A_264 : i32
      %lt3A_266 = arith.constant 0 : i32
      %lt3A_267 = arith.cmpi slt, %select_n3A_260, %lt3A_266 : i32
      %ne3A_268 = arith.xori %lt3A_265, %lt3A_267 : i1
      %and3A_269 = arith.andi %ne3A_268, %ne3A_263 : i1
      %add3A_270 = arith.addi %rem3A_261, %select_n3A_260 : i32
      %select_n3A_271 = arith.select %and3A_269, %add3A_270, %rem3A_261 : i32
      %eq3A_272 = arith.constant 3 : i32
      %eq3A_273 = arith.cmpi eq, %select_n3A_271, %eq3A_272 : i32
      %convert_element_type3A_274 = arith.extui %eq3A_273 : i1 to i32
      %cond3A_275 = arith.constant 0 : i32
      %cond3A_276 = arith.cmpi ne, %convert_element_type3A_274, %cond3A_275 : i32
      scf.if %cond3A_276 {
        %ge3A = arith.constant 2 : i32
        %ge3A_361 = arith.cmpi sge, %scan3A_201, %ge3A : i32
        %convert_element_type3A_362 = arith.extui %ge3A_361 : i1 to i32
        %cond3A_363 = arith.constant 0 : i32
        %cond3A_364 = arith.cmpi ne, %convert_element_type3A_362, %cond3A_363 : i32
        scf.if %cond3A_364 {
          %dma_wait3A_394 = arith.constant 1 : i32
          %dma_wait3A_395 = arith.constant 1 : i32
          %dma_wait3A_396 = arith.constant 0 : i32
          %dma_wait3A_397 = tpu.memref_slice %arg6[%dma_wait3A_394, %dma_wait3A_395, %dma_wait3A_396] : memref<8x2x80xi32, #tpu.memory_space<vmem>> -> memref<1x1x80xi32, #tpu.memory_space<vmem>>
          %dma_wait3A_398 = tpu.memref_squeeze %dma_wait3A_397 : memref<1x1x80xi32, #tpu.memory_space<vmem>> -> memref<80xi32, #tpu.memory_space<vmem>>
          %dma_wait3A_399 = arith.constant 0 : i32
          %dma_wait3A_400 = arith.constant 0 : i32
          %dma_wait3A_401 = tpu.memref_slice %arg11[%dma_wait3A_399, %dma_wait3A_400] : memref<10240x128xf32, #tpu.memory_space<vmem_shared>> -> memref<10240x128xf32, #tpu.memory_space<vmem_shared>>
          tpu.wait_indirect_dma semaphore(%arg25 : memref<!tpu.dma_semaphore, #tpu.memory_space<semaphore_mem>>) src(%arg8 : memref<80x128xf32, #tpu.memory_space<vmem>>) dst(%dma_wait3A_401 : memref<10240x128xf32, #tpu.memory_space<vmem_shared>>)
        } else {
        }
        %add3A_365 = arith.constant 4 : i32
        %add3A_366 = arith.addi %scan3A_201, %add3A_365 : i32
        %le3A = arith.constant 124 : i32
        %le3A_367 = arith.cmpi sle, %add3A_366, %le3A : i32
        %convert_element_type3A_368 = arith.extui %le3A_367 : i1 to i32
        %cond3A_369 = arith.constant 0 : i32
        %cond3A_370 = arith.cmpi ne, %convert_element_type3A_368, %cond3A_369 : i32
        scf.if %cond3A_370 {
          %add3A_394 = arith.constant 4 : i32
          %add3A_395 = arith.addi %scan3A_201, %add3A_394 : i32
          %mul3A_396 = arith.constant 80 : i32
          %mul3A_397 = arith.muli %add3A_395, %mul3A_396 : i32
          %add3A_398 = arith.addi %mul3A_2, %mul3A_397 : i32
          %dma_start3A_399 = arith.constant 7 : i32
          %dma_start3A_400 = arith.constant 0 : i32
          %dma_start3A_401 = arith.constant 0 : i32
          %dma_start3A_402 = tpu.memref_slice %arg6[%dma_start3A_399, %dma_start3A_400, %dma_start3A_401] : memref<8x2x80xi32, #tpu.memory_space<vmem>> -> memref<1x1x80xi32, #tpu.memory_space<vmem>>
          %dma_start3A_403 = tpu.memref_squeeze %dma_start3A_402 : memref<1x1x80xi32, #tpu.memory_space<vmem>> -> memref<80xi32, #tpu.memory_space<vmem>>
          %dma_start3A_404 = tpu.memref_slice %arg3[%add3A_398] : memref<640000xi32, #tpu.memory_space<hbm>> -> memref<80xi32, #tpu.memory_space<hbm>>
          %dma_start3A_405 = arith.constant 0 : i32
          %dma_start3A_406 = tpu.memref_slice %arg6[%dma_start3A_399, %dma_start3A_400, %dma_start3A_405] : memref<8x2x80xi32, #tpu.memory_space<vmem>> -> memref<1x1x80xi32, #tpu.memory_space<vmem>>
          %dma_start3A_407 = tpu.memref_squeeze %dma_start3A_406 : memref<1x1x80xi32, #tpu.memory_space<vmem>> -> memref<80xi32, #tpu.memory_space<vmem>>
          %dma_start3A_408 = tpu.memref_slice %arg3[%add3A_398] : memref<640000xi32, #tpu.memory_space<hbm>> -> memref<80xi32, #tpu.memory_space<hbm>>
          tpu.enqueue_dma source(%dma_start3A_408 : memref<80xi32, #tpu.memory_space<hbm>>) target(%dma_start3A_407 : memref<80xi32, #tpu.memory_space<vmem>>) target_semaphore(%arg19 : memref<!tpu.dma_semaphore, #tpu.memory_space<semaphore_mem>>)
          %add3A_409 = arith.constant 320000 : i32
          %add3A_410 = arith.addi %add3A_409, %mul3A_2 : i32
          %mul3A_411 = arith.constant 80 : i32
          %mul3A_412 = arith.muli %add3A_395, %mul3A_411 : i32
          %add3A_413 = arith.addi %add3A_410, %mul3A_412 : i32
          %dma_start3A_414 = arith.constant 7 : i32
          %dma_start3A_415 = arith.constant 1 : i32
          %dma_start3A_416 = arith.constant 0 : i32
          %dma_start3A_417 = tpu.memref_slice %arg6[%dma_start3A_414, %dma_start3A_415, %dma_start3A_416] : memref<8x2x80xi32, #tpu.memory_space<vmem>> -> memref<1x1x80xi32, #tpu.memory_space<vmem>>
          %dma_start3A_418 = tpu.memref_squeeze %dma_start3A_417 : memref<1x1x80xi32, #tpu.memory_space<vmem>> -> memref<80xi32, #tpu.memory_space<vmem>>
          %dma_start3A_419 = tpu.memref_slice %arg3[%add3A_413] : memref<640000xi32, #tpu.memory_space<hbm>> -> memref<80xi32, #tpu.memory_space<hbm>>
          %dma_start3A_420 = arith.constant 0 : i32
          %dma_start3A_421 = tpu.memref_slice %arg6[%dma_start3A_414, %dma_start3A_415, %dma_start3A_420] : memref<8x2x80xi32, #tpu.memory_space<vmem>> -> memref<1x1x80xi32, #tpu.memory_space<vmem>>
          %dma_start3A_422 = tpu.memref_squeeze %dma_start3A_421 : memref<1x1x80xi32, #tpu.memory_space<vmem>> -> memref<80xi32, #tpu.memory_space<vmem>>
          %dma_start3A_423 = tpu.memref_slice %arg3[%add3A_413] : memref<640000xi32, #tpu.memory_space<hbm>> -> memref<80xi32, #tpu.memory_space<hbm>>
          tpu.enqueue_dma source(%dma_start3A_423 : memref<80xi32, #tpu.memory_space<hbm>>) target(%dma_start3A_422 : memref<80xi32, #tpu.memory_space<vmem>>) target_semaphore(%arg19 : memref<!tpu.dma_semaphore, #tpu.memory_space<semaphore_mem>>)
        } else {
        }
        %add3A_371 = arith.constant 2 : i32
        %add3A_372 = arith.addi %scan3A_201, %add3A_371 : i32
        %le3A_373 = arith.constant 124 : i32
        %le3A_374 = arith.cmpi sle, %add3A_372, %le3A_373 : i32
        %convert_element_type3A_375 = arith.extui %le3A_374 : i1 to i32
        %cond3A_376 = arith.constant 0 : i32
        %cond3A_377 = arith.cmpi ne, %convert_element_type3A_375, %cond3A_376 : i32
        scf.if %cond3A_377 {
          %add3A_394 = arith.constant 2 : i32
          %add3A_395 = arith.addi %scan3A_201, %add3A_394 : i32
          %mul3A_396 = arith.constant 80 : i32
          %mul3A_397 = arith.muli %add3A_395, %mul3A_396 : i32
          %add3A_398 = arith.addi %mul3A_2, %mul3A_397 : i32
          %dma_wait3A_399 = arith.constant 5 : i32
          %dma_wait3A_400 = arith.constant 0 : i32
          %dma_wait3A_401 = arith.constant 0 : i32
          %dma_wait3A_402 = tpu.memref_slice %arg6[%dma_wait3A_399, %dma_wait3A_400, %dma_wait3A_401] : memref<8x2x80xi32, #tpu.memory_space<vmem>> -> memref<1x1x80xi32, #tpu.memory_space<vmem>>
          %dma_wait3A_403 = tpu.memref_squeeze %dma_wait3A_402 : memref<1x1x80xi32, #tpu.memory_space<vmem>> -> memref<80xi32, #tpu.memory_space<vmem>>
          %dma_wait3A_404 = tpu.memref_slice %arg3[%add3A_398] : memref<640000xi32, #tpu.memory_space<hbm>> -> memref<80xi32, #tpu.memory_space<hbm>>
          %dma_wait3A_405 = arith.constant 0 : i32
          %dma_wait3A_406 = tpu.memref_slice %arg6[%dma_wait3A_399, %dma_wait3A_400, %dma_wait3A_405] : memref<8x2x80xi32, #tpu.memory_space<vmem>> -> memref<1x1x80xi32, #tpu.memory_space<vmem>>
          %dma_wait3A_407 = tpu.memref_squeeze %dma_wait3A_406 : memref<1x1x80xi32, #tpu.memory_space<vmem>> -> memref<80xi32, #tpu.memory_space<vmem>>
          %dma_wait3A_408 = tpu.memref_slice %arg3[%add3A_398] : memref<640000xi32, #tpu.memory_space<hbm>> -> memref<80xi32, #tpu.memory_space<hbm>>
          tpu.wait_dma2 semaphore(%arg17 : memref<!tpu.dma_semaphore, #tpu.memory_space<semaphore_mem>>) src(%dma_wait3A_408 : memref<80xi32, #tpu.memory_space<hbm>>) dst(%dma_wait3A_407 : memref<80xi32, #tpu.memory_space<vmem>>)
          %add3A_409 = arith.constant 320000 : i32
          %add3A_410 = arith.addi %add3A_409, %mul3A_2 : i32
          %mul3A_411 = arith.constant 80 : i32
          %mul3A_412 = arith.muli %add3A_395, %mul3A_411 : i32
          %add3A_413 = arith.addi %add3A_410, %mul3A_412 : i32
          %dma_wait3A_414 = arith.constant 5 : i32
          %dma_wait3A_415 = arith.constant 1 : i32
          %dma_wait3A_416 = arith.constant 0 : i32
          %dma_wait3A_417 = tpu.memref_slice %arg6[%dma_wait3A_414, %dma_wait3A_415, %dma_wait3A_416] : memref<8x2x80xi32, #tpu.memory_space<vmem>> -> memref<1x1x80xi32, #tpu.memory_space<vmem>>
          %dma_wait3A_418 = tpu.memref_squeeze %dma_wait3A_417 : memref<1x1x80xi32, #tpu.memory_space<vmem>> -> memref<80xi32, #tpu.memory_space<vmem>>
          %dma_wait3A_419 = tpu.memref_slice %arg3[%add3A_413] : memref<640000xi32, #tpu.memory_space<hbm>> -> memref<80xi32, #tpu.memory_space<hbm>>
          %dma_wait3A_420 = arith.constant 0 : i32
          %dma_wait3A_421 = tpu.memref_slice %arg6[%dma_wait3A_414, %dma_wait3A_415, %dma_wait3A_420] : memref<8x2x80xi32, #tpu.memory_space<vmem>> -> memref<1x1x80xi32, #tpu.memory_space<vmem>>
          %dma_wait3A_422 = tpu.memref_squeeze %dma_wait3A_421 : memref<1x1x80xi32, #tpu.memory_space<vmem>> -> memref<80xi32, #tpu.memory_space<vmem>>
          %dma_wait3A_423 = tpu.memref_slice %arg3[%add3A_413] : memref<640000xi32, #tpu.memory_space<hbm>> -> memref<80xi32, #tpu.memory_space<hbm>>
          tpu.wait_dma2 semaphore(%arg17 : memref<!tpu.dma_semaphore, #tpu.memory_space<semaphore_mem>>) src(%dma_wait3A_423 : memref<80xi32, #tpu.memory_space<hbm>>) dst(%dma_wait3A_422 : memref<80xi32, #tpu.memory_space<vmem>>)
          %dma_start3A_424 = arith.constant 5 : i32
          %dma_start3A_425 = arith.constant 0 : i32
          %dma_start3A_426 = arith.constant 0 : i32
          %dma_start3A_427 = tpu.memref_slice %arg6[%dma_start3A_424, %dma_start3A_425, %dma_start3A_426] : memref<8x2x80xi32, #tpu.memory_space<vmem>> -> memref<1x1x80xi32, #tpu.memory_space<vmem>>
          %dma_start3A_428 = tpu.memref_squeeze %dma_start3A_427 : memref<1x1x80xi32, #tpu.memory_space<vmem>> -> memref<80xi32, #tpu.memory_space<vmem>>
          %dma_start3A_429 = arith.constant 0 : i32
          %dma_start3A_430 = arith.constant 0 : i32
          %dma_start3A_431 = tpu.memref_slice %arg2[%dma_start3A_429, %dma_start3A_430] : memref<10000x128xf32, #tpu.memory_space<hbm>> -> memref<10000x128xf32, #tpu.memory_space<hbm>>
          tpu.enqueue_indirect_dma source(%dma_start3A_431 : memref<10000x128xf32, #tpu.memory_space<hbm>>) target(%arg8 : memref<80x128xf32, #tpu.memory_space<vmem>>) offsets(%dma_start3A_428 : memref<80xi32, #tpu.memory_space<vmem>>) semaphore(%arg21 : memref<!tpu.dma_semaphore, #tpu.memory_space<semaphore_mem>>)
        } else {
        }
        %dma_wait3A_378 = arith.constant 3 : i32
        %dma_wait3A_379 = arith.constant 0 : i32
        %dma_wait3A_380 = arith.constant 0 : i32
        %dma_wait3A_381 = tpu.memref_slice %arg6[%dma_wait3A_378, %dma_wait3A_379, %dma_wait3A_380] : memref<8x2x80xi32, #tpu.memory_space<vmem>> -> memref<1x1x80xi32, #tpu.memory_space<vmem>>
        %dma_wait3A_382 = tpu.memref_squeeze %dma_wait3A_381 : memref<1x1x80xi32, #tpu.memory_space<vmem>> -> memref<80xi32, #tpu.memory_space<vmem>>
        %dma_wait3A_383 = arith.constant 0 : i32
        %dma_wait3A_384 = arith.constant 0 : i32
        %dma_wait3A_385 = tpu.memref_slice %arg2[%dma_wait3A_383, %dma_wait3A_384] : memref<10000x128xf32, #tpu.memory_space<hbm>> -> memref<10000x128xf32, #tpu.memory_space<hbm>>
        tpu.wait_indirect_dma semaphore(%arg23 : memref<!tpu.dma_semaphore, #tpu.memory_space<semaphore_mem>>) src(%dma_wait3A_385 : memref<10000x128xf32, #tpu.memory_space<hbm>>) dst(%arg10 : memref<80x128xf32, #tpu.memory_space<vmem>>)
        %dma_start3A_386 = arith.constant 3 : i32
        %dma_start3A_387 = arith.constant 1 : i32
        %dma_start3A_388 = arith.constant 0 : i32
        %dma_start3A_389 = tpu.memref_slice %arg6[%dma_start3A_386, %dma_start3A_387, %dma_start3A_388] : memref<8x2x80xi32, #tpu.memory_space<vmem>> -> memref<1x1x80xi32, #tpu.memory_space<vmem>>
        %dma_start3A_390 = tpu.memref_squeeze %dma_start3A_389 : memref<1x1x80xi32, #tpu.memory_space<vmem>> -> memref<80xi32, #tpu.memory_space<vmem>>
        %dma_start3A_391 = arith.constant 0 : i32
        %dma_start3A_392 = arith.constant 0 : i32
        %dma_start3A_393 = tpu.memref_slice %arg11[%dma_start3A_391, %dma_start3A_392] : memref<10240x128xf32, #tpu.memory_space<vmem_shared>> -> memref<10240x128xf32, #tpu.memory_space<vmem_shared>>
        tpu.enqueue_indirect_dma source(%arg10 : memref<80x128xf32, #tpu.memory_space<vmem>>) target(%dma_start3A_393 : memref<10240x128xf32, #tpu.memory_space<vmem_shared>>) offsets(%dma_start3A_390 : memref<80xi32, #tpu.memory_space<vmem>>) semaphore(%arg27 : memref<!tpu.dma_semaphore, #tpu.memory_space<semaphore_mem>>) {add = true}
      } else {
      }
      %jit3A_277 = arith.constant 8 : i32
      %eq3A_278 = arith.constant 0 : i32
      %eq3A_279 = arith.cmpi eq, %jit3A_277, %eq3A_278 : i32
      %jit3A_280 = arith.constant 1 : i32
      %select_n3A_281 = arith.select %eq3A_279, %jit3A_280, %jit3A_277 : i32
      %rem3A_282 = arith.remsi %scan3A_201, %select_n3A_281 : i32
      %ne3A_283 = arith.constant 0 : i32
      %ne3A_284 = arith.cmpi ne, %rem3A_282, %ne3A_283 : i32
      %lt3A_285 = arith.constant 0 : i32
      %lt3A_286 = arith.cmpi slt, %rem3A_282, %lt3A_285 : i32
      %lt3A_287 = arith.constant 0 : i32
      %lt3A_288 = arith.cmpi slt, %select_n3A_281, %lt3A_287 : i32
      %ne3A_289 = arith.xori %lt3A_286, %lt3A_288 : i1
      %and3A_290 = arith.andi %ne3A_289, %ne3A_284 : i1
      %add3A_291 = arith.addi %rem3A_282, %select_n3A_281 : i32
      %select_n3A_292 = arith.select %and3A_290, %add3A_291, %rem3A_282 : i32
      %eq3A_293 = arith.constant 4 : i32
      %eq3A_294 = arith.cmpi eq, %select_n3A_292, %eq3A_293 : i32
      %convert_element_type3A_295 = arith.extui %eq3A_294 : i1 to i32
      %cond3A_296 = arith.constant 0 : i32
      %cond3A_297 = arith.cmpi ne, %convert_element_type3A_295, %cond3A_296 : i32
      scf.if %cond3A_297 {
        %ge3A = arith.constant 2 : i32
        %ge3A_361 = arith.cmpi sge, %scan3A_201, %ge3A : i32
        %convert_element_type3A_362 = arith.extui %ge3A_361 : i1 to i32
        %cond3A_363 = arith.constant 0 : i32
        %cond3A_364 = arith.cmpi ne, %convert_element_type3A_362, %cond3A_363 : i32
        scf.if %cond3A_364 {
          %dma_wait3A_394 = arith.constant 2 : i32
          %dma_wait3A_395 = arith.constant 1 : i32
          %dma_wait3A_396 = arith.constant 0 : i32
          %dma_wait3A_397 = tpu.memref_slice %arg6[%dma_wait3A_394, %dma_wait3A_395, %dma_wait3A_396] : memref<8x2x80xi32, #tpu.memory_space<vmem>> -> memref<1x1x80xi32, #tpu.memory_space<vmem>>
          %dma_wait3A_398 = tpu.memref_squeeze %dma_wait3A_397 : memref<1x1x80xi32, #tpu.memory_space<vmem>> -> memref<80xi32, #tpu.memory_space<vmem>>
          %dma_wait3A_399 = arith.constant 0 : i32
          %dma_wait3A_400 = arith.constant 0 : i32
          %dma_wait3A_401 = tpu.memref_slice %arg11[%dma_wait3A_399, %dma_wait3A_400] : memref<10240x128xf32, #tpu.memory_space<vmem_shared>> -> memref<10240x128xf32, #tpu.memory_space<vmem_shared>>
          tpu.wait_indirect_dma semaphore(%arg26 : memref<!tpu.dma_semaphore, #tpu.memory_space<semaphore_mem>>) src(%arg9 : memref<80x128xf32, #tpu.memory_space<vmem>>) dst(%dma_wait3A_401 : memref<10240x128xf32, #tpu.memory_space<vmem_shared>>)
        } else {
        }
        %add3A_365 = arith.constant 4 : i32
        %add3A_366 = arith.addi %scan3A_201, %add3A_365 : i32
        %le3A = arith.constant 124 : i32
        %le3A_367 = arith.cmpi sle, %add3A_366, %le3A : i32
        %convert_element_type3A_368 = arith.extui %le3A_367 : i1 to i32
        %cond3A_369 = arith.constant 0 : i32
        %cond3A_370 = arith.cmpi ne, %convert_element_type3A_368, %cond3A_369 : i32
        scf.if %cond3A_370 {
          %add3A_394 = arith.constant 4 : i32
          %add3A_395 = arith.addi %scan3A_201, %add3A_394 : i32
          %mul3A_396 = arith.constant 80 : i32
          %mul3A_397 = arith.muli %add3A_395, %mul3A_396 : i32
          %add3A_398 = arith.addi %mul3A_2, %mul3A_397 : i32
          %dma_start3A_399 = arith.constant 0 : i32
          %dma_start3A_400 = arith.constant 0 : i32
          %dma_start3A_401 = arith.constant 0 : i32
          %dma_start3A_402 = tpu.memref_slice %arg6[%dma_start3A_399, %dma_start3A_400, %dma_start3A_401] : memref<8x2x80xi32, #tpu.memory_space<vmem>> -> memref<1x1x80xi32, #tpu.memory_space<vmem>>
          %dma_start3A_403 = tpu.memref_squeeze %dma_start3A_402 : memref<1x1x80xi32, #tpu.memory_space<vmem>> -> memref<80xi32, #tpu.memory_space<vmem>>
          %dma_start3A_404 = tpu.memref_slice %arg3[%add3A_398] : memref<640000xi32, #tpu.memory_space<hbm>> -> memref<80xi32, #tpu.memory_space<hbm>>
          %dma_start3A_405 = arith.constant 0 : i32
          %dma_start3A_406 = tpu.memref_slice %arg6[%dma_start3A_399, %dma_start3A_400, %dma_start3A_405] : memref<8x2x80xi32, #tpu.memory_space<vmem>> -> memref<1x1x80xi32, #tpu.memory_space<vmem>>
          %dma_start3A_407 = tpu.memref_squeeze %dma_start3A_406 : memref<1x1x80xi32, #tpu.memory_space<vmem>> -> memref<80xi32, #tpu.memory_space<vmem>>
          %dma_start3A_408 = tpu.memref_slice %arg3[%add3A_398] : memref<640000xi32, #tpu.memory_space<hbm>> -> memref<80xi32, #tpu.memory_space<hbm>>
          tpu.enqueue_dma source(%dma_start3A_408 : memref<80xi32, #tpu.memory_space<hbm>>) target(%dma_start3A_407 : memref<80xi32, #tpu.memory_space<vmem>>) target_semaphore(%arg12 : memref<!tpu.dma_semaphore, #tpu.memory_space<semaphore_mem>>)
          %add3A_409 = arith.constant 320000 : i32
          %add3A_410 = arith.addi %add3A_409, %mul3A_2 : i32
          %mul3A_411 = arith.constant 80 : i32
          %mul3A_412 = arith.muli %add3A_395, %mul3A_411 : i32
          %add3A_413 = arith.addi %add3A_410, %mul3A_412 : i32
          %dma_start3A_414 = arith.constant 0 : i32
          %dma_start3A_415 = arith.constant 1 : i32
          %dma_start3A_416 = arith.constant 0 : i32
          %dma_start3A_417 = tpu.memref_slice %arg6[%dma_start3A_414, %dma_start3A_415, %dma_start3A_416] : memref<8x2x80xi32, #tpu.memory_space<vmem>> -> memref<1x1x80xi32, #tpu.memory_space<vmem>>
          %dma_start3A_418 = tpu.memref_squeeze %dma_start3A_417 : memref<1x1x80xi32, #tpu.memory_space<vmem>> -> memref<80xi32, #tpu.memory_space<vmem>>
          %dma_start3A_419 = tpu.memref_slice %arg3[%add3A_413] : memref<640000xi32, #tpu.memory_space<hbm>> -> memref<80xi32, #tpu.memory_space<hbm>>
          %dma_start3A_420 = arith.constant 0 : i32
          %dma_start3A_421 = tpu.memref_slice %arg6[%dma_start3A_414, %dma_start3A_415, %dma_start3A_420] : memref<8x2x80xi32, #tpu.memory_space<vmem>> -> memref<1x1x80xi32, #tpu.memory_space<vmem>>
          %dma_start3A_422 = tpu.memref_squeeze %dma_start3A_421 : memref<1x1x80xi32, #tpu.memory_space<vmem>> -> memref<80xi32, #tpu.memory_space<vmem>>
          %dma_start3A_423 = tpu.memref_slice %arg3[%add3A_413] : memref<640000xi32, #tpu.memory_space<hbm>> -> memref<80xi32, #tpu.memory_space<hbm>>
          tpu.enqueue_dma source(%dma_start3A_423 : memref<80xi32, #tpu.memory_space<hbm>>) target(%dma_start3A_422 : memref<80xi32, #tpu.memory_space<vmem>>) target_semaphore(%arg12 : memref<!tpu.dma_semaphore, #tpu.memory_space<semaphore_mem>>)
        } else {
        }
        %add3A_371 = arith.constant 2 : i32
        %add3A_372 = arith.addi %scan3A_201, %add3A_371 : i32
        %le3A_373 = arith.constant 124 : i32
        %le3A_374 = arith.cmpi sle, %add3A_372, %le3A_373 : i32
        %convert_element_type3A_375 = arith.extui %le3A_374 : i1 to i32
        %cond3A_376 = arith.constant 0 : i32
        %cond3A_377 = arith.cmpi ne, %convert_element_type3A_375, %cond3A_376 : i32
        scf.if %cond3A_377 {
          %add3A_394 = arith.constant 2 : i32
          %add3A_395 = arith.addi %scan3A_201, %add3A_394 : i32
          %mul3A_396 = arith.constant 80 : i32
          %mul3A_397 = arith.muli %add3A_395, %mul3A_396 : i32
          %add3A_398 = arith.addi %mul3A_2, %mul3A_397 : i32
          %dma_wait3A_399 = arith.constant 6 : i32
          %dma_wait3A_400 = arith.constant 0 : i32
          %dma_wait3A_401 = arith.constant 0 : i32
          %dma_wait3A_402 = tpu.memref_slice %arg6[%dma_wait3A_399, %dma_wait3A_400, %dma_wait3A_401] : memref<8x2x80xi32, #tpu.memory_space<vmem>> -> memref<1x1x80xi32, #tpu.memory_space<vmem>>
          %dma_wait3A_403 = tpu.memref_squeeze %dma_wait3A_402 : memref<1x1x80xi32, #tpu.memory_space<vmem>> -> memref<80xi32, #tpu.memory_space<vmem>>
          %dma_wait3A_404 = tpu.memref_slice %arg3[%add3A_398] : memref<640000xi32, #tpu.memory_space<hbm>> -> memref<80xi32, #tpu.memory_space<hbm>>
          %dma_wait3A_405 = arith.constant 0 : i32
          %dma_wait3A_406 = tpu.memref_slice %arg6[%dma_wait3A_399, %dma_wait3A_400, %dma_wait3A_405] : memref<8x2x80xi32, #tpu.memory_space<vmem>> -> memref<1x1x80xi32, #tpu.memory_space<vmem>>
          %dma_wait3A_407 = tpu.memref_squeeze %dma_wait3A_406 : memref<1x1x80xi32, #tpu.memory_space<vmem>> -> memref<80xi32, #tpu.memory_space<vmem>>
          %dma_wait3A_408 = tpu.memref_slice %arg3[%add3A_398] : memref<640000xi32, #tpu.memory_space<hbm>> -> memref<80xi32, #tpu.memory_space<hbm>>
          tpu.wait_dma2 semaphore(%arg18 : memref<!tpu.dma_semaphore, #tpu.memory_space<semaphore_mem>>) src(%dma_wait3A_408 : memref<80xi32, #tpu.memory_space<hbm>>) dst(%dma_wait3A_407 : memref<80xi32, #tpu.memory_space<vmem>>)
          %add3A_409 = arith.constant 320000 : i32
          %add3A_410 = arith.addi %add3A_409, %mul3A_2 : i32
          %mul3A_411 = arith.constant 80 : i32
          %mul3A_412 = arith.muli %add3A_395, %mul3A_411 : i32
          %add3A_413 = arith.addi %add3A_410, %mul3A_412 : i32
          %dma_wait3A_414 = arith.constant 6 : i32
          %dma_wait3A_415 = arith.constant 1 : i32
          %dma_wait3A_416 = arith.constant 0 : i32
          %dma_wait3A_417 = tpu.memref_slice %arg6[%dma_wait3A_414, %dma_wait3A_415, %dma_wait3A_416] : memref<8x2x80xi32, #tpu.memory_space<vmem>> -> memref<1x1x80xi32, #tpu.memory_space<vmem>>
          %dma_wait3A_418 = tpu.memref_squeeze %dma_wait3A_417 : memref<1x1x80xi32, #tpu.memory_space<vmem>> -> memref<80xi32, #tpu.memory_space<vmem>>
          %dma_wait3A_419 = tpu.memref_slice %arg3[%add3A_413] : memref<640000xi32, #tpu.memory_space<hbm>> -> memref<80xi32, #tpu.memory_space<hbm>>
          %dma_wait3A_420 = arith.constant 0 : i32
          %dma_wait3A_421 = tpu.memref_slice %arg6[%dma_wait3A_414, %dma_wait3A_415, %dma_wait3A_420] : memref<8x2x80xi32, #tpu.memory_space<vmem>> -> memref<1x1x80xi32, #tpu.memory_space<vmem>>
          %dma_wait3A_422 = tpu.memref_squeeze %dma_wait3A_421 : memref<1x1x80xi32, #tpu.memory_space<vmem>> -> memref<80xi32, #tpu.memory_space<vmem>>
          %dma_wait3A_423 = tpu.memref_slice %arg3[%add3A_413] : memref<640000xi32, #tpu.memory_space<hbm>> -> memref<80xi32, #tpu.memory_space<hbm>>
          tpu.wait_dma2 semaphore(%arg18 : memref<!tpu.dma_semaphore, #tpu.memory_space<semaphore_mem>>) src(%dma_wait3A_423 : memref<80xi32, #tpu.memory_space<hbm>>) dst(%dma_wait3A_422 : memref<80xi32, #tpu.memory_space<vmem>>)
          %dma_start3A_424 = arith.constant 6 : i32
          %dma_start3A_425 = arith.constant 0 : i32
          %dma_start3A_426 = arith.constant 0 : i32
          %dma_start3A_427 = tpu.memref_slice %arg6[%dma_start3A_424, %dma_start3A_425, %dma_start3A_426] : memref<8x2x80xi32, #tpu.memory_space<vmem>> -> memref<1x1x80xi32, #tpu.memory_space<vmem>>
          %dma_start3A_428 = tpu.memref_squeeze %dma_start3A_427 : memref<1x1x80xi32, #tpu.memory_space<vmem>> -> memref<80xi32, #tpu.memory_space<vmem>>
          %dma_start3A_429 = arith.constant 0 : i32
          %dma_start3A_430 = arith.constant 0 : i32
          %dma_start3A_431 = tpu.memref_slice %arg2[%dma_start3A_429, %dma_start3A_430] : memref<10000x128xf32, #tpu.memory_space<hbm>> -> memref<10000x128xf32, #tpu.memory_space<hbm>>
          tpu.enqueue_indirect_dma source(%dma_start3A_431 : memref<10000x128xf32, #tpu.memory_space<hbm>>) target(%arg9 : memref<80x128xf32, #tpu.memory_space<vmem>>) offsets(%dma_start3A_428 : memref<80xi32, #tpu.memory_space<vmem>>) semaphore(%arg22 : memref<!tpu.dma_semaphore, #tpu.memory_space<semaphore_mem>>)
        } else {
        }
        %dma_wait3A_378 = arith.constant 4 : i32
        %dma_wait3A_379 = arith.constant 0 : i32
        %dma_wait3A_380 = arith.constant 0 : i32
        %dma_wait3A_381 = tpu.memref_slice %arg6[%dma_wait3A_378, %dma_wait3A_379, %dma_wait3A_380] : memref<8x2x80xi32, #tpu.memory_space<vmem>> -> memref<1x1x80xi32, #tpu.memory_space<vmem>>
        %dma_wait3A_382 = tpu.memref_squeeze %dma_wait3A_381 : memref<1x1x80xi32, #tpu.memory_space<vmem>> -> memref<80xi32, #tpu.memory_space<vmem>>
        %dma_wait3A_383 = arith.constant 0 : i32
        %dma_wait3A_384 = arith.constant 0 : i32
        %dma_wait3A_385 = tpu.memref_slice %arg2[%dma_wait3A_383, %dma_wait3A_384] : memref<10000x128xf32, #tpu.memory_space<hbm>> -> memref<10000x128xf32, #tpu.memory_space<hbm>>
        tpu.wait_indirect_dma semaphore(%arg20 : memref<!tpu.dma_semaphore, #tpu.memory_space<semaphore_mem>>) src(%dma_wait3A_385 : memref<10000x128xf32, #tpu.memory_space<hbm>>) dst(%arg7 : memref<80x128xf32, #tpu.memory_space<vmem>>)
        %dma_start3A_386 = arith.constant 4 : i32
        %dma_start3A_387 = arith.constant 1 : i32
        %dma_start3A_388 = arith.constant 0 : i32
        %dma_start3A_389 = tpu.memref_slice %arg6[%dma_start3A_386, %dma_start3A_387, %dma_start3A_388] : memref<8x2x80xi32, #tpu.memory_space<vmem>> -> memref<1x1x80xi32, #tpu.memory_space<vmem>>
        %dma_start3A_390 = tpu.memref_squeeze %dma_start3A_389 : memref<1x1x80xi32, #tpu.memory_space<vmem>> -> memref<80xi32, #tpu.memory_space<vmem>>
        %dma_start3A_391 = arith.constant 0 : i32
        %dma_start3A_392 = arith.constant 0 : i32
        %dma_start3A_393 = tpu.memref_slice %arg11[%dma_start3A_391, %dma_start3A_392] : memref<10240x128xf32, #tpu.memory_space<vmem_shared>> -> memref<10240x128xf32, #tpu.memory_space<vmem_shared>>
        tpu.enqueue_indirect_dma source(%arg7 : memref<80x128xf32, #tpu.memory_space<vmem>>) target(%dma_start3A_393 : memref<10240x128xf32, #tpu.memory_space<vmem_shared>>) offsets(%dma_start3A_390 : memref<80xi32, #tpu.memory_space<vmem>>) semaphore(%arg24 : memref<!tpu.dma_semaphore, #tpu.memory_space<semaphore_mem>>) {add = true}
      } else {
      }
      %jit3A_298 = arith.constant 8 : i32
      %eq3A_299 = arith.constant 0 : i32
      %eq3A_300 = arith.cmpi eq, %jit3A_298, %eq3A_299 : i32
      %jit3A_301 = arith.constant 1 : i32
      %select_n3A_302 = arith.select %eq3A_300, %jit3A_301, %jit3A_298 : i32
      %rem3A_303 = arith.remsi %scan3A_201, %select_n3A_302 : i32
      %ne3A_304 = arith.constant 0 : i32
      %ne3A_305 = arith.cmpi ne, %rem3A_303, %ne3A_304 : i32
      %lt3A_306 = arith.constant 0 : i32
      %lt3A_307 = arith.cmpi slt, %rem3A_303, %lt3A_306 : i32
      %lt3A_308 = arith.constant 0 : i32
      %lt3A_309 = arith.cmpi slt, %select_n3A_302, %lt3A_308 : i32
      %ne3A_310 = arith.xori %lt3A_307, %lt3A_309 : i1
      %and3A_311 = arith.andi %ne3A_310, %ne3A_305 : i1
      %add3A_312 = arith.addi %rem3A_303, %select_n3A_302 : i32
      %select_n3A_313 = arith.select %and3A_311, %add3A_312, %rem3A_303 : i32
      %eq3A_314 = arith.constant 5 : i32
      %eq3A_315 = arith.cmpi eq, %select_n3A_313, %eq3A_314 : i32
      %convert_element_type3A_316 = arith.extui %eq3A_315 : i1 to i32
      %cond3A_317 = arith.constant 0 : i32
      %cond3A_318 = arith.cmpi ne, %convert_element_type3A_316, %cond3A_317 : i32
      scf.if %cond3A_318 {
        %ge3A = arith.constant 2 : i32
        %ge3A_361 = arith.cmpi sge, %scan3A_201, %ge3A : i32
        %convert_element_type3A_362 = arith.extui %ge3A_361 : i1 to i32
        %cond3A_363 = arith.constant 0 : i32
        %cond3A_364 = arith.cmpi ne, %convert_element_type3A_362, %cond3A_363 : i32
        scf.if %cond3A_364 {
          %dma_wait3A_394 = arith.constant 3 : i32
          %dma_wait3A_395 = arith.constant 1 : i32
          %dma_wait3A_396 = arith.constant 0 : i32
          %dma_wait3A_397 = tpu.memref_slice %arg6[%dma_wait3A_394, %dma_wait3A_395, %dma_wait3A_396] : memref<8x2x80xi32, #tpu.memory_space<vmem>> -> memref<1x1x80xi32, #tpu.memory_space<vmem>>
          %dma_wait3A_398 = tpu.memref_squeeze %dma_wait3A_397 : memref<1x1x80xi32, #tpu.memory_space<vmem>> -> memref<80xi32, #tpu.memory_space<vmem>>
          %dma_wait3A_399 = arith.constant 0 : i32
          %dma_wait3A_400 = arith.constant 0 : i32
          %dma_wait3A_401 = tpu.memref_slice %arg11[%dma_wait3A_399, %dma_wait3A_400] : memref<10240x128xf32, #tpu.memory_space<vmem_shared>> -> memref<10240x128xf32, #tpu.memory_space<vmem_shared>>
          tpu.wait_indirect_dma semaphore(%arg27 : memref<!tpu.dma_semaphore, #tpu.memory_space<semaphore_mem>>) src(%arg10 : memref<80x128xf32, #tpu.memory_space<vmem>>) dst(%dma_wait3A_401 : memref<10240x128xf32, #tpu.memory_space<vmem_shared>>)
        } else {
        }
        %add3A_365 = arith.constant 4 : i32
        %add3A_366 = arith.addi %scan3A_201, %add3A_365 : i32
        %le3A = arith.constant 124 : i32
        %le3A_367 = arith.cmpi sle, %add3A_366, %le3A : i32
        %convert_element_type3A_368 = arith.extui %le3A_367 : i1 to i32
        %cond3A_369 = arith.constant 0 : i32
        %cond3A_370 = arith.cmpi ne, %convert_element_type3A_368, %cond3A_369 : i32
        scf.if %cond3A_370 {
          %add3A_394 = arith.constant 4 : i32
          %add3A_395 = arith.addi %scan3A_201, %add3A_394 : i32
          %mul3A_396 = arith.constant 80 : i32
          %mul3A_397 = arith.muli %add3A_395, %mul3A_396 : i32
          %add3A_398 = arith.addi %mul3A_2, %mul3A_397 : i32
          %dma_start3A_399 = arith.constant 1 : i32
          %dma_start3A_400 = arith.constant 0 : i32
          %dma_start3A_401 = arith.constant 0 : i32
          %dma_start3A_402 = tpu.memref_slice %arg6[%dma_start3A_399, %dma_start3A_400, %dma_start3A_401] : memref<8x2x80xi32, #tpu.memory_space<vmem>> -> memref<1x1x80xi32, #tpu.memory_space<vmem>>
          %dma_start3A_403 = tpu.memref_squeeze %dma_start3A_402 : memref<1x1x80xi32, #tpu.memory_space<vmem>> -> memref<80xi32, #tpu.memory_space<vmem>>
          %dma_start3A_404 = tpu.memref_slice %arg3[%add3A_398] : memref<640000xi32, #tpu.memory_space<hbm>> -> memref<80xi32, #tpu.memory_space<hbm>>
          %dma_start3A_405 = arith.constant 0 : i32
          %dma_start3A_406 = tpu.memref_slice %arg6[%dma_start3A_399, %dma_start3A_400, %dma_start3A_405] : memref<8x2x80xi32, #tpu.memory_space<vmem>> -> memref<1x1x80xi32, #tpu.memory_space<vmem>>
          %dma_start3A_407 = tpu.memref_squeeze %dma_start3A_406 : memref<1x1x80xi32, #tpu.memory_space<vmem>> -> memref<80xi32, #tpu.memory_space<vmem>>
          %dma_start3A_408 = tpu.memref_slice %arg3[%add3A_398] : memref<640000xi32, #tpu.memory_space<hbm>> -> memref<80xi32, #tpu.memory_space<hbm>>
          tpu.enqueue_dma source(%dma_start3A_408 : memref<80xi32, #tpu.memory_space<hbm>>) target(%dma_start3A_407 : memref<80xi32, #tpu.memory_space<vmem>>) target_semaphore(%arg13 : memref<!tpu.dma_semaphore, #tpu.memory_space<semaphore_mem>>)
          %add3A_409 = arith.constant 320000 : i32
          %add3A_410 = arith.addi %add3A_409, %mul3A_2 : i32
          %mul3A_411 = arith.constant 80 : i32
          %mul3A_412 = arith.muli %add3A_395, %mul3A_411 : i32
          %add3A_413 = arith.addi %add3A_410, %mul3A_412 : i32
          %dma_start3A_414 = arith.constant 1 : i32
          %dma_start3A_415 = arith.constant 1 : i32
          %dma_start3A_416 = arith.constant 0 : i32
          %dma_start3A_417 = tpu.memref_slice %arg6[%dma_start3A_414, %dma_start3A_415, %dma_start3A_416] : memref<8x2x80xi32, #tpu.memory_space<vmem>> -> memref<1x1x80xi32, #tpu.memory_space<vmem>>
          %dma_start3A_418 = tpu.memref_squeeze %dma_start3A_417 : memref<1x1x80xi32, #tpu.memory_space<vmem>> -> memref<80xi32, #tpu.memory_space<vmem>>
          %dma_start3A_419 = tpu.memref_slice %arg3[%add3A_413] : memref<640000xi32, #tpu.memory_space<hbm>> -> memref<80xi32, #tpu.memory_space<hbm>>
          %dma_start3A_420 = arith.constant 0 : i32
          %dma_start3A_421 = tpu.memref_slice %arg6[%dma_start3A_414, %dma_start3A_415, %dma_start3A_420] : memref<8x2x80xi32, #tpu.memory_space<vmem>> -> memref<1x1x80xi32, #tpu.memory_space<vmem>>
          %dma_start3A_422 = tpu.memref_squeeze %dma_start3A_421 : memref<1x1x80xi32, #tpu.memory_space<vmem>> -> memref<80xi32, #tpu.memory_space<vmem>>
          %dma_start3A_423 = tpu.memref_slice %arg3[%add3A_413] : memref<640000xi32, #tpu.memory_space<hbm>> -> memref<80xi32, #tpu.memory_space<hbm>>
          tpu.enqueue_dma source(%dma_start3A_423 : memref<80xi32, #tpu.memory_space<hbm>>) target(%dma_start3A_422 : memref<80xi32, #tpu.memory_space<vmem>>) target_semaphore(%arg13 : memref<!tpu.dma_semaphore, #tpu.memory_space<semaphore_mem>>)
        } else {
        }
        %add3A_371 = arith.constant 2 : i32
        %add3A_372 = arith.addi %scan3A_201, %add3A_371 : i32
        %le3A_373 = arith.constant 124 : i32
        %le3A_374 = arith.cmpi sle, %add3A_372, %le3A_373 : i32
        %convert_element_type3A_375 = arith.extui %le3A_374 : i1 to i32
        %cond3A_376 = arith.constant 0 : i32
        %cond3A_377 = arith.cmpi ne, %convert_element_type3A_375, %cond3A_376 : i32
        scf.if %cond3A_377 {
          %add3A_394 = arith.constant 2 : i32
          %add3A_395 = arith.addi %scan3A_201, %add3A_394 : i32
          %mul3A_396 = arith.constant 80 : i32
          %mul3A_397 = arith.muli %add3A_395, %mul3A_396 : i32
          %add3A_398 = arith.addi %mul3A_2, %mul3A_397 : i32
          %dma_wait3A_399 = arith.constant 7 : i32
          %dma_wait3A_400 = arith.constant 0 : i32
          %dma_wait3A_401 = arith.constant 0 : i32
          %dma_wait3A_402 = tpu.memref_slice %arg6[%dma_wait3A_399, %dma_wait3A_400, %dma_wait3A_401] : memref<8x2x80xi32, #tpu.memory_space<vmem>> -> memref<1x1x80xi32, #tpu.memory_space<vmem>>
          %dma_wait3A_403 = tpu.memref_squeeze %dma_wait3A_402 : memref<1x1x80xi32, #tpu.memory_space<vmem>> -> memref<80xi32, #tpu.memory_space<vmem>>
          %dma_wait3A_404 = tpu.memref_slice %arg3[%add3A_398] : memref<640000xi32, #tpu.memory_space<hbm>> -> memref<80xi32, #tpu.memory_space<hbm>>
          %dma_wait3A_405 = arith.constant 0 : i32
          %dma_wait3A_406 = tpu.memref_slice %arg6[%dma_wait3A_399, %dma_wait3A_400, %dma_wait3A_405] : memref<8x2x80xi32, #tpu.memory_space<vmem>> -> memref<1x1x80xi32, #tpu.memory_space<vmem>>
          %dma_wait3A_407 = tpu.memref_squeeze %dma_wait3A_406 : memref<1x1x80xi32, #tpu.memory_space<vmem>> -> memref<80xi32, #tpu.memory_space<vmem>>
          %dma_wait3A_408 = tpu.memref_slice %arg3[%add3A_398] : memref<640000xi32, #tpu.memory_space<hbm>> -> memref<80xi32, #tpu.memory_space<hbm>>
          tpu.wait_dma2 semaphore(%arg19 : memref<!tpu.dma_semaphore, #tpu.memory_space<semaphore_mem>>) src(%dma_wait3A_408 : memref<80xi32, #tpu.memory_space<hbm>>) dst(%dma_wait3A_407 : memref<80xi32, #tpu.memory_space<vmem>>)
          %add3A_409 = arith.constant 320000 : i32
          %add3A_410 = arith.addi %add3A_409, %mul3A_2 : i32
          %mul3A_411 = arith.constant 80 : i32
          %mul3A_412 = arith.muli %add3A_395, %mul3A_411 : i32
          %add3A_413 = arith.addi %add3A_410, %mul3A_412 : i32
          %dma_wait3A_414 = arith.constant 7 : i32
          %dma_wait3A_415 = arith.constant 1 : i32
          %dma_wait3A_416 = arith.constant 0 : i32
          %dma_wait3A_417 = tpu.memref_slice %arg6[%dma_wait3A_414, %dma_wait3A_415, %dma_wait3A_416] : memref<8x2x80xi32, #tpu.memory_space<vmem>> -> memref<1x1x80xi32, #tpu.memory_space<vmem>>
          %dma_wait3A_418 = tpu.memref_squeeze %dma_wait3A_417 : memref<1x1x80xi32, #tpu.memory_space<vmem>> -> memref<80xi32, #tpu.memory_space<vmem>>
          %dma_wait3A_419 = tpu.memref_slice %arg3[%add3A_413] : memref<640000xi32, #tpu.memory_space<hbm>> -> memref<80xi32, #tpu.memory_space<hbm>>
          %dma_wait3A_420 = arith.constant 0 : i32
          %dma_wait3A_421 = tpu.memref_slice %arg6[%dma_wait3A_414, %dma_wait3A_415, %dma_wait3A_420] : memref<8x2x80xi32, #tpu.memory_space<vmem>> -> memref<1x1x80xi32, #tpu.memory_space<vmem>>
          %dma_wait3A_422 = tpu.memref_squeeze %dma_wait3A_421 : memref<1x1x80xi32, #tpu.memory_space<vmem>> -> memref<80xi32, #tpu.memory_space<vmem>>
          %dma_wait3A_423 = tpu.memref_slice %arg3[%add3A_413] : memref<640000xi32, #tpu.memory_space<hbm>> -> memref<80xi32, #tpu.memory_space<hbm>>
          tpu.wait_dma2 semaphore(%arg19 : memref<!tpu.dma_semaphore, #tpu.memory_space<semaphore_mem>>) src(%dma_wait3A_423 : memref<80xi32, #tpu.memory_space<hbm>>) dst(%dma_wait3A_422 : memref<80xi32, #tpu.memory_space<vmem>>)
          %dma_start3A_424 = arith.constant 7 : i32
          %dma_start3A_425 = arith.constant 0 : i32
          %dma_start3A_426 = arith.constant 0 : i32
          %dma_start3A_427 = tpu.memref_slice %arg6[%dma_start3A_424, %dma_start3A_425, %dma_start3A_426] : memref<8x2x80xi32, #tpu.memory_space<vmem>> -> memref<1x1x80xi32, #tpu.memory_space<vmem>>
          %dma_start3A_428 = tpu.memref_squeeze %dma_start3A_427 : memref<1x1x80xi32, #tpu.memory_space<vmem>> -> memref<80xi32, #tpu.memory_space<vmem>>
          %dma_start3A_429 = arith.constant 0 : i32
          %dma_start3A_430 = arith.constant 0 : i32
          %dma_start3A_431 = tpu.memref_slice %arg2[%dma_start3A_429, %dma_start3A_430] : memref<10000x128xf32, #tpu.memory_space<hbm>> -> memref<10000x128xf32, #tpu.memory_space<hbm>>
          tpu.enqueue_indirect_dma source(%dma_start3A_431 : memref<10000x128xf32, #tpu.memory_space<hbm>>) target(%arg10 : memref<80x128xf32, #tpu.memory_space<vmem>>) offsets(%dma_start3A_428 : memref<80xi32, #tpu.memory_space<vmem>>) semaphore(%arg23 : memref<!tpu.dma_semaphore, #tpu.memory_space<semaphore_mem>>)
        } else {
        }
        %dma_wait3A_378 = arith.constant 5 : i32
        %dma_wait3A_379 = arith.constant 0 : i32
        %dma_wait3A_380 = arith.constant 0 : i32
        %dma_wait3A_381 = tpu.memref_slice %arg6[%dma_wait3A_378, %dma_wait3A_379, %dma_wait3A_380] : memref<8x2x80xi32, #tpu.memory_space<vmem>> -> memref<1x1x80xi32, #tpu.memory_space<vmem>>
        %dma_wait3A_382 = tpu.memref_squeeze %dma_wait3A_381 : memref<1x1x80xi32, #tpu.memory_space<vmem>> -> memref<80xi32, #tpu.memory_space<vmem>>
        %dma_wait3A_383 = arith.constant 0 : i32
        %dma_wait3A_384 = arith.constant 0 : i32
        %dma_wait3A_385 = tpu.memref_slice %arg2[%dma_wait3A_383, %dma_wait3A_384] : memref<10000x128xf32, #tpu.memory_space<hbm>> -> memref<10000x128xf32, #tpu.memory_space<hbm>>
        tpu.wait_indirect_dma semaphore(%arg21 : memref<!tpu.dma_semaphore, #tpu.memory_space<semaphore_mem>>) src(%dma_wait3A_385 : memref<10000x128xf32, #tpu.memory_space<hbm>>) dst(%arg8 : memref<80x128xf32, #tpu.memory_space<vmem>>)
        %dma_start3A_386 = arith.constant 5 : i32
        %dma_start3A_387 = arith.constant 1 : i32
        %dma_start3A_388 = arith.constant 0 : i32
        %dma_start3A_389 = tpu.memref_slice %arg6[%dma_start3A_386, %dma_start3A_387, %dma_start3A_388] : memref<8x2x80xi32, #tpu.memory_space<vmem>> -> memref<1x1x80xi32, #tpu.memory_space<vmem>>
        %dma_start3A_390 = tpu.memref_squeeze %dma_start3A_389 : memref<1x1x80xi32, #tpu.memory_space<vmem>> -> memref<80xi32, #tpu.memory_space<vmem>>
        %dma_start3A_391 = arith.constant 0 : i32
        %dma_start3A_392 = arith.constant 0 : i32
        %dma_start3A_393 = tpu.memref_slice %arg11[%dma_start3A_391, %dma_start3A_392] : memref<10240x128xf32, #tpu.memory_space<vmem_shared>> -> memref<10240x128xf32, #tpu.memory_space<vmem_shared>>
        tpu.enqueue_indirect_dma source(%arg8 : memref<80x128xf32, #tpu.memory_space<vmem>>) target(%dma_start3A_393 : memref<10240x128xf32, #tpu.memory_space<vmem_shared>>) offsets(%dma_start3A_390 : memref<80xi32, #tpu.memory_space<vmem>>) semaphore(%arg25 : memref<!tpu.dma_semaphore, #tpu.memory_space<semaphore_mem>>) {add = true}
      } else {
      }
      %jit3A_319 = arith.constant 8 : i32
      %eq3A_320 = arith.constant 0 : i32
      %eq3A_321 = arith.cmpi eq, %jit3A_319, %eq3A_320 : i32
      %jit3A_322 = arith.constant 1 : i32
      %select_n3A_323 = arith.select %eq3A_321, %jit3A_322, %jit3A_319 : i32
      %rem3A_324 = arith.remsi %scan3A_201, %select_n3A_323 : i32
      %ne3A_325 = arith.constant 0 : i32
      %ne3A_326 = arith.cmpi ne, %rem3A_324, %ne3A_325 : i32
      %lt3A_327 = arith.constant 0 : i32
      %lt3A_328 = arith.cmpi slt, %rem3A_324, %lt3A_327 : i32
      %lt3A_329 = arith.constant 0 : i32
      %lt3A_330 = arith.cmpi slt, %select_n3A_323, %lt3A_329 : i32
      %ne3A_331 = arith.xori %lt3A_328, %lt3A_330 : i1
      %and3A_332 = arith.andi %ne3A_331, %ne3A_326 : i1
      %add3A_333 = arith.addi %rem3A_324, %select_n3A_323 : i32
      %select_n3A_334 = arith.select %and3A_332, %add3A_333, %rem3A_324 : i32
      %eq3A_335 = arith.constant 6 : i32
      %eq3A_336 = arith.cmpi eq, %select_n3A_334, %eq3A_335 : i32
      %convert_element_type3A_337 = arith.extui %eq3A_336 : i1 to i32
      %cond3A_338 = arith.constant 0 : i32
      %cond3A_339 = arith.cmpi ne, %convert_element_type3A_337, %cond3A_338 : i32
      scf.if %cond3A_339 {
        %ge3A = arith.constant 2 : i32
        %ge3A_361 = arith.cmpi sge, %scan3A_201, %ge3A : i32
        %convert_element_type3A_362 = arith.extui %ge3A_361 : i1 to i32
        %cond3A_363 = arith.constant 0 : i32
        %cond3A_364 = arith.cmpi ne, %convert_element_type3A_362, %cond3A_363 : i32
        scf.if %cond3A_364 {
          %dma_wait3A_394 = arith.constant 4 : i32
          %dma_wait3A_395 = arith.constant 1 : i32
          %dma_wait3A_396 = arith.constant 0 : i32
          %dma_wait3A_397 = tpu.memref_slice %arg6[%dma_wait3A_394, %dma_wait3A_395, %dma_wait3A_396] : memref<8x2x80xi32, #tpu.memory_space<vmem>> -> memref<1x1x80xi32, #tpu.memory_space<vmem>>
          %dma_wait3A_398 = tpu.memref_squeeze %dma_wait3A_397 : memref<1x1x80xi32, #tpu.memory_space<vmem>> -> memref<80xi32, #tpu.memory_space<vmem>>
          %dma_wait3A_399 = arith.constant 0 : i32
          %dma_wait3A_400 = arith.constant 0 : i32
          %dma_wait3A_401 = tpu.memref_slice %arg11[%dma_wait3A_399, %dma_wait3A_400] : memref<10240x128xf32, #tpu.memory_space<vmem_shared>> -> memref<10240x128xf32, #tpu.memory_space<vmem_shared>>
          tpu.wait_indirect_dma semaphore(%arg24 : memref<!tpu.dma_semaphore, #tpu.memory_space<semaphore_mem>>) src(%arg7 : memref<80x128xf32, #tpu.memory_space<vmem>>) dst(%dma_wait3A_401 : memref<10240x128xf32, #tpu.memory_space<vmem_shared>>)
        } else {
        }
        %add3A_365 = arith.constant 4 : i32
        %add3A_366 = arith.addi %scan3A_201, %add3A_365 : i32
        %le3A = arith.constant 124 : i32
        %le3A_367 = arith.cmpi sle, %add3A_366, %le3A : i32
        %convert_element_type3A_368 = arith.extui %le3A_367 : i1 to i32
        %cond3A_369 = arith.constant 0 : i32
        %cond3A_370 = arith.cmpi ne, %convert_element_type3A_368, %cond3A_369 : i32
        scf.if %cond3A_370 {
          %add3A_394 = arith.constant 4 : i32
          %add3A_395 = arith.addi %scan3A_201, %add3A_394 : i32
          %mul3A_396 = arith.constant 80 : i32
          %mul3A_397 = arith.muli %add3A_395, %mul3A_396 : i32
          %add3A_398 = arith.addi %mul3A_2, %mul3A_397 : i32
          %dma_start3A_399 = arith.constant 2 : i32
          %dma_start3A_400 = arith.constant 0 : i32
          %dma_start3A_401 = arith.constant 0 : i32
          %dma_start3A_402 = tpu.memref_slice %arg6[%dma_start3A_399, %dma_start3A_400, %dma_start3A_401] : memref<8x2x80xi32, #tpu.memory_space<vmem>> -> memref<1x1x80xi32, #tpu.memory_space<vmem>>
          %dma_start3A_403 = tpu.memref_squeeze %dma_start3A_402 : memref<1x1x80xi32, #tpu.memory_space<vmem>> -> memref<80xi32, #tpu.memory_space<vmem>>
          %dma_start3A_404 = tpu.memref_slice %arg3[%add3A_398] : memref<640000xi32, #tpu.memory_space<hbm>> -> memref<80xi32, #tpu.memory_space<hbm>>
          %dma_start3A_405 = arith.constant 0 : i32
          %dma_start3A_406 = tpu.memref_slice %arg6[%dma_start3A_399, %dma_start3A_400, %dma_start3A_405] : memref<8x2x80xi32, #tpu.memory_space<vmem>> -> memref<1x1x80xi32, #tpu.memory_space<vmem>>
          %dma_start3A_407 = tpu.memref_squeeze %dma_start3A_406 : memref<1x1x80xi32, #tpu.memory_space<vmem>> -> memref<80xi32, #tpu.memory_space<vmem>>
          %dma_start3A_408 = tpu.memref_slice %arg3[%add3A_398] : memref<640000xi32, #tpu.memory_space<hbm>> -> memref<80xi32, #tpu.memory_space<hbm>>
          tpu.enqueue_dma source(%dma_start3A_408 : memref<80xi32, #tpu.memory_space<hbm>>) target(%dma_start3A_407 : memref<80xi32, #tpu.memory_space<vmem>>) target_semaphore(%arg14 : memref<!tpu.dma_semaphore, #tpu.memory_space<semaphore_mem>>)
          %add3A_409 = arith.constant 320000 : i32
          %add3A_410 = arith.addi %add3A_409, %mul3A_2 : i32
          %mul3A_411 = arith.constant 80 : i32
          %mul3A_412 = arith.muli %add3A_395, %mul3A_411 : i32
          %add3A_413 = arith.addi %add3A_410, %mul3A_412 : i32
          %dma_start3A_414 = arith.constant 2 : i32
          %dma_start3A_415 = arith.constant 1 : i32
          %dma_start3A_416 = arith.constant 0 : i32
          %dma_start3A_417 = tpu.memref_slice %arg6[%dma_start3A_414, %dma_start3A_415, %dma_start3A_416] : memref<8x2x80xi32, #tpu.memory_space<vmem>> -> memref<1x1x80xi32, #tpu.memory_space<vmem>>
          %dma_start3A_418 = tpu.memref_squeeze %dma_start3A_417 : memref<1x1x80xi32, #tpu.memory_space<vmem>> -> memref<80xi32, #tpu.memory_space<vmem>>
          %dma_start3A_419 = tpu.memref_slice %arg3[%add3A_413] : memref<640000xi32, #tpu.memory_space<hbm>> -> memref<80xi32, #tpu.memory_space<hbm>>
          %dma_start3A_420 = arith.constant 0 : i32
          %dma_start3A_421 = tpu.memref_slice %arg6[%dma_start3A_414, %dma_start3A_415, %dma_start3A_420] : memref<8x2x80xi32, #tpu.memory_space<vmem>> -> memref<1x1x80xi32, #tpu.memory_space<vmem>>
          %dma_start3A_422 = tpu.memref_squeeze %dma_start3A_421 : memref<1x1x80xi32, #tpu.memory_space<vmem>> -> memref<80xi32, #tpu.memory_space<vmem>>
          %dma_start3A_423 = tpu.memref_slice %arg3[%add3A_413] : memref<640000xi32, #tpu.memory_space<hbm>> -> memref<80xi32, #tpu.memory_space<hbm>>
          tpu.enqueue_dma source(%dma_start3A_423 : memref<80xi32, #tpu.memory_space<hbm>>) target(%dma_start3A_422 : memref<80xi32, #tpu.memory_space<vmem>>) target_semaphore(%arg14 : memref<!tpu.dma_semaphore, #tpu.memory_space<semaphore_mem>>)
        } else {
        }
        %add3A_371 = arith.constant 2 : i32
        %add3A_372 = arith.addi %scan3A_201, %add3A_371 : i32
        %le3A_373 = arith.constant 124 : i32
        %le3A_374 = arith.cmpi sle, %add3A_372, %le3A_373 : i32
        %convert_element_type3A_375 = arith.extui %le3A_374 : i1 to i32
        %cond3A_376 = arith.constant 0 : i32
        %cond3A_377 = arith.cmpi ne, %convert_element_type3A_375, %cond3A_376 : i32
        scf.if %cond3A_377 {
          %add3A_394 = arith.constant 2 : i32
          %add3A_395 = arith.addi %scan3A_201, %add3A_394 : i32
          %mul3A_396 = arith.constant 80 : i32
          %mul3A_397 = arith.muli %add3A_395, %mul3A_396 : i32
          %add3A_398 = arith.addi %mul3A_2, %mul3A_397 : i32
          %dma_wait3A_399 = arith.constant 0 : i32
          %dma_wait3A_400 = arith.constant 0 : i32
          %dma_wait3A_401 = arith.constant 0 : i32
          %dma_wait3A_402 = tpu.memref_slice %arg6[%dma_wait3A_399, %dma_wait3A_400, %dma_wait3A_401] : memref<8x2x80xi32, #tpu.memory_space<vmem>> -> memref<1x1x80xi32, #tpu.memory_space<vmem>>
          %dma_wait3A_403 = tpu.memref_squeeze %dma_wait3A_402 : memref<1x1x80xi32, #tpu.memory_space<vmem>> -> memref<80xi32, #tpu.memory_space<vmem>>
          %dma_wait3A_404 = tpu.memref_slice %arg3[%add3A_398] : memref<640000xi32, #tpu.memory_space<hbm>> -> memref<80xi32, #tpu.memory_space<hbm>>
          %dma_wait3A_405 = arith.constant 0 : i32
          %dma_wait3A_406 = tpu.memref_slice %arg6[%dma_wait3A_399, %dma_wait3A_400, %dma_wait3A_405] : memref<8x2x80xi32, #tpu.memory_space<vmem>> -> memref<1x1x80xi32, #tpu.memory_space<vmem>>
          %dma_wait3A_407 = tpu.memref_squeeze %dma_wait3A_406 : memref<1x1x80xi32, #tpu.memory_space<vmem>> -> memref<80xi32, #tpu.memory_space<vmem>>
          %dma_wait3A_408 = tpu.memref_slice %arg3[%add3A_398] : memref<640000xi32, #tpu.memory_space<hbm>> -> memref<80xi32, #tpu.memory_space<hbm>>
          tpu.wait_dma2 semaphore(%arg12 : memref<!tpu.dma_semaphore, #tpu.memory_space<semaphore_mem>>) src(%dma_wait3A_408 : memref<80xi32, #tpu.memory_space<hbm>>) dst(%dma_wait3A_407 : memref<80xi32, #tpu.memory_space<vmem>>)
          %add3A_409 = arith.constant 320000 : i32
          %add3A_410 = arith.addi %add3A_409, %mul3A_2 : i32
          %mul3A_411 = arith.constant 80 : i32
          %mul3A_412 = arith.muli %add3A_395, %mul3A_411 : i32
          %add3A_413 = arith.addi %add3A_410, %mul3A_412 : i32
          %dma_wait3A_414 = arith.constant 0 : i32
          %dma_wait3A_415 = arith.constant 1 : i32
          %dma_wait3A_416 = arith.constant 0 : i32
          %dma_wait3A_417 = tpu.memref_slice %arg6[%dma_wait3A_414, %dma_wait3A_415, %dma_wait3A_416] : memref<8x2x80xi32, #tpu.memory_space<vmem>> -> memref<1x1x80xi32, #tpu.memory_space<vmem>>
          %dma_wait3A_418 = tpu.memref_squeeze %dma_wait3A_417 : memref<1x1x80xi32, #tpu.memory_space<vmem>> -> memref<80xi32, #tpu.memory_space<vmem>>
          %dma_wait3A_419 = tpu.memref_slice %arg3[%add3A_413] : memref<640000xi32, #tpu.memory_space<hbm>> -> memref<80xi32, #tpu.memory_space<hbm>>
          %dma_wait3A_420 = arith.constant 0 : i32
          %dma_wait3A_421 = tpu.memref_slice %arg6[%dma_wait3A_414, %dma_wait3A_415, %dma_wait3A_420] : memref<8x2x80xi32, #tpu.memory_space<vmem>> -> memref<1x1x80xi32, #tpu.memory_space<vmem>>
          %dma_wait3A_422 = tpu.memref_squeeze %dma_wait3A_421 : memref<1x1x80xi32, #tpu.memory_space<vmem>> -> memref<80xi32, #tpu.memory_space<vmem>>
          %dma_wait3A_423 = tpu.memref_slice %arg3[%add3A_413] : memref<640000xi32, #tpu.memory_space<hbm>> -> memref<80xi32, #tpu.memory_space<hbm>>
          tpu.wait_dma2 semaphore(%arg12 : memref<!tpu.dma_semaphore, #tpu.memory_space<semaphore_mem>>) src(%dma_wait3A_423 : memref<80xi32, #tpu.memory_space<hbm>>) dst(%dma_wait3A_422 : memref<80xi32, #tpu.memory_space<vmem>>)
          %dma_start3A_424 = arith.constant 0 : i32
          %dma_start3A_425 = arith.constant 0 : i32
          %dma_start3A_426 = arith.constant 0 : i32
          %dma_start3A_427 = tpu.memref_slice %arg6[%dma_start3A_424, %dma_start3A_425, %dma_start3A_426] : memref<8x2x80xi32, #tpu.memory_space<vmem>> -> memref<1x1x80xi32, #tpu.memory_space<vmem>>
          %dma_start3A_428 = tpu.memref_squeeze %dma_start3A_427 : memref<1x1x80xi32, #tpu.memory_space<vmem>> -> memref<80xi32, #tpu.memory_space<vmem>>
          %dma_start3A_429 = arith.constant 0 : i32
          %dma_start3A_430 = arith.constant 0 : i32
          %dma_start3A_431 = tpu.memref_slice %arg2[%dma_start3A_429, %dma_start3A_430] : memref<10000x128xf32, #tpu.memory_space<hbm>> -> memref<10000x128xf32, #tpu.memory_space<hbm>>
          tpu.enqueue_indirect_dma source(%dma_start3A_431 : memref<10000x128xf32, #tpu.memory_space<hbm>>) target(%arg7 : memref<80x128xf32, #tpu.memory_space<vmem>>) offsets(%dma_start3A_428 : memref<80xi32, #tpu.memory_space<vmem>>) semaphore(%arg20 : memref<!tpu.dma_semaphore, #tpu.memory_space<semaphore_mem>>)
        } else {
        }
        %dma_wait3A_378 = arith.constant 6 : i32
        %dma_wait3A_379 = arith.constant 0 : i32
        %dma_wait3A_380 = arith.constant 0 : i32
        %dma_wait3A_381 = tpu.memref_slice %arg6[%dma_wait3A_378, %dma_wait3A_379, %dma_wait3A_380] : memref<8x2x80xi32, #tpu.memory_space<vmem>> -> memref<1x1x80xi32, #tpu.memory_space<vmem>>
        %dma_wait3A_382 = tpu.memref_squeeze %dma_wait3A_381 : memref<1x1x80xi32, #tpu.memory_space<vmem>> -> memref<80xi32, #tpu.memory_space<vmem>>
        %dma_wait3A_383 = arith.constant 0 : i32
        %dma_wait3A_384 = arith.constant 0 : i32
        %dma_wait3A_385 = tpu.memref_slice %arg2[%dma_wait3A_383, %dma_wait3A_384] : memref<10000x128xf32, #tpu.memory_space<hbm>> -> memref<10000x128xf32, #tpu.memory_space<hbm>>
        tpu.wait_indirect_dma semaphore(%arg22 : memref<!tpu.dma_semaphore, #tpu.memory_space<semaphore_mem>>) src(%dma_wait3A_385 : memref<10000x128xf32, #tpu.memory_space<hbm>>) dst(%arg9 : memref<80x128xf32, #tpu.memory_space<vmem>>)
        %dma_start3A_386 = arith.constant 6 : i32
        %dma_start3A_387 = arith.constant 1 : i32
        %dma_start3A_388 = arith.constant 0 : i32
        %dma_start3A_389 = tpu.memref_slice %arg6[%dma_start3A_386, %dma_start3A_387, %dma_start3A_388] : memref<8x2x80xi32, #tpu.memory_space<vmem>> -> memref<1x1x80xi32, #tpu.memory_space<vmem>>
        %dma_start3A_390 = tpu.memref_squeeze %dma_start3A_389 : memref<1x1x80xi32, #tpu.memory_space<vmem>> -> memref<80xi32, #tpu.memory_space<vmem>>
        %dma_start3A_391 = arith.constant 0 : i32
        %dma_start3A_392 = arith.constant 0 : i32
        %dma_start3A_393 = tpu.memref_slice %arg11[%dma_start3A_391, %dma_start3A_392] : memref<10240x128xf32, #tpu.memory_space<vmem_shared>> -> memref<10240x128xf32, #tpu.memory_space<vmem_shared>>
        tpu.enqueue_indirect_dma source(%arg9 : memref<80x128xf32, #tpu.memory_space<vmem>>) target(%dma_start3A_393 : memref<10240x128xf32, #tpu.memory_space<vmem_shared>>) offsets(%dma_start3A_390 : memref<80xi32, #tpu.memory_space<vmem>>) semaphore(%arg26 : memref<!tpu.dma_semaphore, #tpu.memory_space<semaphore_mem>>) {add = true}
      } else {
      }
      %jit3A_340 = arith.constant 8 : i32
      %eq3A_341 = arith.constant 0 : i32
      %eq3A_342 = arith.cmpi eq, %jit3A_340, %eq3A_341 : i32
      %jit3A_343 = arith.constant 1 : i32
      %select_n3A_344 = arith.select %eq3A_342, %jit3A_343, %jit3A_340 : i32
      %rem3A_345 = arith.remsi %scan3A_201, %select_n3A_344 : i32
      %ne3A_346 = arith.constant 0 : i32
      %ne3A_347 = arith.cmpi ne, %rem3A_345, %ne3A_346 : i32
      %lt3A_348 = arith.constant 0 : i32
      %lt3A_349 = arith.cmpi slt, %rem3A_345, %lt3A_348 : i32
      %lt3A_350 = arith.constant 0 : i32
      %lt3A_351 = arith.cmpi slt, %select_n3A_344, %lt3A_350 : i32
      %ne3A_352 = arith.xori %lt3A_349, %lt3A_351 : i1
      %and3A_353 = arith.andi %ne3A_352, %ne3A_347 : i1
      %add3A_354 = arith.addi %rem3A_345, %select_n3A_344 : i32
      %select_n3A_355 = arith.select %and3A_353, %add3A_354, %rem3A_345 : i32
      %eq3A_356 = arith.constant 7 : i32
      %eq3A_357 = arith.cmpi eq, %select_n3A_355, %eq3A_356 : i32
      %convert_element_type3A_358 = arith.extui %eq3A_357 : i1 to i32
      %cond3A_359 = arith.constant 0 : i32
      %cond3A_360 = arith.cmpi ne, %convert_element_type3A_358, %cond3A_359 : i32
      scf.if %cond3A_360 {
        %ge3A = arith.constant 2 : i32
        %ge3A_361 = arith.cmpi sge, %scan3A_201, %ge3A : i32
        %convert_element_type3A_362 = arith.extui %ge3A_361 : i1 to i32
        %cond3A_363 = arith.constant 0 : i32
        %cond3A_364 = arith.cmpi ne, %convert_element_type3A_362, %cond3A_363 : i32
        scf.if %cond3A_364 {
          %dma_wait3A_394 = arith.constant 5 : i32
          %dma_wait3A_395 = arith.constant 1 : i32
          %dma_wait3A_396 = arith.constant 0 : i32
          %dma_wait3A_397 = tpu.memref_slice %arg6[%dma_wait3A_394, %dma_wait3A_395, %dma_wait3A_396] : memref<8x2x80xi32, #tpu.memory_space<vmem>> -> memref<1x1x80xi32, #tpu.memory_space<vmem>>
          %dma_wait3A_398 = tpu.memref_squeeze %dma_wait3A_397 : memref<1x1x80xi32, #tpu.memory_space<vmem>> -> memref<80xi32, #tpu.memory_space<vmem>>
          %dma_wait3A_399 = arith.constant 0 : i32
          %dma_wait3A_400 = arith.constant 0 : i32
          %dma_wait3A_401 = tpu.memref_slice %arg11[%dma_wait3A_399, %dma_wait3A_400] : memref<10240x128xf32, #tpu.memory_space<vmem_shared>> -> memref<10240x128xf32, #tpu.memory_space<vmem_shared>>
          tpu.wait_indirect_dma semaphore(%arg25 : memref<!tpu.dma_semaphore, #tpu.memory_space<semaphore_mem>>) src(%arg8 : memref<80x128xf32, #tpu.memory_space<vmem>>) dst(%dma_wait3A_401 : memref<10240x128xf32, #tpu.memory_space<vmem_shared>>)
        } else {
        }
        %add3A_365 = arith.constant 4 : i32
        %add3A_366 = arith.addi %scan3A_201, %add3A_365 : i32
        %le3A = arith.constant 124 : i32
        %le3A_367 = arith.cmpi sle, %add3A_366, %le3A : i32
        %convert_element_type3A_368 = arith.extui %le3A_367 : i1 to i32
        %cond3A_369 = arith.constant 0 : i32
        %cond3A_370 = arith.cmpi ne, %convert_element_type3A_368, %cond3A_369 : i32
        scf.if %cond3A_370 {
          %add3A_394 = arith.constant 4 : i32
          %add3A_395 = arith.addi %scan3A_201, %add3A_394 : i32
          %mul3A_396 = arith.constant 80 : i32
          %mul3A_397 = arith.muli %add3A_395, %mul3A_396 : i32
          %add3A_398 = arith.addi %mul3A_2, %mul3A_397 : i32
          %dma_start3A_399 = arith.constant 3 : i32
          %dma_start3A_400 = arith.constant 0 : i32
          %dma_start3A_401 = arith.constant 0 : i32
          %dma_start3A_402 = tpu.memref_slice %arg6[%dma_start3A_399, %dma_start3A_400, %dma_start3A_401] : memref<8x2x80xi32, #tpu.memory_space<vmem>> -> memref<1x1x80xi32, #tpu.memory_space<vmem>>
          %dma_start3A_403 = tpu.memref_squeeze %dma_start3A_402 : memref<1x1x80xi32, #tpu.memory_space<vmem>> -> memref<80xi32, #tpu.memory_space<vmem>>
          %dma_start3A_404 = tpu.memref_slice %arg3[%add3A_398] : memref<640000xi32, #tpu.memory_space<hbm>> -> memref<80xi32, #tpu.memory_space<hbm>>
          %dma_start3A_405 = arith.constant 0 : i32
          %dma_start3A_406 = tpu.memref_slice %arg6[%dma_start3A_399, %dma_start3A_400, %dma_start3A_405] : memref<8x2x80xi32, #tpu.memory_space<vmem>> -> memref<1x1x80xi32, #tpu.memory_space<vmem>>
          %dma_start3A_407 = tpu.memref_squeeze %dma_start3A_406 : memref<1x1x80xi32, #tpu.memory_space<vmem>> -> memref<80xi32, #tpu.memory_space<vmem>>
          %dma_start3A_408 = tpu.memref_slice %arg3[%add3A_398] : memref<640000xi32, #tpu.memory_space<hbm>> -> memref<80xi32, #tpu.memory_space<hbm>>
          tpu.enqueue_dma source(%dma_start3A_408 : memref<80xi32, #tpu.memory_space<hbm>>) target(%dma_start3A_407 : memref<80xi32, #tpu.memory_space<vmem>>) target_semaphore(%arg15 : memref<!tpu.dma_semaphore, #tpu.memory_space<semaphore_mem>>)
          %add3A_409 = arith.constant 320000 : i32
          %add3A_410 = arith.addi %add3A_409, %mul3A_2 : i32
          %mul3A_411 = arith.constant 80 : i32
          %mul3A_412 = arith.muli %add3A_395, %mul3A_411 : i32
          %add3A_413 = arith.addi %add3A_410, %mul3A_412 : i32
          %dma_start3A_414 = arith.constant 3 : i32
          %dma_start3A_415 = arith.constant 1 : i32
          %dma_start3A_416 = arith.constant 0 : i32
          %dma_start3A_417 = tpu.memref_slice %arg6[%dma_start3A_414, %dma_start3A_415, %dma_start3A_416] : memref<8x2x80xi32, #tpu.memory_space<vmem>> -> memref<1x1x80xi32, #tpu.memory_space<vmem>>
          %dma_start3A_418 = tpu.memref_squeeze %dma_start3A_417 : memref<1x1x80xi32, #tpu.memory_space<vmem>> -> memref<80xi32, #tpu.memory_space<vmem>>
          %dma_start3A_419 = tpu.memref_slice %arg3[%add3A_413] : memref<640000xi32, #tpu.memory_space<hbm>> -> memref<80xi32, #tpu.memory_space<hbm>>
          %dma_start3A_420 = arith.constant 0 : i32
          %dma_start3A_421 = tpu.memref_slice %arg6[%dma_start3A_414, %dma_start3A_415, %dma_start3A_420] : memref<8x2x80xi32, #tpu.memory_space<vmem>> -> memref<1x1x80xi32, #tpu.memory_space<vmem>>
          %dma_start3A_422 = tpu.memref_squeeze %dma_start3A_421 : memref<1x1x80xi32, #tpu.memory_space<vmem>> -> memref<80xi32, #tpu.memory_space<vmem>>
          %dma_start3A_423 = tpu.memref_slice %arg3[%add3A_413] : memref<640000xi32, #tpu.memory_space<hbm>> -> memref<80xi32, #tpu.memory_space<hbm>>
          tpu.enqueue_dma source(%dma_start3A_423 : memref<80xi32, #tpu.memory_space<hbm>>) target(%dma_start3A_422 : memref<80xi32, #tpu.memory_space<vmem>>) target_semaphore(%arg15 : memref<!tpu.dma_semaphore, #tpu.memory_space<semaphore_mem>>)
        } else {
        }
        %add3A_371 = arith.constant 2 : i32
        %add3A_372 = arith.addi %scan3A_201, %add3A_371 : i32
        %le3A_373 = arith.constant 124 : i32
        %le3A_374 = arith.cmpi sle, %add3A_372, %le3A_373 : i32
        %convert_element_type3A_375 = arith.extui %le3A_374 : i1 to i32
        %cond3A_376 = arith.constant 0 : i32
        %cond3A_377 = arith.cmpi ne, %convert_element_type3A_375, %cond3A_376 : i32
        scf.if %cond3A_377 {
          %add3A_394 = arith.constant 2 : i32
          %add3A_395 = arith.addi %scan3A_201, %add3A_394 : i32
          %mul3A_396 = arith.constant 80 : i32
          %mul3A_397 = arith.muli %add3A_395, %mul3A_396 : i32
          %add3A_398 = arith.addi %mul3A_2, %mul3A_397 : i32
          %dma_wait3A_399 = arith.constant 1 : i32
          %dma_wait3A_400 = arith.constant 0 : i32
          %dma_wait3A_401 = arith.constant 0 : i32
          %dma_wait3A_402 = tpu.memref_slice %arg6[%dma_wait3A_399, %dma_wait3A_400, %dma_wait3A_401] : memref<8x2x80xi32, #tpu.memory_space<vmem>> -> memref<1x1x80xi32, #tpu.memory_space<vmem>>
          %dma_wait3A_403 = tpu.memref_squeeze %dma_wait3A_402 : memref<1x1x80xi32, #tpu.memory_space<vmem>> -> memref<80xi32, #tpu.memory_space<vmem>>
          %dma_wait3A_404 = tpu.memref_slice %arg3[%add3A_398] : memref<640000xi32, #tpu.memory_space<hbm>> -> memref<80xi32, #tpu.memory_space<hbm>>
          %dma_wait3A_405 = arith.constant 0 : i32
          %dma_wait3A_406 = tpu.memref_slice %arg6[%dma_wait3A_399, %dma_wait3A_400, %dma_wait3A_405] : memref<8x2x80xi32, #tpu.memory_space<vmem>> -> memref<1x1x80xi32, #tpu.memory_space<vmem>>
          %dma_wait3A_407 = tpu.memref_squeeze %dma_wait3A_406 : memref<1x1x80xi32, #tpu.memory_space<vmem>> -> memref<80xi32, #tpu.memory_space<vmem>>
          %dma_wait3A_408 = tpu.memref_slice %arg3[%add3A_398] : memref<640000xi32, #tpu.memory_space<hbm>> -> memref<80xi32, #tpu.memory_space<hbm>>
          tpu.wait_dma2 semaphore(%arg13 : memref<!tpu.dma_semaphore, #tpu.memory_space<semaphore_mem>>) src(%dma_wait3A_408 : memref<80xi32, #tpu.memory_space<hbm>>) dst(%dma_wait3A_407 : memref<80xi32, #tpu.memory_space<vmem>>)
          %add3A_409 = arith.constant 320000 : i32
          %add3A_410 = arith.addi %add3A_409, %mul3A_2 : i32
          %mul3A_411 = arith.constant 80 : i32
          %mul3A_412 = arith.muli %add3A_395, %mul3A_411 : i32
          %add3A_413 = arith.addi %add3A_410, %mul3A_412 : i32
          %dma_wait3A_414 = arith.constant 1 : i32
          %dma_wait3A_415 = arith.constant 1 : i32
          %dma_wait3A_416 = arith.constant 0 : i32
          %dma_wait3A_417 = tpu.memref_slice %arg6[%dma_wait3A_414, %dma_wait3A_415, %dma_wait3A_416] : memref<8x2x80xi32, #tpu.memory_space<vmem>> -> memref<1x1x80xi32, #tpu.memory_space<vmem>>
          %dma_wait3A_418 = tpu.memref_squeeze %dma_wait3A_417 : memref<1x1x80xi32, #tpu.memory_space<vmem>> -> memref<80xi32, #tpu.memory_space<vmem>>
          %dma_wait3A_419 = tpu.memref_slice %arg3[%add3A_413] : memref<640000xi32, #tpu.memory_space<hbm>> -> memref<80xi32, #tpu.memory_space<hbm>>
          %dma_wait3A_420 = arith.constant 0 : i32
          %dma_wait3A_421 = tpu.memref_slice %arg6[%dma_wait3A_414, %dma_wait3A_415, %dma_wait3A_420] : memref<8x2x80xi32, #tpu.memory_space<vmem>> -> memref<1x1x80xi32, #tpu.memory_space<vmem>>
          %dma_wait3A_422 = tpu.memref_squeeze %dma_wait3A_421 : memref<1x1x80xi32, #tpu.memory_space<vmem>> -> memref<80xi32, #tpu.memory_space<vmem>>
          %dma_wait3A_423 = tpu.memref_slice %arg3[%add3A_413] : memref<640000xi32, #tpu.memory_space<hbm>> -> memref<80xi32, #tpu.memory_space<hbm>>
          tpu.wait_dma2 semaphore(%arg13 : memref<!tpu.dma_semaphore, #tpu.memory_space<semaphore_mem>>) src(%dma_wait3A_423 : memref<80xi32, #tpu.memory_space<hbm>>) dst(%dma_wait3A_422 : memref<80xi32, #tpu.memory_space<vmem>>)
          %dma_start3A_424 = arith.constant 1 : i32
          %dma_start3A_425 = arith.constant 0 : i32
          %dma_start3A_426 = arith.constant 0 : i32
          %dma_start3A_427 = tpu.memref_slice %arg6[%dma_start3A_424, %dma_start3A_425, %dma_start3A_426] : memref<8x2x80xi32, #tpu.memory_space<vmem>> -> memref<1x1x80xi32, #tpu.memory_space<vmem>>
          %dma_start3A_428 = tpu.memref_squeeze %dma_start3A_427 : memref<1x1x80xi32, #tpu.memory_space<vmem>> -> memref<80xi32, #tpu.memory_space<vmem>>
          %dma_start3A_429 = arith.constant 0 : i32
          %dma_start3A_430 = arith.constant 0 : i32
          %dma_start3A_431 = tpu.memref_slice %arg2[%dma_start3A_429, %dma_start3A_430] : memref<10000x128xf32, #tpu.memory_space<hbm>> -> memref<10000x128xf32, #tpu.memory_space<hbm>>
          tpu.enqueue_indirect_dma source(%dma_start3A_431 : memref<10000x128xf32, #tpu.memory_space<hbm>>) target(%arg8 : memref<80x128xf32, #tpu.memory_space<vmem>>) offsets(%dma_start3A_428 : memref<80xi32, #tpu.memory_space<vmem>>) semaphore(%arg21 : memref<!tpu.dma_semaphore, #tpu.memory_space<semaphore_mem>>)
        } else {
        }
        %dma_wait3A_378 = arith.constant 7 : i32
        %dma_wait3A_379 = arith.constant 0 : i32
        %dma_wait3A_380 = arith.constant 0 : i32
        %dma_wait3A_381 = tpu.memref_slice %arg6[%dma_wait3A_378, %dma_wait3A_379, %dma_wait3A_380] : memref<8x2x80xi32, #tpu.memory_space<vmem>> -> memref<1x1x80xi32, #tpu.memory_space<vmem>>
        %dma_wait3A_382 = tpu.memref_squeeze %dma_wait3A_381 : memref<1x1x80xi32, #tpu.memory_space<vmem>> -> memref<80xi32, #tpu.memory_space<vmem>>
        %dma_wait3A_383 = arith.constant 0 : i32
        %dma_wait3A_384 = arith.constant 0 : i32
        %dma_wait3A_385 = tpu.memref_slice %arg2[%dma_wait3A_383, %dma_wait3A_384] : memref<10000x128xf32, #tpu.memory_space<hbm>> -> memref<10000x128xf32, #tpu.memory_space<hbm>>
        tpu.wait_indirect_dma semaphore(%arg23 : memref<!tpu.dma_semaphore, #tpu.memory_space<semaphore_mem>>) src(%dma_wait3A_385 : memref<10000x128xf32, #tpu.memory_space<hbm>>) dst(%arg10 : memref<80x128xf32, #tpu.memory_space<vmem>>)
        %dma_start3A_386 = arith.constant 7 : i32
        %dma_start3A_387 = arith.constant 1 : i32
        %dma_start3A_388 = arith.constant 0 : i32
        %dma_start3A_389 = tpu.memref_slice %arg6[%dma_start3A_386, %dma_start3A_387, %dma_start3A_388] : memref<8x2x80xi32, #tpu.memory_space<vmem>> -> memref<1x1x80xi32, #tpu.memory_space<vmem>>
        %dma_start3A_390 = tpu.memref_squeeze %dma_start3A_389 : memref<1x1x80xi32, #tpu.memory_space<vmem>> -> memref<80xi32, #tpu.memory_space<vmem>>
        %dma_start3A_391 = arith.constant 0 : i32
        %dma_start3A_392 = arith.constant 0 : i32
        %dma_start3A_393 = tpu.memref_slice %arg11[%dma_start3A_391, %dma_start3A_392] : memref<10240x128xf32, #tpu.memory_space<vmem_shared>> -> memref<10240x128xf32, #tpu.memory_space<vmem_shared>>
        tpu.enqueue_indirect_dma source(%arg10 : memref<80x128xf32, #tpu.memory_space<vmem>>) target(%dma_start3A_393 : memref<10240x128xf32, #tpu.memory_space<vmem_shared>>) offsets(%dma_start3A_390 : memref<80xi32, #tpu.memory_space<vmem>>) semaphore(%arg27 : memref<!tpu.dma_semaphore, #tpu.memory_space<semaphore_mem>>) {add = true}
      } else {
      }
    }
    %scan3A_179 = arith.constant 125 : i32
    %dma_wait3A_180 = arith.constant 3 : i32
    %dma_wait3A_181 = arith.constant 1 : i32
    %dma_wait3A_182 = arith.constant 0 : i32
    %dma_wait3A_183 = tpu.memref_slice %arg6[%dma_wait3A_180, %dma_wait3A_181, %dma_wait3A_182] : memref<8x2x80xi32, #tpu.memory_space<vmem>> -> memref<1x1x80xi32, #tpu.memory_space<vmem>>
    %dma_wait3A_184 = tpu.memref_squeeze %dma_wait3A_183 : memref<1x1x80xi32, #tpu.memory_space<vmem>> -> memref<80xi32, #tpu.memory_space<vmem>>
    %dma_wait3A_185 = arith.constant 0 : i32
    %dma_wait3A_186 = arith.constant 0 : i32
    %dma_wait3A_187 = tpu.memref_slice %arg11[%dma_wait3A_185, %dma_wait3A_186] : memref<10240x128xf32, #tpu.memory_space<vmem_shared>> -> memref<10240x128xf32, #tpu.memory_space<vmem_shared>>
    tpu.wait_indirect_dma semaphore(%arg27 : memref<!tpu.dma_semaphore, #tpu.memory_space<semaphore_mem>>) src(%arg10 : memref<80x128xf32, #tpu.memory_space<vmem>>) dst(%dma_wait3A_187 : memref<10240x128xf32, #tpu.memory_space<vmem_shared>>)
    %dma_wait3A_188 = arith.constant 4 : i32
    %dma_wait3A_189 = arith.constant 1 : i32
    %dma_wait3A_190 = arith.constant 0 : i32
    %dma_wait3A_191 = tpu.memref_slice %arg6[%dma_wait3A_188, %dma_wait3A_189, %dma_wait3A_190] : memref<8x2x80xi32, #tpu.memory_space<vmem>> -> memref<1x1x80xi32, #tpu.memory_space<vmem>>
    %dma_wait3A_192 = tpu.memref_squeeze %dma_wait3A_191 : memref<1x1x80xi32, #tpu.memory_space<vmem>> -> memref<80xi32, #tpu.memory_space<vmem>>
    %dma_wait3A_193 = arith.constant 0 : i32
    %dma_wait3A_194 = arith.constant 0 : i32
    %dma_wait3A_195 = tpu.memref_slice %arg11[%dma_wait3A_193, %dma_wait3A_194] : memref<10240x128xf32, #tpu.memory_space<vmem_shared>> -> memref<10240x128xf32, #tpu.memory_space<vmem_shared>>
    tpu.wait_indirect_dma semaphore(%arg24 : memref<!tpu.dma_semaphore, #tpu.memory_space<semaphore_mem>>) src(%arg7 : memref<80x128xf32, #tpu.memory_space<vmem>>) dst(%dma_wait3A_195 : memref<10240x128xf32, #tpu.memory_space<vmem_shared>>)
    %barrier3A_196 = arith.constant 0 : index
    tpu.barrier barrier_id(%barrier3A_196)
    %mul3A_197 = arith.constant 640 : i32
    %mul3A_198 = arith.muli %arg1, %mul3A_197 : i32
    %mul3A_199 = arith.constant 640 : i32
    %mul3A_200 = arith.muli %arg1, %mul3A_199 : i32
    "tpu.region"() ({
      %run_scoped3A = tpu.sem_alloc : memref<!tpu.dma_semaphore, #tpu.memory_space<semaphore_mem>>
      %dma_start3A_201 = arith.constant 0 : i32
      %dma_start3A_202 = tpu.memref_slice %arg5[%arg0, %mul3A_200, %dma_start3A_201] : memref<2x10240x128xf32, #tpu.memory_space<hbm>> -> memref<1x640x128xf32, #tpu.memory_space<hbm>>
      %dma_start3A_203 = tpu.memref_squeeze %dma_start3A_202 : memref<1x640x128xf32, #tpu.memory_space<hbm>> -> memref<640x128xf32, #tpu.memory_space<hbm>>
      %dma_start3A_204 = arith.constant 0 : i32
      %dma_start3A_205 = tpu.memref_slice %arg11[%mul3A_198, %dma_start3A_204] : memref<10240x128xf32, #tpu.memory_space<vmem_shared>> -> memref<640x128xf32, #tpu.memory_space<vmem_shared>>
      tpu.enqueue_dma source(%dma_start3A_205 : memref<640x128xf32, #tpu.memory_space<vmem_shared>>) target(%dma_start3A_203 : memref<640x128xf32, #tpu.memory_space<hbm>>) target_semaphore(%run_scoped3A : memref<!tpu.dma_semaphore, #tpu.memory_space<semaphore_mem>>)
      %dma_wait3A_206 = arith.constant 0 : i32
      %dma_wait3A_207 = tpu.memref_slice %arg5[%arg0, %mul3A_200, %dma_wait3A_206] : memref<2x10240x128xf32, #tpu.memory_space<hbm>> -> memref<1x640x128xf32, #tpu.memory_space<hbm>>
      %dma_wait3A_208 = tpu.memref_squeeze %dma_wait3A_207 : memref<1x640x128xf32, #tpu.memory_space<hbm>> -> memref<640x128xf32, #tpu.memory_space<hbm>>
      %dma_wait3A_209 = arith.constant 0 : i32
      %dma_wait3A_210 = tpu.memref_slice %arg11[%mul3A_198, %dma_wait3A_209] : memref<10240x128xf32, #tpu.memory_space<vmem_shared>> -> memref<640x128xf32, #tpu.memory_space<vmem_shared>>
      tpu.wait_dma2 semaphore(%run_scoped3A : memref<!tpu.dma_semaphore, #tpu.memory_space<semaphore_mem>>) src(%dma_wait3A_210 : memref<640x128xf32, #tpu.memory_space<vmem_shared>>) dst(%dma_wait3A_208 : memref<640x128xf32, #tpu.memory_space<hbm>>)
      tpu.yield
    }) : () -> ()
    return
  }
}

#map = affine_map<(d0, d1) -> (0, 0)>
#map1 = affine_map<(d0, d1) -> (0)>
module attributes {stable_mosaic.version = 14 : i64} {
  func.func @_deg_body(%arg0: i32, %arg1: i32, %arg2: memref<2x320000xi32, #tpu.memory_space<hbm>>, %arg3: memref<640xf32, #tpu.memory_space<hbm>>, %arg4: memref<2x10240xf32, #tpu.memory_space<hbm>>, %arg5: memref<12x2x128xi32, #tpu.memory_space<vmem>>, %arg6: memref<128xf32, #tpu.memory_space<vmem>>, %arg7: memref<10240xf32, #tpu.memory_space<vmem_shared>>, %arg8: memref<!tpu.dma_semaphore, #tpu.memory_space<semaphore_mem>>, %arg9: memref<!tpu.dma_semaphore, #tpu.memory_space<semaphore_mem>>, %arg10: memref<!tpu.dma_semaphore, #tpu.memory_space<semaphore_mem>>, %arg11: memref<!tpu.dma_semaphore, #tpu.memory_space<semaphore_mem>>, %arg12: memref<!tpu.dma_semaphore, #tpu.memory_space<semaphore_mem>>, %arg13: memref<!tpu.dma_semaphore, #tpu.memory_space<semaphore_mem>>, %arg14: memref<!tpu.dma_semaphore, #tpu.memory_space<semaphore_mem>>, %arg15: memref<!tpu.dma_semaphore, #tpu.memory_space<semaphore_mem>>, %arg16: memref<!tpu.dma_semaphore, #tpu.memory_space<semaphore_mem>>, %arg17: memref<!tpu.dma_semaphore, #tpu.memory_space<semaphore_mem>>, %arg18: memref<!tpu.dma_semaphore, #tpu.memory_space<semaphore_mem>>, %arg19: memref<!tpu.dma_semaphore, #tpu.memory_space<semaphore_mem>>, %arg20: memref<!tpu.dma_semaphore, #tpu.memory_space<semaphore_mem>>, %arg21: memref<!tpu.dma_semaphore, #tpu.memory_space<semaphore_mem>>, %arg22: memref<!tpu.dma_semaphore, #tpu.memory_space<semaphore_mem>>, %arg23: memref<!tpu.dma_semaphore, #tpu.memory_space<semaphore_mem>>, %arg24: memref<!tpu.dma_semaphore, #tpu.memory_space<semaphore_mem>>, %arg25: memref<!tpu.dma_semaphore, #tpu.memory_space<semaphore_mem>>) attributes {dimension_semantics = [#tpu.dimension_semantics<core_parallel>, #tpu.dimension_semantics<subcore_parallel>], iteration_bounds = array<i64: 2, 16>, scalar_prefetch = 0 : i64, scratch_operands = 21 : i64, tpu.core_type = #tpu.core_type<sc_vector_subcore>, window_params = [{transform_indices = #map}, {transform_indices = #map1}, {transform_indices = #map}]} {
    %mul3A = arith.constant 16 : i32
    %mul3A_0 = arith.muli %arg0, %mul3A : i32
    %add3A = arith.addi %mul3A_0, %arg1 : i32
    %lt3A = arith.constant 4 : i32
    %lt3A_1 = arith.cmpi slt, %add3A, %lt3A : i32
    %jit3A = arith.constant 1 : i32
    %jit3A_2 = arith.constant 0 : i32
    %select_n3A = arith.select %lt3A_1, %jit3A, %jit3A_2 : i32
    %add3A_3 = arith.constant 78 : i32
    %add3A_4 = arith.addi %add3A_3, %select_n3A : i32
    %mul3A_5 = arith.constant 640 : i32
    %mul3A_6 = arith.muli %arg1, %mul3A_5 : i32
    "tpu.region"() ({
      %run_scoped3A = tpu.sem_alloc : memref<!tpu.dma_semaphore, #tpu.memory_space<semaphore_mem>>
      %dma_start3A = tpu.memref_slice %arg7[%mul3A_6] : memref<10240xf32, #tpu.memory_space<vmem_shared>> -> memref<640xf32, #tpu.memory_space<vmem_shared>>
      tpu.enqueue_dma source(%arg3 : memref<640xf32, #tpu.memory_space<hbm>>) target(%dma_start3A : memref<640xf32, #tpu.memory_space<vmem_shared>>) target_semaphore(%run_scoped3A : memref<!tpu.dma_semaphore, #tpu.memory_space<semaphore_mem>>)
      %dma_wait3A = tpu.memref_slice %arg7[%mul3A_6] : memref<10240xf32, #tpu.memory_space<vmem_shared>> -> memref<640xf32, #tpu.memory_space<vmem_shared>>
      tpu.wait_dma2 semaphore(%run_scoped3A : memref<!tpu.dma_semaphore, #tpu.memory_space<semaphore_mem>>) src(%arg3 : memref<640xf32, #tpu.memory_space<hbm>>) dst(%dma_wait3A : memref<640xf32, #tpu.memory_space<vmem_shared>>)
      tpu.yield
    }) : () -> ()
    %broadcast_in_dim3A = arith.constant 1.000000e+00 : f32
    %broadcast_in_dim3A_7 = vector.broadcast %broadcast_in_dim3A : f32 to vector<16xf32>
    %swap3A = arith.constant 0 : index
    %swap3A_8 = tpu.vector_load %arg6[%swap3A] {strides = array<i32>} : memref<128xf32, #tpu.memory_space<vmem>>, vector<16xf32>,
    %swap3A_9 = vector.shape_cast %swap3A_8 : vector<16xf32> to vector<16xf32>
    %swap3A_10 = vector.shape_cast %broadcast_in_dim3A_7 : vector<16xf32> to vector<16xf32>
    tpu.vector_store %arg6[%swap3A], %swap3A_10 {strides = array<i32>} : memref<128xf32, #tpu.memory_space<vmem>>, vector<16xf32>,
    %broadcast_in_dim3A_11 = arith.constant 1.000000e+00 : f32
    %broadcast_in_dim3A_12 = vector.broadcast %broadcast_in_dim3A_11 : f32 to vector<16xf32>
    %swap3A_13 = arith.constant 16 : index
    %swap3A_14 = tpu.vector_load %arg6[%swap3A_13] {strides = array<i32>} : memref<128xf32, #tpu.memory_space<vmem>>, vector<16xf32>,
    %swap3A_15 = vector.shape_cast %swap3A_14 : vector<16xf32> to vector<16xf32>
    %swap3A_16 = vector.shape_cast %broadcast_in_dim3A_12 : vector<16xf32> to vector<16xf32>
    tpu.vector_store %arg6[%swap3A_13], %swap3A_16 {strides = array<i32>} : memref<128xf32, #tpu.memory_space<vmem>>, vector<16xf32>,
    %broadcast_in_dim3A_17 = arith.constant 1.000000e+00 : f32
    %broadcast_in_dim3A_18 = vector.broadcast %broadcast_in_dim3A_17 : f32 to vector<16xf32>
    %swap3A_19 = arith.constant 32 : index
    %swap3A_20 = tpu.vector_load %arg6[%swap3A_19] {strides = array<i32>} : memref<128xf32, #tpu.memory_space<vmem>>, vector<16xf32>,
    %swap3A_21 = vector.shape_cast %swap3A_20 : vector<16xf32> to vector<16xf32>
    %swap3A_22 = vector.shape_cast %broadcast_in_dim3A_18 : vector<16xf32> to vector<16xf32>
    tpu.vector_store %arg6[%swap3A_19], %swap3A_22 {strides = array<i32>} : memref<128xf32, #tpu.memory_space<vmem>>, vector<16xf32>,
    %broadcast_in_dim3A_23 = arith.constant 1.000000e+00 : f32
    %broadcast_in_dim3A_24 = vector.broadcast %broadcast_in_dim3A_23 : f32 to vector<16xf32>
    %swap3A_25 = arith.constant 48 : index
    %swap3A_26 = tpu.vector_load %arg6[%swap3A_25] {strides = array<i32>} : memref<128xf32, #tpu.memory_space<vmem>>, vector<16xf32>,
    %swap3A_27 = vector.shape_cast %swap3A_26 : vector<16xf32> to vector<16xf32>
    %swap3A_28 = vector.shape_cast %broadcast_in_dim3A_24 : vector<16xf32> to vector<16xf32>
    tpu.vector_store %arg6[%swap3A_25], %swap3A_28 {strides = array<i32>} : memref<128xf32, #tpu.memory_space<vmem>>, vector<16xf32>,
    %broadcast_in_dim3A_29 = arith.constant 1.000000e+00 : f32
    %broadcast_in_dim3A_30 = vector.broadcast %broadcast_in_dim3A_29 : f32 to vector<16xf32>
    %swap3A_31 = arith.constant 64 : index
    %swap3A_32 = tpu.vector_load %arg6[%swap3A_31] {strides = array<i32>} : memref<128xf32, #tpu.memory_space<vmem>>, vector<16xf32>,
    %swap3A_33 = vector.shape_cast %swap3A_32 : vector<16xf32> to vector<16xf32>
    %swap3A_34 = vector.shape_cast %broadcast_in_dim3A_30 : vector<16xf32> to vector<16xf32>
    tpu.vector_store %arg6[%swap3A_31], %swap3A_34 {strides = array<i32>} : memref<128xf32, #tpu.memory_space<vmem>>, vector<16xf32>,
    %broadcast_in_dim3A_35 = arith.constant 1.000000e+00 : f32
    %broadcast_in_dim3A_36 = vector.broadcast %broadcast_in_dim3A_35 : f32 to vector<16xf32>
    %swap3A_37 = arith.constant 80 : index
    %swap3A_38 = tpu.vector_load %arg6[%swap3A_37] {strides = array<i32>} : memref<128xf32, #tpu.memory_space<vmem>>, vector<16xf32>,
    %swap3A_39 = vector.shape_cast %swap3A_38 : vector<16xf32> to vector<16xf32>
    %swap3A_40 = vector.shape_cast %broadcast_in_dim3A_36 : vector<16xf32> to vector<16xf32>
    tpu.vector_store %arg6[%swap3A_37], %swap3A_40 {strides = array<i32>} : memref<128xf32, #tpu.memory_space<vmem>>, vector<16xf32>,
    %broadcast_in_dim3A_41 = arith.constant 1.000000e+00 : f32
    %broadcast_in_dim3A_42 = vector.broadcast %broadcast_in_dim3A_41 : f32 to vector<16xf32>
    %swap3A_43 = arith.constant 96 : index
    %swap3A_44 = tpu.vector_load %arg6[%swap3A_43] {strides = array<i32>} : memref<128xf32, #tpu.memory_space<vmem>>, vector<16xf32>,
    %swap3A_45 = vector.shape_cast %swap3A_44 : vector<16xf32> to vector<16xf32>
    %swap3A_46 = vector.shape_cast %broadcast_in_dim3A_42 : vector<16xf32> to vector<16xf32>
    tpu.vector_store %arg6[%swap3A_43], %swap3A_46 {strides = array<i32>} : memref<128xf32, #tpu.memory_space<vmem>>, vector<16xf32>,
    %broadcast_in_dim3A_47 = arith.constant 1.000000e+00 : f32
    %broadcast_in_dim3A_48 = vector.broadcast %broadcast_in_dim3A_47 : f32 to vector<16xf32>
    %swap3A_49 = arith.constant 112 : index
    %swap3A_50 = tpu.vector_load %arg6[%swap3A_49] {strides = array<i32>} : memref<128xf32, #tpu.memory_space<vmem>>, vector<16xf32>,
    %swap3A_51 = vector.shape_cast %swap3A_50 : vector<16xf32> to vector<16xf32>
    %swap3A_52 = vector.shape_cast %broadcast_in_dim3A_48 : vector<16xf32> to vector<16xf32>
    tpu.vector_store %arg6[%swap3A_49], %swap3A_52 {strides = array<i32>} : memref<128xf32, #tpu.memory_space<vmem>>, vector<16xf32>,
    %barrier3A = arith.constant 0 : index
    tpu.barrier barrier_id(%barrier3A)
    %sub3A = arith.constant 1 : i32
    %sub3A_53 = arith.subi %add3A_4, %sub3A : i32
    %ge3A = arith.constant 0 : i32
    %ge3A_54 = arith.cmpi sge, %sub3A_53, %ge3A : i32
    %convert_element_type3A = arith.extui %ge3A_54 : i1 to i32
    %cond3A = arith.constant 0 : i32
    %cond3A_55 = arith.cmpi ne, %convert_element_type3A, %cond3A : i32
    scf.if %cond3A_55 {
      %add3A_147 = arith.constant 0 : i32
      %add3A_148 = arith.addi %add3A, %add3A_147 : i32
      %mul3A_149 = arith.constant 128 : i32
      %mul3A_150 = arith.muli %add3A_148, %mul3A_149 : i32
      %dma_start3A = arith.constant 0 : i32
      %dma_start3A_151 = arith.constant 0 : i32
      %dma_start3A_152 = arith.constant 0 : i32
      %dma_start3A_153 = tpu.memref_slice %arg5[%dma_start3A, %dma_start3A_151, %dma_start3A_152] : memref<12x2x128xi32, #tpu.memory_space<vmem>> -> memref<1x2x128xi32, #tpu.memory_space<vmem>>
      %dma_start3A_154 = tpu.memref_squeeze %dma_start3A_153 : memref<1x2x128xi32, #tpu.memory_space<vmem>> -> memref<2x128xi32, #tpu.memory_space<vmem>>
      %dma_start3A_155 = arith.constant 0 : i32
      %dma_start3A_156 = tpu.memref_slice %arg2[%dma_start3A_155, %mul3A_150] : memref<2x320000xi32, #tpu.memory_space<hbm>> -> memref<2x128xi32, #tpu.memory_space<hbm>>
      %dma_start3A_157 = arith.constant 0 : i32
      %dma_start3A_158 = arith.constant 0 : i32
      %dma_start3A_159 = tpu.memref_slice %arg5[%dma_start3A, %dma_start3A_157, %dma_start3A_158] : memref<12x2x128xi32, #tpu.memory_space<vmem>> -> memref<1x2x128xi32, #tpu.memory_space<vmem>>
      %dma_start3A_160 = tpu.memref_squeeze %dma_start3A_159 : memref<1x2x128xi32, #tpu.memory_space<vmem>> -> memref<2x128xi32, #tpu.memory_space<vmem>>
      %dma_start3A_161 = arith.constant 0 : i32
      %dma_start3A_162 = tpu.memref_slice %arg2[%dma_start3A_161, %mul3A_150] : memref<2x320000xi32, #tpu.memory_space<hbm>> -> memref<2x128xi32, #tpu.memory_space<hbm>>
      tpu.enqueue_dma source(%dma_start3A_162 : memref<2x128xi32, #tpu.memory_space<hbm>>) target(%dma_start3A_160 : memref<2x128xi32, #tpu.memory_space<vmem>>) target_semaphore(%arg8 : memref<!tpu.dma_semaphore, #tpu.memory_space<semaphore_mem>>)
    } else {
    }
    %sub3A_56 = arith.constant 1 : i32
    %sub3A_57 = arith.subi %add3A_4, %sub3A_56 : i32
    %ge3A_58 = arith.constant 1 : i32
    %ge3A_59 = arith.cmpi sge, %sub3A_57, %ge3A_58 : i32
    %convert_element_type3A_60 = arith.extui %ge3A_59 : i1 to i32
    %cond3A_61 = arith.constant 0 : i32
    %cond3A_62 = arith.cmpi ne, %convert_element_type3A_60, %cond3A_61 : i32
    scf.if %cond3A_62 {
      %add3A_147 = arith.constant 32 : i32
      %add3A_148 = arith.addi %add3A, %add3A_147 : i32
      %mul3A_149 = arith.constant 128 : i32
      %mul3A_150 = arith.muli %add3A_148, %mul3A_149 : i32
      %dma_start3A = arith.constant 1 : i32
      %dma_start3A_151 = arith.constant 0 : i32
      %dma_start3A_152 = arith.constant 0 : i32
      %dma_start3A_153 = tpu.memref_slice %arg5[%dma_start3A, %dma_start3A_151, %dma_start3A_152] : memref<12x2x128xi32, #tpu.memory_space<vmem>> -> memref<1x2x128xi32, #tpu.memory_space<vmem>>
      %dma_start3A_154 = tpu.memref_squeeze %dma_start3A_153 : memref<1x2x128xi32, #tpu.memory_space<vmem>> -> memref<2x128xi32, #tpu.memory_space<vmem>>
      %dma_start3A_155 = arith.constant 0 : i32
      %dma_start3A_156 = tpu.memref_slice %arg2[%dma_start3A_155, %mul3A_150] : memref<2x320000xi32, #tpu.memory_space<hbm>> -> memref<2x128xi32, #tpu.memory_space<hbm>>
      %dma_start3A_157 = arith.constant 0 : i32
      %dma_start3A_158 = arith.constant 0 : i32
      %dma_start3A_159 = tpu.memref_slice %arg5[%dma_start3A, %dma_start3A_157, %dma_start3A_158] : memref<12x2x128xi32, #tpu.memory_space<vmem>> -> memref<1x2x128xi32, #tpu.memory_space<vmem>>
      %dma_start3A_160 = tpu.memref_squeeze %dma_start3A_159 : memref<1x2x128xi32, #tpu.memory_space<vmem>> -> memref<2x128xi32, #tpu.memory_space<vmem>>
      %dma_start3A_161 = arith.constant 0 : i32
      %dma_start3A_162 = tpu.memref_slice %arg2[%dma_start3A_161, %mul3A_150] : memref<2x320000xi32, #tpu.memory_space<hbm>> -> memref<2x128xi32, #tpu.memory_space<hbm>>
      tpu.enqueue_dma source(%dma_start3A_162 : memref<2x128xi32, #tpu.memory_space<hbm>>) target(%dma_start3A_160 : memref<2x128xi32, #tpu.memory_space<vmem>>) target_semaphore(%arg9 : memref<!tpu.dma_semaphore, #tpu.memory_space<semaphore_mem>>)
    } else {
    }
    %sub3A_63 = arith.constant 1 : i32
    %sub3A_64 = arith.subi %add3A_4, %sub3A_63 : i32
    %ge3A_65 = arith.constant 2 : i32
    %ge3A_66 = arith.cmpi sge, %sub3A_64, %ge3A_65 : i32
    %convert_element_type3A_67 = arith.extui %ge3A_66 : i1 to i32
    %cond3A_68 = arith.constant 0 : i32
    %cond3A_69 = arith.cmpi ne, %convert_element_type3A_67, %cond3A_68 : i32
    scf.if %cond3A_69 {
      %add3A_147 = arith.constant 64 : i32
      %add3A_148 = arith.addi %add3A, %add3A_147 : i32
      %mul3A_149 = arith.constant 128 : i32
      %mul3A_150 = arith.muli %add3A_148, %mul3A_149 : i32
      %dma_start3A = arith.constant 2 : i32
      %dma_start3A_151 = arith.constant 0 : i32
      %dma_start3A_152 = arith.constant 0 : i32
      %dma_start3A_153 = tpu.memref_slice %arg5[%dma_start3A, %dma_start3A_151, %dma_start3A_152] : memref<12x2x128xi32, #tpu.memory_space<vmem>> -> memref<1x2x128xi32, #tpu.memory_space<vmem>>
      %dma_start3A_154 = tpu.memref_squeeze %dma_start3A_153 : memref<1x2x128xi32, #tpu.memory_space<vmem>> -> memref<2x128xi32, #tpu.memory_space<vmem>>
      %dma_start3A_155 = arith.constant 0 : i32
      %dma_start3A_156 = tpu.memref_slice %arg2[%dma_start3A_155, %mul3A_150] : memref<2x320000xi32, #tpu.memory_space<hbm>> -> memref<2x128xi32, #tpu.memory_space<hbm>>
      %dma_start3A_157 = arith.constant 0 : i32
      %dma_start3A_158 = arith.constant 0 : i32
      %dma_start3A_159 = tpu.memref_slice %arg5[%dma_start3A, %dma_start3A_157, %dma_start3A_158] : memref<12x2x128xi32, #tpu.memory_space<vmem>> -> memref<1x2x128xi32, #tpu.memory_space<vmem>>
      %dma_start3A_160 = tpu.memref_squeeze %dma_start3A_159 : memref<1x2x128xi32, #tpu.memory_space<vmem>> -> memref<2x128xi32, #tpu.memory_space<vmem>>
      %dma_start3A_161 = arith.constant 0 : i32
      %dma_start3A_162 = tpu.memref_slice %arg2[%dma_start3A_161, %mul3A_150] : memref<2x320000xi32, #tpu.memory_space<hbm>> -> memref<2x128xi32, #tpu.memory_space<hbm>>
      tpu.enqueue_dma source(%dma_start3A_162 : memref<2x128xi32, #tpu.memory_space<hbm>>) target(%dma_start3A_160 : memref<2x128xi32, #tpu.memory_space<vmem>>) target_semaphore(%arg10 : memref<!tpu.dma_semaphore, #tpu.memory_space<semaphore_mem>>)
    } else {
    }
    %sub3A_70 = arith.constant 1 : i32
    %sub3A_71 = arith.subi %add3A_4, %sub3A_70 : i32
    %ge3A_72 = arith.constant 3 : i32
    %ge3A_73 = arith.cmpi sge, %sub3A_71, %ge3A_72 : i32
    %convert_element_type3A_74 = arith.extui %ge3A_73 : i1 to i32
    %cond3A_75 = arith.constant 0 : i32
    %cond3A_76 = arith.cmpi ne, %convert_element_type3A_74, %cond3A_75 : i32
    scf.if %cond3A_76 {
      %add3A_147 = arith.constant 96 : i32
      %add3A_148 = arith.addi %add3A, %add3A_147 : i32
      %mul3A_149 = arith.constant 128 : i32
      %mul3A_150 = arith.muli %add3A_148, %mul3A_149 : i32
      %dma_start3A = arith.constant 3 : i32
      %dma_start3A_151 = arith.constant 0 : i32
      %dma_start3A_152 = arith.constant 0 : i32
      %dma_start3A_153 = tpu.memref_slice %arg5[%dma_start3A, %dma_start3A_151, %dma_start3A_152] : memref<12x2x128xi32, #tpu.memory_space<vmem>> -> memref<1x2x128xi32, #tpu.memory_space<vmem>>
      %dma_start3A_154 = tpu.memref_squeeze %dma_start3A_153 : memref<1x2x128xi32, #tpu.memory_space<vmem>> -> memref<2x128xi32, #tpu.memory_space<vmem>>
      %dma_start3A_155 = arith.constant 0 : i32
      %dma_start3A_156 = tpu.memref_slice %arg2[%dma_start3A_155, %mul3A_150] : memref<2x320000xi32, #tpu.memory_space<hbm>> -> memref<2x128xi32, #tpu.memory_space<hbm>>
      %dma_start3A_157 = arith.constant 0 : i32
      %dma_start3A_158 = arith.constant 0 : i32
      %dma_start3A_159 = tpu.memref_slice %arg5[%dma_start3A, %dma_start3A_157, %dma_start3A_158] : memref<12x2x128xi32, #tpu.memory_space<vmem>> -> memref<1x2x128xi32, #tpu.memory_space<vmem>>
      %dma_start3A_160 = tpu.memref_squeeze %dma_start3A_159 : memref<1x2x128xi32, #tpu.memory_space<vmem>> -> memref<2x128xi32, #tpu.memory_space<vmem>>
      %dma_start3A_161 = arith.constant 0 : i32
      %dma_start3A_162 = tpu.memref_slice %arg2[%dma_start3A_161, %mul3A_150] : memref<2x320000xi32, #tpu.memory_space<hbm>> -> memref<2x128xi32, #tpu.memory_space<hbm>>
      tpu.enqueue_dma source(%dma_start3A_162 : memref<2x128xi32, #tpu.memory_space<hbm>>) target(%dma_start3A_160 : memref<2x128xi32, #tpu.memory_space<vmem>>) target_semaphore(%arg11 : memref<!tpu.dma_semaphore, #tpu.memory_space<semaphore_mem>>)
    } else {
    }
    %sub3A_77 = arith.constant 1 : i32
    %sub3A_78 = arith.subi %add3A_4, %sub3A_77 : i32
    %ge3A_79 = arith.constant 4 : i32
    %ge3A_80 = arith.cmpi sge, %sub3A_78, %ge3A_79 : i32
    %convert_element_type3A_81 = arith.extui %ge3A_80 : i1 to i32
    %cond3A_82 = arith.constant 0 : i32
    %cond3A_83 = arith.cmpi ne, %convert_element_type3A_81, %cond3A_82 : i32
    scf.if %cond3A_83 {
      %add3A_147 = arith.constant 128 : i32
      %add3A_148 = arith.addi %add3A, %add3A_147 : i32
      %mul3A_149 = arith.constant 128 : i32
      %mul3A_150 = arith.muli %add3A_148, %mul3A_149 : i32
      %dma_start3A = arith.constant 4 : i32
      %dma_start3A_151 = arith.constant 0 : i32
      %dma_start3A_152 = arith.constant 0 : i32
      %dma_start3A_153 = tpu.memref_slice %arg5[%dma_start3A, %dma_start3A_151, %dma_start3A_152] : memref<12x2x128xi32, #tpu.memory_space<vmem>> -> memref<1x2x128xi32, #tpu.memory_space<vmem>>
      %dma_start3A_154 = tpu.memref_squeeze %dma_start3A_153 : memref<1x2x128xi32, #tpu.memory_space<vmem>> -> memref<2x128xi32, #tpu.memory_space<vmem>>
      %dma_start3A_155 = arith.constant 0 : i32
      %dma_start3A_156 = tpu.memref_slice %arg2[%dma_start3A_155, %mul3A_150] : memref<2x320000xi32, #tpu.memory_space<hbm>> -> memref<2x128xi32, #tpu.memory_space<hbm>>
      %dma_start3A_157 = arith.constant 0 : i32
      %dma_start3A_158 = arith.constant 0 : i32
      %dma_start3A_159 = tpu.memref_slice %arg5[%dma_start3A, %dma_start3A_157, %dma_start3A_158] : memref<12x2x128xi32, #tpu.memory_space<vmem>> -> memref<1x2x128xi32, #tpu.memory_space<vmem>>
      %dma_start3A_160 = tpu.memref_squeeze %dma_start3A_159 : memref<1x2x128xi32, #tpu.memory_space<vmem>> -> memref<2x128xi32, #tpu.memory_space<vmem>>
      %dma_start3A_161 = arith.constant 0 : i32
      %dma_start3A_162 = tpu.memref_slice %arg2[%dma_start3A_161, %mul3A_150] : memref<2x320000xi32, #tpu.memory_space<hbm>> -> memref<2x128xi32, #tpu.memory_space<hbm>>
      tpu.enqueue_dma source(%dma_start3A_162 : memref<2x128xi32, #tpu.memory_space<hbm>>) target(%dma_start3A_160 : memref<2x128xi32, #tpu.memory_space<vmem>>) target_semaphore(%arg12 : memref<!tpu.dma_semaphore, #tpu.memory_space<semaphore_mem>>)
    } else {
    }
    %sub3A_84 = arith.constant 1 : i32
    %sub3A_85 = arith.subi %add3A_4, %sub3A_84 : i32
    %ge3A_86 = arith.constant 5 : i32
    %ge3A_87 = arith.cmpi sge, %sub3A_85, %ge3A_86 : i32
    %convert_element_type3A_88 = arith.extui %ge3A_87 : i1 to i32
    %cond3A_89 = arith.constant 0 : i32
    %cond3A_90 = arith.cmpi ne, %convert_element_type3A_88, %cond3A_89 : i32
    scf.if %cond3A_90 {
      %add3A_147 = arith.constant 160 : i32
      %add3A_148 = arith.addi %add3A, %add3A_147 : i32
      %mul3A_149 = arith.constant 128 : i32
      %mul3A_150 = arith.muli %add3A_148, %mul3A_149 : i32
      %dma_start3A = arith.constant 5 : i32
      %dma_start3A_151 = arith.constant 0 : i32
      %dma_start3A_152 = arith.constant 0 : i32
      %dma_start3A_153 = tpu.memref_slice %arg5[%dma_start3A, %dma_start3A_151, %dma_start3A_152] : memref<12x2x128xi32, #tpu.memory_space<vmem>> -> memref<1x2x128xi32, #tpu.memory_space<vmem>>
      %dma_start3A_154 = tpu.memref_squeeze %dma_start3A_153 : memref<1x2x128xi32, #tpu.memory_space<vmem>> -> memref<2x128xi32, #tpu.memory_space<vmem>>
      %dma_start3A_155 = arith.constant 0 : i32
      %dma_start3A_156 = tpu.memref_slice %arg2[%dma_start3A_155, %mul3A_150] : memref<2x320000xi32, #tpu.memory_space<hbm>> -> memref<2x128xi32, #tpu.memory_space<hbm>>
      %dma_start3A_157 = arith.constant 0 : i32
      %dma_start3A_158 = arith.constant 0 : i32
      %dma_start3A_159 = tpu.memref_slice %arg5[%dma_start3A, %dma_start3A_157, %dma_start3A_158] : memref<12x2x128xi32, #tpu.memory_space<vmem>> -> memref<1x2x128xi32, #tpu.memory_space<vmem>>
      %dma_start3A_160 = tpu.memref_squeeze %dma_start3A_159 : memref<1x2x128xi32, #tpu.memory_space<vmem>> -> memref<2x128xi32, #tpu.memory_space<vmem>>
      %dma_start3A_161 = arith.constant 0 : i32
      %dma_start3A_162 = tpu.memref_slice %arg2[%dma_start3A_161, %mul3A_150] : memref<2x320000xi32, #tpu.memory_space<hbm>> -> memref<2x128xi32, #tpu.memory_space<hbm>>
      tpu.enqueue_dma source(%dma_start3A_162 : memref<2x128xi32, #tpu.memory_space<hbm>>) target(%dma_start3A_160 : memref<2x128xi32, #tpu.memory_space<vmem>>) target_semaphore(%arg13 : memref<!tpu.dma_semaphore, #tpu.memory_space<semaphore_mem>>)
    } else {
    }
    %while3A = arith.constant 0 : i32
    %while3A_91 = arith.constant 0 : i32
    %while3A_92 = arith.subi %add3A_4, %while3A_91 : i32
    %while3A_93 = arith.addi %while3A_91, %while3A_92 : i32
    %while3A_94 = arith.constant 1 : i32
    %while3A_95 = arith.divsi %while3A_92, %while3A_94 : i32
    %while3A_96 = arith.muli %while3A_95, %while3A_94 : i32
    %while3A_97 = arith.addi %while3A_91, %while3A_96 : i32
    %while3A_98 = arith.constant 1 : i32
    scf.for %while3A_147 = %while3A_91 to %while3A_97 step %while3A_98  : i32 {
      %jit3A_148 = arith.constant 12 : i32
      %eq3A = arith.constant 0 : i32
      %eq3A_149 = arith.cmpi eq, %jit3A_148, %eq3A : i32
      %jit3A_150 = arith.constant 1 : i32
      %select_n3A_151 = arith.select %eq3A_149, %jit3A_150, %jit3A_148 : i32
      %rem3A = arith.remsi %while3A_147, %select_n3A_151 : i32
      %ne3A = arith.constant 0 : i32
      %ne3A_152 = arith.cmpi ne, %rem3A, %ne3A : i32
      %lt3A_153 = arith.constant 0 : i32
      %lt3A_154 = arith.cmpi slt, %rem3A, %lt3A_153 : i32
      %lt3A_155 = arith.constant 0 : i32
      %lt3A_156 = arith.cmpi slt, %select_n3A_151, %lt3A_155 : i32
      %ne3A_157 = arith.xori %lt3A_154, %lt3A_156 : i1
      %and3A = arith.andi %ne3A_157, %ne3A_152 : i1
      %add3A_158 = arith.addi %rem3A, %select_n3A_151 : i32
      %select_n3A_159 = arith.select %and3A, %add3A_158, %rem3A : i32
      %eq3A_160 = arith.constant 0 : i32
      %eq3A_161 = arith.cmpi eq, %select_n3A_159, %eq3A_160 : i32
      %convert_element_type3A_162 = arith.extui %eq3A_161 : i1 to i32
      %cond3A_163 = arith.constant 0 : i32
      %cond3A_164 = arith.cmpi ne, %convert_element_type3A_162, %cond3A_163 : i32
      scf.if %cond3A_164 {
        %ge3A_396 = arith.constant 6 : i32
        %ge3A_397 = arith.cmpi sge, %while3A_147, %ge3A_396 : i32
        %convert_element_type3A_398 = arith.extui %ge3A_397 : i1 to i32
        %cond3A_399 = arith.constant 0 : i32
        %cond3A_400 = arith.cmpi ne, %convert_element_type3A_398, %cond3A_399 : i32
        scf.if %cond3A_400 {
          %dma_wait3A_431 = arith.constant 6 : i32
          %dma_wait3A_432 = arith.constant 1 : i32
          %dma_wait3A_433 = arith.constant 0 : i32
          %dma_wait3A_434 = tpu.memref_slice %arg5[%dma_wait3A_431, %dma_wait3A_432, %dma_wait3A_433] : memref<12x2x128xi32, #tpu.memory_space<vmem>> -> memref<1x1x128xi32, #tpu.memory_space<vmem>>
          %dma_wait3A_435 = tpu.memref_squeeze %dma_wait3A_434 : memref<1x1x128xi32, #tpu.memory_space<vmem>> -> memref<128xi32, #tpu.memory_space<vmem>>
          %dma_wait3A_436 = arith.constant 0 : i32
          %dma_wait3A_437 = tpu.memref_slice %arg7[%dma_wait3A_436] : memref<10240xf32, #tpu.memory_space<vmem_shared>> -> memref<10240xf32, #tpu.memory_space<vmem_shared>>
          tpu.wait_indirect_dma semaphore(%arg20 : memref<!tpu.dma_semaphore, #tpu.memory_space<semaphore_mem>>) src(%arg6 : memref<128xf32, #tpu.memory_space<vmem>>) dst(%dma_wait3A_437 : memref<10240xf32, #tpu.memory_space<vmem_shared>>)
        } else {
        }
        %add3A_401 = arith.constant 6 : i32
        %add3A_402 = arith.addi %while3A_147, %add3A_401 : i32
        %sub3A_403 = arith.constant 1 : i32
        %sub3A_404 = arith.subi %add3A_4, %sub3A_403 : i32
        %le3A = arith.cmpi sle, %add3A_402, %sub3A_404 : i32
        %convert_element_type3A_405 = arith.extui %le3A : i1 to i32
        %cond3A_406 = arith.constant 0 : i32
        %cond3A_407 = arith.cmpi ne, %convert_element_type3A_405, %cond3A_406 : i32
        scf.if %cond3A_407 {
          %add3A_431 = arith.constant 6 : i32
          %add3A_432 = arith.addi %while3A_147, %add3A_431 : i32
          %mul3A_433 = arith.constant 32 : i32
          %mul3A_434 = arith.muli %mul3A_433, %add3A_432 : i32
          %add3A_435 = arith.addi %add3A, %mul3A_434 : i32
          %mul3A_436 = arith.constant 128 : i32
          %mul3A_437 = arith.muli %add3A_435, %mul3A_436 : i32
          %dma_start3A_438 = arith.constant 6 : i32
          %dma_start3A_439 = arith.constant 0 : i32
          %dma_start3A_440 = arith.constant 0 : i32
          %dma_start3A_441 = tpu.memref_slice %arg5[%dma_start3A_438, %dma_start3A_439, %dma_start3A_440] : memref<12x2x128xi32, #tpu.memory_space<vmem>> -> memref<1x2x128xi32, #tpu.memory_space<vmem>>
          %dma_start3A_442 = tpu.memref_squeeze %dma_start3A_441 : memref<1x2x128xi32, #tpu.memory_space<vmem>> -> memref<2x128xi32, #tpu.memory_space<vmem>>
          %dma_start3A_443 = arith.constant 0 : i32
          %dma_start3A_444 = tpu.memref_slice %arg2[%dma_start3A_443, %mul3A_437] : memref<2x320000xi32, #tpu.memory_space<hbm>> -> memref<2x128xi32, #tpu.memory_space<hbm>>
          %dma_start3A_445 = arith.constant 0 : i32
          %dma_start3A_446 = arith.constant 0 : i32
          %dma_start3A_447 = tpu.memref_slice %arg5[%dma_start3A_438, %dma_start3A_445, %dma_start3A_446] : memref<12x2x128xi32, #tpu.memory_space<vmem>> -> memref<1x2x128xi32, #tpu.memory_space<vmem>>
          %dma_start3A_448 = tpu.memref_squeeze %dma_start3A_447 : memref<1x2x128xi32, #tpu.memory_space<vmem>> -> memref<2x128xi32, #tpu.memory_space<vmem>>
          %dma_start3A_449 = arith.constant 0 : i32
          %dma_start3A_450 = tpu.memref_slice %arg2[%dma_start3A_449, %mul3A_437] : memref<2x320000xi32, #tpu.memory_space<hbm>> -> memref<2x128xi32, #tpu.memory_space<hbm>>
          tpu.enqueue_dma source(%dma_start3A_450 : memref<2x128xi32, #tpu.memory_space<hbm>>) target(%dma_start3A_448 : memref<2x128xi32, #tpu.memory_space<vmem>>) target_semaphore(%arg14 : memref<!tpu.dma_semaphore, #tpu.memory_space<semaphore_mem>>)
        } else {
        }
        %mul3A_408 = arith.constant 32 : i32
        %mul3A_409 = arith.muli %mul3A_408, %while3A_147 : i32
        %add3A_410 = arith.addi %add3A, %mul3A_409 : i32
        %mul3A_411 = arith.constant 128 : i32
        %mul3A_412 = arith.muli %add3A_410, %mul3A_411 : i32
        %dma_wait3A = arith.constant 0 : i32
        %dma_wait3A_413 = arith.constant 0 : i32
        %dma_wait3A_414 = arith.constant 0 : i32
        %dma_wait3A_415 = tpu.memref_slice %arg5[%dma_wait3A, %dma_wait3A_413, %dma_wait3A_414] : memref<12x2x128xi32, #tpu.memory_space<vmem>> -> memref<1x2x128xi32, #tpu.memory_space<vmem>>
        %dma_wait3A_416 = tpu.memref_squeeze %dma_wait3A_415 : memref<1x2x128xi32, #tpu.memory_space<vmem>> -> memref<2x128xi32, #tpu.memory_space<vmem>>
        %dma_wait3A_417 = arith.constant 0 : i32
        %dma_wait3A_418 = tpu.memref_slice %arg2[%dma_wait3A_417, %mul3A_412] : memref<2x320000xi32, #tpu.memory_space<hbm>> -> memref<2x128xi32, #tpu.memory_space<hbm>>
        %dma_wait3A_419 = arith.constant 0 : i32
        %dma_wait3A_420 = arith.constant 0 : i32
        %dma_wait3A_421 = tpu.memref_slice %arg5[%dma_wait3A, %dma_wait3A_419, %dma_wait3A_420] : memref<12x2x128xi32, #tpu.memory_space<vmem>> -> memref<1x2x128xi32, #tpu.memory_space<vmem>>
        %dma_wait3A_422 = tpu.memref_squeeze %dma_wait3A_421 : memref<1x2x128xi32, #tpu.memory_space<vmem>> -> memref<2x128xi32, #tpu.memory_space<vmem>>
        %dma_wait3A_423 = arith.constant 0 : i32
        %dma_wait3A_424 = tpu.memref_slice %arg2[%dma_wait3A_423, %mul3A_412] : memref<2x320000xi32, #tpu.memory_space<hbm>> -> memref<2x128xi32, #tpu.memory_space<hbm>>
        tpu.wait_dma2 semaphore(%arg8 : memref<!tpu.dma_semaphore, #tpu.memory_space<semaphore_mem>>) src(%dma_wait3A_424 : memref<2x128xi32, #tpu.memory_space<hbm>>) dst(%dma_wait3A_422 : memref<2x128xi32, #tpu.memory_space<vmem>>)
        %dma_start3A = arith.constant 0 : i32
        %dma_start3A_425 = arith.constant 1 : i32
        %dma_start3A_426 = arith.constant 0 : i32
        %dma_start3A_427 = tpu.memref_slice %arg5[%dma_start3A, %dma_start3A_425, %dma_start3A_426] : memref<12x2x128xi32, #tpu.memory_space<vmem>> -> memref<1x1x128xi32, #tpu.memory_space<vmem>>
        %dma_start3A_428 = tpu.memref_squeeze %dma_start3A_427 : memref<1x1x128xi32, #tpu.memory_space<vmem>> -> memref<128xi32, #tpu.memory_space<vmem>>
        %dma_start3A_429 = arith.constant 0 : i32
        %dma_start3A_430 = tpu.memref_slice %arg7[%dma_start3A_429] : memref<10240xf32, #tpu.memory_space<vmem_shared>> -> memref<10240xf32, #tpu.memory_space<vmem_shared>>
        tpu.enqueue_indirect_dma source(%arg6 : memref<128xf32, #tpu.memory_space<vmem>>) target(%dma_start3A_430 : memref<10240xf32, #tpu.memory_space<vmem_shared>>) offsets(%dma_start3A_428 : memref<128xi32, #tpu.memory_space<vmem>>) semaphore(%arg20 : memref<!tpu.dma_semaphore, #tpu.memory_space<semaphore_mem>>) {add = true}
      } else {
      }
      %jit3A_165 = arith.constant 12 : i32
      %eq3A_166 = arith.constant 0 : i32
      %eq3A_167 = arith.cmpi eq, %jit3A_165, %eq3A_166 : i32
      %jit3A_168 = arith.constant 1 : i32
      %select_n3A_169 = arith.select %eq3A_167, %jit3A_168, %jit3A_165 : i32
      %rem3A_170 = arith.remsi %while3A_147, %select_n3A_169 : i32
      %ne3A_171 = arith.constant 0 : i32
      %ne3A_172 = arith.cmpi ne, %rem3A_170, %ne3A_171 : i32
      %lt3A_173 = arith.constant 0 : i32
      %lt3A_174 = arith.cmpi slt, %rem3A_170, %lt3A_173 : i32
      %lt3A_175 = arith.constant 0 : i32
      %lt3A_176 = arith.cmpi slt, %select_n3A_169, %lt3A_175 : i32
      %ne3A_177 = arith.xori %lt3A_174, %lt3A_176 : i1
      %and3A_178 = arith.andi %ne3A_177, %ne3A_172 : i1
      %add3A_179 = arith.addi %rem3A_170, %select_n3A_169 : i32
      %select_n3A_180 = arith.select %and3A_178, %add3A_179, %rem3A_170 : i32
      %eq3A_181 = arith.constant 1 : i32
      %eq3A_182 = arith.cmpi eq, %select_n3A_180, %eq3A_181 : i32
      %convert_element_type3A_183 = arith.extui %eq3A_182 : i1 to i32
      %cond3A_184 = arith.constant 0 : i32
      %cond3A_185 = arith.cmpi ne, %convert_element_type3A_183, %cond3A_184 : i32
      scf.if %cond3A_185 {
        %ge3A_396 = arith.constant 6 : i32
        %ge3A_397 = arith.cmpi sge, %while3A_147, %ge3A_396 : i32
        %convert_element_type3A_398 = arith.extui %ge3A_397 : i1 to i32
        %cond3A_399 = arith.constant 0 : i32
        %cond3A_400 = arith.cmpi ne, %convert_element_type3A_398, %cond3A_399 : i32
        scf.if %cond3A_400 {
          %dma_wait3A_431 = arith.constant 7 : i32
          %dma_wait3A_432 = arith.constant 1 : i32
          %dma_wait3A_433 = arith.constant 0 : i32
          %dma_wait3A_434 = tpu.memref_slice %arg5[%dma_wait3A_431, %dma_wait3A_432, %dma_wait3A_433] : memref<12x2x128xi32, #tpu.memory_space<vmem>> -> memref<1x1x128xi32, #tpu.memory_space<vmem>>
          %dma_wait3A_435 = tpu.memref_squeeze %dma_wait3A_434 : memref<1x1x128xi32, #tpu.memory_space<vmem>> -> memref<128xi32, #tpu.memory_space<vmem>>
          %dma_wait3A_436 = arith.constant 0 : i32
          %dma_wait3A_437 = tpu.memref_slice %arg7[%dma_wait3A_436] : memref<10240xf32, #tpu.memory_space<vmem_shared>> -> memref<10240xf32, #tpu.memory_space<vmem_shared>>
          tpu.wait_indirect_dma semaphore(%arg21 : memref<!tpu.dma_semaphore, #tpu.memory_space<semaphore_mem>>) src(%arg6 : memref<128xf32, #tpu.memory_space<vmem>>) dst(%dma_wait3A_437 : memref<10240xf32, #tpu.memory_space<vmem_shared>>)
        } else {
        }
        %add3A_401 = arith.constant 6 : i32
        %add3A_402 = arith.addi %while3A_147, %add3A_401 : i32
        %sub3A_403 = arith.constant 1 : i32
        %sub3A_404 = arith.subi %add3A_4, %sub3A_403 : i32
        %le3A = arith.cmpi sle, %add3A_402, %sub3A_404 : i32
        %convert_element_type3A_405 = arith.extui %le3A : i1 to i32
        %cond3A_406 = arith.constant 0 : i32
        %cond3A_407 = arith.cmpi ne, %convert_element_type3A_405, %cond3A_406 : i32
        scf.if %cond3A_407 {
          %add3A_431 = arith.constant 6 : i32
          %add3A_432 = arith.addi %while3A_147, %add3A_431 : i32
          %mul3A_433 = arith.constant 32 : i32
          %mul3A_434 = arith.muli %mul3A_433, %add3A_432 : i32
          %add3A_435 = arith.addi %add3A, %mul3A_434 : i32
          %mul3A_436 = arith.constant 128 : i32
          %mul3A_437 = arith.muli %add3A_435, %mul3A_436 : i32
          %dma_start3A_438 = arith.constant 7 : i32
          %dma_start3A_439 = arith.constant 0 : i32
          %dma_start3A_440 = arith.constant 0 : i32
          %dma_start3A_441 = tpu.memref_slice %arg5[%dma_start3A_438, %dma_start3A_439, %dma_start3A_440] : memref<12x2x128xi32, #tpu.memory_space<vmem>> -> memref<1x2x128xi32, #tpu.memory_space<vmem>>
          %dma_start3A_442 = tpu.memref_squeeze %dma_start3A_441 : memref<1x2x128xi32, #tpu.memory_space<vmem>> -> memref<2x128xi32, #tpu.memory_space<vmem>>
          %dma_start3A_443 = arith.constant 0 : i32
          %dma_start3A_444 = tpu.memref_slice %arg2[%dma_start3A_443, %mul3A_437] : memref<2x320000xi32, #tpu.memory_space<hbm>> -> memref<2x128xi32, #tpu.memory_space<hbm>>
          %dma_start3A_445 = arith.constant 0 : i32
          %dma_start3A_446 = arith.constant 0 : i32
          %dma_start3A_447 = tpu.memref_slice %arg5[%dma_start3A_438, %dma_start3A_445, %dma_start3A_446] : memref<12x2x128xi32, #tpu.memory_space<vmem>> -> memref<1x2x128xi32, #tpu.memory_space<vmem>>
          %dma_start3A_448 = tpu.memref_squeeze %dma_start3A_447 : memref<1x2x128xi32, #tpu.memory_space<vmem>> -> memref<2x128xi32, #tpu.memory_space<vmem>>
          %dma_start3A_449 = arith.constant 0 : i32
          %dma_start3A_450 = tpu.memref_slice %arg2[%dma_start3A_449, %mul3A_437] : memref<2x320000xi32, #tpu.memory_space<hbm>> -> memref<2x128xi32, #tpu.memory_space<hbm>>
          tpu.enqueue_dma source(%dma_start3A_450 : memref<2x128xi32, #tpu.memory_space<hbm>>) target(%dma_start3A_448 : memref<2x128xi32, #tpu.memory_space<vmem>>) target_semaphore(%arg15 : memref<!tpu.dma_semaphore, #tpu.memory_space<semaphore_mem>>)
        } else {
        }
        %mul3A_408 = arith.constant 32 : i32
        %mul3A_409 = arith.muli %mul3A_408, %while3A_147 : i32
        %add3A_410 = arith.addi %add3A, %mul3A_409 : i32
        %mul3A_411 = arith.constant 128 : i32
        %mul3A_412 = arith.muli %add3A_410, %mul3A_411 : i32
        %dma_wait3A = arith.constant 1 : i32
        %dma_wait3A_413 = arith.constant 0 : i32
        %dma_wait3A_414 = arith.constant 0 : i32
        %dma_wait3A_415 = tpu.memref_slice %arg5[%dma_wait3A, %dma_wait3A_413, %dma_wait3A_414] : memref<12x2x128xi32, #tpu.memory_space<vmem>> -> memref<1x2x128xi32, #tpu.memory_space<vmem>>
        %dma_wait3A_416 = tpu.memref_squeeze %dma_wait3A_415 : memref<1x2x128xi32, #tpu.memory_space<vmem>> -> memref<2x128xi32, #tpu.memory_space<vmem>>
        %dma_wait3A_417 = arith.constant 0 : i32
        %dma_wait3A_418 = tpu.memref_slice %arg2[%dma_wait3A_417, %mul3A_412] : memref<2x320000xi32, #tpu.memory_space<hbm>> -> memref<2x128xi32, #tpu.memory_space<hbm>>
        %dma_wait3A_419 = arith.constant 0 : i32
        %dma_wait3A_420 = arith.constant 0 : i32
        %dma_wait3A_421 = tpu.memref_slice %arg5[%dma_wait3A, %dma_wait3A_419, %dma_wait3A_420] : memref<12x2x128xi32, #tpu.memory_space<vmem>> -> memref<1x2x128xi32, #tpu.memory_space<vmem>>
        %dma_wait3A_422 = tpu.memref_squeeze %dma_wait3A_421 : memref<1x2x128xi32, #tpu.memory_space<vmem>> -> memref<2x128xi32, #tpu.memory_space<vmem>>
        %dma_wait3A_423 = arith.constant 0 : i32
        %dma_wait3A_424 = tpu.memref_slice %arg2[%dma_wait3A_423, %mul3A_412] : memref<2x320000xi32, #tpu.memory_space<hbm>> -> memref<2x128xi32, #tpu.memory_space<hbm>>
        tpu.wait_dma2 semaphore(%arg9 : memref<!tpu.dma_semaphore, #tpu.memory_space<semaphore_mem>>) src(%dma_wait3A_424 : memref<2x128xi32, #tpu.memory_space<hbm>>) dst(%dma_wait3A_422 : memref<2x128xi32, #tpu.memory_space<vmem>>)
        %dma_start3A = arith.constant 1 : i32
        %dma_start3A_425 = arith.constant 1 : i32
        %dma_start3A_426 = arith.constant 0 : i32
        %dma_start3A_427 = tpu.memref_slice %arg5[%dma_start3A, %dma_start3A_425, %dma_start3A_426] : memref<12x2x128xi32, #tpu.memory_space<vmem>> -> memref<1x1x128xi32, #tpu.memory_space<vmem>>
        %dma_start3A_428 = tpu.memref_squeeze %dma_start3A_427 : memref<1x1x128xi32, #tpu.memory_space<vmem>> -> memref<128xi32, #tpu.memory_space<vmem>>
        %dma_start3A_429 = arith.constant 0 : i32
        %dma_start3A_430 = tpu.memref_slice %arg7[%dma_start3A_429] : memref<10240xf32, #tpu.memory_space<vmem_shared>> -> memref<10240xf32, #tpu.memory_space<vmem_shared>>
        tpu.enqueue_indirect_dma source(%arg6 : memref<128xf32, #tpu.memory_space<vmem>>) target(%dma_start3A_430 : memref<10240xf32, #tpu.memory_space<vmem_shared>>) offsets(%dma_start3A_428 : memref<128xi32, #tpu.memory_space<vmem>>) semaphore(%arg21 : memref<!tpu.dma_semaphore, #tpu.memory_space<semaphore_mem>>) {add = true}
      } else {
      }
      %jit3A_186 = arith.constant 12 : i32
      %eq3A_187 = arith.constant 0 : i32
      %eq3A_188 = arith.cmpi eq, %jit3A_186, %eq3A_187 : i32
      %jit3A_189 = arith.constant 1 : i32
      %select_n3A_190 = arith.select %eq3A_188, %jit3A_189, %jit3A_186 : i32
      %rem3A_191 = arith.remsi %while3A_147, %select_n3A_190 : i32
      %ne3A_192 = arith.constant 0 : i32
      %ne3A_193 = arith.cmpi ne, %rem3A_191, %ne3A_192 : i32
      %lt3A_194 = arith.constant 0 : i32
      %lt3A_195 = arith.cmpi slt, %rem3A_191, %lt3A_194 : i32
      %lt3A_196 = arith.constant 0 : i32
      %lt3A_197 = arith.cmpi slt, %select_n3A_190, %lt3A_196 : i32
      %ne3A_198 = arith.xori %lt3A_195, %lt3A_197 : i1
      %and3A_199 = arith.andi %ne3A_198, %ne3A_193 : i1
      %add3A_200 = arith.addi %rem3A_191, %select_n3A_190 : i32
      %select_n3A_201 = arith.select %and3A_199, %add3A_200, %rem3A_191 : i32
      %eq3A_202 = arith.constant 2 : i32
      %eq3A_203 = arith.cmpi eq, %select_n3A_201, %eq3A_202 : i32
      %convert_element_type3A_204 = arith.extui %eq3A_203 : i1 to i32
      %cond3A_205 = arith.constant 0 : i32
      %cond3A_206 = arith.cmpi ne, %convert_element_type3A_204, %cond3A_205 : i32
      scf.if %cond3A_206 {
        %ge3A_396 = arith.constant 6 : i32
        %ge3A_397 = arith.cmpi sge, %while3A_147, %ge3A_396 : i32
        %convert_element_type3A_398 = arith.extui %ge3A_397 : i1 to i32
        %cond3A_399 = arith.constant 0 : i32
        %cond3A_400 = arith.cmpi ne, %convert_element_type3A_398, %cond3A_399 : i32
        scf.if %cond3A_400 {
          %dma_wait3A_431 = arith.constant 8 : i32
          %dma_wait3A_432 = arith.constant 1 : i32
          %dma_wait3A_433 = arith.constant 0 : i32
          %dma_wait3A_434 = tpu.memref_slice %arg5[%dma_wait3A_431, %dma_wait3A_432, %dma_wait3A_433] : memref<12x2x128xi32, #tpu.memory_space<vmem>> -> memref<1x1x128xi32, #tpu.memory_space<vmem>>
          %dma_wait3A_435 = tpu.memref_squeeze %dma_wait3A_434 : memref<1x1x128xi32, #tpu.memory_space<vmem>> -> memref<128xi32, #tpu.memory_space<vmem>>
          %dma_wait3A_436 = arith.constant 0 : i32
          %dma_wait3A_437 = tpu.memref_slice %arg7[%dma_wait3A_436] : memref<10240xf32, #tpu.memory_space<vmem_shared>> -> memref<10240xf32, #tpu.memory_space<vmem_shared>>
          tpu.wait_indirect_dma semaphore(%arg22 : memref<!tpu.dma_semaphore, #tpu.memory_space<semaphore_mem>>) src(%arg6 : memref<128xf32, #tpu.memory_space<vmem>>) dst(%dma_wait3A_437 : memref<10240xf32, #tpu.memory_space<vmem_shared>>)
        } else {
        }
        %add3A_401 = arith.constant 6 : i32
        %add3A_402 = arith.addi %while3A_147, %add3A_401 : i32
        %sub3A_403 = arith.constant 1 : i32
        %sub3A_404 = arith.subi %add3A_4, %sub3A_403 : i32
        %le3A = arith.cmpi sle, %add3A_402, %sub3A_404 : i32
        %convert_element_type3A_405 = arith.extui %le3A : i1 to i32
        %cond3A_406 = arith.constant 0 : i32
        %cond3A_407 = arith.cmpi ne, %convert_element_type3A_405, %cond3A_406 : i32
        scf.if %cond3A_407 {
          %add3A_431 = arith.constant 6 : i32
          %add3A_432 = arith.addi %while3A_147, %add3A_431 : i32
          %mul3A_433 = arith.constant 32 : i32
          %mul3A_434 = arith.muli %mul3A_433, %add3A_432 : i32
          %add3A_435 = arith.addi %add3A, %mul3A_434 : i32
          %mul3A_436 = arith.constant 128 : i32
          %mul3A_437 = arith.muli %add3A_435, %mul3A_436 : i32
          %dma_start3A_438 = arith.constant 8 : i32
          %dma_start3A_439 = arith.constant 0 : i32
          %dma_start3A_440 = arith.constant 0 : i32
          %dma_start3A_441 = tpu.memref_slice %arg5[%dma_start3A_438, %dma_start3A_439, %dma_start3A_440] : memref<12x2x128xi32, #tpu.memory_space<vmem>> -> memref<1x2x128xi32, #tpu.memory_space<vmem>>
          %dma_start3A_442 = tpu.memref_squeeze %dma_start3A_441 : memref<1x2x128xi32, #tpu.memory_space<vmem>> -> memref<2x128xi32, #tpu.memory_space<vmem>>
          %dma_start3A_443 = arith.constant 0 : i32
          %dma_start3A_444 = tpu.memref_slice %arg2[%dma_start3A_443, %mul3A_437] : memref<2x320000xi32, #tpu.memory_space<hbm>> -> memref<2x128xi32, #tpu.memory_space<hbm>>
          %dma_start3A_445 = arith.constant 0 : i32
          %dma_start3A_446 = arith.constant 0 : i32
          %dma_start3A_447 = tpu.memref_slice %arg5[%dma_start3A_438, %dma_start3A_445, %dma_start3A_446] : memref<12x2x128xi32, #tpu.memory_space<vmem>> -> memref<1x2x128xi32, #tpu.memory_space<vmem>>
          %dma_start3A_448 = tpu.memref_squeeze %dma_start3A_447 : memref<1x2x128xi32, #tpu.memory_space<vmem>> -> memref<2x128xi32, #tpu.memory_space<vmem>>
          %dma_start3A_449 = arith.constant 0 : i32
          %dma_start3A_450 = tpu.memref_slice %arg2[%dma_start3A_449, %mul3A_437] : memref<2x320000xi32, #tpu.memory_space<hbm>> -> memref<2x128xi32, #tpu.memory_space<hbm>>
          tpu.enqueue_dma source(%dma_start3A_450 : memref<2x128xi32, #tpu.memory_space<hbm>>) target(%dma_start3A_448 : memref<2x128xi32, #tpu.memory_space<vmem>>) target_semaphore(%arg16 : memref<!tpu.dma_semaphore, #tpu.memory_space<semaphore_mem>>)
        } else {
        }
        %mul3A_408 = arith.constant 32 : i32
        %mul3A_409 = arith.muli %mul3A_408, %while3A_147 : i32
        %add3A_410 = arith.addi %add3A, %mul3A_409 : i32
        %mul3A_411 = arith.constant 128 : i32
        %mul3A_412 = arith.muli %add3A_410, %mul3A_411 : i32
        %dma_wait3A = arith.constant 2 : i32
        %dma_wait3A_413 = arith.constant 0 : i32
        %dma_wait3A_414 = arith.constant 0 : i32
        %dma_wait3A_415 = tpu.memref_slice %arg5[%dma_wait3A, %dma_wait3A_413, %dma_wait3A_414] : memref<12x2x128xi32, #tpu.memory_space<vmem>> -> memref<1x2x128xi32, #tpu.memory_space<vmem>>
        %dma_wait3A_416 = tpu.memref_squeeze %dma_wait3A_415 : memref<1x2x128xi32, #tpu.memory_space<vmem>> -> memref<2x128xi32, #tpu.memory_space<vmem>>
        %dma_wait3A_417 = arith.constant 0 : i32
        %dma_wait3A_418 = tpu.memref_slice %arg2[%dma_wait3A_417, %mul3A_412] : memref<2x320000xi32, #tpu.memory_space<hbm>> -> memref<2x128xi32, #tpu.memory_space<hbm>>
        %dma_wait3A_419 = arith.constant 0 : i32
        %dma_wait3A_420 = arith.constant 0 : i32
        %dma_wait3A_421 = tpu.memref_slice %arg5[%dma_wait3A, %dma_wait3A_419, %dma_wait3A_420] : memref<12x2x128xi32, #tpu.memory_space<vmem>> -> memref<1x2x128xi32, #tpu.memory_space<vmem>>
        %dma_wait3A_422 = tpu.memref_squeeze %dma_wait3A_421 : memref<1x2x128xi32, #tpu.memory_space<vmem>> -> memref<2x128xi32, #tpu.memory_space<vmem>>
        %dma_wait3A_423 = arith.constant 0 : i32
        %dma_wait3A_424 = tpu.memref_slice %arg2[%dma_wait3A_423, %mul3A_412] : memref<2x320000xi32, #tpu.memory_space<hbm>> -> memref<2x128xi32, #tpu.memory_space<hbm>>
        tpu.wait_dma2 semaphore(%arg10 : memref<!tpu.dma_semaphore, #tpu.memory_space<semaphore_mem>>) src(%dma_wait3A_424 : memref<2x128xi32, #tpu.memory_space<hbm>>) dst(%dma_wait3A_422 : memref<2x128xi32, #tpu.memory_space<vmem>>)
        %dma_start3A = arith.constant 2 : i32
        %dma_start3A_425 = arith.constant 1 : i32
        %dma_start3A_426 = arith.constant 0 : i32
        %dma_start3A_427 = tpu.memref_slice %arg5[%dma_start3A, %dma_start3A_425, %dma_start3A_426] : memref<12x2x128xi32, #tpu.memory_space<vmem>> -> memref<1x1x128xi32, #tpu.memory_space<vmem>>
        %dma_start3A_428 = tpu.memref_squeeze %dma_start3A_427 : memref<1x1x128xi32, #tpu.memory_space<vmem>> -> memref<128xi32, #tpu.memory_space<vmem>>
        %dma_start3A_429 = arith.constant 0 : i32
        %dma_start3A_430 = tpu.memref_slice %arg7[%dma_start3A_429] : memref<10240xf32, #tpu.memory_space<vmem_shared>> -> memref<10240xf32, #tpu.memory_space<vmem_shared>>
        tpu.enqueue_indirect_dma source(%arg6 : memref<128xf32, #tpu.memory_space<vmem>>) target(%dma_start3A_430 : memref<10240xf32, #tpu.memory_space<vmem_shared>>) offsets(%dma_start3A_428 : memref<128xi32, #tpu.memory_space<vmem>>) semaphore(%arg22 : memref<!tpu.dma_semaphore, #tpu.memory_space<semaphore_mem>>) {add = true}
      } else {
      }
      %jit3A_207 = arith.constant 12 : i32
      %eq3A_208 = arith.constant 0 : i32
      %eq3A_209 = arith.cmpi eq, %jit3A_207, %eq3A_208 : i32
      %jit3A_210 = arith.constant 1 : i32
      %select_n3A_211 = arith.select %eq3A_209, %jit3A_210, %jit3A_207 : i32
      %rem3A_212 = arith.remsi %while3A_147, %select_n3A_211 : i32
      %ne3A_213 = arith.constant 0 : i32
      %ne3A_214 = arith.cmpi ne, %rem3A_212, %ne3A_213 : i32
      %lt3A_215 = arith.constant 0 : i32
      %lt3A_216 = arith.cmpi slt, %rem3A_212, %lt3A_215 : i32
      %lt3A_217 = arith.constant 0 : i32
      %lt3A_218 = arith.cmpi slt, %select_n3A_211, %lt3A_217 : i32
      %ne3A_219 = arith.xori %lt3A_216, %lt3A_218 : i1
      %and3A_220 = arith.andi %ne3A_219, %ne3A_214 : i1
      %add3A_221 = arith.addi %rem3A_212, %select_n3A_211 : i32
      %select_n3A_222 = arith.select %and3A_220, %add3A_221, %rem3A_212 : i32
      %eq3A_223 = arith.constant 3 : i32
      %eq3A_224 = arith.cmpi eq, %select_n3A_222, %eq3A_223 : i32
      %convert_element_type3A_225 = arith.extui %eq3A_224 : i1 to i32
      %cond3A_226 = arith.constant 0 : i32
      %cond3A_227 = arith.cmpi ne, %convert_element_type3A_225, %cond3A_226 : i32
      scf.if %cond3A_227 {
        %ge3A_396 = arith.constant 6 : i32
        %ge3A_397 = arith.cmpi sge, %while3A_147, %ge3A_396 : i32
        %convert_element_type3A_398 = arith.extui %ge3A_397 : i1 to i32
        %cond3A_399 = arith.constant 0 : i32
        %cond3A_400 = arith.cmpi ne, %convert_element_type3A_398, %cond3A_399 : i32
        scf.if %cond3A_400 {
          %dma_wait3A_431 = arith.constant 9 : i32
          %dma_wait3A_432 = arith.constant 1 : i32
          %dma_wait3A_433 = arith.constant 0 : i32
          %dma_wait3A_434 = tpu.memref_slice %arg5[%dma_wait3A_431, %dma_wait3A_432, %dma_wait3A_433] : memref<12x2x128xi32, #tpu.memory_space<vmem>> -> memref<1x1x128xi32, #tpu.memory_space<vmem>>
          %dma_wait3A_435 = tpu.memref_squeeze %dma_wait3A_434 : memref<1x1x128xi32, #tpu.memory_space<vmem>> -> memref<128xi32, #tpu.memory_space<vmem>>
          %dma_wait3A_436 = arith.constant 0 : i32
          %dma_wait3A_437 = tpu.memref_slice %arg7[%dma_wait3A_436] : memref<10240xf32, #tpu.memory_space<vmem_shared>> -> memref<10240xf32, #tpu.memory_space<vmem_shared>>
          tpu.wait_indirect_dma semaphore(%arg23 : memref<!tpu.dma_semaphore, #tpu.memory_space<semaphore_mem>>) src(%arg6 : memref<128xf32, #tpu.memory_space<vmem>>) dst(%dma_wait3A_437 : memref<10240xf32, #tpu.memory_space<vmem_shared>>)
        } else {
        }
        %add3A_401 = arith.constant 6 : i32
        %add3A_402 = arith.addi %while3A_147, %add3A_401 : i32
        %sub3A_403 = arith.constant 1 : i32
        %sub3A_404 = arith.subi %add3A_4, %sub3A_403 : i32
        %le3A = arith.cmpi sle, %add3A_402, %sub3A_404 : i32
        %convert_element_type3A_405 = arith.extui %le3A : i1 to i32
        %cond3A_406 = arith.constant 0 : i32
        %cond3A_407 = arith.cmpi ne, %convert_element_type3A_405, %cond3A_406 : i32
        scf.if %cond3A_407 {
          %add3A_431 = arith.constant 6 : i32
          %add3A_432 = arith.addi %while3A_147, %add3A_431 : i32
          %mul3A_433 = arith.constant 32 : i32
          %mul3A_434 = arith.muli %mul3A_433, %add3A_432 : i32
          %add3A_435 = arith.addi %add3A, %mul3A_434 : i32
          %mul3A_436 = arith.constant 128 : i32
          %mul3A_437 = arith.muli %add3A_435, %mul3A_436 : i32
          %dma_start3A_438 = arith.constant 9 : i32
          %dma_start3A_439 = arith.constant 0 : i32
          %dma_start3A_440 = arith.constant 0 : i32
          %dma_start3A_441 = tpu.memref_slice %arg5[%dma_start3A_438, %dma_start3A_439, %dma_start3A_440] : memref<12x2x128xi32, #tpu.memory_space<vmem>> -> memref<1x2x128xi32, #tpu.memory_space<vmem>>
          %dma_start3A_442 = tpu.memref_squeeze %dma_start3A_441 : memref<1x2x128xi32, #tpu.memory_space<vmem>> -> memref<2x128xi32, #tpu.memory_space<vmem>>
          %dma_start3A_443 = arith.constant 0 : i32
          %dma_start3A_444 = tpu.memref_slice %arg2[%dma_start3A_443, %mul3A_437] : memref<2x320000xi32, #tpu.memory_space<hbm>> -> memref<2x128xi32, #tpu.memory_space<hbm>>
          %dma_start3A_445 = arith.constant 0 : i32
          %dma_start3A_446 = arith.constant 0 : i32
          %dma_start3A_447 = tpu.memref_slice %arg5[%dma_start3A_438, %dma_start3A_445, %dma_start3A_446] : memref<12x2x128xi32, #tpu.memory_space<vmem>> -> memref<1x2x128xi32, #tpu.memory_space<vmem>>
          %dma_start3A_448 = tpu.memref_squeeze %dma_start3A_447 : memref<1x2x128xi32, #tpu.memory_space<vmem>> -> memref<2x128xi32, #tpu.memory_space<vmem>>
          %dma_start3A_449 = arith.constant 0 : i32
          %dma_start3A_450 = tpu.memref_slice %arg2[%dma_start3A_449, %mul3A_437] : memref<2x320000xi32, #tpu.memory_space<hbm>> -> memref<2x128xi32, #tpu.memory_space<hbm>>
          tpu.enqueue_dma source(%dma_start3A_450 : memref<2x128xi32, #tpu.memory_space<hbm>>) target(%dma_start3A_448 : memref<2x128xi32, #tpu.memory_space<vmem>>) target_semaphore(%arg17 : memref<!tpu.dma_semaphore, #tpu.memory_space<semaphore_mem>>)
        } else {
        }
        %mul3A_408 = arith.constant 32 : i32
        %mul3A_409 = arith.muli %mul3A_408, %while3A_147 : i32
        %add3A_410 = arith.addi %add3A, %mul3A_409 : i32
        %mul3A_411 = arith.constant 128 : i32
        %mul3A_412 = arith.muli %add3A_410, %mul3A_411 : i32
        %dma_wait3A = arith.constant 3 : i32
        %dma_wait3A_413 = arith.constant 0 : i32
        %dma_wait3A_414 = arith.constant 0 : i32
        %dma_wait3A_415 = tpu.memref_slice %arg5[%dma_wait3A, %dma_wait3A_413, %dma_wait3A_414] : memref<12x2x128xi32, #tpu.memory_space<vmem>> -> memref<1x2x128xi32, #tpu.memory_space<vmem>>
        %dma_wait3A_416 = tpu.memref_squeeze %dma_wait3A_415 : memref<1x2x128xi32, #tpu.memory_space<vmem>> -> memref<2x128xi32, #tpu.memory_space<vmem>>
        %dma_wait3A_417 = arith.constant 0 : i32
        %dma_wait3A_418 = tpu.memref_slice %arg2[%dma_wait3A_417, %mul3A_412] : memref<2x320000xi32, #tpu.memory_space<hbm>> -> memref<2x128xi32, #tpu.memory_space<hbm>>
        %dma_wait3A_419 = arith.constant 0 : i32
        %dma_wait3A_420 = arith.constant 0 : i32
        %dma_wait3A_421 = tpu.memref_slice %arg5[%dma_wait3A, %dma_wait3A_419, %dma_wait3A_420] : memref<12x2x128xi32, #tpu.memory_space<vmem>> -> memref<1x2x128xi32, #tpu.memory_space<vmem>>
        %dma_wait3A_422 = tpu.memref_squeeze %dma_wait3A_421 : memref<1x2x128xi32, #tpu.memory_space<vmem>> -> memref<2x128xi32, #tpu.memory_space<vmem>>
        %dma_wait3A_423 = arith.constant 0 : i32
        %dma_wait3A_424 = tpu.memref_slice %arg2[%dma_wait3A_423, %mul3A_412] : memref<2x320000xi32, #tpu.memory_space<hbm>> -> memref<2x128xi32, #tpu.memory_space<hbm>>
        tpu.wait_dma2 semaphore(%arg11 : memref<!tpu.dma_semaphore, #tpu.memory_space<semaphore_mem>>) src(%dma_wait3A_424 : memref<2x128xi32, #tpu.memory_space<hbm>>) dst(%dma_wait3A_422 : memref<2x128xi32, #tpu.memory_space<vmem>>)
        %dma_start3A = arith.constant 3 : i32
        %dma_start3A_425 = arith.constant 1 : i32
        %dma_start3A_426 = arith.constant 0 : i32
        %dma_start3A_427 = tpu.memref_slice %arg5[%dma_start3A, %dma_start3A_425, %dma_start3A_426] : memref<12x2x128xi32, #tpu.memory_space<vmem>> -> memref<1x1x128xi32, #tpu.memory_space<vmem>>
        %dma_start3A_428 = tpu.memref_squeeze %dma_start3A_427 : memref<1x1x128xi32, #tpu.memory_space<vmem>> -> memref<128xi32, #tpu.memory_space<vmem>>
        %dma_start3A_429 = arith.constant 0 : i32
        %dma_start3A_430 = tpu.memref_slice %arg7[%dma_start3A_429] : memref<10240xf32, #tpu.memory_space<vmem_shared>> -> memref<10240xf32, #tpu.memory_space<vmem_shared>>
        tpu.enqueue_indirect_dma source(%arg6 : memref<128xf32, #tpu.memory_space<vmem>>) target(%dma_start3A_430 : memref<10240xf32, #tpu.memory_space<vmem_shared>>) offsets(%dma_start3A_428 : memref<128xi32, #tpu.memory_space<vmem>>) semaphore(%arg23 : memref<!tpu.dma_semaphore, #tpu.memory_space<semaphore_mem>>) {add = true}
      } else {
      }
      %jit3A_228 = arith.constant 12 : i32
      %eq3A_229 = arith.constant 0 : i32
      %eq3A_230 = arith.cmpi eq, %jit3A_228, %eq3A_229 : i32
      %jit3A_231 = arith.constant 1 : i32
      %select_n3A_232 = arith.select %eq3A_230, %jit3A_231, %jit3A_228 : i32
      %rem3A_233 = arith.remsi %while3A_147, %select_n3A_232 : i32
      %ne3A_234 = arith.constant 0 : i32
      %ne3A_235 = arith.cmpi ne, %rem3A_233, %ne3A_234 : i32
      %lt3A_236 = arith.constant 0 : i32
      %lt3A_237 = arith.cmpi slt, %rem3A_233, %lt3A_236 : i32
      %lt3A_238 = arith.constant 0 : i32
      %lt3A_239 = arith.cmpi slt, %select_n3A_232, %lt3A_238 : i32
      %ne3A_240 = arith.xori %lt3A_237, %lt3A_239 : i1
      %and3A_241 = arith.andi %ne3A_240, %ne3A_235 : i1
      %add3A_242 = arith.addi %rem3A_233, %select_n3A_232 : i32
      %select_n3A_243 = arith.select %and3A_241, %add3A_242, %rem3A_233 : i32
      %eq3A_244 = arith.constant 4 : i32
      %eq3A_245 = arith.cmpi eq, %select_n3A_243, %eq3A_244 : i32
      %convert_element_type3A_246 = arith.extui %eq3A_245 : i1 to i32
      %cond3A_247 = arith.constant 0 : i32
      %cond3A_248 = arith.cmpi ne, %convert_element_type3A_246, %cond3A_247 : i32
      scf.if %cond3A_248 {
        %ge3A_396 = arith.constant 6 : i32
        %ge3A_397 = arith.cmpi sge, %while3A_147, %ge3A_396 : i32
        %convert_element_type3A_398 = arith.extui %ge3A_397 : i1 to i32
        %cond3A_399 = arith.constant 0 : i32
        %cond3A_400 = arith.cmpi ne, %convert_element_type3A_398, %cond3A_399 : i32
        scf.if %cond3A_400 {
          %dma_wait3A_431 = arith.constant 10 : i32
          %dma_wait3A_432 = arith.constant 1 : i32
          %dma_wait3A_433 = arith.constant 0 : i32
          %dma_wait3A_434 = tpu.memref_slice %arg5[%dma_wait3A_431, %dma_wait3A_432, %dma_wait3A_433] : memref<12x2x128xi32, #tpu.memory_space<vmem>> -> memref<1x1x128xi32, #tpu.memory_space<vmem>>
          %dma_wait3A_435 = tpu.memref_squeeze %dma_wait3A_434 : memref<1x1x128xi32, #tpu.memory_space<vmem>> -> memref<128xi32, #tpu.memory_space<vmem>>
          %dma_wait3A_436 = arith.constant 0 : i32
          %dma_wait3A_437 = tpu.memref_slice %arg7[%dma_wait3A_436] : memref<10240xf32, #tpu.memory_space<vmem_shared>> -> memref<10240xf32, #tpu.memory_space<vmem_shared>>
          tpu.wait_indirect_dma semaphore(%arg24 : memref<!tpu.dma_semaphore, #tpu.memory_space<semaphore_mem>>) src(%arg6 : memref<128xf32, #tpu.memory_space<vmem>>) dst(%dma_wait3A_437 : memref<10240xf32, #tpu.memory_space<vmem_shared>>)
        } else {
        }
        %add3A_401 = arith.constant 6 : i32
        %add3A_402 = arith.addi %while3A_147, %add3A_401 : i32
        %sub3A_403 = arith.constant 1 : i32
        %sub3A_404 = arith.subi %add3A_4, %sub3A_403 : i32
        %le3A = arith.cmpi sle, %add3A_402, %sub3A_404 : i32
        %convert_element_type3A_405 = arith.extui %le3A : i1 to i32
        %cond3A_406 = arith.constant 0 : i32
        %cond3A_407 = arith.cmpi ne, %convert_element_type3A_405, %cond3A_406 : i32
        scf.if %cond3A_407 {
          %add3A_431 = arith.constant 6 : i32
          %add3A_432 = arith.addi %while3A_147, %add3A_431 : i32
          %mul3A_433 = arith.constant 32 : i32
          %mul3A_434 = arith.muli %mul3A_433, %add3A_432 : i32
          %add3A_435 = arith.addi %add3A, %mul3A_434 : i32
          %mul3A_436 = arith.constant 128 : i32
          %mul3A_437 = arith.muli %add3A_435, %mul3A_436 : i32
          %dma_start3A_438 = arith.constant 10 : i32
          %dma_start3A_439 = arith.constant 0 : i32
          %dma_start3A_440 = arith.constant 0 : i32
          %dma_start3A_441 = tpu.memref_slice %arg5[%dma_start3A_438, %dma_start3A_439, %dma_start3A_440] : memref<12x2x128xi32, #tpu.memory_space<vmem>> -> memref<1x2x128xi32, #tpu.memory_space<vmem>>
          %dma_start3A_442 = tpu.memref_squeeze %dma_start3A_441 : memref<1x2x128xi32, #tpu.memory_space<vmem>> -> memref<2x128xi32, #tpu.memory_space<vmem>>
          %dma_start3A_443 = arith.constant 0 : i32
          %dma_start3A_444 = tpu.memref_slice %arg2[%dma_start3A_443, %mul3A_437] : memref<2x320000xi32, #tpu.memory_space<hbm>> -> memref<2x128xi32, #tpu.memory_space<hbm>>
          %dma_start3A_445 = arith.constant 0 : i32
          %dma_start3A_446 = arith.constant 0 : i32
          %dma_start3A_447 = tpu.memref_slice %arg5[%dma_start3A_438, %dma_start3A_445, %dma_start3A_446] : memref<12x2x128xi32, #tpu.memory_space<vmem>> -> memref<1x2x128xi32, #tpu.memory_space<vmem>>
          %dma_start3A_448 = tpu.memref_squeeze %dma_start3A_447 : memref<1x2x128xi32, #tpu.memory_space<vmem>> -> memref<2x128xi32, #tpu.memory_space<vmem>>
          %dma_start3A_449 = arith.constant 0 : i32
          %dma_start3A_450 = tpu.memref_slice %arg2[%dma_start3A_449, %mul3A_437] : memref<2x320000xi32, #tpu.memory_space<hbm>> -> memref<2x128xi32, #tpu.memory_space<hbm>>
          tpu.enqueue_dma source(%dma_start3A_450 : memref<2x128xi32, #tpu.memory_space<hbm>>) target(%dma_start3A_448 : memref<2x128xi32, #tpu.memory_space<vmem>>) target_semaphore(%arg18 : memref<!tpu.dma_semaphore, #tpu.memory_space<semaphore_mem>>)
        } else {
        }
        %mul3A_408 = arith.constant 32 : i32
        %mul3A_409 = arith.muli %mul3A_408, %while3A_147 : i32
        %add3A_410 = arith.addi %add3A, %mul3A_409 : i32
        %mul3A_411 = arith.constant 128 : i32
        %mul3A_412 = arith.muli %add3A_410, %mul3A_411 : i32
        %dma_wait3A = arith.constant 4 : i32
        %dma_wait3A_413 = arith.constant 0 : i32
        %dma_wait3A_414 = arith.constant 0 : i32
        %dma_wait3A_415 = tpu.memref_slice %arg5[%dma_wait3A, %dma_wait3A_413, %dma_wait3A_414] : memref<12x2x128xi32, #tpu.memory_space<vmem>> -> memref<1x2x128xi32, #tpu.memory_space<vmem>>
        %dma_wait3A_416 = tpu.memref_squeeze %dma_wait3A_415 : memref<1x2x128xi32, #tpu.memory_space<vmem>> -> memref<2x128xi32, #tpu.memory_space<vmem>>
        %dma_wait3A_417 = arith.constant 0 : i32
        %dma_wait3A_418 = tpu.memref_slice %arg2[%dma_wait3A_417, %mul3A_412] : memref<2x320000xi32, #tpu.memory_space<hbm>> -> memref<2x128xi32, #tpu.memory_space<hbm>>
        %dma_wait3A_419 = arith.constant 0 : i32
        %dma_wait3A_420 = arith.constant 0 : i32
        %dma_wait3A_421 = tpu.memref_slice %arg5[%dma_wait3A, %dma_wait3A_419, %dma_wait3A_420] : memref<12x2x128xi32, #tpu.memory_space<vmem>> -> memref<1x2x128xi32, #tpu.memory_space<vmem>>
        %dma_wait3A_422 = tpu.memref_squeeze %dma_wait3A_421 : memref<1x2x128xi32, #tpu.memory_space<vmem>> -> memref<2x128xi32, #tpu.memory_space<vmem>>
        %dma_wait3A_423 = arith.constant 0 : i32
        %dma_wait3A_424 = tpu.memref_slice %arg2[%dma_wait3A_423, %mul3A_412] : memref<2x320000xi32, #tpu.memory_space<hbm>> -> memref<2x128xi32, #tpu.memory_space<hbm>>
        tpu.wait_dma2 semaphore(%arg12 : memref<!tpu.dma_semaphore, #tpu.memory_space<semaphore_mem>>) src(%dma_wait3A_424 : memref<2x128xi32, #tpu.memory_space<hbm>>) dst(%dma_wait3A_422 : memref<2x128xi32, #tpu.memory_space<vmem>>)
        %dma_start3A = arith.constant 4 : i32
        %dma_start3A_425 = arith.constant 1 : i32
        %dma_start3A_426 = arith.constant 0 : i32
        %dma_start3A_427 = tpu.memref_slice %arg5[%dma_start3A, %dma_start3A_425, %dma_start3A_426] : memref<12x2x128xi32, #tpu.memory_space<vmem>> -> memref<1x1x128xi32, #tpu.memory_space<vmem>>
        %dma_start3A_428 = tpu.memref_squeeze %dma_start3A_427 : memref<1x1x128xi32, #tpu.memory_space<vmem>> -> memref<128xi32, #tpu.memory_space<vmem>>
        %dma_start3A_429 = arith.constant 0 : i32
        %dma_start3A_430 = tpu.memref_slice %arg7[%dma_start3A_429] : memref<10240xf32, #tpu.memory_space<vmem_shared>> -> memref<10240xf32, #tpu.memory_space<vmem_shared>>
        tpu.enqueue_indirect_dma source(%arg6 : memref<128xf32, #tpu.memory_space<vmem>>) target(%dma_start3A_430 : memref<10240xf32, #tpu.memory_space<vmem_shared>>) offsets(%dma_start3A_428 : memref<128xi32, #tpu.memory_space<vmem>>) semaphore(%arg24 : memref<!tpu.dma_semaphore, #tpu.memory_space<semaphore_mem>>) {add = true}
      } else {
      }
      %jit3A_249 = arith.constant 12 : i32
      %eq3A_250 = arith.constant 0 : i32
      %eq3A_251 = arith.cmpi eq, %jit3A_249, %eq3A_250 : i32
      %jit3A_252 = arith.constant 1 : i32
      %select_n3A_253 = arith.select %eq3A_251, %jit3A_252, %jit3A_249 : i32
      %rem3A_254 = arith.remsi %while3A_147, %select_n3A_253 : i32
      %ne3A_255 = arith.constant 0 : i32
      %ne3A_256 = arith.cmpi ne, %rem3A_254, %ne3A_255 : i32
      %lt3A_257 = arith.constant 0 : i32
      %lt3A_258 = arith.cmpi slt, %rem3A_254, %lt3A_257 : i32
      %lt3A_259 = arith.constant 0 : i32
      %lt3A_260 = arith.cmpi slt, %select_n3A_253, %lt3A_259 : i32
      %ne3A_261 = arith.xori %lt3A_258, %lt3A_260 : i1
      %and3A_262 = arith.andi %ne3A_261, %ne3A_256 : i1
      %add3A_263 = arith.addi %rem3A_254, %select_n3A_253 : i32
      %select_n3A_264 = arith.select %and3A_262, %add3A_263, %rem3A_254 : i32
      %eq3A_265 = arith.constant 5 : i32
      %eq3A_266 = arith.cmpi eq, %select_n3A_264, %eq3A_265 : i32
      %convert_element_type3A_267 = arith.extui %eq3A_266 : i1 to i32
      %cond3A_268 = arith.constant 0 : i32
      %cond3A_269 = arith.cmpi ne, %convert_element_type3A_267, %cond3A_268 : i32
      scf.if %cond3A_269 {
        %ge3A_396 = arith.constant 6 : i32
        %ge3A_397 = arith.cmpi sge, %while3A_147, %ge3A_396 : i32
        %convert_element_type3A_398 = arith.extui %ge3A_397 : i1 to i32
        %cond3A_399 = arith.constant 0 : i32
        %cond3A_400 = arith.cmpi ne, %convert_element_type3A_398, %cond3A_399 : i32
        scf.if %cond3A_400 {
          %dma_wait3A_431 = arith.constant 11 : i32
          %dma_wait3A_432 = arith.constant 1 : i32
          %dma_wait3A_433 = arith.constant 0 : i32
          %dma_wait3A_434 = tpu.memref_slice %arg5[%dma_wait3A_431, %dma_wait3A_432, %dma_wait3A_433] : memref<12x2x128xi32, #tpu.memory_space<vmem>> -> memref<1x1x128xi32, #tpu.memory_space<vmem>>
          %dma_wait3A_435 = tpu.memref_squeeze %dma_wait3A_434 : memref<1x1x128xi32, #tpu.memory_space<vmem>> -> memref<128xi32, #tpu.memory_space<vmem>>
          %dma_wait3A_436 = arith.constant 0 : i32
          %dma_wait3A_437 = tpu.memref_slice %arg7[%dma_wait3A_436] : memref<10240xf32, #tpu.memory_space<vmem_shared>> -> memref<10240xf32, #tpu.memory_space<vmem_shared>>
          tpu.wait_indirect_dma semaphore(%arg25 : memref<!tpu.dma_semaphore, #tpu.memory_space<semaphore_mem>>) src(%arg6 : memref<128xf32, #tpu.memory_space<vmem>>) dst(%dma_wait3A_437 : memref<10240xf32, #tpu.memory_space<vmem_shared>>)
        } else {
        }
        %add3A_401 = arith.constant 6 : i32
        %add3A_402 = arith.addi %while3A_147, %add3A_401 : i32
        %sub3A_403 = arith.constant 1 : i32
        %sub3A_404 = arith.subi %add3A_4, %sub3A_403 : i32
        %le3A = arith.cmpi sle, %add3A_402, %sub3A_404 : i32
        %convert_element_type3A_405 = arith.extui %le3A : i1 to i32
        %cond3A_406 = arith.constant 0 : i32
        %cond3A_407 = arith.cmpi ne, %convert_element_type3A_405, %cond3A_406 : i32
        scf.if %cond3A_407 {
          %add3A_431 = arith.constant 6 : i32
          %add3A_432 = arith.addi %while3A_147, %add3A_431 : i32
          %mul3A_433 = arith.constant 32 : i32
          %mul3A_434 = arith.muli %mul3A_433, %add3A_432 : i32
          %add3A_435 = arith.addi %add3A, %mul3A_434 : i32
          %mul3A_436 = arith.constant 128 : i32
          %mul3A_437 = arith.muli %add3A_435, %mul3A_436 : i32
          %dma_start3A_438 = arith.constant 11 : i32
          %dma_start3A_439 = arith.constant 0 : i32
          %dma_start3A_440 = arith.constant 0 : i32
          %dma_start3A_441 = tpu.memref_slice %arg5[%dma_start3A_438, %dma_start3A_439, %dma_start3A_440] : memref<12x2x128xi32, #tpu.memory_space<vmem>> -> memref<1x2x128xi32, #tpu.memory_space<vmem>>
          %dma_start3A_442 = tpu.memref_squeeze %dma_start3A_441 : memref<1x2x128xi32, #tpu.memory_space<vmem>> -> memref<2x128xi32, #tpu.memory_space<vmem>>
          %dma_start3A_443 = arith.constant 0 : i32
          %dma_start3A_444 = tpu.memref_slice %arg2[%dma_start3A_443, %mul3A_437] : memref<2x320000xi32, #tpu.memory_space<hbm>> -> memref<2x128xi32, #tpu.memory_space<hbm>>
          %dma_start3A_445 = arith.constant 0 : i32
          %dma_start3A_446 = arith.constant 0 : i32
          %dma_start3A_447 = tpu.memref_slice %arg5[%dma_start3A_438, %dma_start3A_445, %dma_start3A_446] : memref<12x2x128xi32, #tpu.memory_space<vmem>> -> memref<1x2x128xi32, #tpu.memory_space<vmem>>
          %dma_start3A_448 = tpu.memref_squeeze %dma_start3A_447 : memref<1x2x128xi32, #tpu.memory_space<vmem>> -> memref<2x128xi32, #tpu.memory_space<vmem>>
          %dma_start3A_449 = arith.constant 0 : i32
          %dma_start3A_450 = tpu.memref_slice %arg2[%dma_start3A_449, %mul3A_437] : memref<2x320000xi32, #tpu.memory_space<hbm>> -> memref<2x128xi32, #tpu.memory_space<hbm>>
          tpu.enqueue_dma source(%dma_start3A_450 : memref<2x128xi32, #tpu.memory_space<hbm>>) target(%dma_start3A_448 : memref<2x128xi32, #tpu.memory_space<vmem>>) target_semaphore(%arg19 : memref<!tpu.dma_semaphore, #tpu.memory_space<semaphore_mem>>)
        } else {
        }
        %mul3A_408 = arith.constant 32 : i32
        %mul3A_409 = arith.muli %mul3A_408, %while3A_147 : i32
        %add3A_410 = arith.addi %add3A, %mul3A_409 : i32
        %mul3A_411 = arith.constant 128 : i32
        %mul3A_412 = arith.muli %add3A_410, %mul3A_411 : i32
        %dma_wait3A = arith.constant 5 : i32
        %dma_wait3A_413 = arith.constant 0 : i32
        %dma_wait3A_414 = arith.constant 0 : i32
        %dma_wait3A_415 = tpu.memref_slice %arg5[%dma_wait3A, %dma_wait3A_413, %dma_wait3A_414] : memref<12x2x128xi32, #tpu.memory_space<vmem>> -> memref<1x2x128xi32, #tpu.memory_space<vmem>>
        %dma_wait3A_416 = tpu.memref_squeeze %dma_wait3A_415 : memref<1x2x128xi32, #tpu.memory_space<vmem>> -> memref<2x128xi32, #tpu.memory_space<vmem>>
        %dma_wait3A_417 = arith.constant 0 : i32
        %dma_wait3A_418 = tpu.memref_slice %arg2[%dma_wait3A_417, %mul3A_412] : memref<2x320000xi32, #tpu.memory_space<hbm>> -> memref<2x128xi32, #tpu.memory_space<hbm>>
        %dma_wait3A_419 = arith.constant 0 : i32
        %dma_wait3A_420 = arith.constant 0 : i32
        %dma_wait3A_421 = tpu.memref_slice %arg5[%dma_wait3A, %dma_wait3A_419, %dma_wait3A_420] : memref<12x2x128xi32, #tpu.memory_space<vmem>> -> memref<1x2x128xi32, #tpu.memory_space<vmem>>
        %dma_wait3A_422 = tpu.memref_squeeze %dma_wait3A_421 : memref<1x2x128xi32, #tpu.memory_space<vmem>> -> memref<2x128xi32, #tpu.memory_space<vmem>>
        %dma_wait3A_423 = arith.constant 0 : i32
        %dma_wait3A_424 = tpu.memref_slice %arg2[%dma_wait3A_423, %mul3A_412] : memref<2x320000xi32, #tpu.memory_space<hbm>> -> memref<2x128xi32, #tpu.memory_space<hbm>>
        tpu.wait_dma2 semaphore(%arg13 : memref<!tpu.dma_semaphore, #tpu.memory_space<semaphore_mem>>) src(%dma_wait3A_424 : memref<2x128xi32, #tpu.memory_space<hbm>>) dst(%dma_wait3A_422 : memref<2x128xi32, #tpu.memory_space<vmem>>)
        %dma_start3A = arith.constant 5 : i32
        %dma_start3A_425 = arith.constant 1 : i32
        %dma_start3A_426 = arith.constant 0 : i32
        %dma_start3A_427 = tpu.memref_slice %arg5[%dma_start3A, %dma_start3A_425, %dma_start3A_426] : memref<12x2x128xi32, #tpu.memory_space<vmem>> -> memref<1x1x128xi32, #tpu.memory_space<vmem>>
        %dma_start3A_428 = tpu.memref_squeeze %dma_start3A_427 : memref<1x1x128xi32, #tpu.memory_space<vmem>> -> memref<128xi32, #tpu.memory_space<vmem>>
        %dma_start3A_429 = arith.constant 0 : i32
        %dma_start3A_430 = tpu.memref_slice %arg7[%dma_start3A_429] : memref<10240xf32, #tpu.memory_space<vmem_shared>> -> memref<10240xf32, #tpu.memory_space<vmem_shared>>
        tpu.enqueue_indirect_dma source(%arg6 : memref<128xf32, #tpu.memory_space<vmem>>) target(%dma_start3A_430 : memref<10240xf32, #tpu.memory_space<vmem_shared>>) offsets(%dma_start3A_428 : memref<128xi32, #tpu.memory_space<vmem>>) semaphore(%arg25 : memref<!tpu.dma_semaphore, #tpu.memory_space<semaphore_mem>>) {add = true}
      } else {
      }
      %jit3A_270 = arith.constant 12 : i32
      %eq3A_271 = arith.constant 0 : i32
      %eq3A_272 = arith.cmpi eq, %jit3A_270, %eq3A_271 : i32
      %jit3A_273 = arith.constant 1 : i32
      %select_n3A_274 = arith.select %eq3A_272, %jit3A_273, %jit3A_270 : i32
      %rem3A_275 = arith.remsi %while3A_147, %select_n3A_274 : i32
      %ne3A_276 = arith.constant 0 : i32
      %ne3A_277 = arith.cmpi ne, %rem3A_275, %ne3A_276 : i32
      %lt3A_278 = arith.constant 0 : i32
      %lt3A_279 = arith.cmpi slt, %rem3A_275, %lt3A_278 : i32
      %lt3A_280 = arith.constant 0 : i32
      %lt3A_281 = arith.cmpi slt, %select_n3A_274, %lt3A_280 : i32
      %ne3A_282 = arith.xori %lt3A_279, %lt3A_281 : i1
      %and3A_283 = arith.andi %ne3A_282, %ne3A_277 : i1
      %add3A_284 = arith.addi %rem3A_275, %select_n3A_274 : i32
      %select_n3A_285 = arith.select %and3A_283, %add3A_284, %rem3A_275 : i32
      %eq3A_286 = arith.constant 6 : i32
      %eq3A_287 = arith.cmpi eq, %select_n3A_285, %eq3A_286 : i32
      %convert_element_type3A_288 = arith.extui %eq3A_287 : i1 to i32
      %cond3A_289 = arith.constant 0 : i32
      %cond3A_290 = arith.cmpi ne, %convert_element_type3A_288, %cond3A_289 : i32
      scf.if %cond3A_290 {
        %ge3A_396 = arith.constant 6 : i32
        %ge3A_397 = arith.cmpi sge, %while3A_147, %ge3A_396 : i32
        %convert_element_type3A_398 = arith.extui %ge3A_397 : i1 to i32
        %cond3A_399 = arith.constant 0 : i32
        %cond3A_400 = arith.cmpi ne, %convert_element_type3A_398, %cond3A_399 : i32
        scf.if %cond3A_400 {
          %dma_wait3A_431 = arith.constant 0 : i32
          %dma_wait3A_432 = arith.constant 1 : i32
          %dma_wait3A_433 = arith.constant 0 : i32
          %dma_wait3A_434 = tpu.memref_slice %arg5[%dma_wait3A_431, %dma_wait3A_432, %dma_wait3A_433] : memref<12x2x128xi32, #tpu.memory_space<vmem>> -> memref<1x1x128xi32, #tpu.memory_space<vmem>>
          %dma_wait3A_435 = tpu.memref_squeeze %dma_wait3A_434 : memref<1x1x128xi32, #tpu.memory_space<vmem>> -> memref<128xi32, #tpu.memory_space<vmem>>
          %dma_wait3A_436 = arith.constant 0 : i32
          %dma_wait3A_437 = tpu.memref_slice %arg7[%dma_wait3A_436] : memref<10240xf32, #tpu.memory_space<vmem_shared>> -> memref<10240xf32, #tpu.memory_space<vmem_shared>>
          tpu.wait_indirect_dma semaphore(%arg20 : memref<!tpu.dma_semaphore, #tpu.memory_space<semaphore_mem>>) src(%arg6 : memref<128xf32, #tpu.memory_space<vmem>>) dst(%dma_wait3A_437 : memref<10240xf32, #tpu.memory_space<vmem_shared>>)
        } else {
        }
        %add3A_401 = arith.constant 6 : i32
        %add3A_402 = arith.addi %while3A_147, %add3A_401 : i32
        %sub3A_403 = arith.constant 1 : i32
        %sub3A_404 = arith.subi %add3A_4, %sub3A_403 : i32
        %le3A = arith.cmpi sle, %add3A_402, %sub3A_404 : i32
        %convert_element_type3A_405 = arith.extui %le3A : i1 to i32
        %cond3A_406 = arith.constant 0 : i32
        %cond3A_407 = arith.cmpi ne, %convert_element_type3A_405, %cond3A_406 : i32
        scf.if %cond3A_407 {
          %add3A_431 = arith.constant 6 : i32
          %add3A_432 = arith.addi %while3A_147, %add3A_431 : i32
          %mul3A_433 = arith.constant 32 : i32
          %mul3A_434 = arith.muli %mul3A_433, %add3A_432 : i32
          %add3A_435 = arith.addi %add3A, %mul3A_434 : i32
          %mul3A_436 = arith.constant 128 : i32
          %mul3A_437 = arith.muli %add3A_435, %mul3A_436 : i32
          %dma_start3A_438 = arith.constant 0 : i32
          %dma_start3A_439 = arith.constant 0 : i32
          %dma_start3A_440 = arith.constant 0 : i32
          %dma_start3A_441 = tpu.memref_slice %arg5[%dma_start3A_438, %dma_start3A_439, %dma_start3A_440] : memref<12x2x128xi32, #tpu.memory_space<vmem>> -> memref<1x2x128xi32, #tpu.memory_space<vmem>>
          %dma_start3A_442 = tpu.memref_squeeze %dma_start3A_441 : memref<1x2x128xi32, #tpu.memory_space<vmem>> -> memref<2x128xi32, #tpu.memory_space<vmem>>
          %dma_start3A_443 = arith.constant 0 : i32
          %dma_start3A_444 = tpu.memref_slice %arg2[%dma_start3A_443, %mul3A_437] : memref<2x320000xi32, #tpu.memory_space<hbm>> -> memref<2x128xi32, #tpu.memory_space<hbm>>
          %dma_start3A_445 = arith.constant 0 : i32
          %dma_start3A_446 = arith.constant 0 : i32
          %dma_start3A_447 = tpu.memref_slice %arg5[%dma_start3A_438, %dma_start3A_445, %dma_start3A_446] : memref<12x2x128xi32, #tpu.memory_space<vmem>> -> memref<1x2x128xi32, #tpu.memory_space<vmem>>
          %dma_start3A_448 = tpu.memref_squeeze %dma_start3A_447 : memref<1x2x128xi32, #tpu.memory_space<vmem>> -> memref<2x128xi32, #tpu.memory_space<vmem>>
          %dma_start3A_449 = arith.constant 0 : i32
          %dma_start3A_450 = tpu.memref_slice %arg2[%dma_start3A_449, %mul3A_437] : memref<2x320000xi32, #tpu.memory_space<hbm>> -> memref<2x128xi32, #tpu.memory_space<hbm>>
          tpu.enqueue_dma source(%dma_start3A_450 : memref<2x128xi32, #tpu.memory_space<hbm>>) target(%dma_start3A_448 : memref<2x128xi32, #tpu.memory_space<vmem>>) target_semaphore(%arg8 : memref<!tpu.dma_semaphore, #tpu.memory_space<semaphore_mem>>)
        } else {
        }
        %mul3A_408 = arith.constant 32 : i32
        %mul3A_409 = arith.muli %mul3A_408, %while3A_147 : i32
        %add3A_410 = arith.addi %add3A, %mul3A_409 : i32
        %mul3A_411 = arith.constant 128 : i32
        %mul3A_412 = arith.muli %add3A_410, %mul3A_411 : i32
        %dma_wait3A = arith.constant 6 : i32
        %dma_wait3A_413 = arith.constant 0 : i32
        %dma_wait3A_414 = arith.constant 0 : i32
        %dma_wait3A_415 = tpu.memref_slice %arg5[%dma_wait3A, %dma_wait3A_413, %dma_wait3A_414] : memref<12x2x128xi32, #tpu.memory_space<vmem>> -> memref<1x2x128xi32, #tpu.memory_space<vmem>>
        %dma_wait3A_416 = tpu.memref_squeeze %dma_wait3A_415 : memref<1x2x128xi32, #tpu.memory_space<vmem>> -> memref<2x128xi32, #tpu.memory_space<vmem>>
        %dma_wait3A_417 = arith.constant 0 : i32
        %dma_wait3A_418 = tpu.memref_slice %arg2[%dma_wait3A_417, %mul3A_412] : memref<2x320000xi32, #tpu.memory_space<hbm>> -> memref<2x128xi32, #tpu.memory_space<hbm>>
        %dma_wait3A_419 = arith.constant 0 : i32
        %dma_wait3A_420 = arith.constant 0 : i32
        %dma_wait3A_421 = tpu.memref_slice %arg5[%dma_wait3A, %dma_wait3A_419, %dma_wait3A_420] : memref<12x2x128xi32, #tpu.memory_space<vmem>> -> memref<1x2x128xi32, #tpu.memory_space<vmem>>
        %dma_wait3A_422 = tpu.memref_squeeze %dma_wait3A_421 : memref<1x2x128xi32, #tpu.memory_space<vmem>> -> memref<2x128xi32, #tpu.memory_space<vmem>>
        %dma_wait3A_423 = arith.constant 0 : i32
        %dma_wait3A_424 = tpu.memref_slice %arg2[%dma_wait3A_423, %mul3A_412] : memref<2x320000xi32, #tpu.memory_space<hbm>> -> memref<2x128xi32, #tpu.memory_space<hbm>>
        tpu.wait_dma2 semaphore(%arg14 : memref<!tpu.dma_semaphore, #tpu.memory_space<semaphore_mem>>) src(%dma_wait3A_424 : memref<2x128xi32, #tpu.memory_space<hbm>>) dst(%dma_wait3A_422 : memref<2x128xi32, #tpu.memory_space<vmem>>)
        %dma_start3A = arith.constant 6 : i32
        %dma_start3A_425 = arith.constant 1 : i32
        %dma_start3A_426 = arith.constant 0 : i32
        %dma_start3A_427 = tpu.memref_slice %arg5[%dma_start3A, %dma_start3A_425, %dma_start3A_426] : memref<12x2x128xi32, #tpu.memory_space<vmem>> -> memref<1x1x128xi32, #tpu.memory_space<vmem>>
        %dma_start3A_428 = tpu.memref_squeeze %dma_start3A_427 : memref<1x1x128xi32, #tpu.memory_space<vmem>> -> memref<128xi32, #tpu.memory_space<vmem>>
        %dma_start3A_429 = arith.constant 0 : i32
        %dma_start3A_430 = tpu.memref_slice %arg7[%dma_start3A_429] : memref<10240xf32, #tpu.memory_space<vmem_shared>> -> memref<10240xf32, #tpu.memory_space<vmem_shared>>
        tpu.enqueue_indirect_dma source(%arg6 : memref<128xf32, #tpu.memory_space<vmem>>) target(%dma_start3A_430 : memref<10240xf32, #tpu.memory_space<vmem_shared>>) offsets(%dma_start3A_428 : memref<128xi32, #tpu.memory_space<vmem>>) semaphore(%arg20 : memref<!tpu.dma_semaphore, #tpu.memory_space<semaphore_mem>>) {add = true}
      } else {
      }
      %jit3A_291 = arith.constant 12 : i32
      %eq3A_292 = arith.constant 0 : i32
      %eq3A_293 = arith.cmpi eq, %jit3A_291, %eq3A_292 : i32
      %jit3A_294 = arith.constant 1 : i32
      %select_n3A_295 = arith.select %eq3A_293, %jit3A_294, %jit3A_291 : i32
      %rem3A_296 = arith.remsi %while3A_147, %select_n3A_295 : i32
      %ne3A_297 = arith.constant 0 : i32
      %ne3A_298 = arith.cmpi ne, %rem3A_296, %ne3A_297 : i32
      %lt3A_299 = arith.constant 0 : i32
      %lt3A_300 = arith.cmpi slt, %rem3A_296, %lt3A_299 : i32
      %lt3A_301 = arith.constant 0 : i32
      %lt3A_302 = arith.cmpi slt, %select_n3A_295, %lt3A_301 : i32
      %ne3A_303 = arith.xori %lt3A_300, %lt3A_302 : i1
      %and3A_304 = arith.andi %ne3A_303, %ne3A_298 : i1
      %add3A_305 = arith.addi %rem3A_296, %select_n3A_295 : i32
      %select_n3A_306 = arith.select %and3A_304, %add3A_305, %rem3A_296 : i32
      %eq3A_307 = arith.constant 7 : i32
      %eq3A_308 = arith.cmpi eq, %select_n3A_306, %eq3A_307 : i32
      %convert_element_type3A_309 = arith.extui %eq3A_308 : i1 to i32
      %cond3A_310 = arith.constant 0 : i32
      %cond3A_311 = arith.cmpi ne, %convert_element_type3A_309, %cond3A_310 : i32
      scf.if %cond3A_311 {
        %ge3A_396 = arith.constant 6 : i32
        %ge3A_397 = arith.cmpi sge, %while3A_147, %ge3A_396 : i32
        %convert_element_type3A_398 = arith.extui %ge3A_397 : i1 to i32
        %cond3A_399 = arith.constant 0 : i32
        %cond3A_400 = arith.cmpi ne, %convert_element_type3A_398, %cond3A_399 : i32
        scf.if %cond3A_400 {
          %dma_wait3A_431 = arith.constant 1 : i32
          %dma_wait3A_432 = arith.constant 1 : i32
          %dma_wait3A_433 = arith.constant 0 : i32
          %dma_wait3A_434 = tpu.memref_slice %arg5[%dma_wait3A_431, %dma_wait3A_432, %dma_wait3A_433] : memref<12x2x128xi32, #tpu.memory_space<vmem>> -> memref<1x1x128xi32, #tpu.memory_space<vmem>>
          %dma_wait3A_435 = tpu.memref_squeeze %dma_wait3A_434 : memref<1x1x128xi32, #tpu.memory_space<vmem>> -> memref<128xi32, #tpu.memory_space<vmem>>
          %dma_wait3A_436 = arith.constant 0 : i32
          %dma_wait3A_437 = tpu.memref_slice %arg7[%dma_wait3A_436] : memref<10240xf32, #tpu.memory_space<vmem_shared>> -> memref<10240xf32, #tpu.memory_space<vmem_shared>>
          tpu.wait_indirect_dma semaphore(%arg21 : memref<!tpu.dma_semaphore, #tpu.memory_space<semaphore_mem>>) src(%arg6 : memref<128xf32, #tpu.memory_space<vmem>>) dst(%dma_wait3A_437 : memref<10240xf32, #tpu.memory_space<vmem_shared>>)
        } else {
        }
        %add3A_401 = arith.constant 6 : i32
        %add3A_402 = arith.addi %while3A_147, %add3A_401 : i32
        %sub3A_403 = arith.constant 1 : i32
        %sub3A_404 = arith.subi %add3A_4, %sub3A_403 : i32
        %le3A = arith.cmpi sle, %add3A_402, %sub3A_404 : i32
        %convert_element_type3A_405 = arith.extui %le3A : i1 to i32
        %cond3A_406 = arith.constant 0 : i32
        %cond3A_407 = arith.cmpi ne, %convert_element_type3A_405, %cond3A_406 : i32
        scf.if %cond3A_407 {
          %add3A_431 = arith.constant 6 : i32
          %add3A_432 = arith.addi %while3A_147, %add3A_431 : i32
          %mul3A_433 = arith.constant 32 : i32
          %mul3A_434 = arith.muli %mul3A_433, %add3A_432 : i32
          %add3A_435 = arith.addi %add3A, %mul3A_434 : i32
          %mul3A_436 = arith.constant 128 : i32
          %mul3A_437 = arith.muli %add3A_435, %mul3A_436 : i32
          %dma_start3A_438 = arith.constant 1 : i32
          %dma_start3A_439 = arith.constant 0 : i32
          %dma_start3A_440 = arith.constant 0 : i32
          %dma_start3A_441 = tpu.memref_slice %arg5[%dma_start3A_438, %dma_start3A_439, %dma_start3A_440] : memref<12x2x128xi32, #tpu.memory_space<vmem>> -> memref<1x2x128xi32, #tpu.memory_space<vmem>>
          %dma_start3A_442 = tpu.memref_squeeze %dma_start3A_441 : memref<1x2x128xi32, #tpu.memory_space<vmem>> -> memref<2x128xi32, #tpu.memory_space<vmem>>
          %dma_start3A_443 = arith.constant 0 : i32
          %dma_start3A_444 = tpu.memref_slice %arg2[%dma_start3A_443, %mul3A_437] : memref<2x320000xi32, #tpu.memory_space<hbm>> -> memref<2x128xi32, #tpu.memory_space<hbm>>
          %dma_start3A_445 = arith.constant 0 : i32
          %dma_start3A_446 = arith.constant 0 : i32
          %dma_start3A_447 = tpu.memref_slice %arg5[%dma_start3A_438, %dma_start3A_445, %dma_start3A_446] : memref<12x2x128xi32, #tpu.memory_space<vmem>> -> memref<1x2x128xi32, #tpu.memory_space<vmem>>
          %dma_start3A_448 = tpu.memref_squeeze %dma_start3A_447 : memref<1x2x128xi32, #tpu.memory_space<vmem>> -> memref<2x128xi32, #tpu.memory_space<vmem>>
          %dma_start3A_449 = arith.constant 0 : i32
          %dma_start3A_450 = tpu.memref_slice %arg2[%dma_start3A_449, %mul3A_437] : memref<2x320000xi32, #tpu.memory_space<hbm>> -> memref<2x128xi32, #tpu.memory_space<hbm>>
          tpu.enqueue_dma source(%dma_start3A_450 : memref<2x128xi32, #tpu.memory_space<hbm>>) target(%dma_start3A_448 : memref<2x128xi32, #tpu.memory_space<vmem>>) target_semaphore(%arg9 : memref<!tpu.dma_semaphore, #tpu.memory_space<semaphore_mem>>)
        } else {
        }
        %mul3A_408 = arith.constant 32 : i32
        %mul3A_409 = arith.muli %mul3A_408, %while3A_147 : i32
        %add3A_410 = arith.addi %add3A, %mul3A_409 : i32
        %mul3A_411 = arith.constant 128 : i32
        %mul3A_412 = arith.muli %add3A_410, %mul3A_411 : i32
        %dma_wait3A = arith.constant 7 : i32
        %dma_wait3A_413 = arith.constant 0 : i32
        %dma_wait3A_414 = arith.constant 0 : i32
        %dma_wait3A_415 = tpu.memref_slice %arg5[%dma_wait3A, %dma_wait3A_413, %dma_wait3A_414] : memref<12x2x128xi32, #tpu.memory_space<vmem>> -> memref<1x2x128xi32, #tpu.memory_space<vmem>>
        %dma_wait3A_416 = tpu.memref_squeeze %dma_wait3A_415 : memref<1x2x128xi32, #tpu.memory_space<vmem>> -> memref<2x128xi32, #tpu.memory_space<vmem>>
        %dma_wait3A_417 = arith.constant 0 : i32
        %dma_wait3A_418 = tpu.memref_slice %arg2[%dma_wait3A_417, %mul3A_412] : memref<2x320000xi32, #tpu.memory_space<hbm>> -> memref<2x128xi32, #tpu.memory_space<hbm>>
        %dma_wait3A_419 = arith.constant 0 : i32
        %dma_wait3A_420 = arith.constant 0 : i32
        %dma_wait3A_421 = tpu.memref_slice %arg5[%dma_wait3A, %dma_wait3A_419, %dma_wait3A_420] : memref<12x2x128xi32, #tpu.memory_space<vmem>> -> memref<1x2x128xi32, #tpu.memory_space<vmem>>
        %dma_wait3A_422 = tpu.memref_squeeze %dma_wait3A_421 : memref<1x2x128xi32, #tpu.memory_space<vmem>> -> memref<2x128xi32, #tpu.memory_space<vmem>>
        %dma_wait3A_423 = arith.constant 0 : i32
        %dma_wait3A_424 = tpu.memref_slice %arg2[%dma_wait3A_423, %mul3A_412] : memref<2x320000xi32, #tpu.memory_space<hbm>> -> memref<2x128xi32, #tpu.memory_space<hbm>>
        tpu.wait_dma2 semaphore(%arg15 : memref<!tpu.dma_semaphore, #tpu.memory_space<semaphore_mem>>) src(%dma_wait3A_424 : memref<2x128xi32, #tpu.memory_space<hbm>>) dst(%dma_wait3A_422 : memref<2x128xi32, #tpu.memory_space<vmem>>)
        %dma_start3A = arith.constant 7 : i32
        %dma_start3A_425 = arith.constant 1 : i32
        %dma_start3A_426 = arith.constant 0 : i32
        %dma_start3A_427 = tpu.memref_slice %arg5[%dma_start3A, %dma_start3A_425, %dma_start3A_426] : memref<12x2x128xi32, #tpu.memory_space<vmem>> -> memref<1x1x128xi32, #tpu.memory_space<vmem>>
        %dma_start3A_428 = tpu.memref_squeeze %dma_start3A_427 : memref<1x1x128xi32, #tpu.memory_space<vmem>> -> memref<128xi32, #tpu.memory_space<vmem>>
        %dma_start3A_429 = arith.constant 0 : i32
        %dma_start3A_430 = tpu.memref_slice %arg7[%dma_start3A_429] : memref<10240xf32, #tpu.memory_space<vmem_shared>> -> memref<10240xf32, #tpu.memory_space<vmem_shared>>
        tpu.enqueue_indirect_dma source(%arg6 : memref<128xf32, #tpu.memory_space<vmem>>) target(%dma_start3A_430 : memref<10240xf32, #tpu.memory_space<vmem_shared>>) offsets(%dma_start3A_428 : memref<128xi32, #tpu.memory_space<vmem>>) semaphore(%arg21 : memref<!tpu.dma_semaphore, #tpu.memory_space<semaphore_mem>>) {add = true}
      } else {
      }
      %jit3A_312 = arith.constant 12 : i32
      %eq3A_313 = arith.constant 0 : i32
      %eq3A_314 = arith.cmpi eq, %jit3A_312, %eq3A_313 : i32
      %jit3A_315 = arith.constant 1 : i32
      %select_n3A_316 = arith.select %eq3A_314, %jit3A_315, %jit3A_312 : i32
      %rem3A_317 = arith.remsi %while3A_147, %select_n3A_316 : i32
      %ne3A_318 = arith.constant 0 : i32
      %ne3A_319 = arith.cmpi ne, %rem3A_317, %ne3A_318 : i32
      %lt3A_320 = arith.constant 0 : i32
      %lt3A_321 = arith.cmpi slt, %rem3A_317, %lt3A_320 : i32
      %lt3A_322 = arith.constant 0 : i32
      %lt3A_323 = arith.cmpi slt, %select_n3A_316, %lt3A_322 : i32
      %ne3A_324 = arith.xori %lt3A_321, %lt3A_323 : i1
      %and3A_325 = arith.andi %ne3A_324, %ne3A_319 : i1
      %add3A_326 = arith.addi %rem3A_317, %select_n3A_316 : i32
      %select_n3A_327 = arith.select %and3A_325, %add3A_326, %rem3A_317 : i32
      %eq3A_328 = arith.constant 8 : i32
      %eq3A_329 = arith.cmpi eq, %select_n3A_327, %eq3A_328 : i32
      %convert_element_type3A_330 = arith.extui %eq3A_329 : i1 to i32
      %cond3A_331 = arith.constant 0 : i32
      %cond3A_332 = arith.cmpi ne, %convert_element_type3A_330, %cond3A_331 : i32
      scf.if %cond3A_332 {
        %ge3A_396 = arith.constant 6 : i32
        %ge3A_397 = arith.cmpi sge, %while3A_147, %ge3A_396 : i32
        %convert_element_type3A_398 = arith.extui %ge3A_397 : i1 to i32
        %cond3A_399 = arith.constant 0 : i32
        %cond3A_400 = arith.cmpi ne, %convert_element_type3A_398, %cond3A_399 : i32
        scf.if %cond3A_400 {
          %dma_wait3A_431 = arith.constant 2 : i32
          %dma_wait3A_432 = arith.constant 1 : i32
          %dma_wait3A_433 = arith.constant 0 : i32
          %dma_wait3A_434 = tpu.memref_slice %arg5[%dma_wait3A_431, %dma_wait3A_432, %dma_wait3A_433] : memref<12x2x128xi32, #tpu.memory_space<vmem>> -> memref<1x1x128xi32, #tpu.memory_space<vmem>>
          %dma_wait3A_435 = tpu.memref_squeeze %dma_wait3A_434 : memref<1x1x128xi32, #tpu.memory_space<vmem>> -> memref<128xi32, #tpu.memory_space<vmem>>
          %dma_wait3A_436 = arith.constant 0 : i32
          %dma_wait3A_437 = tpu.memref_slice %arg7[%dma_wait3A_436] : memref<10240xf32, #tpu.memory_space<vmem_shared>> -> memref<10240xf32, #tpu.memory_space<vmem_shared>>
          tpu.wait_indirect_dma semaphore(%arg22 : memref<!tpu.dma_semaphore, #tpu.memory_space<semaphore_mem>>) src(%arg6 : memref<128xf32, #tpu.memory_space<vmem>>) dst(%dma_wait3A_437 : memref<10240xf32, #tpu.memory_space<vmem_shared>>)
        } else {
        }
        %add3A_401 = arith.constant 6 : i32
        %add3A_402 = arith.addi %while3A_147, %add3A_401 : i32
        %sub3A_403 = arith.constant 1 : i32
        %sub3A_404 = arith.subi %add3A_4, %sub3A_403 : i32
        %le3A = arith.cmpi sle, %add3A_402, %sub3A_404 : i32
        %convert_element_type3A_405 = arith.extui %le3A : i1 to i32
        %cond3A_406 = arith.constant 0 : i32
        %cond3A_407 = arith.cmpi ne, %convert_element_type3A_405, %cond3A_406 : i32
        scf.if %cond3A_407 {
          %add3A_431 = arith.constant 6 : i32
          %add3A_432 = arith.addi %while3A_147, %add3A_431 : i32
          %mul3A_433 = arith.constant 32 : i32
          %mul3A_434 = arith.muli %mul3A_433, %add3A_432 : i32
          %add3A_435 = arith.addi %add3A, %mul3A_434 : i32
          %mul3A_436 = arith.constant 128 : i32
          %mul3A_437 = arith.muli %add3A_435, %mul3A_436 : i32
          %dma_start3A_438 = arith.constant 2 : i32
          %dma_start3A_439 = arith.constant 0 : i32
          %dma_start3A_440 = arith.constant 0 : i32
          %dma_start3A_441 = tpu.memref_slice %arg5[%dma_start3A_438, %dma_start3A_439, %dma_start3A_440] : memref<12x2x128xi32, #tpu.memory_space<vmem>> -> memref<1x2x128xi32, #tpu.memory_space<vmem>>
          %dma_start3A_442 = tpu.memref_squeeze %dma_start3A_441 : memref<1x2x128xi32, #tpu.memory_space<vmem>> -> memref<2x128xi32, #tpu.memory_space<vmem>>
          %dma_start3A_443 = arith.constant 0 : i32
          %dma_start3A_444 = tpu.memref_slice %arg2[%dma_start3A_443, %mul3A_437] : memref<2x320000xi32, #tpu.memory_space<hbm>> -> memref<2x128xi32, #tpu.memory_space<hbm>>
          %dma_start3A_445 = arith.constant 0 : i32
          %dma_start3A_446 = arith.constant 0 : i32
          %dma_start3A_447 = tpu.memref_slice %arg5[%dma_start3A_438, %dma_start3A_445, %dma_start3A_446] : memref<12x2x128xi32, #tpu.memory_space<vmem>> -> memref<1x2x128xi32, #tpu.memory_space<vmem>>
          %dma_start3A_448 = tpu.memref_squeeze %dma_start3A_447 : memref<1x2x128xi32, #tpu.memory_space<vmem>> -> memref<2x128xi32, #tpu.memory_space<vmem>>
          %dma_start3A_449 = arith.constant 0 : i32
          %dma_start3A_450 = tpu.memref_slice %arg2[%dma_start3A_449, %mul3A_437] : memref<2x320000xi32, #tpu.memory_space<hbm>> -> memref<2x128xi32, #tpu.memory_space<hbm>>
          tpu.enqueue_dma source(%dma_start3A_450 : memref<2x128xi32, #tpu.memory_space<hbm>>) target(%dma_start3A_448 : memref<2x128xi32, #tpu.memory_space<vmem>>) target_semaphore(%arg10 : memref<!tpu.dma_semaphore, #tpu.memory_space<semaphore_mem>>)
        } else {
        }
        %mul3A_408 = arith.constant 32 : i32
        %mul3A_409 = arith.muli %mul3A_408, %while3A_147 : i32
        %add3A_410 = arith.addi %add3A, %mul3A_409 : i32
        %mul3A_411 = arith.constant 128 : i32
        %mul3A_412 = arith.muli %add3A_410, %mul3A_411 : i32
        %dma_wait3A = arith.constant 8 : i32
        %dma_wait3A_413 = arith.constant 0 : i32
        %dma_wait3A_414 = arith.constant 0 : i32
        %dma_wait3A_415 = tpu.memref_slice %arg5[%dma_wait3A, %dma_wait3A_413, %dma_wait3A_414] : memref<12x2x128xi32, #tpu.memory_space<vmem>> -> memref<1x2x128xi32, #tpu.memory_space<vmem>>
        %dma_wait3A_416 = tpu.memref_squeeze %dma_wait3A_415 : memref<1x2x128xi32, #tpu.memory_space<vmem>> -> memref<2x128xi32, #tpu.memory_space<vmem>>
        %dma_wait3A_417 = arith.constant 0 : i32
        %dma_wait3A_418 = tpu.memref_slice %arg2[%dma_wait3A_417, %mul3A_412] : memref<2x320000xi32, #tpu.memory_space<hbm>> -> memref<2x128xi32, #tpu.memory_space<hbm>>
        %dma_wait3A_419 = arith.constant 0 : i32
        %dma_wait3A_420 = arith.constant 0 : i32
        %dma_wait3A_421 = tpu.memref_slice %arg5[%dma_wait3A, %dma_wait3A_419, %dma_wait3A_420] : memref<12x2x128xi32, #tpu.memory_space<vmem>> -> memref<1x2x128xi32, #tpu.memory_space<vmem>>
        %dma_wait3A_422 = tpu.memref_squeeze %dma_wait3A_421 : memref<1x2x128xi32, #tpu.memory_space<vmem>> -> memref<2x128xi32, #tpu.memory_space<vmem>>
        %dma_wait3A_423 = arith.constant 0 : i32
        %dma_wait3A_424 = tpu.memref_slice %arg2[%dma_wait3A_423, %mul3A_412] : memref<2x320000xi32, #tpu.memory_space<hbm>> -> memref<2x128xi32, #tpu.memory_space<hbm>>
        tpu.wait_dma2 semaphore(%arg16 : memref<!tpu.dma_semaphore, #tpu.memory_space<semaphore_mem>>) src(%dma_wait3A_424 : memref<2x128xi32, #tpu.memory_space<hbm>>) dst(%dma_wait3A_422 : memref<2x128xi32, #tpu.memory_space<vmem>>)
        %dma_start3A = arith.constant 8 : i32
        %dma_start3A_425 = arith.constant 1 : i32
        %dma_start3A_426 = arith.constant 0 : i32
        %dma_start3A_427 = tpu.memref_slice %arg5[%dma_start3A, %dma_start3A_425, %dma_start3A_426] : memref<12x2x128xi32, #tpu.memory_space<vmem>> -> memref<1x1x128xi32, #tpu.memory_space<vmem>>
        %dma_start3A_428 = tpu.memref_squeeze %dma_start3A_427 : memref<1x1x128xi32, #tpu.memory_space<vmem>> -> memref<128xi32, #tpu.memory_space<vmem>>
        %dma_start3A_429 = arith.constant 0 : i32
        %dma_start3A_430 = tpu.memref_slice %arg7[%dma_start3A_429] : memref<10240xf32, #tpu.memory_space<vmem_shared>> -> memref<10240xf32, #tpu.memory_space<vmem_shared>>
        tpu.enqueue_indirect_dma source(%arg6 : memref<128xf32, #tpu.memory_space<vmem>>) target(%dma_start3A_430 : memref<10240xf32, #tpu.memory_space<vmem_shared>>) offsets(%dma_start3A_428 : memref<128xi32, #tpu.memory_space<vmem>>) semaphore(%arg22 : memref<!tpu.dma_semaphore, #tpu.memory_space<semaphore_mem>>) {add = true}
      } else {
      }
      %jit3A_333 = arith.constant 12 : i32
      %eq3A_334 = arith.constant 0 : i32
      %eq3A_335 = arith.cmpi eq, %jit3A_333, %eq3A_334 : i32
      %jit3A_336 = arith.constant 1 : i32
      %select_n3A_337 = arith.select %eq3A_335, %jit3A_336, %jit3A_333 : i32
      %rem3A_338 = arith.remsi %while3A_147, %select_n3A_337 : i32
      %ne3A_339 = arith.constant 0 : i32
      %ne3A_340 = arith.cmpi ne, %rem3A_338, %ne3A_339 : i32
      %lt3A_341 = arith.constant 0 : i32
      %lt3A_342 = arith.cmpi slt, %rem3A_338, %lt3A_341 : i32
      %lt3A_343 = arith.constant 0 : i32
      %lt3A_344 = arith.cmpi slt, %select_n3A_337, %lt3A_343 : i32
      %ne3A_345 = arith.xori %lt3A_342, %lt3A_344 : i1
      %and3A_346 = arith.andi %ne3A_345, %ne3A_340 : i1
      %add3A_347 = arith.addi %rem3A_338, %select_n3A_337 : i32
      %select_n3A_348 = arith.select %and3A_346, %add3A_347, %rem3A_338 : i32
      %eq3A_349 = arith.constant 9 : i32
      %eq3A_350 = arith.cmpi eq, %select_n3A_348, %eq3A_349 : i32
      %convert_element_type3A_351 = arith.extui %eq3A_350 : i1 to i32
      %cond3A_352 = arith.constant 0 : i32
      %cond3A_353 = arith.cmpi ne, %convert_element_type3A_351, %cond3A_352 : i32
      scf.if %cond3A_353 {
        %ge3A_396 = arith.constant 6 : i32
        %ge3A_397 = arith.cmpi sge, %while3A_147, %ge3A_396 : i32
        %convert_element_type3A_398 = arith.extui %ge3A_397 : i1 to i32
        %cond3A_399 = arith.constant 0 : i32
        %cond3A_400 = arith.cmpi ne, %convert_element_type3A_398, %cond3A_399 : i32
        scf.if %cond3A_400 {
          %dma_wait3A_431 = arith.constant 3 : i32
          %dma_wait3A_432 = arith.constant 1 : i32
          %dma_wait3A_433 = arith.constant 0 : i32
          %dma_wait3A_434 = tpu.memref_slice %arg5[%dma_wait3A_431, %dma_wait3A_432, %dma_wait3A_433] : memref<12x2x128xi32, #tpu.memory_space<vmem>> -> memref<1x1x128xi32, #tpu.memory_space<vmem>>
          %dma_wait3A_435 = tpu.memref_squeeze %dma_wait3A_434 : memref<1x1x128xi32, #tpu.memory_space<vmem>> -> memref<128xi32, #tpu.memory_space<vmem>>
          %dma_wait3A_436 = arith.constant 0 : i32
          %dma_wait3A_437 = tpu.memref_slice %arg7[%dma_wait3A_436] : memref<10240xf32, #tpu.memory_space<vmem_shared>> -> memref<10240xf32, #tpu.memory_space<vmem_shared>>
          tpu.wait_indirect_dma semaphore(%arg23 : memref<!tpu.dma_semaphore, #tpu.memory_space<semaphore_mem>>) src(%arg6 : memref<128xf32, #tpu.memory_space<vmem>>) dst(%dma_wait3A_437 : memref<10240xf32, #tpu.memory_space<vmem_shared>>)
        } else {
        }
        %add3A_401 = arith.constant 6 : i32
        %add3A_402 = arith.addi %while3A_147, %add3A_401 : i32
        %sub3A_403 = arith.constant 1 : i32
        %sub3A_404 = arith.subi %add3A_4, %sub3A_403 : i32
        %le3A = arith.cmpi sle, %add3A_402, %sub3A_404 : i32
        %convert_element_type3A_405 = arith.extui %le3A : i1 to i32
        %cond3A_406 = arith.constant 0 : i32
        %cond3A_407 = arith.cmpi ne, %convert_element_type3A_405, %cond3A_406 : i32
        scf.if %cond3A_407 {
          %add3A_431 = arith.constant 6 : i32
          %add3A_432 = arith.addi %while3A_147, %add3A_431 : i32
          %mul3A_433 = arith.constant 32 : i32
          %mul3A_434 = arith.muli %mul3A_433, %add3A_432 : i32
          %add3A_435 = arith.addi %add3A, %mul3A_434 : i32
          %mul3A_436 = arith.constant 128 : i32
          %mul3A_437 = arith.muli %add3A_435, %mul3A_436 : i32
          %dma_start3A_438 = arith.constant 3 : i32
          %dma_start3A_439 = arith.constant 0 : i32
          %dma_start3A_440 = arith.constant 0 : i32
          %dma_start3A_441 = tpu.memref_slice %arg5[%dma_start3A_438, %dma_start3A_439, %dma_start3A_440] : memref<12x2x128xi32, #tpu.memory_space<vmem>> -> memref<1x2x128xi32, #tpu.memory_space<vmem>>
          %dma_start3A_442 = tpu.memref_squeeze %dma_start3A_441 : memref<1x2x128xi32, #tpu.memory_space<vmem>> -> memref<2x128xi32, #tpu.memory_space<vmem>>
          %dma_start3A_443 = arith.constant 0 : i32
          %dma_start3A_444 = tpu.memref_slice %arg2[%dma_start3A_443, %mul3A_437] : memref<2x320000xi32, #tpu.memory_space<hbm>> -> memref<2x128xi32, #tpu.memory_space<hbm>>
          %dma_start3A_445 = arith.constant 0 : i32
          %dma_start3A_446 = arith.constant 0 : i32
          %dma_start3A_447 = tpu.memref_slice %arg5[%dma_start3A_438, %dma_start3A_445, %dma_start3A_446] : memref<12x2x128xi32, #tpu.memory_space<vmem>> -> memref<1x2x128xi32, #tpu.memory_space<vmem>>
          %dma_start3A_448 = tpu.memref_squeeze %dma_start3A_447 : memref<1x2x128xi32, #tpu.memory_space<vmem>> -> memref<2x128xi32, #tpu.memory_space<vmem>>
          %dma_start3A_449 = arith.constant 0 : i32
          %dma_start3A_450 = tpu.memref_slice %arg2[%dma_start3A_449, %mul3A_437] : memref<2x320000xi32, #tpu.memory_space<hbm>> -> memref<2x128xi32, #tpu.memory_space<hbm>>
          tpu.enqueue_dma source(%dma_start3A_450 : memref<2x128xi32, #tpu.memory_space<hbm>>) target(%dma_start3A_448 : memref<2x128xi32, #tpu.memory_space<vmem>>) target_semaphore(%arg11 : memref<!tpu.dma_semaphore, #tpu.memory_space<semaphore_mem>>)
        } else {
        }
        %mul3A_408 = arith.constant 32 : i32
        %mul3A_409 = arith.muli %mul3A_408, %while3A_147 : i32
        %add3A_410 = arith.addi %add3A, %mul3A_409 : i32
        %mul3A_411 = arith.constant 128 : i32
        %mul3A_412 = arith.muli %add3A_410, %mul3A_411 : i32
        %dma_wait3A = arith.constant 9 : i32
        %dma_wait3A_413 = arith.constant 0 : i32
        %dma_wait3A_414 = arith.constant 0 : i32
        %dma_wait3A_415 = tpu.memref_slice %arg5[%dma_wait3A, %dma_wait3A_413, %dma_wait3A_414] : memref<12x2x128xi32, #tpu.memory_space<vmem>> -> memref<1x2x128xi32, #tpu.memory_space<vmem>>
        %dma_wait3A_416 = tpu.memref_squeeze %dma_wait3A_415 : memref<1x2x128xi32, #tpu.memory_space<vmem>> -> memref<2x128xi32, #tpu.memory_space<vmem>>
        %dma_wait3A_417 = arith.constant 0 : i32
        %dma_wait3A_418 = tpu.memref_slice %arg2[%dma_wait3A_417, %mul3A_412] : memref<2x320000xi32, #tpu.memory_space<hbm>> -> memref<2x128xi32, #tpu.memory_space<hbm>>
        %dma_wait3A_419 = arith.constant 0 : i32
        %dma_wait3A_420 = arith.constant 0 : i32
        %dma_wait3A_421 = tpu.memref_slice %arg5[%dma_wait3A, %dma_wait3A_419, %dma_wait3A_420] : memref<12x2x128xi32, #tpu.memory_space<vmem>> -> memref<1x2x128xi32, #tpu.memory_space<vmem>>
        %dma_wait3A_422 = tpu.memref_squeeze %dma_wait3A_421 : memref<1x2x128xi32, #tpu.memory_space<vmem>> -> memref<2x128xi32, #tpu.memory_space<vmem>>
        %dma_wait3A_423 = arith.constant 0 : i32
        %dma_wait3A_424 = tpu.memref_slice %arg2[%dma_wait3A_423, %mul3A_412] : memref<2x320000xi32, #tpu.memory_space<hbm>> -> memref<2x128xi32, #tpu.memory_space<hbm>>
        tpu.wait_dma2 semaphore(%arg17 : memref<!tpu.dma_semaphore, #tpu.memory_space<semaphore_mem>>) src(%dma_wait3A_424 : memref<2x128xi32, #tpu.memory_space<hbm>>) dst(%dma_wait3A_422 : memref<2x128xi32, #tpu.memory_space<vmem>>)
        %dma_start3A = arith.constant 9 : i32
        %dma_start3A_425 = arith.constant 1 : i32
        %dma_start3A_426 = arith.constant 0 : i32
        %dma_start3A_427 = tpu.memref_slice %arg5[%dma_start3A, %dma_start3A_425, %dma_start3A_426] : memref<12x2x128xi32, #tpu.memory_space<vmem>> -> memref<1x1x128xi32, #tpu.memory_space<vmem>>
        %dma_start3A_428 = tpu.memref_squeeze %dma_start3A_427 : memref<1x1x128xi32, #tpu.memory_space<vmem>> -> memref<128xi32, #tpu.memory_space<vmem>>
        %dma_start3A_429 = arith.constant 0 : i32
        %dma_start3A_430 = tpu.memref_slice %arg7[%dma_start3A_429] : memref<10240xf32, #tpu.memory_space<vmem_shared>> -> memref<10240xf32, #tpu.memory_space<vmem_shared>>
        tpu.enqueue_indirect_dma source(%arg6 : memref<128xf32, #tpu.memory_space<vmem>>) target(%dma_start3A_430 : memref<10240xf32, #tpu.memory_space<vmem_shared>>) offsets(%dma_start3A_428 : memref<128xi32, #tpu.memory_space<vmem>>) semaphore(%arg23 : memref<!tpu.dma_semaphore, #tpu.memory_space<semaphore_mem>>) {add = true}
      } else {
      }
      %jit3A_354 = arith.constant 12 : i32
      %eq3A_355 = arith.constant 0 : i32
      %eq3A_356 = arith.cmpi eq, %jit3A_354, %eq3A_355 : i32
      %jit3A_357 = arith.constant 1 : i32
      %select_n3A_358 = arith.select %eq3A_356, %jit3A_357, %jit3A_354 : i32
      %rem3A_359 = arith.remsi %while3A_147, %select_n3A_358 : i32
      %ne3A_360 = arith.constant 0 : i32
      %ne3A_361 = arith.cmpi ne, %rem3A_359, %ne3A_360 : i32
      %lt3A_362 = arith.constant 0 : i32
      %lt3A_363 = arith.cmpi slt, %rem3A_359, %lt3A_362 : i32
      %lt3A_364 = arith.constant 0 : i32
      %lt3A_365 = arith.cmpi slt, %select_n3A_358, %lt3A_364 : i32
      %ne3A_366 = arith.xori %lt3A_363, %lt3A_365 : i1
      %and3A_367 = arith.andi %ne3A_366, %ne3A_361 : i1
      %add3A_368 = arith.addi %rem3A_359, %select_n3A_358 : i32
      %select_n3A_369 = arith.select %and3A_367, %add3A_368, %rem3A_359 : i32
      %eq3A_370 = arith.constant 10 : i32
      %eq3A_371 = arith.cmpi eq, %select_n3A_369, %eq3A_370 : i32
      %convert_element_type3A_372 = arith.extui %eq3A_371 : i1 to i32
      %cond3A_373 = arith.constant 0 : i32
      %cond3A_374 = arith.cmpi ne, %convert_element_type3A_372, %cond3A_373 : i32
      scf.if %cond3A_374 {
        %ge3A_396 = arith.constant 6 : i32
        %ge3A_397 = arith.cmpi sge, %while3A_147, %ge3A_396 : i32
        %convert_element_type3A_398 = arith.extui %ge3A_397 : i1 to i32
        %cond3A_399 = arith.constant 0 : i32
        %cond3A_400 = arith.cmpi ne, %convert_element_type3A_398, %cond3A_399 : i32
        scf.if %cond3A_400 {
          %dma_wait3A_431 = arith.constant 4 : i32
          %dma_wait3A_432 = arith.constant 1 : i32
          %dma_wait3A_433 = arith.constant 0 : i32
          %dma_wait3A_434 = tpu.memref_slice %arg5[%dma_wait3A_431, %dma_wait3A_432, %dma_wait3A_433] : memref<12x2x128xi32, #tpu.memory_space<vmem>> -> memref<1x1x128xi32, #tpu.memory_space<vmem>>
          %dma_wait3A_435 = tpu.memref_squeeze %dma_wait3A_434 : memref<1x1x128xi32, #tpu.memory_space<vmem>> -> memref<128xi32, #tpu.memory_space<vmem>>
          %dma_wait3A_436 = arith.constant 0 : i32
          %dma_wait3A_437 = tpu.memref_slice %arg7[%dma_wait3A_436] : memref<10240xf32, #tpu.memory_space<vmem_shared>> -> memref<10240xf32, #tpu.memory_space<vmem_shared>>
          tpu.wait_indirect_dma semaphore(%arg24 : memref<!tpu.dma_semaphore, #tpu.memory_space<semaphore_mem>>) src(%arg6 : memref<128xf32, #tpu.memory_space<vmem>>) dst(%dma_wait3A_437 : memref<10240xf32, #tpu.memory_space<vmem_shared>>)
        } else {
        }
        %add3A_401 = arith.constant 6 : i32
        %add3A_402 = arith.addi %while3A_147, %add3A_401 : i32
        %sub3A_403 = arith.constant 1 : i32
        %sub3A_404 = arith.subi %add3A_4, %sub3A_403 : i32
        %le3A = arith.cmpi sle, %add3A_402, %sub3A_404 : i32
        %convert_element_type3A_405 = arith.extui %le3A : i1 to i32
        %cond3A_406 = arith.constant 0 : i32
        %cond3A_407 = arith.cmpi ne, %convert_element_type3A_405, %cond3A_406 : i32
        scf.if %cond3A_407 {
          %add3A_431 = arith.constant 6 : i32
          %add3A_432 = arith.addi %while3A_147, %add3A_431 : i32
          %mul3A_433 = arith.constant 32 : i32
          %mul3A_434 = arith.muli %mul3A_433, %add3A_432 : i32
          %add3A_435 = arith.addi %add3A, %mul3A_434 : i32
          %mul3A_436 = arith.constant 128 : i32
          %mul3A_437 = arith.muli %add3A_435, %mul3A_436 : i32
          %dma_start3A_438 = arith.constant 4 : i32
          %dma_start3A_439 = arith.constant 0 : i32
          %dma_start3A_440 = arith.constant 0 : i32
          %dma_start3A_441 = tpu.memref_slice %arg5[%dma_start3A_438, %dma_start3A_439, %dma_start3A_440] : memref<12x2x128xi32, #tpu.memory_space<vmem>> -> memref<1x2x128xi32, #tpu.memory_space<vmem>>
          %dma_start3A_442 = tpu.memref_squeeze %dma_start3A_441 : memref<1x2x128xi32, #tpu.memory_space<vmem>> -> memref<2x128xi32, #tpu.memory_space<vmem>>
          %dma_start3A_443 = arith.constant 0 : i32
          %dma_start3A_444 = tpu.memref_slice %arg2[%dma_start3A_443, %mul3A_437] : memref<2x320000xi32, #tpu.memory_space<hbm>> -> memref<2x128xi32, #tpu.memory_space<hbm>>
          %dma_start3A_445 = arith.constant 0 : i32
          %dma_start3A_446 = arith.constant 0 : i32
          %dma_start3A_447 = tpu.memref_slice %arg5[%dma_start3A_438, %dma_start3A_445, %dma_start3A_446] : memref<12x2x128xi32, #tpu.memory_space<vmem>> -> memref<1x2x128xi32, #tpu.memory_space<vmem>>
          %dma_start3A_448 = tpu.memref_squeeze %dma_start3A_447 : memref<1x2x128xi32, #tpu.memory_space<vmem>> -> memref<2x128xi32, #tpu.memory_space<vmem>>
          %dma_start3A_449 = arith.constant 0 : i32
          %dma_start3A_450 = tpu.memref_slice %arg2[%dma_start3A_449, %mul3A_437] : memref<2x320000xi32, #tpu.memory_space<hbm>> -> memref<2x128xi32, #tpu.memory_space<hbm>>
          tpu.enqueue_dma source(%dma_start3A_450 : memref<2x128xi32, #tpu.memory_space<hbm>>) target(%dma_start3A_448 : memref<2x128xi32, #tpu.memory_space<vmem>>) target_semaphore(%arg12 : memref<!tpu.dma_semaphore, #tpu.memory_space<semaphore_mem>>)
        } else {
        }
        %mul3A_408 = arith.constant 32 : i32
        %mul3A_409 = arith.muli %mul3A_408, %while3A_147 : i32
        %add3A_410 = arith.addi %add3A, %mul3A_409 : i32
        %mul3A_411 = arith.constant 128 : i32
        %mul3A_412 = arith.muli %add3A_410, %mul3A_411 : i32
        %dma_wait3A = arith.constant 10 : i32
        %dma_wait3A_413 = arith.constant 0 : i32
        %dma_wait3A_414 = arith.constant 0 : i32
        %dma_wait3A_415 = tpu.memref_slice %arg5[%dma_wait3A, %dma_wait3A_413, %dma_wait3A_414] : memref<12x2x128xi32, #tpu.memory_space<vmem>> -> memref<1x2x128xi32, #tpu.memory_space<vmem>>
        %dma_wait3A_416 = tpu.memref_squeeze %dma_wait3A_415 : memref<1x2x128xi32, #tpu.memory_space<vmem>> -> memref<2x128xi32, #tpu.memory_space<vmem>>
        %dma_wait3A_417 = arith.constant 0 : i32
        %dma_wait3A_418 = tpu.memref_slice %arg2[%dma_wait3A_417, %mul3A_412] : memref<2x320000xi32, #tpu.memory_space<hbm>> -> memref<2x128xi32, #tpu.memory_space<hbm>>
        %dma_wait3A_419 = arith.constant 0 : i32
        %dma_wait3A_420 = arith.constant 0 : i32
        %dma_wait3A_421 = tpu.memref_slice %arg5[%dma_wait3A, %dma_wait3A_419, %dma_wait3A_420] : memref<12x2x128xi32, #tpu.memory_space<vmem>> -> memref<1x2x128xi32, #tpu.memory_space<vmem>>
        %dma_wait3A_422 = tpu.memref_squeeze %dma_wait3A_421 : memref<1x2x128xi32, #tpu.memory_space<vmem>> -> memref<2x128xi32, #tpu.memory_space<vmem>>
        %dma_wait3A_423 = arith.constant 0 : i32
        %dma_wait3A_424 = tpu.memref_slice %arg2[%dma_wait3A_423, %mul3A_412] : memref<2x320000xi32, #tpu.memory_space<hbm>> -> memref<2x128xi32, #tpu.memory_space<hbm>>
        tpu.wait_dma2 semaphore(%arg18 : memref<!tpu.dma_semaphore, #tpu.memory_space<semaphore_mem>>) src(%dma_wait3A_424 : memref<2x128xi32, #tpu.memory_space<hbm>>) dst(%dma_wait3A_422 : memref<2x128xi32, #tpu.memory_space<vmem>>)
        %dma_start3A = arith.constant 10 : i32
        %dma_start3A_425 = arith.constant 1 : i32
        %dma_start3A_426 = arith.constant 0 : i32
        %dma_start3A_427 = tpu.memref_slice %arg5[%dma_start3A, %dma_start3A_425, %dma_start3A_426] : memref<12x2x128xi32, #tpu.memory_space<vmem>> -> memref<1x1x128xi32, #tpu.memory_space<vmem>>
        %dma_start3A_428 = tpu.memref_squeeze %dma_start3A_427 : memref<1x1x128xi32, #tpu.memory_space<vmem>> -> memref<128xi32, #tpu.memory_space<vmem>>
        %dma_start3A_429 = arith.constant 0 : i32
        %dma_start3A_430 = tpu.memref_slice %arg7[%dma_start3A_429] : memref<10240xf32, #tpu.memory_space<vmem_shared>> -> memref<10240xf32, #tpu.memory_space<vmem_shared>>
        tpu.enqueue_indirect_dma source(%arg6 : memref<128xf32, #tpu.memory_space<vmem>>) target(%dma_start3A_430 : memref<10240xf32, #tpu.memory_space<vmem_shared>>) offsets(%dma_start3A_428 : memref<128xi32, #tpu.memory_space<vmem>>) semaphore(%arg24 : memref<!tpu.dma_semaphore, #tpu.memory_space<semaphore_mem>>) {add = true}
      } else {
      }
      %jit3A_375 = arith.constant 12 : i32
      %eq3A_376 = arith.constant 0 : i32
      %eq3A_377 = arith.cmpi eq, %jit3A_375, %eq3A_376 : i32
      %jit3A_378 = arith.constant 1 : i32
      %select_n3A_379 = arith.select %eq3A_377, %jit3A_378, %jit3A_375 : i32
      %rem3A_380 = arith.remsi %while3A_147, %select_n3A_379 : i32
      %ne3A_381 = arith.constant 0 : i32
      %ne3A_382 = arith.cmpi ne, %rem3A_380, %ne3A_381 : i32
      %lt3A_383 = arith.constant 0 : i32
      %lt3A_384 = arith.cmpi slt, %rem3A_380, %lt3A_383 : i32
      %lt3A_385 = arith.constant 0 : i32
      %lt3A_386 = arith.cmpi slt, %select_n3A_379, %lt3A_385 : i32
      %ne3A_387 = arith.xori %lt3A_384, %lt3A_386 : i1
      %and3A_388 = arith.andi %ne3A_387, %ne3A_382 : i1
      %add3A_389 = arith.addi %rem3A_380, %select_n3A_379 : i32
      %select_n3A_390 = arith.select %and3A_388, %add3A_389, %rem3A_380 : i32
      %eq3A_391 = arith.constant 11 : i32
      %eq3A_392 = arith.cmpi eq, %select_n3A_390, %eq3A_391 : i32
      %convert_element_type3A_393 = arith.extui %eq3A_392 : i1 to i32
      %cond3A_394 = arith.constant 0 : i32
      %cond3A_395 = arith.cmpi ne, %convert_element_type3A_393, %cond3A_394 : i32
      scf.if %cond3A_395 {
        %ge3A_396 = arith.constant 6 : i32
        %ge3A_397 = arith.cmpi sge, %while3A_147, %ge3A_396 : i32
        %convert_element_type3A_398 = arith.extui %ge3A_397 : i1 to i32
        %cond3A_399 = arith.constant 0 : i32
        %cond3A_400 = arith.cmpi ne, %convert_element_type3A_398, %cond3A_399 : i32
        scf.if %cond3A_400 {
          %dma_wait3A_431 = arith.constant 5 : i32
          %dma_wait3A_432 = arith.constant 1 : i32
          %dma_wait3A_433 = arith.constant 0 : i32
          %dma_wait3A_434 = tpu.memref_slice %arg5[%dma_wait3A_431, %dma_wait3A_432, %dma_wait3A_433] : memref<12x2x128xi32, #tpu.memory_space<vmem>> -> memref<1x1x128xi32, #tpu.memory_space<vmem>>
          %dma_wait3A_435 = tpu.memref_squeeze %dma_wait3A_434 : memref<1x1x128xi32, #tpu.memory_space<vmem>> -> memref<128xi32, #tpu.memory_space<vmem>>
          %dma_wait3A_436 = arith.constant 0 : i32
          %dma_wait3A_437 = tpu.memref_slice %arg7[%dma_wait3A_436] : memref<10240xf32, #tpu.memory_space<vmem_shared>> -> memref<10240xf32, #tpu.memory_space<vmem_shared>>
          tpu.wait_indirect_dma semaphore(%arg25 : memref<!tpu.dma_semaphore, #tpu.memory_space<semaphore_mem>>) src(%arg6 : memref<128xf32, #tpu.memory_space<vmem>>) dst(%dma_wait3A_437 : memref<10240xf32, #tpu.memory_space<vmem_shared>>)
        } else {
        }
        %add3A_401 = arith.constant 6 : i32
        %add3A_402 = arith.addi %while3A_147, %add3A_401 : i32
        %sub3A_403 = arith.constant 1 : i32
        %sub3A_404 = arith.subi %add3A_4, %sub3A_403 : i32
        %le3A = arith.cmpi sle, %add3A_402, %sub3A_404 : i32
        %convert_element_type3A_405 = arith.extui %le3A : i1 to i32
        %cond3A_406 = arith.constant 0 : i32
        %cond3A_407 = arith.cmpi ne, %convert_element_type3A_405, %cond3A_406 : i32
        scf.if %cond3A_407 {
          %add3A_431 = arith.constant 6 : i32
          %add3A_432 = arith.addi %while3A_147, %add3A_431 : i32
          %mul3A_433 = arith.constant 32 : i32
          %mul3A_434 = arith.muli %mul3A_433, %add3A_432 : i32
          %add3A_435 = arith.addi %add3A, %mul3A_434 : i32
          %mul3A_436 = arith.constant 128 : i32
          %mul3A_437 = arith.muli %add3A_435, %mul3A_436 : i32
          %dma_start3A_438 = arith.constant 5 : i32
          %dma_start3A_439 = arith.constant 0 : i32
          %dma_start3A_440 = arith.constant 0 : i32
          %dma_start3A_441 = tpu.memref_slice %arg5[%dma_start3A_438, %dma_start3A_439, %dma_start3A_440] : memref<12x2x128xi32, #tpu.memory_space<vmem>> -> memref<1x2x128xi32, #tpu.memory_space<vmem>>
          %dma_start3A_442 = tpu.memref_squeeze %dma_start3A_441 : memref<1x2x128xi32, #tpu.memory_space<vmem>> -> memref<2x128xi32, #tpu.memory_space<vmem>>
          %dma_start3A_443 = arith.constant 0 : i32
          %dma_start3A_444 = tpu.memref_slice %arg2[%dma_start3A_443, %mul3A_437] : memref<2x320000xi32, #tpu.memory_space<hbm>> -> memref<2x128xi32, #tpu.memory_space<hbm>>
          %dma_start3A_445 = arith.constant 0 : i32
          %dma_start3A_446 = arith.constant 0 : i32
          %dma_start3A_447 = tpu.memref_slice %arg5[%dma_start3A_438, %dma_start3A_445, %dma_start3A_446] : memref<12x2x128xi32, #tpu.memory_space<vmem>> -> memref<1x2x128xi32, #tpu.memory_space<vmem>>
          %dma_start3A_448 = tpu.memref_squeeze %dma_start3A_447 : memref<1x2x128xi32, #tpu.memory_space<vmem>> -> memref<2x128xi32, #tpu.memory_space<vmem>>
          %dma_start3A_449 = arith.constant 0 : i32
          %dma_start3A_450 = tpu.memref_slice %arg2[%dma_start3A_449, %mul3A_437] : memref<2x320000xi32, #tpu.memory_space<hbm>> -> memref<2x128xi32, #tpu.memory_space<hbm>>
          tpu.enqueue_dma source(%dma_start3A_450 : memref<2x128xi32, #tpu.memory_space<hbm>>) target(%dma_start3A_448 : memref<2x128xi32, #tpu.memory_space<vmem>>) target_semaphore(%arg13 : memref<!tpu.dma_semaphore, #tpu.memory_space<semaphore_mem>>)
        } else {
        }
        %mul3A_408 = arith.constant 32 : i32
        %mul3A_409 = arith.muli %mul3A_408, %while3A_147 : i32
        %add3A_410 = arith.addi %add3A, %mul3A_409 : i32
        %mul3A_411 = arith.constant 128 : i32
        %mul3A_412 = arith.muli %add3A_410, %mul3A_411 : i32
        %dma_wait3A = arith.constant 11 : i32
        %dma_wait3A_413 = arith.constant 0 : i32
        %dma_wait3A_414 = arith.constant 0 : i32
        %dma_wait3A_415 = tpu.memref_slice %arg5[%dma_wait3A, %dma_wait3A_413, %dma_wait3A_414] : memref<12x2x128xi32, #tpu.memory_space<vmem>> -> memref<1x2x128xi32, #tpu.memory_space<vmem>>
        %dma_wait3A_416 = tpu.memref_squeeze %dma_wait3A_415 : memref<1x2x128xi32, #tpu.memory_space<vmem>> -> memref<2x128xi32, #tpu.memory_space<vmem>>
        %dma_wait3A_417 = arith.constant 0 : i32
        %dma_wait3A_418 = tpu.memref_slice %arg2[%dma_wait3A_417, %mul3A_412] : memref<2x320000xi32, #tpu.memory_space<hbm>> -> memref<2x128xi32, #tpu.memory_space<hbm>>
        %dma_wait3A_419 = arith.constant 0 : i32
        %dma_wait3A_420 = arith.constant 0 : i32
        %dma_wait3A_421 = tpu.memref_slice %arg5[%dma_wait3A, %dma_wait3A_419, %dma_wait3A_420] : memref<12x2x128xi32, #tpu.memory_space<vmem>> -> memref<1x2x128xi32, #tpu.memory_space<vmem>>
        %dma_wait3A_422 = tpu.memref_squeeze %dma_wait3A_421 : memref<1x2x128xi32, #tpu.memory_space<vmem>> -> memref<2x128xi32, #tpu.memory_space<vmem>>
        %dma_wait3A_423 = arith.constant 0 : i32
        %dma_wait3A_424 = tpu.memref_slice %arg2[%dma_wait3A_423, %mul3A_412] : memref<2x320000xi32, #tpu.memory_space<hbm>> -> memref<2x128xi32, #tpu.memory_space<hbm>>
        tpu.wait_dma2 semaphore(%arg19 : memref<!tpu.dma_semaphore, #tpu.memory_space<semaphore_mem>>) src(%dma_wait3A_424 : memref<2x128xi32, #tpu.memory_space<hbm>>) dst(%dma_wait3A_422 : memref<2x128xi32, #tpu.memory_space<vmem>>)
        %dma_start3A = arith.constant 11 : i32
        %dma_start3A_425 = arith.constant 1 : i32
        %dma_start3A_426 = arith.constant 0 : i32
        %dma_start3A_427 = tpu.memref_slice %arg5[%dma_start3A, %dma_start3A_425, %dma_start3A_426] : memref<12x2x128xi32, #tpu.memory_space<vmem>> -> memref<1x1x128xi32, #tpu.memory_space<vmem>>
        %dma_start3A_428 = tpu.memref_squeeze %dma_start3A_427 : memref<1x1x128xi32, #tpu.memory_space<vmem>> -> memref<128xi32, #tpu.memory_space<vmem>>
        %dma_start3A_429 = arith.constant 0 : i32
        %dma_start3A_430 = tpu.memref_slice %arg7[%dma_start3A_429] : memref<10240xf32, #tpu.memory_space<vmem_shared>> -> memref<10240xf32, #tpu.memory_space<vmem_shared>>
        tpu.enqueue_indirect_dma source(%arg6 : memref<128xf32, #tpu.memory_space<vmem>>) target(%dma_start3A_430 : memref<10240xf32, #tpu.memory_space<vmem_shared>>) offsets(%dma_start3A_428 : memref<128xi32, #tpu.memory_space<vmem>>) semaphore(%arg25 : memref<!tpu.dma_semaphore, #tpu.memory_space<semaphore_mem>>) {add = true}
      } else {
      }
    }
    %while3A_99 = arith.constant 1 : i32
    scf.for %while3A_147 = %while3A_97 to %while3A_93 step %while3A_99  : i32 {
      %jit3A_148 = arith.constant 12 : i32
      %eq3A = arith.constant 0 : i32
      %eq3A_149 = arith.cmpi eq, %jit3A_148, %eq3A : i32
      %jit3A_150 = arith.constant 1 : i32
      %select_n3A_151 = arith.select %eq3A_149, %jit3A_150, %jit3A_148 : i32
      %rem3A = arith.remsi %while3A_147, %select_n3A_151 : i32
      %ne3A = arith.constant 0 : i32
      %ne3A_152 = arith.cmpi ne, %rem3A, %ne3A : i32
      %lt3A_153 = arith.constant 0 : i32
      %lt3A_154 = arith.cmpi slt, %rem3A, %lt3A_153 : i32
      %lt3A_155 = arith.constant 0 : i32
      %lt3A_156 = arith.cmpi slt, %select_n3A_151, %lt3A_155 : i32
      %ne3A_157 = arith.xori %lt3A_154, %lt3A_156 : i1
      %and3A = arith.andi %ne3A_157, %ne3A_152 : i1
      %add3A_158 = arith.addi %rem3A, %select_n3A_151 : i32
      %select_n3A_159 = arith.select %and3A, %add3A_158, %rem3A : i32
      %eq3A_160 = arith.constant 0 : i32
      %eq3A_161 = arith.cmpi eq, %select_n3A_159, %eq3A_160 : i32
      %convert_element_type3A_162 = arith.extui %eq3A_161 : i1 to i32
      %cond3A_163 = arith.constant 0 : i32
      %cond3A_164 = arith.cmpi ne, %convert_element_type3A_162, %cond3A_163 : i32
      scf.if %cond3A_164 {
        %ge3A_396 = arith.constant 6 : i32
        %ge3A_397 = arith.cmpi sge, %while3A_147, %ge3A_396 : i32
        %convert_element_type3A_398 = arith.extui %ge3A_397 : i1 to i32
        %cond3A_399 = arith.constant 0 : i32
        %cond3A_400 = arith.cmpi ne, %convert_element_type3A_398, %cond3A_399 : i32
        scf.if %cond3A_400 {
          %dma_wait3A_431 = arith.constant 6 : i32
          %dma_wait3A_432 = arith.constant 1 : i32
          %dma_wait3A_433 = arith.constant 0 : i32
          %dma_wait3A_434 = tpu.memref_slice %arg5[%dma_wait3A_431, %dma_wait3A_432, %dma_wait3A_433] : memref<12x2x128xi32, #tpu.memory_space<vmem>> -> memref<1x1x128xi32, #tpu.memory_space<vmem>>
          %dma_wait3A_435 = tpu.memref_squeeze %dma_wait3A_434 : memref<1x1x128xi32, #tpu.memory_space<vmem>> -> memref<128xi32, #tpu.memory_space<vmem>>
          %dma_wait3A_436 = arith.constant 0 : i32
          %dma_wait3A_437 = tpu.memref_slice %arg7[%dma_wait3A_436] : memref<10240xf32, #tpu.memory_space<vmem_shared>> -> memref<10240xf32, #tpu.memory_space<vmem_shared>>
          tpu.wait_indirect_dma semaphore(%arg20 : memref<!tpu.dma_semaphore, #tpu.memory_space<semaphore_mem>>) src(%arg6 : memref<128xf32, #tpu.memory_space<vmem>>) dst(%dma_wait3A_437 : memref<10240xf32, #tpu.memory_space<vmem_shared>>)
        } else {
        }
        %add3A_401 = arith.constant 6 : i32
        %add3A_402 = arith.addi %while3A_147, %add3A_401 : i32
        %sub3A_403 = arith.constant 1 : i32
        %sub3A_404 = arith.subi %add3A_4, %sub3A_403 : i32
        %le3A = arith.cmpi sle, %add3A_402, %sub3A_404 : i32
        %convert_element_type3A_405 = arith.extui %le3A : i1 to i32
        %cond3A_406 = arith.constant 0 : i32
        %cond3A_407 = arith.cmpi ne, %convert_element_type3A_405, %cond3A_406 : i32
        scf.if %cond3A_407 {
          %add3A_431 = arith.constant 6 : i32
          %add3A_432 = arith.addi %while3A_147, %add3A_431 : i32
          %mul3A_433 = arith.constant 32 : i32
          %mul3A_434 = arith.muli %mul3A_433, %add3A_432 : i32
          %add3A_435 = arith.addi %add3A, %mul3A_434 : i32
          %mul3A_436 = arith.constant 128 : i32
          %mul3A_437 = arith.muli %add3A_435, %mul3A_436 : i32
          %dma_start3A_438 = arith.constant 6 : i32
          %dma_start3A_439 = arith.constant 0 : i32
          %dma_start3A_440 = arith.constant 0 : i32
          %dma_start3A_441 = tpu.memref_slice %arg5[%dma_start3A_438, %dma_start3A_439, %dma_start3A_440] : memref<12x2x128xi32, #tpu.memory_space<vmem>> -> memref<1x2x128xi32, #tpu.memory_space<vmem>>
          %dma_start3A_442 = tpu.memref_squeeze %dma_start3A_441 : memref<1x2x128xi32, #tpu.memory_space<vmem>> -> memref<2x128xi32, #tpu.memory_space<vmem>>
          %dma_start3A_443 = arith.constant 0 : i32
          %dma_start3A_444 = tpu.memref_slice %arg2[%dma_start3A_443, %mul3A_437] : memref<2x320000xi32, #tpu.memory_space<hbm>> -> memref<2x128xi32, #tpu.memory_space<hbm>>
          %dma_start3A_445 = arith.constant 0 : i32
          %dma_start3A_446 = arith.constant 0 : i32
          %dma_start3A_447 = tpu.memref_slice %arg5[%dma_start3A_438, %dma_start3A_445, %dma_start3A_446] : memref<12x2x128xi32, #tpu.memory_space<vmem>> -> memref<1x2x128xi32, #tpu.memory_space<vmem>>
          %dma_start3A_448 = tpu.memref_squeeze %dma_start3A_447 : memref<1x2x128xi32, #tpu.memory_space<vmem>> -> memref<2x128xi32, #tpu.memory_space<vmem>>
          %dma_start3A_449 = arith.constant 0 : i32
          %dma_start3A_450 = tpu.memref_slice %arg2[%dma_start3A_449, %mul3A_437] : memref<2x320000xi32, #tpu.memory_space<hbm>> -> memref<2x128xi32, #tpu.memory_space<hbm>>
          tpu.enqueue_dma source(%dma_start3A_450 : memref<2x128xi32, #tpu.memory_space<hbm>>) target(%dma_start3A_448 : memref<2x128xi32, #tpu.memory_space<vmem>>) target_semaphore(%arg14 : memref<!tpu.dma_semaphore, #tpu.memory_space<semaphore_mem>>)
        } else {
        }
        %mul3A_408 = arith.constant 32 : i32
        %mul3A_409 = arith.muli %mul3A_408, %while3A_147 : i32
        %add3A_410 = arith.addi %add3A, %mul3A_409 : i32
        %mul3A_411 = arith.constant 128 : i32
        %mul3A_412 = arith.muli %add3A_410, %mul3A_411 : i32
        %dma_wait3A = arith.constant 0 : i32
        %dma_wait3A_413 = arith.constant 0 : i32
        %dma_wait3A_414 = arith.constant 0 : i32
        %dma_wait3A_415 = tpu.memref_slice %arg5[%dma_wait3A, %dma_wait3A_413, %dma_wait3A_414] : memref<12x2x128xi32, #tpu.memory_space<vmem>> -> memref<1x2x128xi32, #tpu.memory_space<vmem>>
        %dma_wait3A_416 = tpu.memref_squeeze %dma_wait3A_415 : memref<1x2x128xi32, #tpu.memory_space<vmem>> -> memref<2x128xi32, #tpu.memory_space<vmem>>
        %dma_wait3A_417 = arith.constant 0 : i32
        %dma_wait3A_418 = tpu.memref_slice %arg2[%dma_wait3A_417, %mul3A_412] : memref<2x320000xi32, #tpu.memory_space<hbm>> -> memref<2x128xi32, #tpu.memory_space<hbm>>
        %dma_wait3A_419 = arith.constant 0 : i32
        %dma_wait3A_420 = arith.constant 0 : i32
        %dma_wait3A_421 = tpu.memref_slice %arg5[%dma_wait3A, %dma_wait3A_419, %dma_wait3A_420] : memref<12x2x128xi32, #tpu.memory_space<vmem>> -> memref<1x2x128xi32, #tpu.memory_space<vmem>>
        %dma_wait3A_422 = tpu.memref_squeeze %dma_wait3A_421 : memref<1x2x128xi32, #tpu.memory_space<vmem>> -> memref<2x128xi32, #tpu.memory_space<vmem>>
        %dma_wait3A_423 = arith.constant 0 : i32
        %dma_wait3A_424 = tpu.memref_slice %arg2[%dma_wait3A_423, %mul3A_412] : memref<2x320000xi32, #tpu.memory_space<hbm>> -> memref<2x128xi32, #tpu.memory_space<hbm>>
        tpu.wait_dma2 semaphore(%arg8 : memref<!tpu.dma_semaphore, #tpu.memory_space<semaphore_mem>>) src(%dma_wait3A_424 : memref<2x128xi32, #tpu.memory_space<hbm>>) dst(%dma_wait3A_422 : memref<2x128xi32, #tpu.memory_space<vmem>>)
        %dma_start3A = arith.constant 0 : i32
        %dma_start3A_425 = arith.constant 1 : i32
        %dma_start3A_426 = arith.constant 0 : i32
        %dma_start3A_427 = tpu.memref_slice %arg5[%dma_start3A, %dma_start3A_425, %dma_start3A_426] : memref<12x2x128xi32, #tpu.memory_space<vmem>> -> memref<1x1x128xi32, #tpu.memory_space<vmem>>
        %dma_start3A_428 = tpu.memref_squeeze %dma_start3A_427 : memref<1x1x128xi32, #tpu.memory_space<vmem>> -> memref<128xi32, #tpu.memory_space<vmem>>
        %dma_start3A_429 = arith.constant 0 : i32
        %dma_start3A_430 = tpu.memref_slice %arg7[%dma_start3A_429] : memref<10240xf32, #tpu.memory_space<vmem_shared>> -> memref<10240xf32, #tpu.memory_space<vmem_shared>>
        tpu.enqueue_indirect_dma source(%arg6 : memref<128xf32, #tpu.memory_space<vmem>>) target(%dma_start3A_430 : memref<10240xf32, #tpu.memory_space<vmem_shared>>) offsets(%dma_start3A_428 : memref<128xi32, #tpu.memory_space<vmem>>) semaphore(%arg20 : memref<!tpu.dma_semaphore, #tpu.memory_space<semaphore_mem>>) {add = true}
      } else {
      }
      %jit3A_165 = arith.constant 12 : i32
      %eq3A_166 = arith.constant 0 : i32
      %eq3A_167 = arith.cmpi eq, %jit3A_165, %eq3A_166 : i32
      %jit3A_168 = arith.constant 1 : i32
      %select_n3A_169 = arith.select %eq3A_167, %jit3A_168, %jit3A_165 : i32
      %rem3A_170 = arith.remsi %while3A_147, %select_n3A_169 : i32
      %ne3A_171 = arith.constant 0 : i32
      %ne3A_172 = arith.cmpi ne, %rem3A_170, %ne3A_171 : i32
      %lt3A_173 = arith.constant 0 : i32
      %lt3A_174 = arith.cmpi slt, %rem3A_170, %lt3A_173 : i32
      %lt3A_175 = arith.constant 0 : i32
      %lt3A_176 = arith.cmpi slt, %select_n3A_169, %lt3A_175 : i32
      %ne3A_177 = arith.xori %lt3A_174, %lt3A_176 : i1
      %and3A_178 = arith.andi %ne3A_177, %ne3A_172 : i1
      %add3A_179 = arith.addi %rem3A_170, %select_n3A_169 : i32
      %select_n3A_180 = arith.select %and3A_178, %add3A_179, %rem3A_170 : i32
      %eq3A_181 = arith.constant 1 : i32
      %eq3A_182 = arith.cmpi eq, %select_n3A_180, %eq3A_181 : i32
      %convert_element_type3A_183 = arith.extui %eq3A_182 : i1 to i32
      %cond3A_184 = arith.constant 0 : i32
      %cond3A_185 = arith.cmpi ne, %convert_element_type3A_183, %cond3A_184 : i32
      scf.if %cond3A_185 {
        %ge3A_396 = arith.constant 6 : i32
        %ge3A_397 = arith.cmpi sge, %while3A_147, %ge3A_396 : i32
        %convert_element_type3A_398 = arith.extui %ge3A_397 : i1 to i32
        %cond3A_399 = arith.constant 0 : i32
        %cond3A_400 = arith.cmpi ne, %convert_element_type3A_398, %cond3A_399 : i32
        scf.if %cond3A_400 {
          %dma_wait3A_431 = arith.constant 7 : i32
          %dma_wait3A_432 = arith.constant 1 : i32
          %dma_wait3A_433 = arith.constant 0 : i32
          %dma_wait3A_434 = tpu.memref_slice %arg5[%dma_wait3A_431, %dma_wait3A_432, %dma_wait3A_433] : memref<12x2x128xi32, #tpu.memory_space<vmem>> -> memref<1x1x128xi32, #tpu.memory_space<vmem>>
          %dma_wait3A_435 = tpu.memref_squeeze %dma_wait3A_434 : memref<1x1x128xi32, #tpu.memory_space<vmem>> -> memref<128xi32, #tpu.memory_space<vmem>>
          %dma_wait3A_436 = arith.constant 0 : i32
          %dma_wait3A_437 = tpu.memref_slice %arg7[%dma_wait3A_436] : memref<10240xf32, #tpu.memory_space<vmem_shared>> -> memref<10240xf32, #tpu.memory_space<vmem_shared>>
          tpu.wait_indirect_dma semaphore(%arg21 : memref<!tpu.dma_semaphore, #tpu.memory_space<semaphore_mem>>) src(%arg6 : memref<128xf32, #tpu.memory_space<vmem>>) dst(%dma_wait3A_437 : memref<10240xf32, #tpu.memory_space<vmem_shared>>)
        } else {
        }
        %add3A_401 = arith.constant 6 : i32
        %add3A_402 = arith.addi %while3A_147, %add3A_401 : i32
        %sub3A_403 = arith.constant 1 : i32
        %sub3A_404 = arith.subi %add3A_4, %sub3A_403 : i32
        %le3A = arith.cmpi sle, %add3A_402, %sub3A_404 : i32
        %convert_element_type3A_405 = arith.extui %le3A : i1 to i32
        %cond3A_406 = arith.constant 0 : i32
        %cond3A_407 = arith.cmpi ne, %convert_element_type3A_405, %cond3A_406 : i32
        scf.if %cond3A_407 {
          %add3A_431 = arith.constant 6 : i32
          %add3A_432 = arith.addi %while3A_147, %add3A_431 : i32
          %mul3A_433 = arith.constant 32 : i32
          %mul3A_434 = arith.muli %mul3A_433, %add3A_432 : i32
          %add3A_435 = arith.addi %add3A, %mul3A_434 : i32
          %mul3A_436 = arith.constant 128 : i32
          %mul3A_437 = arith.muli %add3A_435, %mul3A_436 : i32
          %dma_start3A_438 = arith.constant 7 : i32
          %dma_start3A_439 = arith.constant 0 : i32
          %dma_start3A_440 = arith.constant 0 : i32
          %dma_start3A_441 = tpu.memref_slice %arg5[%dma_start3A_438, %dma_start3A_439, %dma_start3A_440] : memref<12x2x128xi32, #tpu.memory_space<vmem>> -> memref<1x2x128xi32, #tpu.memory_space<vmem>>
          %dma_start3A_442 = tpu.memref_squeeze %dma_start3A_441 : memref<1x2x128xi32, #tpu.memory_space<vmem>> -> memref<2x128xi32, #tpu.memory_space<vmem>>
          %dma_start3A_443 = arith.constant 0 : i32
          %dma_start3A_444 = tpu.memref_slice %arg2[%dma_start3A_443, %mul3A_437] : memref<2x320000xi32, #tpu.memory_space<hbm>> -> memref<2x128xi32, #tpu.memory_space<hbm>>
          %dma_start3A_445 = arith.constant 0 : i32
          %dma_start3A_446 = arith.constant 0 : i32
          %dma_start3A_447 = tpu.memref_slice %arg5[%dma_start3A_438, %dma_start3A_445, %dma_start3A_446] : memref<12x2x128xi32, #tpu.memory_space<vmem>> -> memref<1x2x128xi32, #tpu.memory_space<vmem>>
          %dma_start3A_448 = tpu.memref_squeeze %dma_start3A_447 : memref<1x2x128xi32, #tpu.memory_space<vmem>> -> memref<2x128xi32, #tpu.memory_space<vmem>>
          %dma_start3A_449 = arith.constant 0 : i32
          %dma_start3A_450 = tpu.memref_slice %arg2[%dma_start3A_449, %mul3A_437] : memref<2x320000xi32, #tpu.memory_space<hbm>> -> memref<2x128xi32, #tpu.memory_space<hbm>>
          tpu.enqueue_dma source(%dma_start3A_450 : memref<2x128xi32, #tpu.memory_space<hbm>>) target(%dma_start3A_448 : memref<2x128xi32, #tpu.memory_space<vmem>>) target_semaphore(%arg15 : memref<!tpu.dma_semaphore, #tpu.memory_space<semaphore_mem>>)
        } else {
        }
        %mul3A_408 = arith.constant 32 : i32
        %mul3A_409 = arith.muli %mul3A_408, %while3A_147 : i32
        %add3A_410 = arith.addi %add3A, %mul3A_409 : i32
        %mul3A_411 = arith.constant 128 : i32
        %mul3A_412 = arith.muli %add3A_410, %mul3A_411 : i32
        %dma_wait3A = arith.constant 1 : i32
        %dma_wait3A_413 = arith.constant 0 : i32
        %dma_wait3A_414 = arith.constant 0 : i32
        %dma_wait3A_415 = tpu.memref_slice %arg5[%dma_wait3A, %dma_wait3A_413, %dma_wait3A_414] : memref<12x2x128xi32, #tpu.memory_space<vmem>> -> memref<1x2x128xi32, #tpu.memory_space<vmem>>
        %dma_wait3A_416 = tpu.memref_squeeze %dma_wait3A_415 : memref<1x2x128xi32, #tpu.memory_space<vmem>> -> memref<2x128xi32, #tpu.memory_space<vmem>>
        %dma_wait3A_417 = arith.constant 0 : i32
        %dma_wait3A_418 = tpu.memref_slice %arg2[%dma_wait3A_417, %mul3A_412] : memref<2x320000xi32, #tpu.memory_space<hbm>> -> memref<2x128xi32, #tpu.memory_space<hbm>>
        %dma_wait3A_419 = arith.constant 0 : i32
        %dma_wait3A_420 = arith.constant 0 : i32
        %dma_wait3A_421 = tpu.memref_slice %arg5[%dma_wait3A, %dma_wait3A_419, %dma_wait3A_420] : memref<12x2x128xi32, #tpu.memory_space<vmem>> -> memref<1x2x128xi32, #tpu.memory_space<vmem>>
        %dma_wait3A_422 = tpu.memref_squeeze %dma_wait3A_421 : memref<1x2x128xi32, #tpu.memory_space<vmem>> -> memref<2x128xi32, #tpu.memory_space<vmem>>
        %dma_wait3A_423 = arith.constant 0 : i32
        %dma_wait3A_424 = tpu.memref_slice %arg2[%dma_wait3A_423, %mul3A_412] : memref<2x320000xi32, #tpu.memory_space<hbm>> -> memref<2x128xi32, #tpu.memory_space<hbm>>
        tpu.wait_dma2 semaphore(%arg9 : memref<!tpu.dma_semaphore, #tpu.memory_space<semaphore_mem>>) src(%dma_wait3A_424 : memref<2x128xi32, #tpu.memory_space<hbm>>) dst(%dma_wait3A_422 : memref<2x128xi32, #tpu.memory_space<vmem>>)
        %dma_start3A = arith.constant 1 : i32
        %dma_start3A_425 = arith.constant 1 : i32
        %dma_start3A_426 = arith.constant 0 : i32
        %dma_start3A_427 = tpu.memref_slice %arg5[%dma_start3A, %dma_start3A_425, %dma_start3A_426] : memref<12x2x128xi32, #tpu.memory_space<vmem>> -> memref<1x1x128xi32, #tpu.memory_space<vmem>>
        %dma_start3A_428 = tpu.memref_squeeze %dma_start3A_427 : memref<1x1x128xi32, #tpu.memory_space<vmem>> -> memref<128xi32, #tpu.memory_space<vmem>>
        %dma_start3A_429 = arith.constant 0 : i32
        %dma_start3A_430 = tpu.memref_slice %arg7[%dma_start3A_429] : memref<10240xf32, #tpu.memory_space<vmem_shared>> -> memref<10240xf32, #tpu.memory_space<vmem_shared>>
        tpu.enqueue_indirect_dma source(%arg6 : memref<128xf32, #tpu.memory_space<vmem>>) target(%dma_start3A_430 : memref<10240xf32, #tpu.memory_space<vmem_shared>>) offsets(%dma_start3A_428 : memref<128xi32, #tpu.memory_space<vmem>>) semaphore(%arg21 : memref<!tpu.dma_semaphore, #tpu.memory_space<semaphore_mem>>) {add = true}
      } else {
      }
      %jit3A_186 = arith.constant 12 : i32
      %eq3A_187 = arith.constant 0 : i32
      %eq3A_188 = arith.cmpi eq, %jit3A_186, %eq3A_187 : i32
      %jit3A_189 = arith.constant 1 : i32
      %select_n3A_190 = arith.select %eq3A_188, %jit3A_189, %jit3A_186 : i32
      %rem3A_191 = arith.remsi %while3A_147, %select_n3A_190 : i32
      %ne3A_192 = arith.constant 0 : i32
      %ne3A_193 = arith.cmpi ne, %rem3A_191, %ne3A_192 : i32
      %lt3A_194 = arith.constant 0 : i32
      %lt3A_195 = arith.cmpi slt, %rem3A_191, %lt3A_194 : i32
      %lt3A_196 = arith.constant 0 : i32
      %lt3A_197 = arith.cmpi slt, %select_n3A_190, %lt3A_196 : i32
      %ne3A_198 = arith.xori %lt3A_195, %lt3A_197 : i1
      %and3A_199 = arith.andi %ne3A_198, %ne3A_193 : i1
      %add3A_200 = arith.addi %rem3A_191, %select_n3A_190 : i32
      %select_n3A_201 = arith.select %and3A_199, %add3A_200, %rem3A_191 : i32
      %eq3A_202 = arith.constant 2 : i32
      %eq3A_203 = arith.cmpi eq, %select_n3A_201, %eq3A_202 : i32
      %convert_element_type3A_204 = arith.extui %eq3A_203 : i1 to i32
      %cond3A_205 = arith.constant 0 : i32
      %cond3A_206 = arith.cmpi ne, %convert_element_type3A_204, %cond3A_205 : i32
      scf.if %cond3A_206 {
        %ge3A_396 = arith.constant 6 : i32
        %ge3A_397 = arith.cmpi sge, %while3A_147, %ge3A_396 : i32
        %convert_element_type3A_398 = arith.extui %ge3A_397 : i1 to i32
        %cond3A_399 = arith.constant 0 : i32
        %cond3A_400 = arith.cmpi ne, %convert_element_type3A_398, %cond3A_399 : i32
        scf.if %cond3A_400 {
          %dma_wait3A_431 = arith.constant 8 : i32
          %dma_wait3A_432 = arith.constant 1 : i32
          %dma_wait3A_433 = arith.constant 0 : i32
          %dma_wait3A_434 = tpu.memref_slice %arg5[%dma_wait3A_431, %dma_wait3A_432, %dma_wait3A_433] : memref<12x2x128xi32, #tpu.memory_space<vmem>> -> memref<1x1x128xi32, #tpu.memory_space<vmem>>
          %dma_wait3A_435 = tpu.memref_squeeze %dma_wait3A_434 : memref<1x1x128xi32, #tpu.memory_space<vmem>> -> memref<128xi32, #tpu.memory_space<vmem>>
          %dma_wait3A_436 = arith.constant 0 : i32
          %dma_wait3A_437 = tpu.memref_slice %arg7[%dma_wait3A_436] : memref<10240xf32, #tpu.memory_space<vmem_shared>> -> memref<10240xf32, #tpu.memory_space<vmem_shared>>
          tpu.wait_indirect_dma semaphore(%arg22 : memref<!tpu.dma_semaphore, #tpu.memory_space<semaphore_mem>>) src(%arg6 : memref<128xf32, #tpu.memory_space<vmem>>) dst(%dma_wait3A_437 : memref<10240xf32, #tpu.memory_space<vmem_shared>>)
        } else {
        }
        %add3A_401 = arith.constant 6 : i32
        %add3A_402 = arith.addi %while3A_147, %add3A_401 : i32
        %sub3A_403 = arith.constant 1 : i32
        %sub3A_404 = arith.subi %add3A_4, %sub3A_403 : i32
        %le3A = arith.cmpi sle, %add3A_402, %sub3A_404 : i32
        %convert_element_type3A_405 = arith.extui %le3A : i1 to i32
        %cond3A_406 = arith.constant 0 : i32
        %cond3A_407 = arith.cmpi ne, %convert_element_type3A_405, %cond3A_406 : i32
        scf.if %cond3A_407 {
          %add3A_431 = arith.constant 6 : i32
          %add3A_432 = arith.addi %while3A_147, %add3A_431 : i32
          %mul3A_433 = arith.constant 32 : i32
          %mul3A_434 = arith.muli %mul3A_433, %add3A_432 : i32
          %add3A_435 = arith.addi %add3A, %mul3A_434 : i32
          %mul3A_436 = arith.constant 128 : i32
          %mul3A_437 = arith.muli %add3A_435, %mul3A_436 : i32
          %dma_start3A_438 = arith.constant 8 : i32
          %dma_start3A_439 = arith.constant 0 : i32
          %dma_start3A_440 = arith.constant 0 : i32
          %dma_start3A_441 = tpu.memref_slice %arg5[%dma_start3A_438, %dma_start3A_439, %dma_start3A_440] : memref<12x2x128xi32, #tpu.memory_space<vmem>> -> memref<1x2x128xi32, #tpu.memory_space<vmem>>
          %dma_start3A_442 = tpu.memref_squeeze %dma_start3A_441 : memref<1x2x128xi32, #tpu.memory_space<vmem>> -> memref<2x128xi32, #tpu.memory_space<vmem>>
          %dma_start3A_443 = arith.constant 0 : i32
          %dma_start3A_444 = tpu.memref_slice %arg2[%dma_start3A_443, %mul3A_437] : memref<2x320000xi32, #tpu.memory_space<hbm>> -> memref<2x128xi32, #tpu.memory_space<hbm>>
          %dma_start3A_445 = arith.constant 0 : i32
          %dma_start3A_446 = arith.constant 0 : i32
          %dma_start3A_447 = tpu.memref_slice %arg5[%dma_start3A_438, %dma_start3A_445, %dma_start3A_446] : memref<12x2x128xi32, #tpu.memory_space<vmem>> -> memref<1x2x128xi32, #tpu.memory_space<vmem>>
          %dma_start3A_448 = tpu.memref_squeeze %dma_start3A_447 : memref<1x2x128xi32, #tpu.memory_space<vmem>> -> memref<2x128xi32, #tpu.memory_space<vmem>>
          %dma_start3A_449 = arith.constant 0 : i32
          %dma_start3A_450 = tpu.memref_slice %arg2[%dma_start3A_449, %mul3A_437] : memref<2x320000xi32, #tpu.memory_space<hbm>> -> memref<2x128xi32, #tpu.memory_space<hbm>>
          tpu.enqueue_dma source(%dma_start3A_450 : memref<2x128xi32, #tpu.memory_space<hbm>>) target(%dma_start3A_448 : memref<2x128xi32, #tpu.memory_space<vmem>>) target_semaphore(%arg16 : memref<!tpu.dma_semaphore, #tpu.memory_space<semaphore_mem>>)
        } else {
        }
        %mul3A_408 = arith.constant 32 : i32
        %mul3A_409 = arith.muli %mul3A_408, %while3A_147 : i32
        %add3A_410 = arith.addi %add3A, %mul3A_409 : i32
        %mul3A_411 = arith.constant 128 : i32
        %mul3A_412 = arith.muli %add3A_410, %mul3A_411 : i32
        %dma_wait3A = arith.constant 2 : i32
        %dma_wait3A_413 = arith.constant 0 : i32
        %dma_wait3A_414 = arith.constant 0 : i32
        %dma_wait3A_415 = tpu.memref_slice %arg5[%dma_wait3A, %dma_wait3A_413, %dma_wait3A_414] : memref<12x2x128xi32, #tpu.memory_space<vmem>> -> memref<1x2x128xi32, #tpu.memory_space<vmem>>
        %dma_wait3A_416 = tpu.memref_squeeze %dma_wait3A_415 : memref<1x2x128xi32, #tpu.memory_space<vmem>> -> memref<2x128xi32, #tpu.memory_space<vmem>>
        %dma_wait3A_417 = arith.constant 0 : i32
        %dma_wait3A_418 = tpu.memref_slice %arg2[%dma_wait3A_417, %mul3A_412] : memref<2x320000xi32, #tpu.memory_space<hbm>> -> memref<2x128xi32, #tpu.memory_space<hbm>>
        %dma_wait3A_419 = arith.constant 0 : i32
        %dma_wait3A_420 = arith.constant 0 : i32
        %dma_wait3A_421 = tpu.memref_slice %arg5[%dma_wait3A, %dma_wait3A_419, %dma_wait3A_420] : memref<12x2x128xi32, #tpu.memory_space<vmem>> -> memref<1x2x128xi32, #tpu.memory_space<vmem>>
        %dma_wait3A_422 = tpu.memref_squeeze %dma_wait3A_421 : memref<1x2x128xi32, #tpu.memory_space<vmem>> -> memref<2x128xi32, #tpu.memory_space<vmem>>
        %dma_wait3A_423 = arith.constant 0 : i32
        %dma_wait3A_424 = tpu.memref_slice %arg2[%dma_wait3A_423, %mul3A_412] : memref<2x320000xi32, #tpu.memory_space<hbm>> -> memref<2x128xi32, #tpu.memory_space<hbm>>
        tpu.wait_dma2 semaphore(%arg10 : memref<!tpu.dma_semaphore, #tpu.memory_space<semaphore_mem>>) src(%dma_wait3A_424 : memref<2x128xi32, #tpu.memory_space<hbm>>) dst(%dma_wait3A_422 : memref<2x128xi32, #tpu.memory_space<vmem>>)
        %dma_start3A = arith.constant 2 : i32
        %dma_start3A_425 = arith.constant 1 : i32
        %dma_start3A_426 = arith.constant 0 : i32
        %dma_start3A_427 = tpu.memref_slice %arg5[%dma_start3A, %dma_start3A_425, %dma_start3A_426] : memref<12x2x128xi32, #tpu.memory_space<vmem>> -> memref<1x1x128xi32, #tpu.memory_space<vmem>>
        %dma_start3A_428 = tpu.memref_squeeze %dma_start3A_427 : memref<1x1x128xi32, #tpu.memory_space<vmem>> -> memref<128xi32, #tpu.memory_space<vmem>>
        %dma_start3A_429 = arith.constant 0 : i32
        %dma_start3A_430 = tpu.memref_slice %arg7[%dma_start3A_429] : memref<10240xf32, #tpu.memory_space<vmem_shared>> -> memref<10240xf32, #tpu.memory_space<vmem_shared>>
        tpu.enqueue_indirect_dma source(%arg6 : memref<128xf32, #tpu.memory_space<vmem>>) target(%dma_start3A_430 : memref<10240xf32, #tpu.memory_space<vmem_shared>>) offsets(%dma_start3A_428 : memref<128xi32, #tpu.memory_space<vmem>>) semaphore(%arg22 : memref<!tpu.dma_semaphore, #tpu.memory_space<semaphore_mem>>) {add = true}
      } else {
      }
      %jit3A_207 = arith.constant 12 : i32
      %eq3A_208 = arith.constant 0 : i32
      %eq3A_209 = arith.cmpi eq, %jit3A_207, %eq3A_208 : i32
      %jit3A_210 = arith.constant 1 : i32
      %select_n3A_211 = arith.select %eq3A_209, %jit3A_210, %jit3A_207 : i32
      %rem3A_212 = arith.remsi %while3A_147, %select_n3A_211 : i32
      %ne3A_213 = arith.constant 0 : i32
      %ne3A_214 = arith.cmpi ne, %rem3A_212, %ne3A_213 : i32
      %lt3A_215 = arith.constant 0 : i32
      %lt3A_216 = arith.cmpi slt, %rem3A_212, %lt3A_215 : i32
      %lt3A_217 = arith.constant 0 : i32
      %lt3A_218 = arith.cmpi slt, %select_n3A_211, %lt3A_217 : i32
      %ne3A_219 = arith.xori %lt3A_216, %lt3A_218 : i1
      %and3A_220 = arith.andi %ne3A_219, %ne3A_214 : i1
      %add3A_221 = arith.addi %rem3A_212, %select_n3A_211 : i32
      %select_n3A_222 = arith.select %and3A_220, %add3A_221, %rem3A_212 : i32
      %eq3A_223 = arith.constant 3 : i32
      %eq3A_224 = arith.cmpi eq, %select_n3A_222, %eq3A_223 : i32
      %convert_element_type3A_225 = arith.extui %eq3A_224 : i1 to i32
      %cond3A_226 = arith.constant 0 : i32
      %cond3A_227 = arith.cmpi ne, %convert_element_type3A_225, %cond3A_226 : i32
      scf.if %cond3A_227 {
        %ge3A_396 = arith.constant 6 : i32
        %ge3A_397 = arith.cmpi sge, %while3A_147, %ge3A_396 : i32
        %convert_element_type3A_398 = arith.extui %ge3A_397 : i1 to i32
        %cond3A_399 = arith.constant 0 : i32
        %cond3A_400 = arith.cmpi ne, %convert_element_type3A_398, %cond3A_399 : i32
        scf.if %cond3A_400 {
          %dma_wait3A_431 = arith.constant 9 : i32
          %dma_wait3A_432 = arith.constant 1 : i32
          %dma_wait3A_433 = arith.constant 0 : i32
          %dma_wait3A_434 = tpu.memref_slice %arg5[%dma_wait3A_431, %dma_wait3A_432, %dma_wait3A_433] : memref<12x2x128xi32, #tpu.memory_space<vmem>> -> memref<1x1x128xi32, #tpu.memory_space<vmem>>
          %dma_wait3A_435 = tpu.memref_squeeze %dma_wait3A_434 : memref<1x1x128xi32, #tpu.memory_space<vmem>> -> memref<128xi32, #tpu.memory_space<vmem>>
          %dma_wait3A_436 = arith.constant 0 : i32
          %dma_wait3A_437 = tpu.memref_slice %arg7[%dma_wait3A_436] : memref<10240xf32, #tpu.memory_space<vmem_shared>> -> memref<10240xf32, #tpu.memory_space<vmem_shared>>
          tpu.wait_indirect_dma semaphore(%arg23 : memref<!tpu.dma_semaphore, #tpu.memory_space<semaphore_mem>>) src(%arg6 : memref<128xf32, #tpu.memory_space<vmem>>) dst(%dma_wait3A_437 : memref<10240xf32, #tpu.memory_space<vmem_shared>>)
        } else {
        }
        %add3A_401 = arith.constant 6 : i32
        %add3A_402 = arith.addi %while3A_147, %add3A_401 : i32
        %sub3A_403 = arith.constant 1 : i32
        %sub3A_404 = arith.subi %add3A_4, %sub3A_403 : i32
        %le3A = arith.cmpi sle, %add3A_402, %sub3A_404 : i32
        %convert_element_type3A_405 = arith.extui %le3A : i1 to i32
        %cond3A_406 = arith.constant 0 : i32
        %cond3A_407 = arith.cmpi ne, %convert_element_type3A_405, %cond3A_406 : i32
        scf.if %cond3A_407 {
          %add3A_431 = arith.constant 6 : i32
          %add3A_432 = arith.addi %while3A_147, %add3A_431 : i32
          %mul3A_433 = arith.constant 32 : i32
          %mul3A_434 = arith.muli %mul3A_433, %add3A_432 : i32
          %add3A_435 = arith.addi %add3A, %mul3A_434 : i32
          %mul3A_436 = arith.constant 128 : i32
          %mul3A_437 = arith.muli %add3A_435, %mul3A_436 : i32
          %dma_start3A_438 = arith.constant 9 : i32
          %dma_start3A_439 = arith.constant 0 : i32
          %dma_start3A_440 = arith.constant 0 : i32
          %dma_start3A_441 = tpu.memref_slice %arg5[%dma_start3A_438, %dma_start3A_439, %dma_start3A_440] : memref<12x2x128xi32, #tpu.memory_space<vmem>> -> memref<1x2x128xi32, #tpu.memory_space<vmem>>
          %dma_start3A_442 = tpu.memref_squeeze %dma_start3A_441 : memref<1x2x128xi32, #tpu.memory_space<vmem>> -> memref<2x128xi32, #tpu.memory_space<vmem>>
          %dma_start3A_443 = arith.constant 0 : i32
          %dma_start3A_444 = tpu.memref_slice %arg2[%dma_start3A_443, %mul3A_437] : memref<2x320000xi32, #tpu.memory_space<hbm>> -> memref<2x128xi32, #tpu.memory_space<hbm>>
          %dma_start3A_445 = arith.constant 0 : i32
          %dma_start3A_446 = arith.constant 0 : i32
          %dma_start3A_447 = tpu.memref_slice %arg5[%dma_start3A_438, %dma_start3A_445, %dma_start3A_446] : memref<12x2x128xi32, #tpu.memory_space<vmem>> -> memref<1x2x128xi32, #tpu.memory_space<vmem>>
          %dma_start3A_448 = tpu.memref_squeeze %dma_start3A_447 : memref<1x2x128xi32, #tpu.memory_space<vmem>> -> memref<2x128xi32, #tpu.memory_space<vmem>>
          %dma_start3A_449 = arith.constant 0 : i32
          %dma_start3A_450 = tpu.memref_slice %arg2[%dma_start3A_449, %mul3A_437] : memref<2x320000xi32, #tpu.memory_space<hbm>> -> memref<2x128xi32, #tpu.memory_space<hbm>>
          tpu.enqueue_dma source(%dma_start3A_450 : memref<2x128xi32, #tpu.memory_space<hbm>>) target(%dma_start3A_448 : memref<2x128xi32, #tpu.memory_space<vmem>>) target_semaphore(%arg17 : memref<!tpu.dma_semaphore, #tpu.memory_space<semaphore_mem>>)
        } else {
        }
        %mul3A_408 = arith.constant 32 : i32
        %mul3A_409 = arith.muli %mul3A_408, %while3A_147 : i32
        %add3A_410 = arith.addi %add3A, %mul3A_409 : i32
        %mul3A_411 = arith.constant 128 : i32
        %mul3A_412 = arith.muli %add3A_410, %mul3A_411 : i32
        %dma_wait3A = arith.constant 3 : i32
        %dma_wait3A_413 = arith.constant 0 : i32
        %dma_wait3A_414 = arith.constant 0 : i32
        %dma_wait3A_415 = tpu.memref_slice %arg5[%dma_wait3A, %dma_wait3A_413, %dma_wait3A_414] : memref<12x2x128xi32, #tpu.memory_space<vmem>> -> memref<1x2x128xi32, #tpu.memory_space<vmem>>
        %dma_wait3A_416 = tpu.memref_squeeze %dma_wait3A_415 : memref<1x2x128xi32, #tpu.memory_space<vmem>> -> memref<2x128xi32, #tpu.memory_space<vmem>>
        %dma_wait3A_417 = arith.constant 0 : i32
        %dma_wait3A_418 = tpu.memref_slice %arg2[%dma_wait3A_417, %mul3A_412] : memref<2x320000xi32, #tpu.memory_space<hbm>> -> memref<2x128xi32, #tpu.memory_space<hbm>>
        %dma_wait3A_419 = arith.constant 0 : i32
        %dma_wait3A_420 = arith.constant 0 : i32
        %dma_wait3A_421 = tpu.memref_slice %arg5[%dma_wait3A, %dma_wait3A_419, %dma_wait3A_420] : memref<12x2x128xi32, #tpu.memory_space<vmem>> -> memref<1x2x128xi32, #tpu.memory_space<vmem>>
        %dma_wait3A_422 = tpu.memref_squeeze %dma_wait3A_421 : memref<1x2x128xi32, #tpu.memory_space<vmem>> -> memref<2x128xi32, #tpu.memory_space<vmem>>
        %dma_wait3A_423 = arith.constant 0 : i32
        %dma_wait3A_424 = tpu.memref_slice %arg2[%dma_wait3A_423, %mul3A_412] : memref<2x320000xi32, #tpu.memory_space<hbm>> -> memref<2x128xi32, #tpu.memory_space<hbm>>
        tpu.wait_dma2 semaphore(%arg11 : memref<!tpu.dma_semaphore, #tpu.memory_space<semaphore_mem>>) src(%dma_wait3A_424 : memref<2x128xi32, #tpu.memory_space<hbm>>) dst(%dma_wait3A_422 : memref<2x128xi32, #tpu.memory_space<vmem>>)
        %dma_start3A = arith.constant 3 : i32
        %dma_start3A_425 = arith.constant 1 : i32
        %dma_start3A_426 = arith.constant 0 : i32
        %dma_start3A_427 = tpu.memref_slice %arg5[%dma_start3A, %dma_start3A_425, %dma_start3A_426] : memref<12x2x128xi32, #tpu.memory_space<vmem>> -> memref<1x1x128xi32, #tpu.memory_space<vmem>>
        %dma_start3A_428 = tpu.memref_squeeze %dma_start3A_427 : memref<1x1x128xi32, #tpu.memory_space<vmem>> -> memref<128xi32, #tpu.memory_space<vmem>>
        %dma_start3A_429 = arith.constant 0 : i32
        %dma_start3A_430 = tpu.memref_slice %arg7[%dma_start3A_429] : memref<10240xf32, #tpu.memory_space<vmem_shared>> -> memref<10240xf32, #tpu.memory_space<vmem_shared>>
        tpu.enqueue_indirect_dma source(%arg6 : memref<128xf32, #tpu.memory_space<vmem>>) target(%dma_start3A_430 : memref<10240xf32, #tpu.memory_space<vmem_shared>>) offsets(%dma_start3A_428 : memref<128xi32, #tpu.memory_space<vmem>>) semaphore(%arg23 : memref<!tpu.dma_semaphore, #tpu.memory_space<semaphore_mem>>) {add = true}
      } else {
      }
      %jit3A_228 = arith.constant 12 : i32
      %eq3A_229 = arith.constant 0 : i32
      %eq3A_230 = arith.cmpi eq, %jit3A_228, %eq3A_229 : i32
      %jit3A_231 = arith.constant 1 : i32
      %select_n3A_232 = arith.select %eq3A_230, %jit3A_231, %jit3A_228 : i32
      %rem3A_233 = arith.remsi %while3A_147, %select_n3A_232 : i32
      %ne3A_234 = arith.constant 0 : i32
      %ne3A_235 = arith.cmpi ne, %rem3A_233, %ne3A_234 : i32
      %lt3A_236 = arith.constant 0 : i32
      %lt3A_237 = arith.cmpi slt, %rem3A_233, %lt3A_236 : i32
      %lt3A_238 = arith.constant 0 : i32
      %lt3A_239 = arith.cmpi slt, %select_n3A_232, %lt3A_238 : i32
      %ne3A_240 = arith.xori %lt3A_237, %lt3A_239 : i1
      %and3A_241 = arith.andi %ne3A_240, %ne3A_235 : i1
      %add3A_242 = arith.addi %rem3A_233, %select_n3A_232 : i32
      %select_n3A_243 = arith.select %and3A_241, %add3A_242, %rem3A_233 : i32
      %eq3A_244 = arith.constant 4 : i32
      %eq3A_245 = arith.cmpi eq, %select_n3A_243, %eq3A_244 : i32
      %convert_element_type3A_246 = arith.extui %eq3A_245 : i1 to i32
      %cond3A_247 = arith.constant 0 : i32
      %cond3A_248 = arith.cmpi ne, %convert_element_type3A_246, %cond3A_247 : i32
      scf.if %cond3A_248 {
        %ge3A_396 = arith.constant 6 : i32
        %ge3A_397 = arith.cmpi sge, %while3A_147, %ge3A_396 : i32
        %convert_element_type3A_398 = arith.extui %ge3A_397 : i1 to i32
        %cond3A_399 = arith.constant 0 : i32
        %cond3A_400 = arith.cmpi ne, %convert_element_type3A_398, %cond3A_399 : i32
        scf.if %cond3A_400 {
          %dma_wait3A_431 = arith.constant 10 : i32
          %dma_wait3A_432 = arith.constant 1 : i32
          %dma_wait3A_433 = arith.constant 0 : i32
          %dma_wait3A_434 = tpu.memref_slice %arg5[%dma_wait3A_431, %dma_wait3A_432, %dma_wait3A_433] : memref<12x2x128xi32, #tpu.memory_space<vmem>> -> memref<1x1x128xi32, #tpu.memory_space<vmem>>
          %dma_wait3A_435 = tpu.memref_squeeze %dma_wait3A_434 : memref<1x1x128xi32, #tpu.memory_space<vmem>> -> memref<128xi32, #tpu.memory_space<vmem>>
          %dma_wait3A_436 = arith.constant 0 : i32
          %dma_wait3A_437 = tpu.memref_slice %arg7[%dma_wait3A_436] : memref<10240xf32, #tpu.memory_space<vmem_shared>> -> memref<10240xf32, #tpu.memory_space<vmem_shared>>
          tpu.wait_indirect_dma semaphore(%arg24 : memref<!tpu.dma_semaphore, #tpu.memory_space<semaphore_mem>>) src(%arg6 : memref<128xf32, #tpu.memory_space<vmem>>) dst(%dma_wait3A_437 : memref<10240xf32, #tpu.memory_space<vmem_shared>>)
        } else {
        }
        %add3A_401 = arith.constant 6 : i32
        %add3A_402 = arith.addi %while3A_147, %add3A_401 : i32
        %sub3A_403 = arith.constant 1 : i32
        %sub3A_404 = arith.subi %add3A_4, %sub3A_403 : i32
        %le3A = arith.cmpi sle, %add3A_402, %sub3A_404 : i32
        %convert_element_type3A_405 = arith.extui %le3A : i1 to i32
        %cond3A_406 = arith.constant 0 : i32
        %cond3A_407 = arith.cmpi ne, %convert_element_type3A_405, %cond3A_406 : i32
        scf.if %cond3A_407 {
          %add3A_431 = arith.constant 6 : i32
          %add3A_432 = arith.addi %while3A_147, %add3A_431 : i32
          %mul3A_433 = arith.constant 32 : i32
          %mul3A_434 = arith.muli %mul3A_433, %add3A_432 : i32
          %add3A_435 = arith.addi %add3A, %mul3A_434 : i32
          %mul3A_436 = arith.constant 128 : i32
          %mul3A_437 = arith.muli %add3A_435, %mul3A_436 : i32
          %dma_start3A_438 = arith.constant 10 : i32
          %dma_start3A_439 = arith.constant 0 : i32
          %dma_start3A_440 = arith.constant 0 : i32
          %dma_start3A_441 = tpu.memref_slice %arg5[%dma_start3A_438, %dma_start3A_439, %dma_start3A_440] : memref<12x2x128xi32, #tpu.memory_space<vmem>> -> memref<1x2x128xi32, #tpu.memory_space<vmem>>
          %dma_start3A_442 = tpu.memref_squeeze %dma_start3A_441 : memref<1x2x128xi32, #tpu.memory_space<vmem>> -> memref<2x128xi32, #tpu.memory_space<vmem>>
          %dma_start3A_443 = arith.constant 0 : i32
          %dma_start3A_444 = tpu.memref_slice %arg2[%dma_start3A_443, %mul3A_437] : memref<2x320000xi32, #tpu.memory_space<hbm>> -> memref<2x128xi32, #tpu.memory_space<hbm>>
          %dma_start3A_445 = arith.constant 0 : i32
          %dma_start3A_446 = arith.constant 0 : i32
          %dma_start3A_447 = tpu.memref_slice %arg5[%dma_start3A_438, %dma_start3A_445, %dma_start3A_446] : memref<12x2x128xi32, #tpu.memory_space<vmem>> -> memref<1x2x128xi32, #tpu.memory_space<vmem>>
          %dma_start3A_448 = tpu.memref_squeeze %dma_start3A_447 : memref<1x2x128xi32, #tpu.memory_space<vmem>> -> memref<2x128xi32, #tpu.memory_space<vmem>>
          %dma_start3A_449 = arith.constant 0 : i32
          %dma_start3A_450 = tpu.memref_slice %arg2[%dma_start3A_449, %mul3A_437] : memref<2x320000xi32, #tpu.memory_space<hbm>> -> memref<2x128xi32, #tpu.memory_space<hbm>>
          tpu.enqueue_dma source(%dma_start3A_450 : memref<2x128xi32, #tpu.memory_space<hbm>>) target(%dma_start3A_448 : memref<2x128xi32, #tpu.memory_space<vmem>>) target_semaphore(%arg18 : memref<!tpu.dma_semaphore, #tpu.memory_space<semaphore_mem>>)
        } else {
        }
        %mul3A_408 = arith.constant 32 : i32
        %mul3A_409 = arith.muli %mul3A_408, %while3A_147 : i32
        %add3A_410 = arith.addi %add3A, %mul3A_409 : i32
        %mul3A_411 = arith.constant 128 : i32
        %mul3A_412 = arith.muli %add3A_410, %mul3A_411 : i32
        %dma_wait3A = arith.constant 4 : i32
        %dma_wait3A_413 = arith.constant 0 : i32
        %dma_wait3A_414 = arith.constant 0 : i32
        %dma_wait3A_415 = tpu.memref_slice %arg5[%dma_wait3A, %dma_wait3A_413, %dma_wait3A_414] : memref<12x2x128xi32, #tpu.memory_space<vmem>> -> memref<1x2x128xi32, #tpu.memory_space<vmem>>
        %dma_wait3A_416 = tpu.memref_squeeze %dma_wait3A_415 : memref<1x2x128xi32, #tpu.memory_space<vmem>> -> memref<2x128xi32, #tpu.memory_space<vmem>>
        %dma_wait3A_417 = arith.constant 0 : i32
        %dma_wait3A_418 = tpu.memref_slice %arg2[%dma_wait3A_417, %mul3A_412] : memref<2x320000xi32, #tpu.memory_space<hbm>> -> memref<2x128xi32, #tpu.memory_space<hbm>>
        %dma_wait3A_419 = arith.constant 0 : i32
        %dma_wait3A_420 = arith.constant 0 : i32
        %dma_wait3A_421 = tpu.memref_slice %arg5[%dma_wait3A, %dma_wait3A_419, %dma_wait3A_420] : memref<12x2x128xi32, #tpu.memory_space<vmem>> -> memref<1x2x128xi32, #tpu.memory_space<vmem>>
        %dma_wait3A_422 = tpu.memref_squeeze %dma_wait3A_421 : memref<1x2x128xi32, #tpu.memory_space<vmem>> -> memref<2x128xi32, #tpu.memory_space<vmem>>
        %dma_wait3A_423 = arith.constant 0 : i32
        %dma_wait3A_424 = tpu.memref_slice %arg2[%dma_wait3A_423, %mul3A_412] : memref<2x320000xi32, #tpu.memory_space<hbm>> -> memref<2x128xi32, #tpu.memory_space<hbm>>
        tpu.wait_dma2 semaphore(%arg12 : memref<!tpu.dma_semaphore, #tpu.memory_space<semaphore_mem>>) src(%dma_wait3A_424 : memref<2x128xi32, #tpu.memory_space<hbm>>) dst(%dma_wait3A_422 : memref<2x128xi32, #tpu.memory_space<vmem>>)
        %dma_start3A = arith.constant 4 : i32
        %dma_start3A_425 = arith.constant 1 : i32
        %dma_start3A_426 = arith.constant 0 : i32
        %dma_start3A_427 = tpu.memref_slice %arg5[%dma_start3A, %dma_start3A_425, %dma_start3A_426] : memref<12x2x128xi32, #tpu.memory_space<vmem>> -> memref<1x1x128xi32, #tpu.memory_space<vmem>>
        %dma_start3A_428 = tpu.memref_squeeze %dma_start3A_427 : memref<1x1x128xi32, #tpu.memory_space<vmem>> -> memref<128xi32, #tpu.memory_space<vmem>>
        %dma_start3A_429 = arith.constant 0 : i32
        %dma_start3A_430 = tpu.memref_slice %arg7[%dma_start3A_429] : memref<10240xf32, #tpu.memory_space<vmem_shared>> -> memref<10240xf32, #tpu.memory_space<vmem_shared>>
        tpu.enqueue_indirect_dma source(%arg6 : memref<128xf32, #tpu.memory_space<vmem>>) target(%dma_start3A_430 : memref<10240xf32, #tpu.memory_space<vmem_shared>>) offsets(%dma_start3A_428 : memref<128xi32, #tpu.memory_space<vmem>>) semaphore(%arg24 : memref<!tpu.dma_semaphore, #tpu.memory_space<semaphore_mem>>) {add = true}
      } else {
      }
      %jit3A_249 = arith.constant 12 : i32
      %eq3A_250 = arith.constant 0 : i32
      %eq3A_251 = arith.cmpi eq, %jit3A_249, %eq3A_250 : i32
      %jit3A_252 = arith.constant 1 : i32
      %select_n3A_253 = arith.select %eq3A_251, %jit3A_252, %jit3A_249 : i32
      %rem3A_254 = arith.remsi %while3A_147, %select_n3A_253 : i32
      %ne3A_255 = arith.constant 0 : i32
      %ne3A_256 = arith.cmpi ne, %rem3A_254, %ne3A_255 : i32
      %lt3A_257 = arith.constant 0 : i32
      %lt3A_258 = arith.cmpi slt, %rem3A_254, %lt3A_257 : i32
      %lt3A_259 = arith.constant 0 : i32
      %lt3A_260 = arith.cmpi slt, %select_n3A_253, %lt3A_259 : i32
      %ne3A_261 = arith.xori %lt3A_258, %lt3A_260 : i1
      %and3A_262 = arith.andi %ne3A_261, %ne3A_256 : i1
      %add3A_263 = arith.addi %rem3A_254, %select_n3A_253 : i32
      %select_n3A_264 = arith.select %and3A_262, %add3A_263, %rem3A_254 : i32
      %eq3A_265 = arith.constant 5 : i32
      %eq3A_266 = arith.cmpi eq, %select_n3A_264, %eq3A_265 : i32
      %convert_element_type3A_267 = arith.extui %eq3A_266 : i1 to i32
      %cond3A_268 = arith.constant 0 : i32
      %cond3A_269 = arith.cmpi ne, %convert_element_type3A_267, %cond3A_268 : i32
      scf.if %cond3A_269 {
        %ge3A_396 = arith.constant 6 : i32
        %ge3A_397 = arith.cmpi sge, %while3A_147, %ge3A_396 : i32
        %convert_element_type3A_398 = arith.extui %ge3A_397 : i1 to i32
        %cond3A_399 = arith.constant 0 : i32
        %cond3A_400 = arith.cmpi ne, %convert_element_type3A_398, %cond3A_399 : i32
        scf.if %cond3A_400 {
          %dma_wait3A_431 = arith.constant 11 : i32
          %dma_wait3A_432 = arith.constant 1 : i32
          %dma_wait3A_433 = arith.constant 0 : i32
          %dma_wait3A_434 = tpu.memref_slice %arg5[%dma_wait3A_431, %dma_wait3A_432, %dma_wait3A_433] : memref<12x2x128xi32, #tpu.memory_space<vmem>> -> memref<1x1x128xi32, #tpu.memory_space<vmem>>
          %dma_wait3A_435 = tpu.memref_squeeze %dma_wait3A_434 : memref<1x1x128xi32, #tpu.memory_space<vmem>> -> memref<128xi32, #tpu.memory_space<vmem>>
          %dma_wait3A_436 = arith.constant 0 : i32
          %dma_wait3A_437 = tpu.memref_slice %arg7[%dma_wait3A_436] : memref<10240xf32, #tpu.memory_space<vmem_shared>> -> memref<10240xf32, #tpu.memory_space<vmem_shared>>
          tpu.wait_indirect_dma semaphore(%arg25 : memref<!tpu.dma_semaphore, #tpu.memory_space<semaphore_mem>>) src(%arg6 : memref<128xf32, #tpu.memory_space<vmem>>) dst(%dma_wait3A_437 : memref<10240xf32, #tpu.memory_space<vmem_shared>>)
        } else {
        }
        %add3A_401 = arith.constant 6 : i32
        %add3A_402 = arith.addi %while3A_147, %add3A_401 : i32
        %sub3A_403 = arith.constant 1 : i32
        %sub3A_404 = arith.subi %add3A_4, %sub3A_403 : i32
        %le3A = arith.cmpi sle, %add3A_402, %sub3A_404 : i32
        %convert_element_type3A_405 = arith.extui %le3A : i1 to i32
        %cond3A_406 = arith.constant 0 : i32
        %cond3A_407 = arith.cmpi ne, %convert_element_type3A_405, %cond3A_406 : i32
        scf.if %cond3A_407 {
          %add3A_431 = arith.constant 6 : i32
          %add3A_432 = arith.addi %while3A_147, %add3A_431 : i32
          %mul3A_433 = arith.constant 32 : i32
          %mul3A_434 = arith.muli %mul3A_433, %add3A_432 : i32
          %add3A_435 = arith.addi %add3A, %mul3A_434 : i32
          %mul3A_436 = arith.constant 128 : i32
          %mul3A_437 = arith.muli %add3A_435, %mul3A_436 : i32
          %dma_start3A_438 = arith.constant 11 : i32
          %dma_start3A_439 = arith.constant 0 : i32
          %dma_start3A_440 = arith.constant 0 : i32
          %dma_start3A_441 = tpu.memref_slice %arg5[%dma_start3A_438, %dma_start3A_439, %dma_start3A_440] : memref<12x2x128xi32, #tpu.memory_space<vmem>> -> memref<1x2x128xi32, #tpu.memory_space<vmem>>
          %dma_start3A_442 = tpu.memref_squeeze %dma_start3A_441 : memref<1x2x128xi32, #tpu.memory_space<vmem>> -> memref<2x128xi32, #tpu.memory_space<vmem>>
          %dma_start3A_443 = arith.constant 0 : i32
          %dma_start3A_444 = tpu.memref_slice %arg2[%dma_start3A_443, %mul3A_437] : memref<2x320000xi32, #tpu.memory_space<hbm>> -> memref<2x128xi32, #tpu.memory_space<hbm>>
          %dma_start3A_445 = arith.constant 0 : i32
          %dma_start3A_446 = arith.constant 0 : i32
          %dma_start3A_447 = tpu.memref_slice %arg5[%dma_start3A_438, %dma_start3A_445, %dma_start3A_446] : memref<12x2x128xi32, #tpu.memory_space<vmem>> -> memref<1x2x128xi32, #tpu.memory_space<vmem>>
          %dma_start3A_448 = tpu.memref_squeeze %dma_start3A_447 : memref<1x2x128xi32, #tpu.memory_space<vmem>> -> memref<2x128xi32, #tpu.memory_space<vmem>>
          %dma_start3A_449 = arith.constant 0 : i32
          %dma_start3A_450 = tpu.memref_slice %arg2[%dma_start3A_449, %mul3A_437] : memref<2x320000xi32, #tpu.memory_space<hbm>> -> memref<2x128xi32, #tpu.memory_space<hbm>>
          tpu.enqueue_dma source(%dma_start3A_450 : memref<2x128xi32, #tpu.memory_space<hbm>>) target(%dma_start3A_448 : memref<2x128xi32, #tpu.memory_space<vmem>>) target_semaphore(%arg19 : memref<!tpu.dma_semaphore, #tpu.memory_space<semaphore_mem>>)
        } else {
        }
        %mul3A_408 = arith.constant 32 : i32
        %mul3A_409 = arith.muli %mul3A_408, %while3A_147 : i32
        %add3A_410 = arith.addi %add3A, %mul3A_409 : i32
        %mul3A_411 = arith.constant 128 : i32
        %mul3A_412 = arith.muli %add3A_410, %mul3A_411 : i32
        %dma_wait3A = arith.constant 5 : i32
        %dma_wait3A_413 = arith.constant 0 : i32
        %dma_wait3A_414 = arith.constant 0 : i32
        %dma_wait3A_415 = tpu.memref_slice %arg5[%dma_wait3A, %dma_wait3A_413, %dma_wait3A_414] : memref<12x2x128xi32, #tpu.memory_space<vmem>> -> memref<1x2x128xi32, #tpu.memory_space<vmem>>
        %dma_wait3A_416 = tpu.memref_squeeze %dma_wait3A_415 : memref<1x2x128xi32, #tpu.memory_space<vmem>> -> memref<2x128xi32, #tpu.memory_space<vmem>>
        %dma_wait3A_417 = arith.constant 0 : i32
        %dma_wait3A_418 = tpu.memref_slice %arg2[%dma_wait3A_417, %mul3A_412] : memref<2x320000xi32, #tpu.memory_space<hbm>> -> memref<2x128xi32, #tpu.memory_space<hbm>>
        %dma_wait3A_419 = arith.constant 0 : i32
        %dma_wait3A_420 = arith.constant 0 : i32
        %dma_wait3A_421 = tpu.memref_slice %arg5[%dma_wait3A, %dma_wait3A_419, %dma_wait3A_420] : memref<12x2x128xi32, #tpu.memory_space<vmem>> -> memref<1x2x128xi32, #tpu.memory_space<vmem>>
        %dma_wait3A_422 = tpu.memref_squeeze %dma_wait3A_421 : memref<1x2x128xi32, #tpu.memory_space<vmem>> -> memref<2x128xi32, #tpu.memory_space<vmem>>
        %dma_wait3A_423 = arith.constant 0 : i32
        %dma_wait3A_424 = tpu.memref_slice %arg2[%dma_wait3A_423, %mul3A_412] : memref<2x320000xi32, #tpu.memory_space<hbm>> -> memref<2x128xi32, #tpu.memory_space<hbm>>
        tpu.wait_dma2 semaphore(%arg13 : memref<!tpu.dma_semaphore, #tpu.memory_space<semaphore_mem>>) src(%dma_wait3A_424 : memref<2x128xi32, #tpu.memory_space<hbm>>) dst(%dma_wait3A_422 : memref<2x128xi32, #tpu.memory_space<vmem>>)
        %dma_start3A = arith.constant 5 : i32
        %dma_start3A_425 = arith.constant 1 : i32
        %dma_start3A_426 = arith.constant 0 : i32
        %dma_start3A_427 = tpu.memref_slice %arg5[%dma_start3A, %dma_start3A_425, %dma_start3A_426] : memref<12x2x128xi32, #tpu.memory_space<vmem>> -> memref<1x1x128xi32, #tpu.memory_space<vmem>>
        %dma_start3A_428 = tpu.memref_squeeze %dma_start3A_427 : memref<1x1x128xi32, #tpu.memory_space<vmem>> -> memref<128xi32, #tpu.memory_space<vmem>>
        %dma_start3A_429 = arith.constant 0 : i32
        %dma_start3A_430 = tpu.memref_slice %arg7[%dma_start3A_429] : memref<10240xf32, #tpu.memory_space<vmem_shared>> -> memref<10240xf32, #tpu.memory_space<vmem_shared>>
        tpu.enqueue_indirect_dma source(%arg6 : memref<128xf32, #tpu.memory_space<vmem>>) target(%dma_start3A_430 : memref<10240xf32, #tpu.memory_space<vmem_shared>>) offsets(%dma_start3A_428 : memref<128xi32, #tpu.memory_space<vmem>>) semaphore(%arg25 : memref<!tpu.dma_semaphore, #tpu.memory_space<semaphore_mem>>) {add = true}
      } else {
      }
      %jit3A_270 = arith.constant 12 : i32
      %eq3A_271 = arith.constant 0 : i32
      %eq3A_272 = arith.cmpi eq, %jit3A_270, %eq3A_271 : i32
      %jit3A_273 = arith.constant 1 : i32
      %select_n3A_274 = arith.select %eq3A_272, %jit3A_273, %jit3A_270 : i32
      %rem3A_275 = arith.remsi %while3A_147, %select_n3A_274 : i32
      %ne3A_276 = arith.constant 0 : i32
      %ne3A_277 = arith.cmpi ne, %rem3A_275, %ne3A_276 : i32
      %lt3A_278 = arith.constant 0 : i32
      %lt3A_279 = arith.cmpi slt, %rem3A_275, %lt3A_278 : i32
      %lt3A_280 = arith.constant 0 : i32
      %lt3A_281 = arith.cmpi slt, %select_n3A_274, %lt3A_280 : i32
      %ne3A_282 = arith.xori %lt3A_279, %lt3A_281 : i1
      %and3A_283 = arith.andi %ne3A_282, %ne3A_277 : i1
      %add3A_284 = arith.addi %rem3A_275, %select_n3A_274 : i32
      %select_n3A_285 = arith.select %and3A_283, %add3A_284, %rem3A_275 : i32
      %eq3A_286 = arith.constant 6 : i32
      %eq3A_287 = arith.cmpi eq, %select_n3A_285, %eq3A_286 : i32
      %convert_element_type3A_288 = arith.extui %eq3A_287 : i1 to i32
      %cond3A_289 = arith.constant 0 : i32
      %cond3A_290 = arith.cmpi ne, %convert_element_type3A_288, %cond3A_289 : i32
      scf.if %cond3A_290 {
        %ge3A_396 = arith.constant 6 : i32
        %ge3A_397 = arith.cmpi sge, %while3A_147, %ge3A_396 : i32
        %convert_element_type3A_398 = arith.extui %ge3A_397 : i1 to i32
        %cond3A_399 = arith.constant 0 : i32
        %cond3A_400 = arith.cmpi ne, %convert_element_type3A_398, %cond3A_399 : i32
        scf.if %cond3A_400 {
          %dma_wait3A_431 = arith.constant 0 : i32
          %dma_wait3A_432 = arith.constant 1 : i32
          %dma_wait3A_433 = arith.constant 0 : i32
          %dma_wait3A_434 = tpu.memref_slice %arg5[%dma_wait3A_431, %dma_wait3A_432, %dma_wait3A_433] : memref<12x2x128xi32, #tpu.memory_space<vmem>> -> memref<1x1x128xi32, #tpu.memory_space<vmem>>
          %dma_wait3A_435 = tpu.memref_squeeze %dma_wait3A_434 : memref<1x1x128xi32, #tpu.memory_space<vmem>> -> memref<128xi32, #tpu.memory_space<vmem>>
          %dma_wait3A_436 = arith.constant 0 : i32
          %dma_wait3A_437 = tpu.memref_slice %arg7[%dma_wait3A_436] : memref<10240xf32, #tpu.memory_space<vmem_shared>> -> memref<10240xf32, #tpu.memory_space<vmem_shared>>
          tpu.wait_indirect_dma semaphore(%arg20 : memref<!tpu.dma_semaphore, #tpu.memory_space<semaphore_mem>>) src(%arg6 : memref<128xf32, #tpu.memory_space<vmem>>) dst(%dma_wait3A_437 : memref<10240xf32, #tpu.memory_space<vmem_shared>>)
        } else {
        }
        %add3A_401 = arith.constant 6 : i32
        %add3A_402 = arith.addi %while3A_147, %add3A_401 : i32
        %sub3A_403 = arith.constant 1 : i32
        %sub3A_404 = arith.subi %add3A_4, %sub3A_403 : i32
        %le3A = arith.cmpi sle, %add3A_402, %sub3A_404 : i32
        %convert_element_type3A_405 = arith.extui %le3A : i1 to i32
        %cond3A_406 = arith.constant 0 : i32
        %cond3A_407 = arith.cmpi ne, %convert_element_type3A_405, %cond3A_406 : i32
        scf.if %cond3A_407 {
          %add3A_431 = arith.constant 6 : i32
          %add3A_432 = arith.addi %while3A_147, %add3A_431 : i32
          %mul3A_433 = arith.constant 32 : i32
          %mul3A_434 = arith.muli %mul3A_433, %add3A_432 : i32
          %add3A_435 = arith.addi %add3A, %mul3A_434 : i32
          %mul3A_436 = arith.constant 128 : i32
          %mul3A_437 = arith.muli %add3A_435, %mul3A_436 : i32
          %dma_start3A_438 = arith.constant 0 : i32
          %dma_start3A_439 = arith.constant 0 : i32
          %dma_start3A_440 = arith.constant 0 : i32
          %dma_start3A_441 = tpu.memref_slice %arg5[%dma_start3A_438, %dma_start3A_439, %dma_start3A_440] : memref<12x2x128xi32, #tpu.memory_space<vmem>> -> memref<1x2x128xi32, #tpu.memory_space<vmem>>
          %dma_start3A_442 = tpu.memref_squeeze %dma_start3A_441 : memref<1x2x128xi32, #tpu.memory_space<vmem>> -> memref<2x128xi32, #tpu.memory_space<vmem>>
          %dma_start3A_443 = arith.constant 0 : i32
          %dma_start3A_444 = tpu.memref_slice %arg2[%dma_start3A_443, %mul3A_437] : memref<2x320000xi32, #tpu.memory_space<hbm>> -> memref<2x128xi32, #tpu.memory_space<hbm>>
          %dma_start3A_445 = arith.constant 0 : i32
          %dma_start3A_446 = arith.constant 0 : i32
          %dma_start3A_447 = tpu.memref_slice %arg5[%dma_start3A_438, %dma_start3A_445, %dma_start3A_446] : memref<12x2x128xi32, #tpu.memory_space<vmem>> -> memref<1x2x128xi32, #tpu.memory_space<vmem>>
          %dma_start3A_448 = tpu.memref_squeeze %dma_start3A_447 : memref<1x2x128xi32, #tpu.memory_space<vmem>> -> memref<2x128xi32, #tpu.memory_space<vmem>>
          %dma_start3A_449 = arith.constant 0 : i32
          %dma_start3A_450 = tpu.memref_slice %arg2[%dma_start3A_449, %mul3A_437] : memref<2x320000xi32, #tpu.memory_space<hbm>> -> memref<2x128xi32, #tpu.memory_space<hbm>>
          tpu.enqueue_dma source(%dma_start3A_450 : memref<2x128xi32, #tpu.memory_space<hbm>>) target(%dma_start3A_448 : memref<2x128xi32, #tpu.memory_space<vmem>>) target_semaphore(%arg8 : memref<!tpu.dma_semaphore, #tpu.memory_space<semaphore_mem>>)
        } else {
        }
        %mul3A_408 = arith.constant 32 : i32
        %mul3A_409 = arith.muli %mul3A_408, %while3A_147 : i32
        %add3A_410 = arith.addi %add3A, %mul3A_409 : i32
        %mul3A_411 = arith.constant 128 : i32
        %mul3A_412 = arith.muli %add3A_410, %mul3A_411 : i32
        %dma_wait3A = arith.constant 6 : i32
        %dma_wait3A_413 = arith.constant 0 : i32
        %dma_wait3A_414 = arith.constant 0 : i32
        %dma_wait3A_415 = tpu.memref_slice %arg5[%dma_wait3A, %dma_wait3A_413, %dma_wait3A_414] : memref<12x2x128xi32, #tpu.memory_space<vmem>> -> memref<1x2x128xi32, #tpu.memory_space<vmem>>
        %dma_wait3A_416 = tpu.memref_squeeze %dma_wait3A_415 : memref<1x2x128xi32, #tpu.memory_space<vmem>> -> memref<2x128xi32, #tpu.memory_space<vmem>>
        %dma_wait3A_417 = arith.constant 0 : i32
        %dma_wait3A_418 = tpu.memref_slice %arg2[%dma_wait3A_417, %mul3A_412] : memref<2x320000xi32, #tpu.memory_space<hbm>> -> memref<2x128xi32, #tpu.memory_space<hbm>>
        %dma_wait3A_419 = arith.constant 0 : i32
        %dma_wait3A_420 = arith.constant 0 : i32
        %dma_wait3A_421 = tpu.memref_slice %arg5[%dma_wait3A, %dma_wait3A_419, %dma_wait3A_420] : memref<12x2x128xi32, #tpu.memory_space<vmem>> -> memref<1x2x128xi32, #tpu.memory_space<vmem>>
        %dma_wait3A_422 = tpu.memref_squeeze %dma_wait3A_421 : memref<1x2x128xi32, #tpu.memory_space<vmem>> -> memref<2x128xi32, #tpu.memory_space<vmem>>
        %dma_wait3A_423 = arith.constant 0 : i32
        %dma_wait3A_424 = tpu.memref_slice %arg2[%dma_wait3A_423, %mul3A_412] : memref<2x320000xi32, #tpu.memory_space<hbm>> -> memref<2x128xi32, #tpu.memory_space<hbm>>
        tpu.wait_dma2 semaphore(%arg14 : memref<!tpu.dma_semaphore, #tpu.memory_space<semaphore_mem>>) src(%dma_wait3A_424 : memref<2x128xi32, #tpu.memory_space<hbm>>) dst(%dma_wait3A_422 : memref<2x128xi32, #tpu.memory_space<vmem>>)
        %dma_start3A = arith.constant 6 : i32
        %dma_start3A_425 = arith.constant 1 : i32
        %dma_start3A_426 = arith.constant 0 : i32
        %dma_start3A_427 = tpu.memref_slice %arg5[%dma_start3A, %dma_start3A_425, %dma_start3A_426] : memref<12x2x128xi32, #tpu.memory_space<vmem>> -> memref<1x1x128xi32, #tpu.memory_space<vmem>>
        %dma_start3A_428 = tpu.memref_squeeze %dma_start3A_427 : memref<1x1x128xi32, #tpu.memory_space<vmem>> -> memref<128xi32, #tpu.memory_space<vmem>>
        %dma_start3A_429 = arith.constant 0 : i32
        %dma_start3A_430 = tpu.memref_slice %arg7[%dma_start3A_429] : memref<10240xf32, #tpu.memory_space<vmem_shared>> -> memref<10240xf32, #tpu.memory_space<vmem_shared>>
        tpu.enqueue_indirect_dma source(%arg6 : memref<128xf32, #tpu.memory_space<vmem>>) target(%dma_start3A_430 : memref<10240xf32, #tpu.memory_space<vmem_shared>>) offsets(%dma_start3A_428 : memref<128xi32, #tpu.memory_space<vmem>>) semaphore(%arg20 : memref<!tpu.dma_semaphore, #tpu.memory_space<semaphore_mem>>) {add = true}
      } else {
      }
      %jit3A_291 = arith.constant 12 : i32
      %eq3A_292 = arith.constant 0 : i32
      %eq3A_293 = arith.cmpi eq, %jit3A_291, %eq3A_292 : i32
      %jit3A_294 = arith.constant 1 : i32
      %select_n3A_295 = arith.select %eq3A_293, %jit3A_294, %jit3A_291 : i32
      %rem3A_296 = arith.remsi %while3A_147, %select_n3A_295 : i32
      %ne3A_297 = arith.constant 0 : i32
      %ne3A_298 = arith.cmpi ne, %rem3A_296, %ne3A_297 : i32
      %lt3A_299 = arith.constant 0 : i32
      %lt3A_300 = arith.cmpi slt, %rem3A_296, %lt3A_299 : i32
      %lt3A_301 = arith.constant 0 : i32
      %lt3A_302 = arith.cmpi slt, %select_n3A_295, %lt3A_301 : i32
      %ne3A_303 = arith.xori %lt3A_300, %lt3A_302 : i1
      %and3A_304 = arith.andi %ne3A_303, %ne3A_298 : i1
      %add3A_305 = arith.addi %rem3A_296, %select_n3A_295 : i32
      %select_n3A_306 = arith.select %and3A_304, %add3A_305, %rem3A_296 : i32
      %eq3A_307 = arith.constant 7 : i32
      %eq3A_308 = arith.cmpi eq, %select_n3A_306, %eq3A_307 : i32
      %convert_element_type3A_309 = arith.extui %eq3A_308 : i1 to i32
      %cond3A_310 = arith.constant 0 : i32
      %cond3A_311 = arith.cmpi ne, %convert_element_type3A_309, %cond3A_310 : i32
      scf.if %cond3A_311 {
        %ge3A_396 = arith.constant 6 : i32
        %ge3A_397 = arith.cmpi sge, %while3A_147, %ge3A_396 : i32
        %convert_element_type3A_398 = arith.extui %ge3A_397 : i1 to i32
        %cond3A_399 = arith.constant 0 : i32
        %cond3A_400 = arith.cmpi ne, %convert_element_type3A_398, %cond3A_399 : i32
        scf.if %cond3A_400 {
          %dma_wait3A_431 = arith.constant 1 : i32
          %dma_wait3A_432 = arith.constant 1 : i32
          %dma_wait3A_433 = arith.constant 0 : i32
          %dma_wait3A_434 = tpu.memref_slice %arg5[%dma_wait3A_431, %dma_wait3A_432, %dma_wait3A_433] : memref<12x2x128xi32, #tpu.memory_space<vmem>> -> memref<1x1x128xi32, #tpu.memory_space<vmem>>
          %dma_wait3A_435 = tpu.memref_squeeze %dma_wait3A_434 : memref<1x1x128xi32, #tpu.memory_space<vmem>> -> memref<128xi32, #tpu.memory_space<vmem>>
          %dma_wait3A_436 = arith.constant 0 : i32
          %dma_wait3A_437 = tpu.memref_slice %arg7[%dma_wait3A_436] : memref<10240xf32, #tpu.memory_space<vmem_shared>> -> memref<10240xf32, #tpu.memory_space<vmem_shared>>
          tpu.wait_indirect_dma semaphore(%arg21 : memref<!tpu.dma_semaphore, #tpu.memory_space<semaphore_mem>>) src(%arg6 : memref<128xf32, #tpu.memory_space<vmem>>) dst(%dma_wait3A_437 : memref<10240xf32, #tpu.memory_space<vmem_shared>>)
        } else {
        }
        %add3A_401 = arith.constant 6 : i32
        %add3A_402 = arith.addi %while3A_147, %add3A_401 : i32
        %sub3A_403 = arith.constant 1 : i32
        %sub3A_404 = arith.subi %add3A_4, %sub3A_403 : i32
        %le3A = arith.cmpi sle, %add3A_402, %sub3A_404 : i32
        %convert_element_type3A_405 = arith.extui %le3A : i1 to i32
        %cond3A_406 = arith.constant 0 : i32
        %cond3A_407 = arith.cmpi ne, %convert_element_type3A_405, %cond3A_406 : i32
        scf.if %cond3A_407 {
          %add3A_431 = arith.constant 6 : i32
          %add3A_432 = arith.addi %while3A_147, %add3A_431 : i32
          %mul3A_433 = arith.constant 32 : i32
          %mul3A_434 = arith.muli %mul3A_433, %add3A_432 : i32
          %add3A_435 = arith.addi %add3A, %mul3A_434 : i32
          %mul3A_436 = arith.constant 128 : i32
          %mul3A_437 = arith.muli %add3A_435, %mul3A_436 : i32
          %dma_start3A_438 = arith.constant 1 : i32
          %dma_start3A_439 = arith.constant 0 : i32
          %dma_start3A_440 = arith.constant 0 : i32
          %dma_start3A_441 = tpu.memref_slice %arg5[%dma_start3A_438, %dma_start3A_439, %dma_start3A_440] : memref<12x2x128xi32, #tpu.memory_space<vmem>> -> memref<1x2x128xi32, #tpu.memory_space<vmem>>
          %dma_start3A_442 = tpu.memref_squeeze %dma_start3A_441 : memref<1x2x128xi32, #tpu.memory_space<vmem>> -> memref<2x128xi32, #tpu.memory_space<vmem>>
          %dma_start3A_443 = arith.constant 0 : i32
          %dma_start3A_444 = tpu.memref_slice %arg2[%dma_start3A_443, %mul3A_437] : memref<2x320000xi32, #tpu.memory_space<hbm>> -> memref<2x128xi32, #tpu.memory_space<hbm>>
          %dma_start3A_445 = arith.constant 0 : i32
          %dma_start3A_446 = arith.constant 0 : i32
          %dma_start3A_447 = tpu.memref_slice %arg5[%dma_start3A_438, %dma_start3A_445, %dma_start3A_446] : memref<12x2x128xi32, #tpu.memory_space<vmem>> -> memref<1x2x128xi32, #tpu.memory_space<vmem>>
          %dma_start3A_448 = tpu.memref_squeeze %dma_start3A_447 : memref<1x2x128xi32, #tpu.memory_space<vmem>> -> memref<2x128xi32, #tpu.memory_space<vmem>>
          %dma_start3A_449 = arith.constant 0 : i32
          %dma_start3A_450 = tpu.memref_slice %arg2[%dma_start3A_449, %mul3A_437] : memref<2x320000xi32, #tpu.memory_space<hbm>> -> memref<2x128xi32, #tpu.memory_space<hbm>>
          tpu.enqueue_dma source(%dma_start3A_450 : memref<2x128xi32, #tpu.memory_space<hbm>>) target(%dma_start3A_448 : memref<2x128xi32, #tpu.memory_space<vmem>>) target_semaphore(%arg9 : memref<!tpu.dma_semaphore, #tpu.memory_space<semaphore_mem>>)
        } else {
        }
        %mul3A_408 = arith.constant 32 : i32
        %mul3A_409 = arith.muli %mul3A_408, %while3A_147 : i32
        %add3A_410 = arith.addi %add3A, %mul3A_409 : i32
        %mul3A_411 = arith.constant 128 : i32
        %mul3A_412 = arith.muli %add3A_410, %mul3A_411 : i32
        %dma_wait3A = arith.constant 7 : i32
        %dma_wait3A_413 = arith.constant 0 : i32
        %dma_wait3A_414 = arith.constant 0 : i32
        %dma_wait3A_415 = tpu.memref_slice %arg5[%dma_wait3A, %dma_wait3A_413, %dma_wait3A_414] : memref<12x2x128xi32, #tpu.memory_space<vmem>> -> memref<1x2x128xi32, #tpu.memory_space<vmem>>
        %dma_wait3A_416 = tpu.memref_squeeze %dma_wait3A_415 : memref<1x2x128xi32, #tpu.memory_space<vmem>> -> memref<2x128xi32, #tpu.memory_space<vmem>>
        %dma_wait3A_417 = arith.constant 0 : i32
        %dma_wait3A_418 = tpu.memref_slice %arg2[%dma_wait3A_417, %mul3A_412] : memref<2x320000xi32, #tpu.memory_space<hbm>> -> memref<2x128xi32, #tpu.memory_space<hbm>>
        %dma_wait3A_419 = arith.constant 0 : i32
        %dma_wait3A_420 = arith.constant 0 : i32
        %dma_wait3A_421 = tpu.memref_slice %arg5[%dma_wait3A, %dma_wait3A_419, %dma_wait3A_420] : memref<12x2x128xi32, #tpu.memory_space<vmem>> -> memref<1x2x128xi32, #tpu.memory_space<vmem>>
        %dma_wait3A_422 = tpu.memref_squeeze %dma_wait3A_421 : memref<1x2x128xi32, #tpu.memory_space<vmem>> -> memref<2x128xi32, #tpu.memory_space<vmem>>
        %dma_wait3A_423 = arith.constant 0 : i32
        %dma_wait3A_424 = tpu.memref_slice %arg2[%dma_wait3A_423, %mul3A_412] : memref<2x320000xi32, #tpu.memory_space<hbm>> -> memref<2x128xi32, #tpu.memory_space<hbm>>
        tpu.wait_dma2 semaphore(%arg15 : memref<!tpu.dma_semaphore, #tpu.memory_space<semaphore_mem>>) src(%dma_wait3A_424 : memref<2x128xi32, #tpu.memory_space<hbm>>) dst(%dma_wait3A_422 : memref<2x128xi32, #tpu.memory_space<vmem>>)
        %dma_start3A = arith.constant 7 : i32
        %dma_start3A_425 = arith.constant 1 : i32
        %dma_start3A_426 = arith.constant 0 : i32
        %dma_start3A_427 = tpu.memref_slice %arg5[%dma_start3A, %dma_start3A_425, %dma_start3A_426] : memref<12x2x128xi32, #tpu.memory_space<vmem>> -> memref<1x1x128xi32, #tpu.memory_space<vmem>>
        %dma_start3A_428 = tpu.memref_squeeze %dma_start3A_427 : memref<1x1x128xi32, #tpu.memory_space<vmem>> -> memref<128xi32, #tpu.memory_space<vmem>>
        %dma_start3A_429 = arith.constant 0 : i32
        %dma_start3A_430 = tpu.memref_slice %arg7[%dma_start3A_429] : memref<10240xf32, #tpu.memory_space<vmem_shared>> -> memref<10240xf32, #tpu.memory_space<vmem_shared>>
        tpu.enqueue_indirect_dma source(%arg6 : memref<128xf32, #tpu.memory_space<vmem>>) target(%dma_start3A_430 : memref<10240xf32, #tpu.memory_space<vmem_shared>>) offsets(%dma_start3A_428 : memref<128xi32, #tpu.memory_space<vmem>>) semaphore(%arg21 : memref<!tpu.dma_semaphore, #tpu.memory_space<semaphore_mem>>) {add = true}
      } else {
      }
      %jit3A_312 = arith.constant 12 : i32
      %eq3A_313 = arith.constant 0 : i32
      %eq3A_314 = arith.cmpi eq, %jit3A_312, %eq3A_313 : i32
      %jit3A_315 = arith.constant 1 : i32
      %select_n3A_316 = arith.select %eq3A_314, %jit3A_315, %jit3A_312 : i32
      %rem3A_317 = arith.remsi %while3A_147, %select_n3A_316 : i32
      %ne3A_318 = arith.constant 0 : i32
      %ne3A_319 = arith.cmpi ne, %rem3A_317, %ne3A_318 : i32
      %lt3A_320 = arith.constant 0 : i32
      %lt3A_321 = arith.cmpi slt, %rem3A_317, %lt3A_320 : i32
      %lt3A_322 = arith.constant 0 : i32
      %lt3A_323 = arith.cmpi slt, %select_n3A_316, %lt3A_322 : i32
      %ne3A_324 = arith.xori %lt3A_321, %lt3A_323 : i1
      %and3A_325 = arith.andi %ne3A_324, %ne3A_319 : i1
      %add3A_326 = arith.addi %rem3A_317, %select_n3A_316 : i32
      %select_n3A_327 = arith.select %and3A_325, %add3A_326, %rem3A_317 : i32
      %eq3A_328 = arith.constant 8 : i32
      %eq3A_329 = arith.cmpi eq, %select_n3A_327, %eq3A_328 : i32
      %convert_element_type3A_330 = arith.extui %eq3A_329 : i1 to i32
      %cond3A_331 = arith.constant 0 : i32
      %cond3A_332 = arith.cmpi ne, %convert_element_type3A_330, %cond3A_331 : i32
      scf.if %cond3A_332 {
        %ge3A_396 = arith.constant 6 : i32
        %ge3A_397 = arith.cmpi sge, %while3A_147, %ge3A_396 : i32
        %convert_element_type3A_398 = arith.extui %ge3A_397 : i1 to i32
        %cond3A_399 = arith.constant 0 : i32
        %cond3A_400 = arith.cmpi ne, %convert_element_type3A_398, %cond3A_399 : i32
        scf.if %cond3A_400 {
          %dma_wait3A_431 = arith.constant 2 : i32
          %dma_wait3A_432 = arith.constant 1 : i32
          %dma_wait3A_433 = arith.constant 0 : i32
          %dma_wait3A_434 = tpu.memref_slice %arg5[%dma_wait3A_431, %dma_wait3A_432, %dma_wait3A_433] : memref<12x2x128xi32, #tpu.memory_space<vmem>> -> memref<1x1x128xi32, #tpu.memory_space<vmem>>
          %dma_wait3A_435 = tpu.memref_squeeze %dma_wait3A_434 : memref<1x1x128xi32, #tpu.memory_space<vmem>> -> memref<128xi32, #tpu.memory_space<vmem>>
          %dma_wait3A_436 = arith.constant 0 : i32
          %dma_wait3A_437 = tpu.memref_slice %arg7[%dma_wait3A_436] : memref<10240xf32, #tpu.memory_space<vmem_shared>> -> memref<10240xf32, #tpu.memory_space<vmem_shared>>
          tpu.wait_indirect_dma semaphore(%arg22 : memref<!tpu.dma_semaphore, #tpu.memory_space<semaphore_mem>>) src(%arg6 : memref<128xf32, #tpu.memory_space<vmem>>) dst(%dma_wait3A_437 : memref<10240xf32, #tpu.memory_space<vmem_shared>>)
        } else {
        }
        %add3A_401 = arith.constant 6 : i32
        %add3A_402 = arith.addi %while3A_147, %add3A_401 : i32
        %sub3A_403 = arith.constant 1 : i32
        %sub3A_404 = arith.subi %add3A_4, %sub3A_403 : i32
        %le3A = arith.cmpi sle, %add3A_402, %sub3A_404 : i32
        %convert_element_type3A_405 = arith.extui %le3A : i1 to i32
        %cond3A_406 = arith.constant 0 : i32
        %cond3A_407 = arith.cmpi ne, %convert_element_type3A_405, %cond3A_406 : i32
        scf.if %cond3A_407 {
          %add3A_431 = arith.constant 6 : i32
          %add3A_432 = arith.addi %while3A_147, %add3A_431 : i32
          %mul3A_433 = arith.constant 32 : i32
          %mul3A_434 = arith.muli %mul3A_433, %add3A_432 : i32
          %add3A_435 = arith.addi %add3A, %mul3A_434 : i32
          %mul3A_436 = arith.constant 128 : i32
          %mul3A_437 = arith.muli %add3A_435, %mul3A_436 : i32
          %dma_start3A_438 = arith.constant 2 : i32
          %dma_start3A_439 = arith.constant 0 : i32
          %dma_start3A_440 = arith.constant 0 : i32
          %dma_start3A_441 = tpu.memref_slice %arg5[%dma_start3A_438, %dma_start3A_439, %dma_start3A_440] : memref<12x2x128xi32, #tpu.memory_space<vmem>> -> memref<1x2x128xi32, #tpu.memory_space<vmem>>
          %dma_start3A_442 = tpu.memref_squeeze %dma_start3A_441 : memref<1x2x128xi32, #tpu.memory_space<vmem>> -> memref<2x128xi32, #tpu.memory_space<vmem>>
          %dma_start3A_443 = arith.constant 0 : i32
          %dma_start3A_444 = tpu.memref_slice %arg2[%dma_start3A_443, %mul3A_437] : memref<2x320000xi32, #tpu.memory_space<hbm>> -> memref<2x128xi32, #tpu.memory_space<hbm>>
          %dma_start3A_445 = arith.constant 0 : i32
          %dma_start3A_446 = arith.constant 0 : i32
          %dma_start3A_447 = tpu.memref_slice %arg5[%dma_start3A_438, %dma_start3A_445, %dma_start3A_446] : memref<12x2x128xi32, #tpu.memory_space<vmem>> -> memref<1x2x128xi32, #tpu.memory_space<vmem>>
          %dma_start3A_448 = tpu.memref_squeeze %dma_start3A_447 : memref<1x2x128xi32, #tpu.memory_space<vmem>> -> memref<2x128xi32, #tpu.memory_space<vmem>>
          %dma_start3A_449 = arith.constant 0 : i32
          %dma_start3A_450 = tpu.memref_slice %arg2[%dma_start3A_449, %mul3A_437] : memref<2x320000xi32, #tpu.memory_space<hbm>> -> memref<2x128xi32, #tpu.memory_space<hbm>>
          tpu.enqueue_dma source(%dma_start3A_450 : memref<2x128xi32, #tpu.memory_space<hbm>>) target(%dma_start3A_448 : memref<2x128xi32, #tpu.memory_space<vmem>>) target_semaphore(%arg10 : memref<!tpu.dma_semaphore, #tpu.memory_space<semaphore_mem>>)
        } else {
        }
        %mul3A_408 = arith.constant 32 : i32
        %mul3A_409 = arith.muli %mul3A_408, %while3A_147 : i32
        %add3A_410 = arith.addi %add3A, %mul3A_409 : i32
        %mul3A_411 = arith.constant 128 : i32
        %mul3A_412 = arith.muli %add3A_410, %mul3A_411 : i32
        %dma_wait3A = arith.constant 8 : i32
        %dma_wait3A_413 = arith.constant 0 : i32
        %dma_wait3A_414 = arith.constant 0 : i32
        %dma_wait3A_415 = tpu.memref_slice %arg5[%dma_wait3A, %dma_wait3A_413, %dma_wait3A_414] : memref<12x2x128xi32, #tpu.memory_space<vmem>> -> memref<1x2x128xi32, #tpu.memory_space<vmem>>
        %dma_wait3A_416 = tpu.memref_squeeze %dma_wait3A_415 : memref<1x2x128xi32, #tpu.memory_space<vmem>> -> memref<2x128xi32, #tpu.memory_space<vmem>>
        %dma_wait3A_417 = arith.constant 0 : i32
        %dma_wait3A_418 = tpu.memref_slice %arg2[%dma_wait3A_417, %mul3A_412] : memref<2x320000xi32, #tpu.memory_space<hbm>> -> memref<2x128xi32, #tpu.memory_space<hbm>>
        %dma_wait3A_419 = arith.constant 0 : i32
        %dma_wait3A_420 = arith.constant 0 : i32
        %dma_wait3A_421 = tpu.memref_slice %arg5[%dma_wait3A, %dma_wait3A_419, %dma_wait3A_420] : memref<12x2x128xi32, #tpu.memory_space<vmem>> -> memref<1x2x128xi32, #tpu.memory_space<vmem>>
        %dma_wait3A_422 = tpu.memref_squeeze %dma_wait3A_421 : memref<1x2x128xi32, #tpu.memory_space<vmem>> -> memref<2x128xi32, #tpu.memory_space<vmem>>
        %dma_wait3A_423 = arith.constant 0 : i32
        %dma_wait3A_424 = tpu.memref_slice %arg2[%dma_wait3A_423, %mul3A_412] : memref<2x320000xi32, #tpu.memory_space<hbm>> -> memref<2x128xi32, #tpu.memory_space<hbm>>
        tpu.wait_dma2 semaphore(%arg16 : memref<!tpu.dma_semaphore, #tpu.memory_space<semaphore_mem>>) src(%dma_wait3A_424 : memref<2x128xi32, #tpu.memory_space<hbm>>) dst(%dma_wait3A_422 : memref<2x128xi32, #tpu.memory_space<vmem>>)
        %dma_start3A = arith.constant 8 : i32
        %dma_start3A_425 = arith.constant 1 : i32
        %dma_start3A_426 = arith.constant 0 : i32
        %dma_start3A_427 = tpu.memref_slice %arg5[%dma_start3A, %dma_start3A_425, %dma_start3A_426] : memref<12x2x128xi32, #tpu.memory_space<vmem>> -> memref<1x1x128xi32, #tpu.memory_space<vmem>>
        %dma_start3A_428 = tpu.memref_squeeze %dma_start3A_427 : memref<1x1x128xi32, #tpu.memory_space<vmem>> -> memref<128xi32, #tpu.memory_space<vmem>>
        %dma_start3A_429 = arith.constant 0 : i32
        %dma_start3A_430 = tpu.memref_slice %arg7[%dma_start3A_429] : memref<10240xf32, #tpu.memory_space<vmem_shared>> -> memref<10240xf32, #tpu.memory_space<vmem_shared>>
        tpu.enqueue_indirect_dma source(%arg6 : memref<128xf32, #tpu.memory_space<vmem>>) target(%dma_start3A_430 : memref<10240xf32, #tpu.memory_space<vmem_shared>>) offsets(%dma_start3A_428 : memref<128xi32, #tpu.memory_space<vmem>>) semaphore(%arg22 : memref<!tpu.dma_semaphore, #tpu.memory_space<semaphore_mem>>) {add = true}
      } else {
      }
      %jit3A_333 = arith.constant 12 : i32
      %eq3A_334 = arith.constant 0 : i32
      %eq3A_335 = arith.cmpi eq, %jit3A_333, %eq3A_334 : i32
      %jit3A_336 = arith.constant 1 : i32
      %select_n3A_337 = arith.select %eq3A_335, %jit3A_336, %jit3A_333 : i32
      %rem3A_338 = arith.remsi %while3A_147, %select_n3A_337 : i32
      %ne3A_339 = arith.constant 0 : i32
      %ne3A_340 = arith.cmpi ne, %rem3A_338, %ne3A_339 : i32
      %lt3A_341 = arith.constant 0 : i32
      %lt3A_342 = arith.cmpi slt, %rem3A_338, %lt3A_341 : i32
      %lt3A_343 = arith.constant 0 : i32
      %lt3A_344 = arith.cmpi slt, %select_n3A_337, %lt3A_343 : i32
      %ne3A_345 = arith.xori %lt3A_342, %lt3A_344 : i1
      %and3A_346 = arith.andi %ne3A_345, %ne3A_340 : i1
      %add3A_347 = arith.addi %rem3A_338, %select_n3A_337 : i32
      %select_n3A_348 = arith.select %and3A_346, %add3A_347, %rem3A_338 : i32
      %eq3A_349 = arith.constant 9 : i32
      %eq3A_350 = arith.cmpi eq, %select_n3A_348, %eq3A_349 : i32
      %convert_element_type3A_351 = arith.extui %eq3A_350 : i1 to i32
      %cond3A_352 = arith.constant 0 : i32
      %cond3A_353 = arith.cmpi ne, %convert_element_type3A_351, %cond3A_352 : i32
      scf.if %cond3A_353 {
        %ge3A_396 = arith.constant 6 : i32
        %ge3A_397 = arith.cmpi sge, %while3A_147, %ge3A_396 : i32
        %convert_element_type3A_398 = arith.extui %ge3A_397 : i1 to i32
        %cond3A_399 = arith.constant 0 : i32
        %cond3A_400 = arith.cmpi ne, %convert_element_type3A_398, %cond3A_399 : i32
        scf.if %cond3A_400 {
          %dma_wait3A_431 = arith.constant 3 : i32
          %dma_wait3A_432 = arith.constant 1 : i32
          %dma_wait3A_433 = arith.constant 0 : i32
          %dma_wait3A_434 = tpu.memref_slice %arg5[%dma_wait3A_431, %dma_wait3A_432, %dma_wait3A_433] : memref<12x2x128xi32, #tpu.memory_space<vmem>> -> memref<1x1x128xi32, #tpu.memory_space<vmem>>
          %dma_wait3A_435 = tpu.memref_squeeze %dma_wait3A_434 : memref<1x1x128xi32, #tpu.memory_space<vmem>> -> memref<128xi32, #tpu.memory_space<vmem>>
          %dma_wait3A_436 = arith.constant 0 : i32
          %dma_wait3A_437 = tpu.memref_slice %arg7[%dma_wait3A_436] : memref<10240xf32, #tpu.memory_space<vmem_shared>> -> memref<10240xf32, #tpu.memory_space<vmem_shared>>
          tpu.wait_indirect_dma semaphore(%arg23 : memref<!tpu.dma_semaphore, #tpu.memory_space<semaphore_mem>>) src(%arg6 : memref<128xf32, #tpu.memory_space<vmem>>) dst(%dma_wait3A_437 : memref<10240xf32, #tpu.memory_space<vmem_shared>>)
        } else {
        }
        %add3A_401 = arith.constant 6 : i32
        %add3A_402 = arith.addi %while3A_147, %add3A_401 : i32
        %sub3A_403 = arith.constant 1 : i32
        %sub3A_404 = arith.subi %add3A_4, %sub3A_403 : i32
        %le3A = arith.cmpi sle, %add3A_402, %sub3A_404 : i32
        %convert_element_type3A_405 = arith.extui %le3A : i1 to i32
        %cond3A_406 = arith.constant 0 : i32
        %cond3A_407 = arith.cmpi ne, %convert_element_type3A_405, %cond3A_406 : i32
        scf.if %cond3A_407 {
          %add3A_431 = arith.constant 6 : i32
          %add3A_432 = arith.addi %while3A_147, %add3A_431 : i32
          %mul3A_433 = arith.constant 32 : i32
          %mul3A_434 = arith.muli %mul3A_433, %add3A_432 : i32
          %add3A_435 = arith.addi %add3A, %mul3A_434 : i32
          %mul3A_436 = arith.constant 128 : i32
          %mul3A_437 = arith.muli %add3A_435, %mul3A_436 : i32
          %dma_start3A_438 = arith.constant 3 : i32
          %dma_start3A_439 = arith.constant 0 : i32
          %dma_start3A_440 = arith.constant 0 : i32
          %dma_start3A_441 = tpu.memref_slice %arg5[%dma_start3A_438, %dma_start3A_439, %dma_start3A_440] : memref<12x2x128xi32, #tpu.memory_space<vmem>> -> memref<1x2x128xi32, #tpu.memory_space<vmem>>
          %dma_start3A_442 = tpu.memref_squeeze %dma_start3A_441 : memref<1x2x128xi32, #tpu.memory_space<vmem>> -> memref<2x128xi32, #tpu.memory_space<vmem>>
          %dma_start3A_443 = arith.constant 0 : i32
          %dma_start3A_444 = tpu.memref_slice %arg2[%dma_start3A_443, %mul3A_437] : memref<2x320000xi32, #tpu.memory_space<hbm>> -> memref<2x128xi32, #tpu.memory_space<hbm>>
          %dma_start3A_445 = arith.constant 0 : i32
          %dma_start3A_446 = arith.constant 0 : i32
          %dma_start3A_447 = tpu.memref_slice %arg5[%dma_start3A_438, %dma_start3A_445, %dma_start3A_446] : memref<12x2x128xi32, #tpu.memory_space<vmem>> -> memref<1x2x128xi32, #tpu.memory_space<vmem>>
          %dma_start3A_448 = tpu.memref_squeeze %dma_start3A_447 : memref<1x2x128xi32, #tpu.memory_space<vmem>> -> memref<2x128xi32, #tpu.memory_space<vmem>>
          %dma_start3A_449 = arith.constant 0 : i32
          %dma_start3A_450 = tpu.memref_slice %arg2[%dma_start3A_449, %mul3A_437] : memref<2x320000xi32, #tpu.memory_space<hbm>> -> memref<2x128xi32, #tpu.memory_space<hbm>>
          tpu.enqueue_dma source(%dma_start3A_450 : memref<2x128xi32, #tpu.memory_space<hbm>>) target(%dma_start3A_448 : memref<2x128xi32, #tpu.memory_space<vmem>>) target_semaphore(%arg11 : memref<!tpu.dma_semaphore, #tpu.memory_space<semaphore_mem>>)
        } else {
        }
        %mul3A_408 = arith.constant 32 : i32
        %mul3A_409 = arith.muli %mul3A_408, %while3A_147 : i32
        %add3A_410 = arith.addi %add3A, %mul3A_409 : i32
        %mul3A_411 = arith.constant 128 : i32
        %mul3A_412 = arith.muli %add3A_410, %mul3A_411 : i32
        %dma_wait3A = arith.constant 9 : i32
        %dma_wait3A_413 = arith.constant 0 : i32
        %dma_wait3A_414 = arith.constant 0 : i32
        %dma_wait3A_415 = tpu.memref_slice %arg5[%dma_wait3A, %dma_wait3A_413, %dma_wait3A_414] : memref<12x2x128xi32, #tpu.memory_space<vmem>> -> memref<1x2x128xi32, #tpu.memory_space<vmem>>
        %dma_wait3A_416 = tpu.memref_squeeze %dma_wait3A_415 : memref<1x2x128xi32, #tpu.memory_space<vmem>> -> memref<2x128xi32, #tpu.memory_space<vmem>>
        %dma_wait3A_417 = arith.constant 0 : i32
        %dma_wait3A_418 = tpu.memref_slice %arg2[%dma_wait3A_417, %mul3A_412] : memref<2x320000xi32, #tpu.memory_space<hbm>> -> memref<2x128xi32, #tpu.memory_space<hbm>>
        %dma_wait3A_419 = arith.constant 0 : i32
        %dma_wait3A_420 = arith.constant 0 : i32
        %dma_wait3A_421 = tpu.memref_slice %arg5[%dma_wait3A, %dma_wait3A_419, %dma_wait3A_420] : memref<12x2x128xi32, #tpu.memory_space<vmem>> -> memref<1x2x128xi32, #tpu.memory_space<vmem>>
        %dma_wait3A_422 = tpu.memref_squeeze %dma_wait3A_421 : memref<1x2x128xi32, #tpu.memory_space<vmem>> -> memref<2x128xi32, #tpu.memory_space<vmem>>
        %dma_wait3A_423 = arith.constant 0 : i32
        %dma_wait3A_424 = tpu.memref_slice %arg2[%dma_wait3A_423, %mul3A_412] : memref<2x320000xi32, #tpu.memory_space<hbm>> -> memref<2x128xi32, #tpu.memory_space<hbm>>
        tpu.wait_dma2 semaphore(%arg17 : memref<!tpu.dma_semaphore, #tpu.memory_space<semaphore_mem>>) src(%dma_wait3A_424 : memref<2x128xi32, #tpu.memory_space<hbm>>) dst(%dma_wait3A_422 : memref<2x128xi32, #tpu.memory_space<vmem>>)
        %dma_start3A = arith.constant 9 : i32
        %dma_start3A_425 = arith.constant 1 : i32
        %dma_start3A_426 = arith.constant 0 : i32
        %dma_start3A_427 = tpu.memref_slice %arg5[%dma_start3A, %dma_start3A_425, %dma_start3A_426] : memref<12x2x128xi32, #tpu.memory_space<vmem>> -> memref<1x1x128xi32, #tpu.memory_space<vmem>>
        %dma_start3A_428 = tpu.memref_squeeze %dma_start3A_427 : memref<1x1x128xi32, #tpu.memory_space<vmem>> -> memref<128xi32, #tpu.memory_space<vmem>>
        %dma_start3A_429 = arith.constant 0 : i32
        %dma_start3A_430 = tpu.memref_slice %arg7[%dma_start3A_429] : memref<10240xf32, #tpu.memory_space<vmem_shared>> -> memref<10240xf32, #tpu.memory_space<vmem_shared>>
        tpu.enqueue_indirect_dma source(%arg6 : memref<128xf32, #tpu.memory_space<vmem>>) target(%dma_start3A_430 : memref<10240xf32, #tpu.memory_space<vmem_shared>>) offsets(%dma_start3A_428 : memref<128xi32, #tpu.memory_space<vmem>>) semaphore(%arg23 : memref<!tpu.dma_semaphore, #tpu.memory_space<semaphore_mem>>) {add = true}
      } else {
      }
      %jit3A_354 = arith.constant 12 : i32
      %eq3A_355 = arith.constant 0 : i32
      %eq3A_356 = arith.cmpi eq, %jit3A_354, %eq3A_355 : i32
      %jit3A_357 = arith.constant 1 : i32
      %select_n3A_358 = arith.select %eq3A_356, %jit3A_357, %jit3A_354 : i32
      %rem3A_359 = arith.remsi %while3A_147, %select_n3A_358 : i32
      %ne3A_360 = arith.constant 0 : i32
      %ne3A_361 = arith.cmpi ne, %rem3A_359, %ne3A_360 : i32
      %lt3A_362 = arith.constant 0 : i32
      %lt3A_363 = arith.cmpi slt, %rem3A_359, %lt3A_362 : i32
      %lt3A_364 = arith.constant 0 : i32
      %lt3A_365 = arith.cmpi slt, %select_n3A_358, %lt3A_364 : i32
      %ne3A_366 = arith.xori %lt3A_363, %lt3A_365 : i1
      %and3A_367 = arith.andi %ne3A_366, %ne3A_361 : i1
      %add3A_368 = arith.addi %rem3A_359, %select_n3A_358 : i32
      %select_n3A_369 = arith.select %and3A_367, %add3A_368, %rem3A_359 : i32
      %eq3A_370 = arith.constant 10 : i32
      %eq3A_371 = arith.cmpi eq, %select_n3A_369, %eq3A_370 : i32
      %convert_element_type3A_372 = arith.extui %eq3A_371 : i1 to i32
      %cond3A_373 = arith.constant 0 : i32
      %cond3A_374 = arith.cmpi ne, %convert_element_type3A_372, %cond3A_373 : i32
      scf.if %cond3A_374 {
        %ge3A_396 = arith.constant 6 : i32
        %ge3A_397 = arith.cmpi sge, %while3A_147, %ge3A_396 : i32
        %convert_element_type3A_398 = arith.extui %ge3A_397 : i1 to i32
        %cond3A_399 = arith.constant 0 : i32
        %cond3A_400 = arith.cmpi ne, %convert_element_type3A_398, %cond3A_399 : i32
        scf.if %cond3A_400 {
          %dma_wait3A_431 = arith.constant 4 : i32
          %dma_wait3A_432 = arith.constant 1 : i32
          %dma_wait3A_433 = arith.constant 0 : i32
          %dma_wait3A_434 = tpu.memref_slice %arg5[%dma_wait3A_431, %dma_wait3A_432, %dma_wait3A_433] : memref<12x2x128xi32, #tpu.memory_space<vmem>> -> memref<1x1x128xi32, #tpu.memory_space<vmem>>
          %dma_wait3A_435 = tpu.memref_squeeze %dma_wait3A_434 : memref<1x1x128xi32, #tpu.memory_space<vmem>> -> memref<128xi32, #tpu.memory_space<vmem>>
          %dma_wait3A_436 = arith.constant 0 : i32
          %dma_wait3A_437 = tpu.memref_slice %arg7[%dma_wait3A_436] : memref<10240xf32, #tpu.memory_space<vmem_shared>> -> memref<10240xf32, #tpu.memory_space<vmem_shared>>
          tpu.wait_indirect_dma semaphore(%arg24 : memref<!tpu.dma_semaphore, #tpu.memory_space<semaphore_mem>>) src(%arg6 : memref<128xf32, #tpu.memory_space<vmem>>) dst(%dma_wait3A_437 : memref<10240xf32, #tpu.memory_space<vmem_shared>>)
        } else {
        }
        %add3A_401 = arith.constant 6 : i32
        %add3A_402 = arith.addi %while3A_147, %add3A_401 : i32
        %sub3A_403 = arith.constant 1 : i32
        %sub3A_404 = arith.subi %add3A_4, %sub3A_403 : i32
        %le3A = arith.cmpi sle, %add3A_402, %sub3A_404 : i32
        %convert_element_type3A_405 = arith.extui %le3A : i1 to i32
        %cond3A_406 = arith.constant 0 : i32
        %cond3A_407 = arith.cmpi ne, %convert_element_type3A_405, %cond3A_406 : i32
        scf.if %cond3A_407 {
          %add3A_431 = arith.constant 6 : i32
          %add3A_432 = arith.addi %while3A_147, %add3A_431 : i32
          %mul3A_433 = arith.constant 32 : i32
          %mul3A_434 = arith.muli %mul3A_433, %add3A_432 : i32
          %add3A_435 = arith.addi %add3A, %mul3A_434 : i32
          %mul3A_436 = arith.constant 128 : i32
          %mul3A_437 = arith.muli %add3A_435, %mul3A_436 : i32
          %dma_start3A_438 = arith.constant 4 : i32
          %dma_start3A_439 = arith.constant 0 : i32
          %dma_start3A_440 = arith.constant 0 : i32
          %dma_start3A_441 = tpu.memref_slice %arg5[%dma_start3A_438, %dma_start3A_439, %dma_start3A_440] : memref<12x2x128xi32, #tpu.memory_space<vmem>> -> memref<1x2x128xi32, #tpu.memory_space<vmem>>
          %dma_start3A_442 = tpu.memref_squeeze %dma_start3A_441 : memref<1x2x128xi32, #tpu.memory_space<vmem>> -> memref<2x128xi32, #tpu.memory_space<vmem>>
          %dma_start3A_443 = arith.constant 0 : i32
          %dma_start3A_444 = tpu.memref_slice %arg2[%dma_start3A_443, %mul3A_437] : memref<2x320000xi32, #tpu.memory_space<hbm>> -> memref<2x128xi32, #tpu.memory_space<hbm>>
          %dma_start3A_445 = arith.constant 0 : i32
          %dma_start3A_446 = arith.constant 0 : i32
          %dma_start3A_447 = tpu.memref_slice %arg5[%dma_start3A_438, %dma_start3A_445, %dma_start3A_446] : memref<12x2x128xi32, #tpu.memory_space<vmem>> -> memref<1x2x128xi32, #tpu.memory_space<vmem>>
          %dma_start3A_448 = tpu.memref_squeeze %dma_start3A_447 : memref<1x2x128xi32, #tpu.memory_space<vmem>> -> memref<2x128xi32, #tpu.memory_space<vmem>>
          %dma_start3A_449 = arith.constant 0 : i32
          %dma_start3A_450 = tpu.memref_slice %arg2[%dma_start3A_449, %mul3A_437] : memref<2x320000xi32, #tpu.memory_space<hbm>> -> memref<2x128xi32, #tpu.memory_space<hbm>>
          tpu.enqueue_dma source(%dma_start3A_450 : memref<2x128xi32, #tpu.memory_space<hbm>>) target(%dma_start3A_448 : memref<2x128xi32, #tpu.memory_space<vmem>>) target_semaphore(%arg12 : memref<!tpu.dma_semaphore, #tpu.memory_space<semaphore_mem>>)
        } else {
        }
        %mul3A_408 = arith.constant 32 : i32
        %mul3A_409 = arith.muli %mul3A_408, %while3A_147 : i32
        %add3A_410 = arith.addi %add3A, %mul3A_409 : i32
        %mul3A_411 = arith.constant 128 : i32
        %mul3A_412 = arith.muli %add3A_410, %mul3A_411 : i32
        %dma_wait3A = arith.constant 10 : i32
        %dma_wait3A_413 = arith.constant 0 : i32
        %dma_wait3A_414 = arith.constant 0 : i32
        %dma_wait3A_415 = tpu.memref_slice %arg5[%dma_wait3A, %dma_wait3A_413, %dma_wait3A_414] : memref<12x2x128xi32, #tpu.memory_space<vmem>> -> memref<1x2x128xi32, #tpu.memory_space<vmem>>
        %dma_wait3A_416 = tpu.memref_squeeze %dma_wait3A_415 : memref<1x2x128xi32, #tpu.memory_space<vmem>> -> memref<2x128xi32, #tpu.memory_space<vmem>>
        %dma_wait3A_417 = arith.constant 0 : i32
        %dma_wait3A_418 = tpu.memref_slice %arg2[%dma_wait3A_417, %mul3A_412] : memref<2x320000xi32, #tpu.memory_space<hbm>> -> memref<2x128xi32, #tpu.memory_space<hbm>>
        %dma_wait3A_419 = arith.constant 0 : i32
        %dma_wait3A_420 = arith.constant 0 : i32
        %dma_wait3A_421 = tpu.memref_slice %arg5[%dma_wait3A, %dma_wait3A_419, %dma_wait3A_420] : memref<12x2x128xi32, #tpu.memory_space<vmem>> -> memref<1x2x128xi32, #tpu.memory_space<vmem>>
        %dma_wait3A_422 = tpu.memref_squeeze %dma_wait3A_421 : memref<1x2x128xi32, #tpu.memory_space<vmem>> -> memref<2x128xi32, #tpu.memory_space<vmem>>
        %dma_wait3A_423 = arith.constant 0 : i32
        %dma_wait3A_424 = tpu.memref_slice %arg2[%dma_wait3A_423, %mul3A_412] : memref<2x320000xi32, #tpu.memory_space<hbm>> -> memref<2x128xi32, #tpu.memory_space<hbm>>
        tpu.wait_dma2 semaphore(%arg18 : memref<!tpu.dma_semaphore, #tpu.memory_space<semaphore_mem>>) src(%dma_wait3A_424 : memref<2x128xi32, #tpu.memory_space<hbm>>) dst(%dma_wait3A_422 : memref<2x128xi32, #tpu.memory_space<vmem>>)
        %dma_start3A = arith.constant 10 : i32
        %dma_start3A_425 = arith.constant 1 : i32
        %dma_start3A_426 = arith.constant 0 : i32
        %dma_start3A_427 = tpu.memref_slice %arg5[%dma_start3A, %dma_start3A_425, %dma_start3A_426] : memref<12x2x128xi32, #tpu.memory_space<vmem>> -> memref<1x1x128xi32, #tpu.memory_space<vmem>>
        %dma_start3A_428 = tpu.memref_squeeze %dma_start3A_427 : memref<1x1x128xi32, #tpu.memory_space<vmem>> -> memref<128xi32, #tpu.memory_space<vmem>>
        %dma_start3A_429 = arith.constant 0 : i32
        %dma_start3A_430 = tpu.memref_slice %arg7[%dma_start3A_429] : memref<10240xf32, #tpu.memory_space<vmem_shared>> -> memref<10240xf32, #tpu.memory_space<vmem_shared>>
        tpu.enqueue_indirect_dma source(%arg6 : memref<128xf32, #tpu.memory_space<vmem>>) target(%dma_start3A_430 : memref<10240xf32, #tpu.memory_space<vmem_shared>>) offsets(%dma_start3A_428 : memref<128xi32, #tpu.memory_space<vmem>>) semaphore(%arg24 : memref<!tpu.dma_semaphore, #tpu.memory_space<semaphore_mem>>) {add = true}
      } else {
      }
      %jit3A_375 = arith.constant 12 : i32
      %eq3A_376 = arith.constant 0 : i32
      %eq3A_377 = arith.cmpi eq, %jit3A_375, %eq3A_376 : i32
      %jit3A_378 = arith.constant 1 : i32
      %select_n3A_379 = arith.select %eq3A_377, %jit3A_378, %jit3A_375 : i32
      %rem3A_380 = arith.remsi %while3A_147, %select_n3A_379 : i32
      %ne3A_381 = arith.constant 0 : i32
      %ne3A_382 = arith.cmpi ne, %rem3A_380, %ne3A_381 : i32
      %lt3A_383 = arith.constant 0 : i32
      %lt3A_384 = arith.cmpi slt, %rem3A_380, %lt3A_383 : i32
      %lt3A_385 = arith.constant 0 : i32
      %lt3A_386 = arith.cmpi slt, %select_n3A_379, %lt3A_385 : i32
      %ne3A_387 = arith.xori %lt3A_384, %lt3A_386 : i1
      %and3A_388 = arith.andi %ne3A_387, %ne3A_382 : i1
      %add3A_389 = arith.addi %rem3A_380, %select_n3A_379 : i32
      %select_n3A_390 = arith.select %and3A_388, %add3A_389, %rem3A_380 : i32
      %eq3A_391 = arith.constant 11 : i32
      %eq3A_392 = arith.cmpi eq, %select_n3A_390, %eq3A_391 : i32
      %convert_element_type3A_393 = arith.extui %eq3A_392 : i1 to i32
      %cond3A_394 = arith.constant 0 : i32
      %cond3A_395 = arith.cmpi ne, %convert_element_type3A_393, %cond3A_394 : i32
      scf.if %cond3A_395 {
        %ge3A_396 = arith.constant 6 : i32
        %ge3A_397 = arith.cmpi sge, %while3A_147, %ge3A_396 : i32
        %convert_element_type3A_398 = arith.extui %ge3A_397 : i1 to i32
        %cond3A_399 = arith.constant 0 : i32
        %cond3A_400 = arith.cmpi ne, %convert_element_type3A_398, %cond3A_399 : i32
        scf.if %cond3A_400 {
          %dma_wait3A_431 = arith.constant 5 : i32
          %dma_wait3A_432 = arith.constant 1 : i32
          %dma_wait3A_433 = arith.constant 0 : i32
          %dma_wait3A_434 = tpu.memref_slice %arg5[%dma_wait3A_431, %dma_wait3A_432, %dma_wait3A_433] : memref<12x2x128xi32, #tpu.memory_space<vmem>> -> memref<1x1x128xi32, #tpu.memory_space<vmem>>
          %dma_wait3A_435 = tpu.memref_squeeze %dma_wait3A_434 : memref<1x1x128xi32, #tpu.memory_space<vmem>> -> memref<128xi32, #tpu.memory_space<vmem>>
          %dma_wait3A_436 = arith.constant 0 : i32
          %dma_wait3A_437 = tpu.memref_slice %arg7[%dma_wait3A_436] : memref<10240xf32, #tpu.memory_space<vmem_shared>> -> memref<10240xf32, #tpu.memory_space<vmem_shared>>
          tpu.wait_indirect_dma semaphore(%arg25 : memref<!tpu.dma_semaphore, #tpu.memory_space<semaphore_mem>>) src(%arg6 : memref<128xf32, #tpu.memory_space<vmem>>) dst(%dma_wait3A_437 : memref<10240xf32, #tpu.memory_space<vmem_shared>>)
        } else {
        }
        %add3A_401 = arith.constant 6 : i32
        %add3A_402 = arith.addi %while3A_147, %add3A_401 : i32
        %sub3A_403 = arith.constant 1 : i32
        %sub3A_404 = arith.subi %add3A_4, %sub3A_403 : i32
        %le3A = arith.cmpi sle, %add3A_402, %sub3A_404 : i32
        %convert_element_type3A_405 = arith.extui %le3A : i1 to i32
        %cond3A_406 = arith.constant 0 : i32
        %cond3A_407 = arith.cmpi ne, %convert_element_type3A_405, %cond3A_406 : i32
        scf.if %cond3A_407 {
          %add3A_431 = arith.constant 6 : i32
          %add3A_432 = arith.addi %while3A_147, %add3A_431 : i32
          %mul3A_433 = arith.constant 32 : i32
          %mul3A_434 = arith.muli %mul3A_433, %add3A_432 : i32
          %add3A_435 = arith.addi %add3A, %mul3A_434 : i32
          %mul3A_436 = arith.constant 128 : i32
          %mul3A_437 = arith.muli %add3A_435, %mul3A_436 : i32
          %dma_start3A_438 = arith.constant 5 : i32
          %dma_start3A_439 = arith.constant 0 : i32
          %dma_start3A_440 = arith.constant 0 : i32
          %dma_start3A_441 = tpu.memref_slice %arg5[%dma_start3A_438, %dma_start3A_439, %dma_start3A_440] : memref<12x2x128xi32, #tpu.memory_space<vmem>> -> memref<1x2x128xi32, #tpu.memory_space<vmem>>
          %dma_start3A_442 = tpu.memref_squeeze %dma_start3A_441 : memref<1x2x128xi32, #tpu.memory_space<vmem>> -> memref<2x128xi32, #tpu.memory_space<vmem>>
          %dma_start3A_443 = arith.constant 0 : i32
          %dma_start3A_444 = tpu.memref_slice %arg2[%dma_start3A_443, %mul3A_437] : memref<2x320000xi32, #tpu.memory_space<hbm>> -> memref<2x128xi32, #tpu.memory_space<hbm>>
          %dma_start3A_445 = arith.constant 0 : i32
          %dma_start3A_446 = arith.constant 0 : i32
          %dma_start3A_447 = tpu.memref_slice %arg5[%dma_start3A_438, %dma_start3A_445, %dma_start3A_446] : memref<12x2x128xi32, #tpu.memory_space<vmem>> -> memref<1x2x128xi32, #tpu.memory_space<vmem>>
          %dma_start3A_448 = tpu.memref_squeeze %dma_start3A_447 : memref<1x2x128xi32, #tpu.memory_space<vmem>> -> memref<2x128xi32, #tpu.memory_space<vmem>>
          %dma_start3A_449 = arith.constant 0 : i32
          %dma_start3A_450 = tpu.memref_slice %arg2[%dma_start3A_449, %mul3A_437] : memref<2x320000xi32, #tpu.memory_space<hbm>> -> memref<2x128xi32, #tpu.memory_space<hbm>>
          tpu.enqueue_dma source(%dma_start3A_450 : memref<2x128xi32, #tpu.memory_space<hbm>>) target(%dma_start3A_448 : memref<2x128xi32, #tpu.memory_space<vmem>>) target_semaphore(%arg13 : memref<!tpu.dma_semaphore, #tpu.memory_space<semaphore_mem>>)
        } else {
        }
        %mul3A_408 = arith.constant 32 : i32
        %mul3A_409 = arith.muli %mul3A_408, %while3A_147 : i32
        %add3A_410 = arith.addi %add3A, %mul3A_409 : i32
        %mul3A_411 = arith.constant 128 : i32
        %mul3A_412 = arith.muli %add3A_410, %mul3A_411 : i32
        %dma_wait3A = arith.constant 11 : i32
        %dma_wait3A_413 = arith.constant 0 : i32
        %dma_wait3A_414 = arith.constant 0 : i32
        %dma_wait3A_415 = tpu.memref_slice %arg5[%dma_wait3A, %dma_wait3A_413, %dma_wait3A_414] : memref<12x2x128xi32, #tpu.memory_space<vmem>> -> memref<1x2x128xi32, #tpu.memory_space<vmem>>
        %dma_wait3A_416 = tpu.memref_squeeze %dma_wait3A_415 : memref<1x2x128xi32, #tpu.memory_space<vmem>> -> memref<2x128xi32, #tpu.memory_space<vmem>>
        %dma_wait3A_417 = arith.constant 0 : i32
        %dma_wait3A_418 = tpu.memref_slice %arg2[%dma_wait3A_417, %mul3A_412] : memref<2x320000xi32, #tpu.memory_space<hbm>> -> memref<2x128xi32, #tpu.memory_space<hbm>>
        %dma_wait3A_419 = arith.constant 0 : i32
        %dma_wait3A_420 = arith.constant 0 : i32
        %dma_wait3A_421 = tpu.memref_slice %arg5[%dma_wait3A, %dma_wait3A_419, %dma_wait3A_420] : memref<12x2x128xi32, #tpu.memory_space<vmem>> -> memref<1x2x128xi32, #tpu.memory_space<vmem>>
        %dma_wait3A_422 = tpu.memref_squeeze %dma_wait3A_421 : memref<1x2x128xi32, #tpu.memory_space<vmem>> -> memref<2x128xi32, #tpu.memory_space<vmem>>
        %dma_wait3A_423 = arith.constant 0 : i32
        %dma_wait3A_424 = tpu.memref_slice %arg2[%dma_wait3A_423, %mul3A_412] : memref<2x320000xi32, #tpu.memory_space<hbm>> -> memref<2x128xi32, #tpu.memory_space<hbm>>
        tpu.wait_dma2 semaphore(%arg19 : memref<!tpu.dma_semaphore, #tpu.memory_space<semaphore_mem>>) src(%dma_wait3A_424 : memref<2x128xi32, #tpu.memory_space<hbm>>) dst(%dma_wait3A_422 : memref<2x128xi32, #tpu.memory_space<vmem>>)
        %dma_start3A = arith.constant 11 : i32
        %dma_start3A_425 = arith.constant 1 : i32
        %dma_start3A_426 = arith.constant 0 : i32
        %dma_start3A_427 = tpu.memref_slice %arg5[%dma_start3A, %dma_start3A_425, %dma_start3A_426] : memref<12x2x128xi32, #tpu.memory_space<vmem>> -> memref<1x1x128xi32, #tpu.memory_space<vmem>>
        %dma_start3A_428 = tpu.memref_squeeze %dma_start3A_427 : memref<1x1x128xi32, #tpu.memory_space<vmem>> -> memref<128xi32, #tpu.memory_space<vmem>>
        %dma_start3A_429 = arith.constant 0 : i32
        %dma_start3A_430 = tpu.memref_slice %arg7[%dma_start3A_429] : memref<10240xf32, #tpu.memory_space<vmem_shared>> -> memref<10240xf32, #tpu.memory_space<vmem_shared>>
        tpu.enqueue_indirect_dma source(%arg6 : memref<128xf32, #tpu.memory_space<vmem>>) target(%dma_start3A_430 : memref<10240xf32, #tpu.memory_space<vmem_shared>>) offsets(%dma_start3A_428 : memref<128xi32, #tpu.memory_space<vmem>>) semaphore(%arg25 : memref<!tpu.dma_semaphore, #tpu.memory_space<semaphore_mem>>) {add = true}
      } else {
      }
    }
    %sub3A_100 = arith.constant 1 : i32
    %sub3A_101 = arith.subi %add3A_4, %sub3A_100 : i32
    %ge3A_102 = arith.constant 0 : i32
    %ge3A_103 = arith.cmpi sge, %sub3A_101, %ge3A_102 : i32
    %convert_element_type3A_104 = arith.extui %ge3A_103 : i1 to i32
    %cond3A_105 = arith.constant 0 : i32
    %cond3A_106 = arith.cmpi ne, %convert_element_type3A_104, %cond3A_105 : i32
    scf.if %cond3A_106 {
      %dma_wait3A = arith.constant 0 : i32
      %dma_wait3A_147 = arith.constant 1 : i32
      %dma_wait3A_148 = arith.constant 0 : i32
      %dma_wait3A_149 = tpu.memref_slice %arg5[%dma_wait3A, %dma_wait3A_147, %dma_wait3A_148] : memref<12x2x128xi32, #tpu.memory_space<vmem>> -> memref<1x1x128xi32, #tpu.memory_space<vmem>>
      %dma_wait3A_150 = tpu.memref_squeeze %dma_wait3A_149 : memref<1x1x128xi32, #tpu.memory_space<vmem>> -> memref<128xi32, #tpu.memory_space<vmem>>
      %dma_wait3A_151 = arith.constant 0 : i32
      %dma_wait3A_152 = tpu.memref_slice %arg7[%dma_wait3A_151] : memref<10240xf32, #tpu.memory_space<vmem_shared>> -> memref<10240xf32, #tpu.memory_space<vmem_shared>>
      tpu.wait_indirect_dma semaphore(%arg20 : memref<!tpu.dma_semaphore, #tpu.memory_space<semaphore_mem>>) src(%arg6 : memref<128xf32, #tpu.memory_space<vmem>>) dst(%dma_wait3A_152 : memref<10240xf32, #tpu.memory_space<vmem_shared>>)
    } else {
    }
    %sub3A_107 = arith.constant 1 : i32
    %sub3A_108 = arith.subi %add3A_4, %sub3A_107 : i32
    %ge3A_109 = arith.constant 1 : i32
    %ge3A_110 = arith.cmpi sge, %sub3A_108, %ge3A_109 : i32
    %convert_element_type3A_111 = arith.extui %ge3A_110 : i1 to i32
    %cond3A_112 = arith.constant 0 : i32
    %cond3A_113 = arith.cmpi ne, %convert_element_type3A_111, %cond3A_112 : i32
    scf.if %cond3A_113 {
      %dma_wait3A = arith.constant 0 : i32
      %dma_wait3A_147 = arith.constant 1 : i32
      %dma_wait3A_148 = arith.constant 0 : i32
      %dma_wait3A_149 = tpu.memref_slice %arg5[%dma_wait3A, %dma_wait3A_147, %dma_wait3A_148] : memref<12x2x128xi32, #tpu.memory_space<vmem>> -> memref<1x1x128xi32, #tpu.memory_space<vmem>>
      %dma_wait3A_150 = tpu.memref_squeeze %dma_wait3A_149 : memref<1x1x128xi32, #tpu.memory_space<vmem>> -> memref<128xi32, #tpu.memory_space<vmem>>
      %dma_wait3A_151 = arith.constant 0 : i32
      %dma_wait3A_152 = tpu.memref_slice %arg7[%dma_wait3A_151] : memref<10240xf32, #tpu.memory_space<vmem_shared>> -> memref<10240xf32, #tpu.memory_space<vmem_shared>>
      tpu.wait_indirect_dma semaphore(%arg21 : memref<!tpu.dma_semaphore, #tpu.memory_space<semaphore_mem>>) src(%arg6 : memref<128xf32, #tpu.memory_space<vmem>>) dst(%dma_wait3A_152 : memref<10240xf32, #tpu.memory_space<vmem_shared>>)
    } else {
    }
    %sub3A_114 = arith.constant 1 : i32
    %sub3A_115 = arith.subi %add3A_4, %sub3A_114 : i32
    %ge3A_116 = arith.constant 2 : i32
    %ge3A_117 = arith.cmpi sge, %sub3A_115, %ge3A_116 : i32
    %convert_element_type3A_118 = arith.extui %ge3A_117 : i1 to i32
    %cond3A_119 = arith.constant 0 : i32
    %cond3A_120 = arith.cmpi ne, %convert_element_type3A_118, %cond3A_119 : i32
    scf.if %cond3A_120 {
      %dma_wait3A = arith.constant 0 : i32
      %dma_wait3A_147 = arith.constant 1 : i32
      %dma_wait3A_148 = arith.constant 0 : i32
      %dma_wait3A_149 = tpu.memref_slice %arg5[%dma_wait3A, %dma_wait3A_147, %dma_wait3A_148] : memref<12x2x128xi32, #tpu.memory_space<vmem>> -> memref<1x1x128xi32, #tpu.memory_space<vmem>>
      %dma_wait3A_150 = tpu.memref_squeeze %dma_wait3A_149 : memref<1x1x128xi32, #tpu.memory_space<vmem>> -> memref<128xi32, #tpu.memory_space<vmem>>
      %dma_wait3A_151 = arith.constant 0 : i32
      %dma_wait3A_152 = tpu.memref_slice %arg7[%dma_wait3A_151] : memref<10240xf32, #tpu.memory_space<vmem_shared>> -> memref<10240xf32, #tpu.memory_space<vmem_shared>>
      tpu.wait_indirect_dma semaphore(%arg22 : memref<!tpu.dma_semaphore, #tpu.memory_space<semaphore_mem>>) src(%arg6 : memref<128xf32, #tpu.memory_space<vmem>>) dst(%dma_wait3A_152 : memref<10240xf32, #tpu.memory_space<vmem_shared>>)
    } else {
    }
    %sub3A_121 = arith.constant 1 : i32
    %sub3A_122 = arith.subi %add3A_4, %sub3A_121 : i32
    %ge3A_123 = arith.constant 3 : i32
    %ge3A_124 = arith.cmpi sge, %sub3A_122, %ge3A_123 : i32
    %convert_element_type3A_125 = arith.extui %ge3A_124 : i1 to i32
    %cond3A_126 = arith.constant 0 : i32
    %cond3A_127 = arith.cmpi ne, %convert_element_type3A_125, %cond3A_126 : i32
    scf.if %cond3A_127 {
      %dma_wait3A = arith.constant 0 : i32
      %dma_wait3A_147 = arith.constant 1 : i32
      %dma_wait3A_148 = arith.constant 0 : i32
      %dma_wait3A_149 = tpu.memref_slice %arg5[%dma_wait3A, %dma_wait3A_147, %dma_wait3A_148] : memref<12x2x128xi32, #tpu.memory_space<vmem>> -> memref<1x1x128xi32, #tpu.memory_space<vmem>>
      %dma_wait3A_150 = tpu.memref_squeeze %dma_wait3A_149 : memref<1x1x128xi32, #tpu.memory_space<vmem>> -> memref<128xi32, #tpu.memory_space<vmem>>
      %dma_wait3A_151 = arith.constant 0 : i32
      %dma_wait3A_152 = tpu.memref_slice %arg7[%dma_wait3A_151] : memref<10240xf32, #tpu.memory_space<vmem_shared>> -> memref<10240xf32, #tpu.memory_space<vmem_shared>>
      tpu.wait_indirect_dma semaphore(%arg23 : memref<!tpu.dma_semaphore, #tpu.memory_space<semaphore_mem>>) src(%arg6 : memref<128xf32, #tpu.memory_space<vmem>>) dst(%dma_wait3A_152 : memref<10240xf32, #tpu.memory_space<vmem_shared>>)
    } else {
    }
    %sub3A_128 = arith.constant 1 : i32
    %sub3A_129 = arith.subi %add3A_4, %sub3A_128 : i32
    %ge3A_130 = arith.constant 4 : i32
    %ge3A_131 = arith.cmpi sge, %sub3A_129, %ge3A_130 : i32
    %convert_element_type3A_132 = arith.extui %ge3A_131 : i1 to i32
    %cond3A_133 = arith.constant 0 : i32
    %cond3A_134 = arith.cmpi ne, %convert_element_type3A_132, %cond3A_133 : i32
    scf.if %cond3A_134 {
      %dma_wait3A = arith.constant 0 : i32
      %dma_wait3A_147 = arith.constant 1 : i32
      %dma_wait3A_148 = arith.constant 0 : i32
      %dma_wait3A_149 = tpu.memref_slice %arg5[%dma_wait3A, %dma_wait3A_147, %dma_wait3A_148] : memref<12x2x128xi32, #tpu.memory_space<vmem>> -> memref<1x1x128xi32, #tpu.memory_space<vmem>>
      %dma_wait3A_150 = tpu.memref_squeeze %dma_wait3A_149 : memref<1x1x128xi32, #tpu.memory_space<vmem>> -> memref<128xi32, #tpu.memory_space<vmem>>
      %dma_wait3A_151 = arith.constant 0 : i32
      %dma_wait3A_152 = tpu.memref_slice %arg7[%dma_wait3A_151] : memref<10240xf32, #tpu.memory_space<vmem_shared>> -> memref<10240xf32, #tpu.memory_space<vmem_shared>>
      tpu.wait_indirect_dma semaphore(%arg24 : memref<!tpu.dma_semaphore, #tpu.memory_space<semaphore_mem>>) src(%arg6 : memref<128xf32, #tpu.memory_space<vmem>>) dst(%dma_wait3A_152 : memref<10240xf32, #tpu.memory_space<vmem_shared>>)
    } else {
    }
    %sub3A_135 = arith.constant 1 : i32
    %sub3A_136 = arith.subi %add3A_4, %sub3A_135 : i32
    %ge3A_137 = arith.constant 5 : i32
    %ge3A_138 = arith.cmpi sge, %sub3A_136, %ge3A_137 : i32
    %convert_element_type3A_139 = arith.extui %ge3A_138 : i1 to i32
    %cond3A_140 = arith.constant 0 : i32
    %cond3A_141 = arith.cmpi ne, %convert_element_type3A_139, %cond3A_140 : i32
    scf.if %cond3A_141 {
      %dma_wait3A = arith.constant 0 : i32
      %dma_wait3A_147 = arith.constant 1 : i32
      %dma_wait3A_148 = arith.constant 0 : i32
      %dma_wait3A_149 = tpu.memref_slice %arg5[%dma_wait3A, %dma_wait3A_147, %dma_wait3A_148] : memref<12x2x128xi32, #tpu.memory_space<vmem>> -> memref<1x1x128xi32, #tpu.memory_space<vmem>>
      %dma_wait3A_150 = tpu.memref_squeeze %dma_wait3A_149 : memref<1x1x128xi32, #tpu.memory_space<vmem>> -> memref<128xi32, #tpu.memory_space<vmem>>
      %dma_wait3A_151 = arith.constant 0 : i32
      %dma_wait3A_152 = tpu.memref_slice %arg7[%dma_wait3A_151] : memref<10240xf32, #tpu.memory_space<vmem_shared>> -> memref<10240xf32, #tpu.memory_space<vmem_shared>>
      tpu.wait_indirect_dma semaphore(%arg25 : memref<!tpu.dma_semaphore, #tpu.memory_space<semaphore_mem>>) src(%arg6 : memref<128xf32, #tpu.memory_space<vmem>>) dst(%dma_wait3A_152 : memref<10240xf32, #tpu.memory_space<vmem_shared>>)
    } else {
    }
    %barrier3A_142 = arith.constant 0 : index
    tpu.barrier barrier_id(%barrier3A_142)
    %mul3A_143 = arith.constant 640 : i32
    %mul3A_144 = arith.muli %arg1, %mul3A_143 : i32
    %mul3A_145 = arith.constant 640 : i32
    %mul3A_146 = arith.muli %arg1, %mul3A_145 : i32
    "tpu.region"() ({
      %run_scoped3A = tpu.sem_alloc : memref<!tpu.dma_semaphore, #tpu.memory_space<semaphore_mem>>
      %dma_start3A = tpu.memref_slice %arg4[%arg0, %mul3A_146] : memref<2x10240xf32, #tpu.memory_space<hbm>> -> memref<1x640xf32, #tpu.memory_space<hbm>>
      %dma_start3A_147 = tpu.memref_squeeze %dma_start3A : memref<1x640xf32, #tpu.memory_space<hbm>> -> memref<640xf32, #tpu.memory_space<hbm>>
      %dma_start3A_148 = tpu.memref_slice %arg7[%mul3A_144] : memref<10240xf32, #tpu.memory_space<vmem_shared>> -> memref<640xf32, #tpu.memory_space<vmem_shared>>
      tpu.enqueue_dma source(%dma_start3A_148 : memref<640xf32, #tpu.memory_space<vmem_shared>>) target(%dma_start3A_147 : memref<640xf32, #tpu.memory_space<hbm>>) target_semaphore(%run_scoped3A : memref<!tpu.dma_semaphore, #tpu.memory_space<semaphore_mem>>)
      %dma_wait3A = tpu.memref_slice %arg4[%arg0, %mul3A_146] : memref<2x10240xf32, #tpu.memory_space<hbm>> -> memref<1x640xf32, #tpu.memory_space<hbm>>
      %dma_wait3A_149 = tpu.memref_squeeze %dma_wait3A : memref<1x640xf32, #tpu.memory_space<hbm>> -> memref<640xf32, #tpu.memory_space<hbm>>
      %dma_wait3A_150 = tpu.memref_slice %arg7[%mul3A_144] : memref<10240xf32, #tpu.memory_space<vmem_shared>> -> memref<640xf32, #tpu.memory_space<vmem_shared>>
      tpu.wait_dma2 semaphore(%run_scoped3A : memref<!tpu.dma_semaphore, #tpu.memory_space<semaphore_mem>>) src(%dma_wait3A_150 : memref<640xf32, #tpu.memory_space<vmem_shared>>) dst(%dma_wait3A_149 : memref<640xf32, #tpu.memory_space<hbm>>)
      tpu.yield
    }) : () -> ()
    return
  }
}

module attributes {stable_mosaic.version = 14 : i64} {
  func.func @_scale_body(%arg0: i32, %arg1: memref<2048x128xf32, #tpu.memory_space<vmem>>, %arg2: memref<2x2048xf32, #tpu.memory_space<vmem>>, %arg3: memref<2048x128xf32, #tpu.memory_space<vmem>>) attributes {dimension_semantics = [#tpu.dimension_semantics<arbitrary>], iteration_bounds = array<i64: 5>, scalar_prefetch = 0 : i64, scratch_operands = 0 : i64, tpu.core_type = #tpu.core_type<tc>, window_params = [{transform_indices = @transform_0, window_bounds = array<i64: 2048, 128>}, {transform_indices = @transform_1, window_bounds = array<i64: 2, 2048>}, {transform_indices = @transform_2, window_bounds = array<i64: 2048, 128>}]} {
    %get3A = arith.constant 0 : index
    %get3A_0 = arith.constant 0 : index
    %get3A_1 = vector.load %arg1[%get3A, %get3A_0] : memref<2048x128xf32, #tpu.memory_space<vmem>>, vector<2048x128xf32>
    %get3A_2 = arith.constant 0 : index
    %get3A_3 = arith.constant 0 : index
    %get3A_4 = vector.load %arg2[%get3A_2, %get3A_3] : memref<2x2048xf32, #tpu.memory_space<vmem>>, vector<2x2048xf32>
    %iota3A = tpu.iota {dimensions = array<i32: 0>} : vector<2x2xi32>
    %iota3A_5 = tpu.iota {dimensions = array<i32: 1>} : vector<2x2xi32>
    %add3A = arith.constant 0 : i32
    %add3A_6 = vector.broadcast %add3A : i32 to vector<2x2xi32>
    %add3A_7 = arith.addi %iota3A, %add3A_6 : vector<2x2xi32>
    %eq3A = arith.cmpi eq, %add3A_7, %iota3A_5 : vector<2x2xi32>
    %convert_element_type3A = arith.extui %eq3A : vector<2x2xi1> to vector<2x2xi32>
    %convert_element_type3A_8 = arith.sitofp %convert_element_type3A : vector<2x2xi32> to vector<2x2xf32>
    %dot_general3A = arith.constant dense<0.000000e+00> : vector<2048x2xf32>
    %dot_general3A_9 = tpu.matmul %get3A_4, %convert_element_type3A_8, %dot_general3A {dimension_numbers = #tpu.dot_dimension_numbers<[0], [0], [1], [1], [0, 1, 1, 1], [], []>, transpose_lhs_hint = false} : vector<2x2048xf32>, vector<2x2xf32>, vector<2048x2xf32> -> vector<2048x2xf32>
    %slice3A = vector.extract_strided_slice %dot_general3A_9 {offsets = [0, 0], sizes = [2048, 1], strides = [1, 1]} : vector<2048x2xf32> to vector<2048x1xf32>
    %slice3A_10 = vector.extract_strided_slice %dot_general3A_9 {offsets = [0, 1], sizes = [2048, 1], strides = [1, 1]} : vector<2048x2xf32> to vector<2048x1xf32>
    %add3A_11 = arith.addf %slice3A, %slice3A_10 : vector<2048x1xf32>
    %add3A_12 = arith.constant 1.000000e+00 : f32
    %add3A_13 = vector.broadcast %add3A_12 : f32 to vector<2048x1xf32>
    %add3A_14 = arith.addf %add3A_11, %add3A_13 : vector<2048x1xf32>
    %rsqrt3A = math.rsqrt %add3A_14 : vector<2048x1xf32>
    %mul3A = vector.broadcast %rsqrt3A : vector<2048x1xf32> to vector<2048x128xf32>
    %mul3A_15 = arith.mulf %get3A_1, %mul3A : vector<2048x128xf32>
    %swap3A = arith.constant 0 : index
    %swap3A_16 = arith.constant 0 : index
    %swap3A_17 = vector.load %arg3[%swap3A, %swap3A_16] : memref<2048x128xf32, #tpu.memory_space<vmem>>, vector<2048x128xf32>
    tpu.vector_store %arg3[%swap3A, %swap3A_16], %mul3A_15 {strides = array<i32>} : memref<2048x128xf32, #tpu.memory_space<vmem>>, vector<2048x128xf32>,
    return
  }
  func.func @transform_0(%arg0: i32) -> (i32, i32) {
    %c0_i32 = arith.constant 0 : i32
    %c0_i32_0 = arith.constant 0 : i32
    return %arg0, %c0_i32 : i32, i32
  }
  func.func @transform_1(%arg0: i32) -> (i32, i32) {
    %c0_i32 = arith.constant 0 : i32
    %c0_i32_0 = arith.constant 0 : i32
    return %c0_i32, %arg0 : i32, i32
  }
  func.func @transform_2(%arg0: i32) -> (i32, i32) {
    %c0_i32 = arith.constant 0 : i32
    %c0_i32_0 = arith.constant 0 : i32
    return %arg0, %c0_i32 : i32, i32
  }
}

module attributes {stable_mosaic.version = 14 : i64} {
  func.func @_mm_body(%arg0: i32, %arg1: memref<2048x128xf32, #tpu.memory_space<vmem>>, %arg2: memref<128x128xf32, #tpu.memory_space<vmem>>, %arg3: memref<2048x128xf32, #tpu.memory_space<vmem>>) attributes {dimension_semantics = [#tpu.dimension_semantics<arbitrary>], iteration_bounds = array<i64: 5>, scalar_prefetch = 0 : i64, scratch_operands = 0 : i64, tpu.core_type = #tpu.core_type<tc>, window_params = [{transform_indices = @transform_0, window_bounds = array<i64: 2048, 128>}, {pipeline_mode = #tpu.pipeline_mode<synchronous>, transform_indices = @transform_1, window_bounds = array<i64: 128, 128>}, {transform_indices = @transform_2, window_bounds = array<i64: 2048, 128>}]} {
    %get3A = arith.constant 0 : index
    %get3A_0 = arith.constant 0 : index
    %get3A_1 = vector.load %arg1[%get3A, %get3A_0] : memref<2048x128xf32, #tpu.memory_space<vmem>>, vector<2048x128xf32>
    %get3A_2 = arith.constant 0 : index
    %get3A_3 = arith.constant 0 : index
    %get3A_4 = vector.load %arg2[%get3A_2, %get3A_3] : memref<128x128xf32, #tpu.memory_space<vmem>>, vector<128x128xf32>
    %dot_general3A = arith.constant dense<0.000000e+00> : vector<2048x128xf32>
    %dot_general3A_5 = tpu.matmul %get3A_1, %get3A_4, %dot_general3A {dimension_numbers = #tpu.dot_dimension_numbers<[1], [0], [0], [1], [0, 0, 1, 1], [], []>, transpose_lhs_hint = false} : vector<2048x128xf32>, vector<128x128xf32>, vector<2048x128xf32> -> vector<2048x128xf32>
    %swap3A = arith.constant 0 : index
    %swap3A_6 = arith.constant 0 : index
    %swap3A_7 = vector.load %arg3[%swap3A, %swap3A_6] : memref<2048x128xf32, #tpu.memory_space<vmem>>, vector<2048x128xf32>
    tpu.vector_store %arg3[%swap3A, %swap3A_6], %dot_general3A_5 {strides = array<i32>} : memref<2048x128xf32, #tpu.memory_space<vmem>>, vector<2048x128xf32>,
    return
  }
  func.func @transform_0(%arg0: i32) -> (i32, i32) {
    %c0_i32 = arith.constant 0 : i32
    %c0_i32_0 = arith.constant 0 : i32
    return %arg0, %c0_i32 : i32, i32
  }
  func.func @transform_1(%arg0: i32) -> (i32, i32) {
    %c0_i32 = arith.constant 0 : i32
    %c0_i32_0 = arith.constant 0 : i32
    %c0_i32_1 = arith.constant 0 : i32
    return %c0_i32, %c0_i32_0 : i32, i32
  }
  func.func @transform_2(%arg0: i32) -> (i32, i32) {
    %c0_i32 = arith.constant 0 : i32
    %c0_i32_0 = arith.constant 0 : i32
    return %arg0, %c0_i32 : i32, i32
  }
}

module attributes {stable_mosaic.version = 14 : i64} {
  func.func @_tail_body(%arg0: i32, %arg1: memref<2x2048x128xf32, #tpu.memory_space<vmem>>, %arg2: memref<2048x128xf32, #tpu.memory_space<vmem>>, %arg3: memref<2x2048xf32, #tpu.memory_space<vmem>>, %arg4: memref<1x128xf32, #tpu.memory_space<vmem>>, %arg5: memref<128x128xf32, #tpu.memory_space<vmem>>, %arg6: memref<1x128xf32, #tpu.memory_space<vmem>>, %arg7: memref<128x1xf32, #tpu.memory_space<vmem>>, %arg8: memref<1x1xf32, #tpu.memory_space<vmem>>, %arg9: memref<2048x1xf32, #tpu.memory_space<vmem>>) attributes {dimension_semantics = [#tpu.dimension_semantics<arbitrary>], iteration_bounds = array<i64: 5>, scalar_prefetch = 0 : i64, scratch_operands = 0 : i64, tpu.core_type = #tpu.core_type<tc>, window_params = [{transform_indices = @transform_0, window_bounds = array<i64: 2, 2048, 128>}, {transform_indices = @transform_1, window_bounds = array<i64: 2048, 128>}, {transform_indices = @transform_2, window_bounds = array<i64: 2, 2048>}, {pipeline_mode = #tpu.pipeline_mode<synchronous>, transform_indices = @transform_3, window_bounds = array<i64: 1, 128>}, {pipeline_mode = #tpu.pipeline_mode<synchronous>, transform_indices = @transform_4, window_bounds = array<i64: 128, 128>}, {pipeline_mode = #tpu.pipeline_mode<synchronous>, transform_indices = @transform_5, window_bounds = array<i64: 1, 128>}, {pipeline_mode = #tpu.pipeline_mode<synchronous>, transform_indices = @transform_6, window_bounds = array<i64: 128, 1>}, {pipeline_mode = #tpu.pipeline_mode<synchronous>, transform_indices = @transform_7, window_bounds = array<i64: 1, 1>}, {transform_indices = @transform_8, window_bounds = array<i64: 2048, 1>}]} {
    %get3A = arith.constant 0 : index
    %get3A_0 = arith.constant 0 : index
    %get3A_1 = arith.constant 0 : index
    %get3A_2 = vector.load %arg1[%get3A, %get3A_0, %get3A_1] : memref<2x2048x128xf32, #tpu.memory_space<vmem>>, vector<1x2048x128xf32>
    %get3A_3 = vector.shape_cast %get3A_2 : vector<1x2048x128xf32> to vector<2048x128xf32>
    %get3A_4 = arith.constant 1 : index
    %get3A_5 = arith.constant 0 : index
    %get3A_6 = arith.constant 0 : index
    %get3A_7 = vector.load %arg1[%get3A_4, %get3A_5, %get3A_6] : memref<2x2048x128xf32, #tpu.memory_space<vmem>>, vector<1x2048x128xf32>
    %get3A_8 = vector.shape_cast %get3A_7 : vector<1x2048x128xf32> to vector<2048x128xf32>
    %add3A = arith.addf %get3A_3, %get3A_8 : vector<2048x128xf32>
    %get3A_9 = arith.constant 0 : index
    %get3A_10 = arith.constant 0 : index
    %get3A_11 = vector.load %arg2[%get3A_9, %get3A_10] : memref<2048x128xf32, #tpu.memory_space<vmem>>, vector<2048x128xf32>
    %add3A_12 = arith.addf %add3A, %get3A_11 : vector<2048x128xf32>
    %get3A_13 = arith.constant 0 : index
    %get3A_14 = arith.constant 0 : index
    %get3A_15 = vector.load %arg3[%get3A_13, %get3A_14] : memref<2x2048xf32, #tpu.memory_space<vmem>>, vector<2x2048xf32>
    %iota3A = tpu.iota {dimensions = array<i32: 0>} : vector<2x2xi32>
    %iota3A_16 = tpu.iota {dimensions = array<i32: 1>} : vector<2x2xi32>
    %add3A_17 = arith.constant 0 : i32
    %add3A_18 = vector.broadcast %add3A_17 : i32 to vector<2x2xi32>
    %add3A_19 = arith.addi %iota3A, %add3A_18 : vector<2x2xi32>
    %eq3A = arith.cmpi eq, %add3A_19, %iota3A_16 : vector<2x2xi32>
    %convert_element_type3A = arith.extui %eq3A : vector<2x2xi1> to vector<2x2xi32>
    %convert_element_type3A_20 = arith.sitofp %convert_element_type3A : vector<2x2xi32> to vector<2x2xf32>
    %dot_general3A = arith.constant dense<0.000000e+00> : vector<2048x2xf32>
    %dot_general3A_21 = tpu.matmul %get3A_15, %convert_element_type3A_20, %dot_general3A {dimension_numbers = #tpu.dot_dimension_numbers<[0], [0], [1], [1], [0, 1, 1, 1], [], []>, transpose_lhs_hint = false} : vector<2x2048xf32>, vector<2x2xf32>, vector<2048x2xf32> -> vector<2048x2xf32>
    %slice3A = vector.extract_strided_slice %dot_general3A_21 {offsets = [0, 0], sizes = [2048, 1], strides = [1, 1]} : vector<2048x2xf32> to vector<2048x1xf32>
    %slice3A_22 = vector.extract_strided_slice %dot_general3A_21 {offsets = [0, 1], sizes = [2048, 1], strides = [1, 1]} : vector<2048x2xf32> to vector<2048x1xf32>
    %add3A_23 = arith.addf %slice3A, %slice3A_22 : vector<2048x1xf32>
    %add3A_24 = arith.constant 1.000000e+00 : f32
    %add3A_25 = vector.broadcast %add3A_24 : f32 to vector<2048x1xf32>
    %add3A_26 = arith.addf %add3A_23, %add3A_25 : vector<2048x1xf32>
    %rsqrt3A = math.rsqrt %add3A_26 : vector<2048x1xf32>
    %mul3A = vector.broadcast %rsqrt3A : vector<2048x1xf32> to vector<2048x128xf32>
    %mul3A_27 = arith.mulf %add3A_12, %mul3A : vector<2048x128xf32>
    %get3A_28 = arith.constant 0 : index
    %get3A_29 = arith.constant 0 : index
    %get3A_30 = vector.load %arg4[%get3A_28, %get3A_29] : memref<1x128xf32, #tpu.memory_space<vmem>>, vector<1x128xf32>
    %add3A_31 = vector.broadcast %get3A_30 : vector<1x128xf32> to vector<2048x128xf32>
    %add3A_32 = arith.addf %mul3A_27, %add3A_31 : vector<2048x128xf32>
    %max3A = arith.constant 0.000000e+00 : f32
    %max3A_33 = vector.broadcast %max3A : f32 to vector<2048x128xf32>
    %max3A_34 = arith.maximumf %add3A_32, %max3A_33 : vector<2048x128xf32>
    %get3A_35 = arith.constant 0 : index
    %get3A_36 = arith.constant 0 : index
    %get3A_37 = vector.load %arg5[%get3A_35, %get3A_36] : memref<128x128xf32, #tpu.memory_space<vmem>>, vector<128x128xf32>
    %dot_general3A_38 = arith.constant dense<0.000000e+00> : vector<2048x128xf32>
    %dot_general3A_39 = tpu.matmul %max3A_34, %get3A_37, %dot_general3A_38 {dimension_numbers = #tpu.dot_dimension_numbers<[1], [0], [0], [1], [0, 0, 1, 1], [], []>, transpose_lhs_hint = false} : vector<2048x128xf32>, vector<128x128xf32>, vector<2048x128xf32> -> vector<2048x128xf32>
    %get3A_40 = arith.constant 0 : index
    %get3A_41 = arith.constant 0 : index
    %get3A_42 = vector.load %arg6[%get3A_40, %get3A_41] : memref<1x128xf32, #tpu.memory_space<vmem>>, vector<1x128xf32>
    %add3A_43 = vector.broadcast %get3A_42 : vector<1x128xf32> to vector<2048x128xf32>
    %add3A_44 = arith.addf %dot_general3A_39, %add3A_43 : vector<2048x128xf32>
    %max3A_45 = arith.constant 0.000000e+00 : f32
    %max3A_46 = vector.broadcast %max3A_45 : f32 to vector<2048x128xf32>
    %max3A_47 = arith.maximumf %add3A_44, %max3A_46 : vector<2048x128xf32>
    %get3A_48 = arith.constant 0 : index
    %get3A_49 = arith.constant 0 : index
    %get3A_50 = vector.load %arg7[%get3A_48, %get3A_49] : memref<128x1xf32, #tpu.memory_space<vmem>>, vector<128x1xf32>
    %dot_general3A_51 = arith.constant dense<0.000000e+00> : vector<2048x1xf32>
    %dot_general3A_52 = tpu.matmul %max3A_47, %get3A_50, %dot_general3A_51 {dimension_numbers = #tpu.dot_dimension_numbers<[1], [0], [0], [1], [0, 0, 1, 1], [], []>, transpose_lhs_hint = false} : vector<2048x128xf32>, vector<128x1xf32>, vector<2048x1xf32> -> vector<2048x1xf32>
    %get3A_53 = arith.constant 0 : index
    %get3A_54 = arith.constant 0 : index
    %get3A_55 = vector.load %arg8[%get3A_53, %get3A_54] : memref<1x1xf32, #tpu.memory_space<vmem>>, vector<1x1xf32>
    %add3A_56 = vector.broadcast %get3A_55 : vector<1x1xf32> to vector<2048x1xf32>
    %add3A_57 = arith.addf %dot_general3A_52, %add3A_56 : vector<2048x1xf32>
    %swap3A = arith.constant 0 : index
    %swap3A_58 = arith.constant 0 : index
    %swap3A_59 = vector.load %arg9[%swap3A, %swap3A_58] : memref<2048x1xf32, #tpu.memory_space<vmem>>, vector<2048x1xf32>
    tpu.vector_store %arg9[%swap3A, %swap3A_58], %add3A_57 {strides = array<i32>} : memref<2048x1xf32, #tpu.memory_space<vmem>>, vector<2048x1xf32>,
    return
  }
  func.func @transform_0(%arg0: i32) -> (i32, i32, i32) {
    %c0_i32 = arith.constant 0 : i32
    %c0_i32_0 = arith.constant 0 : i32
    %c0_i32_1 = arith.constant 0 : i32
    return %c0_i32, %arg0, %c0_i32_0 : i32, i32, i32
  }
  func.func @transform_1(%arg0: i32) -> (i32, i32) {
    %c0_i32 = arith.constant 0 : i32
    %c0_i32_0 = arith.constant 0 : i32
    return %arg0, %c0_i32 : i32, i32
  }
  func.func @transform_2(%arg0: i32) -> (i32, i32) {
    %c0_i32 = arith.constant 0 : i32
    %c0_i32_0 = arith.constant 0 : i32
    return %c0_i32, %arg0 : i32, i32
  }
  func.func @transform_3(%arg0: i32) -> (i32, i32) {
    %c0_i32 = arith.constant 0 : i32
    %c0_i32_0 = arith.constant 0 : i32
    %c0_i32_1 = arith.constant 0 : i32
    return %c0_i32, %c0_i32_0 : i32, i32
  }
  func.func @transform_4(%arg0: i32) -> (i32, i32) {
    %c0_i32 = arith.constant 0 : i32
    %c0_i32_0 = arith.constant 0 : i32
    %c0_i32_1 = arith.constant 0 : i32
    return %c0_i32, %c0_i32_0 : i32, i32
  }
  func.func @transform_5(%arg0: i32) -> (i32, i32) {
    %c0_i32 = arith.constant 0 : i32
    %c0_i32_0 = arith.constant 0 : i32
    %c0_i32_1 = arith.constant 0 : i32
    return %c0_i32, %c0_i32_0 : i32, i32
  }
  func.func @transform_6(%arg0: i32) -> (i32, i32) {
    %c0_i32 = arith.constant 0 : i32
    %c0_i32_0 = arith.constant 0 : i32
    %c0_i32_1 = arith.constant 0 : i32
    return %c0_i32, %c0_i32_0 : i32, i32
  }
  func.func @transform_7(%arg0: i32) -> (i32, i32) {
    %c0_i32 = arith.constant 0 : i32
    %c0_i32_0 = arith.constant 0 : i32
    %c0_i32_1 = arith.constant 0 : i32
    return %c0_i32, %c0_i32_0 : i32, i32
  }
  func.func @transform_8(%arg0: i32) -> (i32, i32) {
    %c0_i32 = arith.constant 0 : i32
    %c0_i32_0 = arith.constant 0 : i32
    return %arg0, %c0_i32 : i32, i32
  }
}

</mosaic_0001>

<sc_bundles>
// kernel: kernel.10.cloned.1.call-start
scs
__scs_entry_jumppad:
0x0: {  	(pc) =	sbr.rel $0x88, $3  }
0x1: {  	(tag) =	ssettag $0x0;
	lr =	simm.s32 $0x1  }
0x2: {  	[smem:$0x3F99] =	sst lr;
	_ =	strace $0xD0000000  }
0x3: {  	_ = 	snop  }
0x4: {  	_ = 	snop  }
0x5: {  	_ = 	snop  }
0x6: {  	_ = 	snop  }
0x7: {  	_ = 	snop  }
__scs_overlays_trampoline_lowered:
0x8: {  	[smem:$0x3FA8] =	sst s0  }
0x9: {  	[smem:$0x3FA9] =	sst s1  }
0xa: {  	[smem:$0x3FAA] =	sst s2  }
0xb: {  	[smem:$0x3FAB] =	sst s3  }
0xc: {  	[smem:$0x3FAC] =	sst s4  }
0xd: {  	[smem:$0x3FAD] =	sst s5  }
0xe: {  	[smem:$0x3FAE] =	sst s6  }
0xf: {  	[smem:$0x3FAF] =	sst s7  }
0x10: {  	[smem:$0x3FB0] =	sst s8  }
0x11: {  	[smem:$0x3FB1] =	sst s9;
	s0 =	simm.s32 @!p0 $0x0  }
0x12: {  	s1 =	sld [smem:$0x3F97];
	s0 =	simm.s32 @p0 $0x1  }
0x13: {  	[smem:$0x3FB2] =	sst s0;
	s0 =	simm.s32 @!p1 $0x0  }
0x14: {  	s2 =	sld [smem:$0x3F96];
	s0 =	simm.s32 @p1 $0x1  }
0x15: {  	[smem:$0x3FB3] =	sst s0;
	s0 =	simm.s32 @!p2 $0x0  }
0x16: {  	s3 =	sld [smem:$0x3FDB];
	s0 =	simm.s32 @p2 $0x1  }
0x17: {  	s4 =	simm.s32 $0x1BF5;
	[smem:$0x3FB5] =	sst s0  }
0x18: {  	s0 =	sld [smem:$0x3F98];
	_ =	swait.ge [sflag:s4], $0x0  }
0x19: {  	s7 =	sld [smem:$0x3F99]  }
0x1a: {  	s8 =	sadd.s32 $0xFFFFE003, lr  }
0x1b: {  	s9 =	sadd.s32 $0xFFFFFEF7, lr;
	s5 =	simm.s32 $0xFFFFFFFF;
	p2 =	slt.u32 s8, $0xFFFFF086  }
0x1c: {  	p1 =	slt.u32 s9, $0xF7A;
	s5 =	simm.s32 @!p2 $0x0  }
0x1d: {  	s5 =	simm.s32 @p1 $0x1;
	p0 =	seq.s32 s7, s2  }
0x1e: {  	s7 =	smul.u32 @!p0 $0xF7A, s2;
	p2 =	seq.s32 @!p0 s5, $0x0  }
0x1f: {  	s9 =	smul.u32 $0xF7A, s1;
	s8 =	simm.s32 @!p0 $0x1BF5;
	p2 =	por !p2, p0  }
0x20: {  	[sflag:s8] =	ssyncset.s32 @!p0 $0xFFFFF086;
	s6 =	sadd.s32 @!p0 s3, s7;
	s7 =	simm.s32 @!p0 $0x108  }
0x21: {  	s3 =	sadd.s32 s3, s9;
	s6 =	sadd.s32 @!p0 $0x88, s6;
	s7 =	simm.s32 @p2 $0x1082  }
0x22: {  	[simem:s7], [sflag:s8] =	dma.local @!p0 [hbm:s6], $0xF7A  }
0x23: {  	s9 =	sor.u32 $0xD0000000, s2;
	s6 =	simm.s32 $0x108;
	_ =	swait.ge @!p0 [sflag:s8], $0x0  }
0x24: {  	s3 =	sadd.s32 $0x88, s3;
	s6 =	simm.s32 @!p1 $0x1082;
	[sflag:s4] =	ssyncset.s32 $0xFFFFF086  }
0x25: {  	[simem:s6], [sflag:s4] =	dma.local [hbm:s3], $0xF7A  }
0x26: {  	[smem:$0x3F99] =	sst s1;
	(tag) =	ssettag s2;
	_ =	strace s9  }
0x27: {  	s1 =	sld [smem:$0x3FA9]  }
0x28: {  	s2 =	sld [smem:$0x3FAA]  }
0x29: {  	s4 =	sld [smem:$0x3FAC]  }
0x2a: {  	p0 =	seq.s32 s5, $0x0;
	s5 =	sld [smem:$0x3FAD]  }
0x2b: {  	s6 =	sld [smem:$0x3FAE]  }
0x2c: {  	s7 =	sld [smem:$0x3FAF]  }
0x2d: {  	s3 =	simm.s32 $0x108;
	s8 =	sld [smem:$0x3FB0]  }
0x2e: {  	s3 =	simm.s32 @!p0 $0x1082;
	s9 =	sld [smem:$0x3FB1]  }
0x2f: {  	lr =	sadd.s32 s0, s3;
	s0 =	sld [smem:$0x3FA8]  }
0x30: {  	s3 =	sld [smem:$0x3FAB]  }
0x31: {  	[smem:$0x3FB4] =	sst s10  }
0x32: {  	s10 =	sld [smem:$0x3FB2];
	_ =	sdelay $0x3  }
0x33: {  	p0 =	seq.s32 s10, $0x1;
	s10 =	sld [smem:$0x3FB4];
	_ =	sdelay $0x3  }
0x34: {  	[smem:$0x3FB4] =	sst s10  }
0x35: {  	s10 =	sld [smem:$0x3FB3];
	_ =	sdelay $0x3  }
0x36: {  	p1 =	seq.s32 s10, $0x1;
	s10 =	sld [smem:$0x3FB4];
	_ =	sdelay $0x3  }
0x37: {  	[smem:$0x3FB4] =	sst s10  }
0x38: {  	s10 =	sld [smem:$0x3FB5]  }
0x39: {  	_ = 	snop;
	(pc) =	sbr.ind lr, $3  }
0x3a: {  	_ = 	snop  }
0x3b: {  	_ = 	snop  }
0x3c: {  	p2 =	seq.s32 s10, $0x1;
	s10 =	sld [smem:$0x3FB4]  }
0x3d: {  	_ =	shalt  }
0x3e: {  	_ =	shalt  }
0x3f: {  	_ =	shalt  }
0x40: {  	_ =	shalt  }
0x41: {  	_ =	shalt  }
0x42: {  	_ =	shalt  }
0x43: {  	_ =	shalt  }
0x44: {  	_ =	shalt  }
0x45: {  	_ =	shalt  }
0x46: {  	_ =	shalt  }
0x47: {  	_ =	shalt  }
0x48: {  	_ =	shalt  }
0x49: {  	_ =	shalt  }
0x4a: {  	_ =	shalt  }
0x4b: {  	_ =	shalt  }
0x4c: {  	_ =	shalt  }
0x4d: {  	_ =	shalt  }
0x4e: {  	_ =	shalt  }
0x4f: {  	_ =	shalt  }
0x50: {  	_ =	shalt  }
0x51: {  	_ =	shalt  }
0x52: {  	_ =	shalt  }
0x53: {  	_ =	shalt  }
0x54: {  	_ =	shalt  }
0x55: {  	_ =	shalt  }
0x56: {  	_ =	shalt  }
0x57: {  	_ =	shalt  }
0x58: {  	_ =	shalt  }
0x59: {  	_ =	shalt  }
0x5a: {  	_ =	shalt  }
0x5b: {  	_ =	shalt  }
0x5c: {  	_ =	shalt  }
0x5d: {  	_ =	shalt  }
0x5e: {  	_ =	shalt  }
0x5f: {  	_ =	shalt  }
0x60: {  	_ =	shalt  }
0x61: {  	_ =	shalt  }
0x62: {  	_ =	shalt  }
0x63: {  	_ =	shalt  }
0x64: {  	_ =	shalt  }
0x65: {  	_ =	shalt  }
0x66: {  	_ =	shalt  }
0x67: {  	_ =	shalt  }
0x68: {  	_ =	shalt  }
0x69: {  	_ =	shalt  }
0x6a: {  	_ =	shalt  }
0x6b: {  	_ =	shalt  }
0x6c: {  	_ =	shalt  }
0x6d: {  	_ =	shalt  }
0x6e: {  	_ =	shalt  }
0x6f: {  	_ =	shalt  }
0x70: {  	_ =	shalt  }
0x71: {  	_ =	shalt  }
0x72: {  	_ =	shalt  }
0x73: {  	_ =	shalt  }
0x74: {  	_ =	shalt  }
0x75: {  	_ =	shalt  }
0x76: {  	_ =	shalt  }
0x77: {  	_ =	shalt  }
0x78: {  	_ =	shalt  }
0x79: {  	_ =	shalt  }
0x7a: {  	_ =	shalt  }
0x7b: {  	_ =	shalt  }
0x7c: {  	_ =	shalt  }
0x7d: {  	_ =	shalt  }
0x7e: {  	_ =	shalt  }
0x7f: {  	_ =	shalt  }
0x80: {  	_ =	shalt  }
0x81: {  	_ =	shalt  }
0x82: {  	_ =	shalt  }
0x83: {  	_ =	shalt  }
0x84: {  	_ =	shalt  }
0x85: {  	_ =	shalt  }
0x86: {  	_ =	shalt  }
0x87: {  	_ =	shalt  }
.Lfunc_end0:
.L_simem_size_0:
called_computation.1_lowered:
.L_overlay_start_0:
0x88: {  	s2 =	sld [smem:$0x3FD9]  }
0x89: {  	s3 =	sld [smem:$0x3FFE];
	_ =	sdelay $0x1  }
0x8a: {  	s1 =	srdreg.scid  }
0x8b: {  	s0 =	sand.u32 $0x1, s1  }
0x8c: {  	s16 =	sshll.u32 s0, $0xA;
	s2 =	sadd.s32 s3, s2  }
0x8d: {  	s2 =	sadd.s32 s2, s16  }
0x8e: {  	[smem:$0x3FC0] =	sst s2  }
0x8f: {  	_ = 	snop  }
0x90: {  	(tm) =	ssettm $0x1  }
0x91: {  	s17 =	sld [smem:$0x3FFB];
	_ =	sdelay $0x3  }
0x92: {  	_ =	strace s17  }
0x93: {  	s2 =	sld [smem:$0x3FFC];
	_ =	sdelay $0x3  }
0x94: {  	_ =	strace s2  }
0x95: {  	s2 =	sld [smem:$0x3FFD];
	_ =	sdelay $0x3  }
0x96: {  	_ =	strace s2  }
0x97: {  	_ =	strace $0x8FFFFFFF  }
0x98: {  	s18 =	sld [smem:$0x3FDB];
	_ =	sdelay $0x1  }
0x99: {  	s19 =	simm.s32 $_scs_section_size  }
0x9a: {  	s4 =	simm.s32 $_size__tile_overlayer_lowered;
	s5 =	simm.s32 $_tile_overlayer_lowered  }
0x9b: {  	s22 =	simm.s32 $0x1BFF;
	s21 =	sshll.u32 s5, $0x1;
	s2 =	sadd.s32 s19, s18  }
0x9c: {  	s6 =	simm.s32 $0x0;
	s20 =	sshll.u32 s4, $0x1;
	s4 =	sadd.s32 s21, s2  }
0x9d: {  	[timem:s6], [sflag:s22] =	dma.local [hbm:s4], s20  }
0x9e: {  	_ =	swait.ge [sflag:s22], s20  }
0x9f: {  	s3 =	ssub.s32 $0x0, s20;
	[sflag:s22] =	ssyncset.done $0x0  }
0xa0: {  	[sflag:s22] =	ssyncadd.s32 s3;
	_ =	sdelay $0x1  }
0xa1: {  	s23 =	simm.s32 $0x1B8B  }
0xa2: {  	_ =	swait.ge [sflag:s23], $0x1  }
0xa3: {  	[sflag:s23] =	ssyncset.done $0x0  }
0xa4: {  	s25 =	simm.s32 $0x1B8E;
	s24 =	sld [smem:$0x3FFE];
	[sflag:s23] =	ssyncadd.s32 $0xFFFFFFFF  }
0xa5: {  	s26 =	simm.s32 $execute0_lowered;
	[smem:$0x3FD2] =	sst s25  }
0xa6: {  	s4 =	sshll.u32 s26, $0x1;
	_ =	strace $0x80000049;
	[dreg:$0x1] =	wrdreg $0xFFFFFFFF  }
0xa7: {  	s28 =	simm.s32 $_size_execute0_lowered;
	s2 =	sadd.s32 s2, s4;
	[dreg:$0x0] =	wrdreg $0x0  }
0xa8: {  	s4 =	sshll.u32 s28, $0x1;
	[dreg:$0x2] =	wrdreg s2  }
0xa9: {  	[dreg:$0x3] =	wrdreg s4  }
0xaa: {  	[dreg:$0x4] =	wrdreg $0xC0  }
0xab: {  	_ =	task [dreg:s6], $0x5FFFF  }
0xac: {  	[dreg:$0x1] =	wrdreg $0xFFFFFFFF  }
0xad: {  	[dreg:$0x0] =	wrdreg $0x60  }
0xae: {  	[dreg:$0x2] =	wrdreg s24  }
0xaf: {  	[dreg:$0x3] =	wrdreg $0xA8000  }
0xb0: {  	[dreg:$0x4] =	wrdreg $0x9  }
0xb1: {  	_ =	task.clear_ibuf [dreg:s6], $0x5FFFF;
	_ =	strace $0x90000049  }
0xb2: {  	s29 =	simm.s32 $0x9;
	_ =	strace $0x8000004B  }
0xb3: {  	_ =	swait.ge [sflag:s29], $0x1  }
0xb4: {  	[sflag:s29] =	ssyncadd.s32 $0xFFFFFFFF  }
0xb5: {  	_ =	strace $0x9000004B  }
0xb6: {  	_ =	sfence  }
0xb7: {  	s30 =	sld [smem:$0x0];
	_ =	sdelay $0x2  }
0xb8: {  	s31 =	sshll.u32 s1, $0xD;
	s1 =	sshrl.u32 s1, $0x2  }
0xb9: {  	s3 =	sand.u32 $0x4000, s31;
	s1 =	sadd.s32 s1, s30  }
0xba: {  	s0 =	sor.u32 s3, s0;
	s1 =	sshll.u32 s1, $0x11  }
0xbb: {  	s0 =	sor.u32 s1, s0  }
0xbc: {  	s0 =	sadd.s32 $0x8F2B, s0  }
0xbd: {  	[sflag:s0] =	ssyncadd.remote.s32 $0x1  }
0xbe: {  	_ =	sfence.sel $0xFFFF  }
0xbf: {  	[dreg:$0x0] =	wrdreg $0xFFFFFFFF;
	(pc) =	sbr.abs _section_cstart, $3  }
0xc0: {  	[dreg:$0x1] =	wrdreg $0xFFFFFFFF  }
0xc1: {  	_ =	task.clear_ibuf [dreg:s6], $0x2FFFF;
	_ =	strace $0x9FFFFFFF  }
0xc2: {  	(tm) =	ssettm $0x7FFFFFFF  }
0xc3: {  	_ =	shalt  }
tec
execute0_lowered:
.L_overlay_start_1:
0x0: {  	(tag) =	ssettag $0x1  }
0x1: {  	s0 =	rddreg [dreg:$0x0]  }
0x2: {  	s1 =	rddreg [dreg:$0x1]  }
0x3: {  	s2 =	srdreg.scid;
	s3 =	simm.s32 $0x0;
	s11 =	stileid.u32  }
0x4: {  	s28 =	simm.s32 $0x380;
	s29 =	simm.s32 $0x1;
	s30 =	simm.s32 $0x50  }
0x5: {  	s31 =	simm.s32 $0x800;
	s12 =	simm.s32 $0x6;
	s6 =	smul.u32 $0x14000, s11  }
0x6: {  	s2 =	sand.u32 $0x1, s2;
	[smem:$0x7FF] =	sst s3;
	s9 =	smul.u32 $0x50000, s11  }
0x7: {  	s4 =	sadd.s32 $0x16800, s0;
	s7 =	sadd.s32 $0x2E00, s0;
	s20 =	smul.u32 $0x2710, s11  }
0x8: {  	s8 =	sadd.s32 $0x3DA00, s0;
	s17 =	sshll.u32 s11, $0x6;
	s5 =	smul.u32 $0x140000, s2  }
0x9: {  	_ =	strace $0x8000004A;
	[dreg:$0x3] =	wrdreg s8;
	s14 =	ssub.s32 $0x2, s2  }
0xa: {  	s13 =	sshll.u32 s2, $0x4;
	s2 =	smul.u32 $0x27100, s2;
	s10 =	sshrl.u32 s14, $0x1  }
0xb: {  	s16 =	sshrl.u32 s9, $0x2;
	s5 =	sadd.s32 s6, s5;
	s6 =	sor.u32 s11, s13  }
0xc: {  	s15 =	ssub.s32 s14, s10;
	s8 =	sadd.s32 s16, s1;
	s13 =	sor.u32 $0x1C11, s17  }
0xd: {  	s2 =	sadd.s32 s20, s2;
	s10 =	simm.s32 $0x5800;
	s11 =	simm.s32 $0x9  }
0xe: {  	s14 =	simm.s32 $0x4;
	s16 =	simm.s32 $0xA;
	s5 =	sshrl.u32 s5, $0x3  }
0xf: {  	s6 =	smul.u32 $0x2710, s6;
	s25 =	sadd.s32 $0x140, s2;
	s2 =	sadd.s32 $0x4E340, s2  }
0x10: {  	[dreg:$0x4] =	wrdreg s13;
	s0 =	sadd.s32 s5, s0;
	s5 =	smax.u32 s15, $0x1  }
0x11: {  	s2 =	sshrl.u32 s2, $0x3;
	s0 =	sadd.s32 $0x40200, s0;
	[dreg:$0xe] =	wrdreg s5  }
0x12: {  	s6 =	sshrl.u32 s6, $0x3;
	s26 =	sadd.s32 s2, s7;
	[dreg:$0xd] =	wrdreg s0  }
0x13: {  	s17 =	simm.s32 $0xC;
	s18 =	sadd.s32 s7, s6;
	[dreg:$0x10] =	wrdreg s26  }
0x14: {  	s20 =	simm.s32 $0x8;
	s6 =	sadd.s32 $0x9C40, s18;
	[dreg:$0x5] =	wrdreg s18  }
0x15: {  	s15 =	simm.s32 $0x8000;
	s19 =	sadd.s32 $0xA, s18;
	[dreg:$0x6] =	wrdreg s6  }
0x16: {  	s2 =	simm.s32 $0x3000;
	s21 =	sadd.s32 $0x9C4A, s18;
	[dreg:$0x7] =	wrdreg s19  }
0x17: {  	s5 =	simm.s32 $0x780;
	s22 =	sadd.s32 $0x14, s18;
	[dreg:$0x8] =	wrdreg s21  }
0x18: {  	s0 =	sshrl.u32 s25, $0x3;
	s23 =	sadd.s32 $0x9C54, s18;
	[dreg:$0x9] =	wrdreg s22  }
0x19: {  	s26 =	simm.s32 $0x11;
	s24 =	sadd.s32 $0x1E, s18;
	[dreg:$0xa] =	wrdreg s23  }
0x1a: {  	s25 =	simm.s32 $0x280;
	s9 =	sadd.s32 $0x9C5E, s18;
	[dreg:$0xb] =	wrdreg s24  }
.Ltmp0:
0x1b: {  	s0 =	sadd.s32 s0, s7;
	[dreg:$0xc] =	wrdreg s9;
	(pc) =	sbr.rel .LBB2_1-.Ltmp0, $4  }
0x1c: {  	s18 =	sshrl.u32 s8, $0x3;
	s7 =	simm.s32 $0x5;
	[dreg:$0xf] =	wrdreg s0  }
0x1d: {  	s21 =	simm.s32 $0x80;
	s22 =	simm.s32 $0x100;
	s23 =	simm.s32 $0x180  }
0x1e: {  	s0 =	simm.s32 $0x2;
	s9 =	simm.s32 $0x3;
	s6 =	simm.s32 $0xB  }
0x1f: {  	s19 =	simm.s32 $0x7;
	s24 =	simm.s32 $0x0;
	[dreg:$0x11] =	wrdreg s18  }
.LBB2_50:
0x20: {  	s8 =	simm.s32 $0x10  }
0x21: {  	_ =	swait.ge [sflag:s8], $0x2800  }
0x22: {  	[sflag:s8] =	ssyncset.done $0x0  }
0x23: {  	s18 =	simm.s32 $0xD;
	[sflag:s8] =	ssyncadd.s32 $0xFFFFD800  }
0x24: {  	_ =	swait.ge [sflag:s18], $0x2800  }
0x25: {  	[sflag:s18] =	ssyncset.done $0x0  }
0x26: {  	[sflag:s18] =	ssyncadd.s32 $0xFFFFD800  }
0x27: {  	[bflag:$0x0] =	sbarrier.arrive $0xFFFF  }
0x28: {  	s13 =	rddreg [dreg:$0x4]  }
0x29: {  	s26 =	rddreg [dreg:$0xd]  }
0x2a: {  	s18 =	rddreg [dreg:$0x11]  }
0x2b: {  	[hbm:s26], [sflag:s13] =	dma.local [spmem:s18], $0x2800  }
0x2c: {  	s26 =	simm.s32 $0x11  }
0x2d: {  	_ =	swait.ge [sflag:s26], $0x2800  }
0x2e: {  	s24 =	sadd.s32 $0x1, s24;
	s8 =	rddreg [dreg:$0xe]  }
0x2f: {  	p0 =	sne.s32 s24, s8  }
.Ltmp1:
0x30: {  	_ = 	snop;
	(pc) =	sbr.rel @!p0 .LBB2_51-.Ltmp1, $3  }
0x31: {  	_ =	sdelay $0x1  }
0x32: {  	[sflag:s26] =	ssyncset.done $0x0  }
0x33: {  	[sflag:s26] =	ssyncadd.s32 $0xFFFFD800  }
.LBB2_1:
0x34: {  	s8 =	rddreg [dreg:$0x3]  }
0x35: {  	[spmem:s18], [sflag:s13] =	dma.local [hbm:s8], $0x2800  }
0x36: {  	_ =	swait.ge [sflag:s26], $0x2800  }
0x37: {  	[sflag:s26] =	ssyncset.done $0x0  }
0x38: {  	[sflag:s26] =	ssyncadd.s32 $0xFFFFD800  }
0x39: {  	[bflag:$0x0] =	sbarrier.arrive $0xFFFF  }
0x3a: {  	s26 =	rddreg [dreg:$0x5]  }
0x3b: {  	[tilespmem:s3], [sflag:$0x1] =	stream.linear.gather [hbm4b:s26+s3], $0x50, $0x38;
	[tilespmem:$0x1E800] =	vst v63  }
0x3c: {  	s13 =	rddreg [dreg:$0x6]  }
0x3d: {  	[tilespmem:s21], [sflag:$0x1] =	stream.linear.gather [hbm4b:s13+s3], $0x50, $0x38;
	[tilespmem:$0x1E800] =	vst v63  }
0x3e: {  	s18 =	rddreg [dreg:$0x7]  }
0x3f: {  	[tilespmem:s22], [sflag:$0x2] =	stream.linear.gather [hbm4b:s18+s3], $0x50, $0x38;
	[tilespmem:$0x1E800] =	vst v63  }
0x40: {  	s26 =	rddreg [dreg:$0x8]  }
0x41: {  	[tilespmem:s23], [sflag:$0x2] =	stream.linear.gather [hbm4b:s26+s3], $0x50, $0x38;
	[tilespmem:$0x1E800] =	vst v63  }
0x42: {  	s13 =	rddreg [dreg:$0x9];
	s18 =	simm.s32 $0x200  }
0x43: {  	[tilespmem:s18], [sflag:$0x3] =	stream.linear.gather [hbm4b:s13+s3], $0x50, $0x38;
	[tilespmem:$0x1E800] =	vst v63  }
0x44: {  	s26 =	rddreg [dreg:$0xa]  }
0x45: {  	[tilespmem:s25], [sflag:$0x3] =	stream.linear.gather [hbm4b:s26+s3], $0x50, $0x38;
	[tilespmem:$0x1E800] =	vst v63  }
0x46: {  	s13 =	rddreg [dreg:$0xb];
	s18 =	simm.s32 $0x300  }
0x47: {  	[tilespmem:s18], [sflag:$0x4] =	stream.linear.gather [hbm4b:s13+s3], $0x50, $0x38;
	[tilespmem:$0x1E800] =	vst v63  }
0x48: {  	s26 =	rddreg [dreg:$0xc]  }
0x49: {  	[tilespmem:s28], [sflag:$0x4] =	stream.linear.gather [hbm4b:s26+s3], $0x50, $0x38;
	[tilespmem:$0x1E800] =	vst v63  }
0x4a: {  	_ =	swait.ge [sflag:s29], $0x50  }
0x4b: {  	[sflag:s29] =	ssyncset.done $0x0  }
0x4c: {  	[sflag:s29] =	ssyncadd.s32 $0xFFFFFFB0  }
0x4d: {  	_ =	swait.ge [sflag:s29], $0x50  }
0x4e: {  	[sflag:s29] =	ssyncset.done $0x0  }
0x4f: {  	[sflag:s29] =	ssyncadd.s32 $0xFFFFFFB0  }
0x50: {  	[tilespmem:s31], [sflag:$0x9] =	stream.indirect.gather [hbm4b:s4+s30], $0x80, s3, s30, $0xb8;
	[tilespmem:$0x1E800] =	vst v63  }
0x51: {  	_ =	swait.ge [sflag:s0], $0x50  }
0x52: {  	[sflag:s0] =	ssyncset.done $0x0  }
.Ltmp2:
0x53: {  	[sflag:s0] =	ssyncadd.s32 $0xFFFFFFB0;
	(pc) =	sbr.rel .LBB2_2-.Ltmp2, $4  }
0x54: {  	_ =	swait.ge [sflag:s0], $0x50  }
0x55: {  	[sflag:s0] =	ssyncset.done $0x0;
	s26 =	rddreg [dreg:$0x10]  }
0x56: {  	s13 =	simm.s32 $0x0;
	s8 =	rddreg [dreg:$0xf];
	[sflag:s0] =	ssyncadd.s32 $0xFFFFFFB0  }
0x57: {  	[tilespmem:s2], [sflag:$0xA] =	stream.indirect.gather [hbm4b:s4+s30], $0x80, s22, s30, $0xb8;
	[tilespmem:$0x1E800] =	vst v63  }
.LBB2_45:
0x58: {  	s18 =	simm.s32 $0x300  }
0x59: {  	[tilespmem:s18], [sflag:$0x4] =	stream.linear.gather [hbm4b:s8+s3], $0x50, $0x38;
	[tilespmem:$0x1E800] =	vst v63  }
0x5a: {  	_ = 	snop  }
0x5b: {  	[tilespmem:s28], [sflag:$0x4] =	stream.linear.gather [hbm4b:s26+s3], $0x50, $0x38;
	[tilespmem:$0x1E800] =	vst v63  }
.LBB2_47:
0x5c: {  	_ =	swait.ge [sflag:s0], $0x50  }
0x5d: {  	[sflag:s0] =	ssyncset.done $0x0  }
0x5e: {  	[sflag:s0] =	ssyncadd.s32 $0xFFFFFFB0  }
0x5f: {  	_ =	swait.ge [sflag:s0], $0x50  }
0x60: {  	[sflag:s0] =	ssyncset.done $0x0  }
0x61: {  	[sflag:s0] =	ssyncadd.s32 $0xFFFFFFB0  }
0x62: {  	[tilespmem:s2], [sflag:$0xA] =	stream.indirect.gather [hbm4b:s4+s30], $0x80, s22, s30, $0xb8;
	[tilespmem:$0x1E800] =	vst v63  }
.LBB2_48:
0x63: {  	_ =	swait.ge [sflag:s17], $0x2800  }
0x64: {  	[sflag:s17] =	ssyncset.done $0x0  }
0x65: {  	[sflag:s17] =	ssyncadd.s32 $0xFFFFD800  }
0x66: {  	[spmem:s1] =	stream.indirect.scatter.add.f32 [tilespmem:s15], [sflag:$0x10], $0x80, s5, s30, $0xb8;
	[tilespmem:$0x1E800] =	vst v63  }
.LBB2_49:
0x67: {  	s13 =	sadd.s32 $0x1, s13  }
0x68: {  	p0 =	sne.s32 s13, $0x7D  }
.Ltmp3:
0x69: {  	_ = 	snop;
	(pc) =	sbr.rel @!p0 .LBB2_50-.Ltmp3, $2  }
0x6a: {  	_ =	sdelay $0x2  }
0x6b: {  	s8 =	sadd.s32 $0xA, s8;
	s26 =	sadd.s32 $0xA, s26  }
.LBB2_2:
0x6c: {  	s18 =	sand.u32 $0x7, s13  }
0x6d: {  	p0 =	sgt.s32 s18, $0x3  }
.Ltmp4:
0x6e: {  	_ = 	snop;
	(pc) =	sbr.rel @p0 .LBB2_7-.Ltmp4, $1  }
0x6f: {  	_ =	sdelay $0x3  }
0x70: {  	p0 =	sgt.s32 s18, $0x1  }
.Ltmp5:
0x71: {  	_ = 	snop;
	(pc) =	sbr.rel @p0 .LBB2_24-.Ltmp5, $1  }
0x72: {  	_ =	sdelay $0x3  }
0x73: {  	p0 =	seq.s32 s18, $0x0  }
.Ltmp6:
0x74: {  	_ = 	snop;
	(pc) =	sbr.rel @!p0 .LBB2_14-.Ltmp6, $1  }
0x75: {  	_ =	sdelay $0x3  }
0x76: {  	p0 =	slt.u32 s13, $0x2  }
0x77: {  	p1 =	sgt.u32 @!p0 s13, $0x78  }
0x78: {  	p1 =	por p0, !p1  }
.Ltmp7:
0x79: {  	_ = 	snop;
	(pc) =	sbr.rel @!p1 .LBB2_11-.Ltmp7, $4  }
0x7a: {  	s18 =	simm.s32 @!p0 $0xF  }
0x7b: {  	_ =	swait.ge @!p0 [sflag:s18], $0x2800  }
0x7c: {  	[sflag:s18] =	ssyncset.done @!p0 $0x0  }
0x7d: {  	[sflag:s18] =	ssyncadd.s32 @!p0 $0xFFFFD800  }
.Ltmp8:
0x7e: {  	(pc) =	sbr.rel .LBB2_12-.Ltmp8, $4  }
0x7f: {  	s18 =	simm.s32 $0x400  }
0x80: {  	[tilespmem:s18], [sflag:$0x5] =	stream.linear.gather [hbm4b:s8+s3], $0x50, $0x38;
	[tilespmem:$0x1E800] =	vst v63  }
0x81: {  	s18 =	simm.s32 $0x480  }
0x82: {  	[tilespmem:s18], [sflag:$0x5] =	stream.linear.gather [hbm4b:s26+s3], $0x50, $0x38;
	[tilespmem:$0x1E800] =	vst v63  }
.LBB2_7:
0x83: {  	p0 =	sgt.s32 s18, $0x5  }
.Ltmp9:
0x84: {  	_ = 	snop;
	(pc) =	sbr.rel @p0 .LBB2_43-.Ltmp9, $1  }
0x85: {  	_ =	sdelay $0x3  }
0x86: {  	p0 =	seq.s32 s18, $0x4  }
.Ltmp10:
0x87: {  	_ = 	snop;
	(pc) =	sbr.rel @!p0 .LBB2_33-.Ltmp10, $1  }
0x88: {  	_ =	sdelay $0x3  }
0x89: {  	p0 =	slt.u32 s13, $0x2  }
0x8a: {  	p1 =	sgt.u32 @!p0 s13, $0x78  }
0x8b: {  	p1 =	por p0, !p1  }
.Ltmp11:
0x8c: {  	_ = 	snop;
	(pc) =	sbr.rel @!p1 .LBB2_30-.Ltmp11, $4  }
0x8d: {  	s18 =	simm.s32 @!p0 $0xF  }
0x8e: {  	_ =	swait.ge @!p0 [sflag:s18], $0x2800  }
0x8f: {  	[sflag:s18] =	ssyncset.done @!p0 $0x0  }
0x90: {  	[sflag:s18] =	ssyncadd.s32 @!p0 $0xFFFFD800  }
.Ltmp12:
0x91: {  	(pc) =	sbr.rel .LBB2_31-.Ltmp12, $4  }
0x92: {  	_ = 	snop  }
0x93: {  	[tilespmem:s3], [sflag:$0x1] =	stream.linear.gather [hbm4b:s8+s3], $0x50, $0x38;
	[tilespmem:$0x1E800] =	vst v63  }
0x94: {  	_ = 	snop  }
0x95: {  	[tilespmem:s21], [sflag:$0x1] =	stream.linear.gather [hbm4b:s26+s3], $0x50, $0x38;
	[tilespmem:$0x1E800] =	vst v63  }
.LBB2_24:
0x96: {  	p0 =	seq.s32 s18, $0x2  }
.Ltmp13:
0x97: {  	_ = 	snop;
	(pc) =	sbr.rel @!p0 .LBB2_25-.Ltmp13, $1  }
0x98: {  	_ =	sdelay $0x3  }
0x99: {  	p0 =	slt.u32 s13, $0x2  }
0x9a: {  	p1 =	sgt.u32 @!p0 s13, $0x78  }
0x9b: {  	p1 =	por p0, !p1  }
.Ltmp14:
0x9c: {  	_ = 	snop;
	(pc) =	sbr.rel @!p1 .LBB2_21-.Ltmp14, $4  }
0x9d: {  	s18 =	simm.s32 @!p0 $0xD  }
0x9e: {  	_ =	swait.ge @!p0 [sflag:s18], $0x2800  }
0x9f: {  	[sflag:s18] =	ssyncset.done @!p0 $0x0  }
0xa0: {  	[sflag:s18] =	ssyncadd.s32 @!p0 $0xFFFFD800  }
.Ltmp15:
0xa1: {  	(pc) =	sbr.rel .LBB2_22-.Ltmp15, $4  }
0xa2: {  	s18 =	simm.s32 $0x600  }
0xa3: {  	[tilespmem:s18], [sflag:$0x7] =	stream.linear.gather [hbm4b:s8+s3], $0x50, $0x38;
	[tilespmem:$0x1E800] =	vst v63  }
0xa4: {  	s18 =	simm.s32 $0x680  }
0xa5: {  	[tilespmem:s18], [sflag:$0x7] =	stream.linear.gather [hbm4b:s26+s3], $0x50, $0x38;
	[tilespmem:$0x1E800] =	vst v63  }
.LBB2_43:
0xa6: {  	p2 =	seq.s32 s18, $0x6  }
.Ltmp16:
0xa7: {  	_ = 	snop;
	(pc) =	sbr.rel @!p2 .LBB2_44-.Ltmp16, $3  }
0xa8: {  	_ =	sdelay $0x1  }
0xa9: {  	p0 =	slt.u32 s13, $0x2  }
0xaa: {  	p1 =	sgt.u32 @!p0 s13, $0x78  }
0xab: {  	p1 =	por p0, !p1  }
.Ltmp17:
0xac: {  	_ = 	snop;
	(pc) =	sbr.rel @!p1 .LBB2_40-.Ltmp17, $4  }
0xad: {  	s18 =	simm.s32 @!p0 $0xD  }
0xae: {  	_ =	swait.ge @!p0 [sflag:s18], $0x2800  }
0xaf: {  	[sflag:s18] =	ssyncset.done @!p0 $0x0  }
0xb0: {  	[sflag:s18] =	ssyncadd.s32 @!p0 $0xFFFFD800  }
.Ltmp18:
0xb1: {  	(pc) =	sbr.rel .LBB2_41-.Ltmp18, $4  }
0xb2: {  	s18 =	simm.s32 $0x200  }
0xb3: {  	[tilespmem:s18], [sflag:$0x3] =	stream.linear.gather [hbm4b:s8+s3], $0x50, $0x38;
	[tilespmem:$0x1E800] =	vst v63  }
0xb4: {  	_ = 	snop  }
0xb5: {  	[tilespmem:s25], [sflag:$0x3] =	stream.linear.gather [hbm4b:s26+s3], $0x50, $0x38;
	[tilespmem:$0x1E800] =	vst v63  }
.LBB2_14:
0xb6: {  	p0 =	slt.u32 s13, $0x2  }
0xb7: {  	p1 =	sgt.u32 @!p0 s13, $0x78  }
0xb8: {  	p1 =	por p0, !p1  }
.Ltmp19:
0xb9: {  	_ = 	snop;
	(pc) =	sbr.rel @!p1 .LBB2_16-.Ltmp19, $4  }
0xba: {  	s18 =	simm.s32 @!p0 $0x10  }
0xbb: {  	_ =	swait.ge @!p0 [sflag:s18], $0x2800  }
0xbc: {  	[sflag:s18] =	ssyncset.done @!p0 $0x0  }
0xbd: {  	[sflag:s18] =	ssyncadd.s32 @!p0 $0xFFFFD800  }
.Ltmp20:
0xbe: {  	(pc) =	sbr.rel .LBB2_17-.Ltmp20, $4  }
0xbf: {  	s18 =	simm.s32 $0x500  }
0xc0: {  	[tilespmem:s18], [sflag:$0x6] =	stream.linear.gather [hbm4b:s8+s3], $0x50, $0x38;
	[tilespmem:$0x1E800] =	vst v63  }
0xc1: {  	s18 =	simm.s32 $0x580  }
0xc2: {  	[tilespmem:s18], [sflag:$0x6] =	stream.linear.gather [hbm4b:s26+s3], $0x50, $0x38;
	[tilespmem:$0x1E800] =	vst v63  }
.LBB2_33:
0xc3: {  	p0 =	slt.u32 s13, $0x2  }
0xc4: {  	p1 =	sgt.u32 @!p0 s13, $0x78  }
0xc5: {  	p1 =	por p0, !p1  }
.Ltmp21:
0xc6: {  	_ = 	snop;
	(pc) =	sbr.rel @!p1 .LBB2_35-.Ltmp21, $4  }
0xc7: {  	s18 =	simm.s32 @!p0 $0x10  }
0xc8: {  	_ =	swait.ge @!p0 [sflag:s18], $0x2800  }
0xc9: {  	[sflag:s18] =	ssyncset.done @!p0 $0x0  }
0xca: {  	[sflag:s18] =	ssyncadd.s32 @!p0 $0xFFFFD800  }
.Ltmp22:
0xcb: {  	(pc) =	sbr.rel .LBB2_36-.Ltmp22, $4  }
0xcc: {  	_ = 	snop  }
0xcd: {  	[tilespmem:s22], [sflag:$0x2] =	stream.linear.gather [hbm4b:s8+s3], $0x50, $0x38;
	[tilespmem:$0x1E800] =	vst v63  }
0xce: {  	_ = 	snop  }
0xcf: {  	[tilespmem:s23], [sflag:$0x2] =	stream.linear.gather [hbm4b:s26+s3], $0x50, $0x38;
	[tilespmem:$0x1E800] =	vst v63  }
.LBB2_25:
0xd0: {  	p0 =	slt.u32 s13, $0x2  }
0xd1: {  	p1 =	sgt.u32 @!p0 s13, $0x78  }
0xd2: {  	p1 =	por p0, !p1  }
.Ltmp23:
0xd3: {  	_ = 	snop;
	(pc) =	sbr.rel @!p1 .LBB2_27-.Ltmp23, $4  }
0xd4: {  	s18 =	simm.s32 @!p0 $0xE  }
0xd5: {  	_ =	swait.ge @!p0 [sflag:s18], $0x2800  }
0xd6: {  	[sflag:s18] =	ssyncset.done @!p0 $0x0  }
0xd7: {  	[sflag:s18] =	ssyncadd.s32 @!p0 $0xFFFFD800  }
.Ltmp24:
0xd8: {  	(pc) =	sbr.rel .LBB2_28-.Ltmp24, $4  }
0xd9: {  	s18 =	simm.s32 $0x700  }
0xda: {  	[tilespmem:s18], [sflag:$0x8] =	stream.linear.gather [hbm4b:s8+s3], $0x50, $0x38;
	[tilespmem:$0x1E800] =	vst v63  }
0xdb: {  	_ = 	snop  }
0xdc: {  	[tilespmem:s5], [sflag:$0x8] =	stream.linear.gather [hbm4b:s26+s3], $0x50, $0x38;
	[tilespmem:$0x1E800] =	vst v63  }
.LBB2_44:
0xdd: {  	p1 =	por p0, !p1  }
.Ltmp25:
0xde: {  	_ = 	snop;
	(pc) =	sbr.rel @p1 .LBB2_45-.Ltmp25, $4  }
0xdf: {  	s18 =	simm.s32 @!p0 $0xE  }
0xe0: {  	_ =	swait.ge @!p0 [sflag:s18], $0x2800  }
0xe1: {  	[sflag:s18] =	ssyncset.done @!p0 $0x0  }
0xe2: {  	[sflag:s18] =	ssyncadd.s32 @!p0 $0xFFFFD800  }
0xe3: {  	p0 =	sgt.u32 s13, $0x7A  }
.Ltmp26:
0xe4: {  	_ = 	snop;
	(pc) =	sbr.rel @p0 .LBB2_48-.Ltmp26, $4  }
.Ltmp27:
0xe5: {  	_ = 	snop;
	(pc) =	sbr.rel @!p0 .LBB2_47-.Ltmp27, $4  }
0xe6: {  	_ = 	snop  }
0xe7: {  	_ = 	snop  }
0xe8: {  	_ = 	snop  }
0xe9: {  	_ = 	snop  }
.LBB2_11:
0xea: {  	p0 =	sgt.u32 s13, $0x7A  }
.Ltmp28:
0xeb: {  	_ = 	snop;
	(pc) =	sbr.rel @p0 .LBB2_13-.Ltmp28, $1  }
0xec: {  	_ =	sdelay $0x3  }
.LBB2_12:
0xed: {  	_ =	swait.ge [sflag:s9], $0x50  }
0xee: {  	[sflag:s9] =	ssyncset.done $0x0  }
0xef: {  	[sflag:s9] =	ssyncadd.s32 $0xFFFFFFB0  }
0xf0: {  	_ =	swait.ge [sflag:s9], $0x50  }
0xf1: {  	[sflag:s9] =	ssyncset.done $0x0  }
0xf2: {  	s18 =	simm.s32 $0x200;
	[sflag:s9] =	ssyncadd.s32 $0xFFFFFFB0  }
0xf3: {  	[tilespmem:s10], [sflag:$0xB] =	stream.indirect.gather [hbm4b:s4+s30], $0x80, s18, s30, $0xb8;
	[tilespmem:$0x1E800] =	vst v63  }
.LBB2_13:
.Ltmp29:
0xf4: {  	(pc) =	sbr.rel .LBB2_49-.Ltmp29, $4  }
0xf5: {  	_ =	swait.ge [sflag:s11], $0x2800  }
0xf6: {  	[sflag:s11] =	ssyncset.done $0x0  }
0xf7: {  	[sflag:s11] =	ssyncadd.s32 $0xFFFFD800  }
0xf8: {  	[spmem:s1] =	stream.indirect.scatter.add.f32 [tilespmem:s31], [sflag:$0xD], $0x80, s21, s30, $0xb8;
	[tilespmem:$0x1E800] =	vst v63  }
.LBB2_30:
0xf9: {  	p0 =	sgt.u32 s13, $0x7A  }
.Ltmp30:
0xfa: {  	_ = 	snop;
	(pc) =	sbr.rel @p0 .LBB2_32-.Ltmp30, $1  }
0xfb: {  	_ =	sdelay $0x3  }
.LBB2_31:
0xfc: {  	_ =	swait.ge [sflag:s19], $0x50  }
0xfd: {  	[sflag:s19] =	ssyncset.done $0x0  }
0xfe: {  	[sflag:s19] =	ssyncadd.s32 $0xFFFFFFB0  }
0xff: {  	_ =	swait.ge [sflag:s19], $0x50  }
0x100: {  	[sflag:s19] =	ssyncset.done $0x0  }
0x101: {  	s18 =	simm.s32 $0x600;
	[sflag:s19] =	ssyncadd.s32 $0xFFFFFFB0  }
0x102: {  	[tilespmem:s10], [sflag:$0xB] =	stream.indirect.gather [hbm4b:s4+s30], $0x80, s18, s30, $0xb8;
	[tilespmem:$0x1E800] =	vst v63  }
.LBB2_32:
.Ltmp31:
0x103: {  	(pc) =	sbr.rel .LBB2_49-.Ltmp31, $4  }
0x104: {  	_ =	swait.ge [sflag:s11], $0x2800  }
0x105: {  	[sflag:s11] =	ssyncset.done $0x0  }
0x106: {  	s18 =	simm.s32 $0x480;
	[sflag:s11] =	ssyncadd.s32 $0xFFFFD800  }
0x107: {  	[spmem:s1] =	stream.indirect.scatter.add.f32 [tilespmem:s31], [sflag:$0xD], $0x80, s18, s30, $0xb8;
	[tilespmem:$0x1E800] =	vst v63  }
.LBB2_21:
0x108: {  	p0 =	sgt.u32 s13, $0x7A  }
.Ltmp32:
0x109: {  	_ = 	snop;
	(pc) =	sbr.rel @p0 .LBB2_23-.Ltmp32, $1  }
0x10a: {  	_ =	sdelay $0x3  }
.LBB2_22:
0x10b: {  	_ =	swait.ge [sflag:s7], $0x50  }
0x10c: {  	[sflag:s7] =	ssyncset.done $0x0  }
0x10d: {  	[sflag:s7] =	ssyncadd.s32 $0xFFFFFFB0  }
0x10e: {  	_ =	swait.ge [sflag:s7], $0x50  }
0x10f: {  	[sflag:s7] =	ssyncset.done $0x0  }
0x110: {  	s18 =	simm.s32 $0x400;
	[sflag:s7] =	ssyncadd.s32 $0xFFFFFFB0  }
0x111: {  	[tilespmem:s31], [sflag:$0x9] =	stream.indirect.gather [hbm4b:s4+s30], $0x80, s18, s30, $0xb8;
	[tilespmem:$0x1E800] =	vst v63  }
.LBB2_23:
.Ltmp33:
0x112: {  	(pc) =	sbr.rel .LBB2_49-.Ltmp33, $4  }
0x113: {  	_ =	swait.ge [sflag:s6], $0x2800  }
0x114: {  	[sflag:s6] =	ssyncset.done $0x0  }
0x115: {  	[sflag:s6] =	ssyncadd.s32 $0xFFFFD800  }
0x116: {  	[spmem:s1] =	stream.indirect.scatter.add.f32 [tilespmem:s10], [sflag:$0xF], $0x80, s25, s30, $0xb8;
	[tilespmem:$0x1E800] =	vst v63  }
.LBB2_40:
0x117: {  	p0 =	sgt.u32 s13, $0x7A  }
.Ltmp34:
0x118: {  	_ = 	snop;
	(pc) =	sbr.rel @p0 .LBB2_42-.Ltmp34, $1  }
0x119: {  	_ =	sdelay $0x3  }
.LBB2_41:
0x11a: {  	_ =	swait.ge [sflag:s29], $0x50  }
0x11b: {  	[sflag:s29] =	ssyncset.done $0x0  }
0x11c: {  	[sflag:s29] =	ssyncadd.s32 $0xFFFFFFB0  }
0x11d: {  	_ =	swait.ge [sflag:s29], $0x50  }
0x11e: {  	[sflag:s29] =	ssyncset.done $0x0  }
0x11f: {  	[sflag:s29] =	ssyncadd.s32 $0xFFFFFFB0  }
0x120: {  	[tilespmem:s31], [sflag:$0x9] =	stream.indirect.gather [hbm4b:s4+s30], $0x80, s3, s30, $0xb8;
	[tilespmem:$0x1E800] =	vst v63  }
.LBB2_42:
.Ltmp35:
0x121: {  	(pc) =	sbr.rel .LBB2_49-.Ltmp35, $4  }
0x122: {  	_ =	swait.ge [sflag:s6], $0x2800  }
0x123: {  	[sflag:s6] =	ssyncset.done $0x0  }
0x124: {  	s18 =	simm.s32 $0x680;
	[sflag:s6] =	ssyncadd.s32 $0xFFFFD800  }
0x125: {  	[spmem:s1] =	stream.indirect.scatter.add.f32 [tilespmem:s10], [sflag:$0xF], $0x80, s18, s30, $0xb8;
	[tilespmem:$0x1E800] =	vst v63  }
.LBB2_16:
0x126: {  	p0 =	sgt.u32 s13, $0x7A  }
.Ltmp36:
0x127: {  	_ = 	snop;
	(pc) =	sbr.rel @p0 .LBB2_18-.Ltmp36, $1  }
0x128: {  	_ =	sdelay $0x3  }
.LBB2_17:
0x129: {  	_ =	swait.ge [sflag:s14], $0x50  }
0x12a: {  	[sflag:s14] =	ssyncset.done $0x0  }
0x12b: {  	[sflag:s14] =	ssyncadd.s32 $0xFFFFFFB0  }
0x12c: {  	_ =	swait.ge [sflag:s14], $0x50  }
0x12d: {  	[sflag:s14] =	ssyncset.done $0x0  }
0x12e: {  	s18 =	simm.s32 $0x300;
	[sflag:s14] =	ssyncadd.s32 $0xFFFFFFB0  }
0x12f: {  	[tilespmem:s15], [sflag:$0xC] =	stream.indirect.gather [hbm4b:s4+s30], $0x80, s18, s30, $0xb8;
	[tilespmem:$0x1E800] =	vst v63  }
.LBB2_18:
.Ltmp37:
0x130: {  	(pc) =	sbr.rel .LBB2_49-.Ltmp37, $4  }
0x131: {  	_ =	swait.ge [sflag:s16], $0x2800  }
0x132: {  	[sflag:s16] =	ssyncset.done $0x0  }
0x133: {  	[sflag:s16] =	ssyncadd.s32 $0xFFFFD800  }
0x134: {  	[spmem:s1] =	stream.indirect.scatter.add.f32 [tilespmem:s2], [sflag:$0xE], $0x80, s23, s30, $0xb8;
	[tilespmem:$0x1E800] =	vst v63  }
.LBB2_35:
0x135: {  	p0 =	sgt.u32 s13, $0x7A  }
.Ltmp38:
0x136: {  	_ = 	snop;
	(pc) =	sbr.rel @p0 .LBB2_37-.Ltmp38, $1  }
0x137: {  	_ =	sdelay $0x3  }
.LBB2_36:
0x138: {  	_ =	swait.ge [sflag:s20], $0x50  }
0x139: {  	[sflag:s20] =	ssyncset.done $0x0  }
0x13a: {  	[sflag:s20] =	ssyncadd.s32 $0xFFFFFFB0  }
0x13b: {  	_ =	swait.ge [sflag:s20], $0x50  }
0x13c: {  	[sflag:s20] =	ssyncset.done $0x0  }
0x13d: {  	s18 =	simm.s32 $0x700;
	[sflag:s20] =	ssyncadd.s32 $0xFFFFFFB0  }
0x13e: {  	[tilespmem:s15], [sflag:$0xC] =	stream.indirect.gather [hbm4b:s4+s30], $0x80, s18, s30, $0xb8;
	[tilespmem:$0x1E800] =	vst v63  }
.LBB2_37:
.Ltmp39:
0x13f: {  	(pc) =	sbr.rel .LBB2_49-.Ltmp39, $4  }
0x140: {  	_ =	swait.ge [sflag:s16], $0x2800  }
0x141: {  	[sflag:s16] =	ssyncset.done $0x0  }
0x142: {  	s18 =	simm.s32 $0x580;
	[sflag:s16] =	ssyncadd.s32 $0xFFFFD800  }
0x143: {  	[spmem:s1] =	stream.indirect.scatter.add.f32 [tilespmem:s2], [sflag:$0xE], $0x80, s18, s30, $0xb8;
	[tilespmem:$0x1E800] =	vst v63  }
.LBB2_27:
0x144: {  	p0 =	sgt.u32 s13, $0x7A  }
.Ltmp40:
0x145: {  	_ = 	snop;
	(pc) =	sbr.rel @p0 .LBB2_29-.Ltmp40, $1  }
0x146: {  	_ =	sdelay $0x3  }
.LBB2_28:
0x147: {  	_ =	swait.ge [sflag:s12], $0x50  }
0x148: {  	[sflag:s12] =	ssyncset.done $0x0  }
0x149: {  	[sflag:s12] =	ssyncadd.s32 $0xFFFFFFB0  }
0x14a: {  	_ =	swait.ge [sflag:s12], $0x50  }
0x14b: {  	[sflag:s12] =	ssyncset.done $0x0  }
0x14c: {  	s18 =	simm.s32 $0x500;
	[sflag:s12] =	ssyncadd.s32 $0xFFFFFFB0  }
0x14d: {  	[tilespmem:s2], [sflag:$0xA] =	stream.indirect.gather [hbm4b:s4+s30], $0x80, s18, s30, $0xb8;
	[tilespmem:$0x1E800] =	vst v63  }
.LBB2_29:
.Ltmp41:
0x14e: {  	(pc) =	sbr.rel .LBB2_49-.Ltmp41, $4  }
0x14f: {  	_ =	swait.ge [sflag:s17], $0x2800  }
0x150: {  	[sflag:s17] =	ssyncset.done $0x0  }
0x151: {  	[sflag:s17] =	ssyncadd.s32 $0xFFFFD800  }
0x152: {  	[spmem:s1] =	stream.indirect.scatter.add.f32 [tilespmem:s15], [sflag:$0x10], $0x80, s28, s30, $0xb8;
	[tilespmem:$0x1E800] =	vst v63  }
.LBB2_51:
0x153: {  	_ =	sfence.sel $0x180000  }
0x154: {  	[bflag:$0x0] =	sbarrier.arrive $0xFFFF  }
0x155: {  	_ =	strace $0x9000004A  }
0x156: {  	s0 =	stileid.u32;
	[bflag:$0x2] =	sbarrier.arrive $0xFFFF  }
0x157: {  	p0 =	sne.s32 s0, $0x0;
	s0 =	rddreg [dreg:$0x2]  }
0x158: {  	s0 =	sadd.s32 @!p0 $0x100000, s0  }
0x159: {  	[sflag:s0] =	ssyncadd.tile.s32 @!p0 $0x1;
	_ =	shalt  }
.Lfunc_end2:
_tile_overlayer_lowered:
.L_overlay_start_2:
0x15a: {  	(tag) =	ssettag $0x2  }
0x15b: {  	s0 =	rddreg [dreg:$0x0];
	s2 =	stileid.u32  }
0x15c: {  	s1 =	rddreg [dreg:$0x1];
	p0 =	sne.s32 s2, $0x0  }
0x15d: {  	s3 =	rddreg [dreg:$0x2];
	[bflag:$0x3] =	sbarrier.arrive $0xFFFF;
	s2 =	simm.s32 @!p0 $0x1C11  }
0x15e: {  	[timem:s3], [sflag:s2] =	dma.local @!p0 [hbm:s0], s1  }
0x15f: {  	s0 =	simm.s32 @!p0 $0x11  }
0x160: {  	_ =	swait.ge @!p0 [sflag:s0], s1  }
0x161: {  	s1 =	ssub.s32 @!p0 $0x0, s1;
	[sflag:s0] =	ssyncset.done @!p0 $0x0  }
0x162: {  	[sflag:s0] =	ssyncadd.s32 @!p0 s1  }
0x163: {  	[bflag:$0x3] =	sbarrier.arrive $0xFFFF  }
0x164: {  	_ =	shalt  }

// kernel: kernel.7.cloned.1.call-start
scs
__scs_entry_jumppad:
0x0: {  	(pc) =	sbr.rel $0x88, $3  }
0x1: {  	(tag) =	ssettag $0x0;
	lr =	simm.s32 $0x1  }
0x2: {  	[smem:$0x3F99] =	sst lr;
	_ =	strace $0xD0000000  }
0x3: {  	_ = 	snop  }
0x4: {  	_ = 	snop  }
0x5: {  	_ = 	snop  }
0x6: {  	_ = 	snop  }
0x7: {  	_ = 	snop  }
__scs_overlays_trampoline_lowered:
0x8: {  	[smem:$0x3FA8] =	sst s0  }
0x9: {  	[smem:$0x3FA9] =	sst s1  }
0xa: {  	[smem:$0x3FAA] =	sst s2  }
0xb: {  	[smem:$0x3FAB] =	sst s3  }
0xc: {  	[smem:$0x3FAC] =	sst s4  }
0xd: {  	[smem:$0x3FAD] =	sst s5  }
0xe: {  	[smem:$0x3FAE] =	sst s6  }
0xf: {  	[smem:$0x3FAF] =	sst s7  }
0x10: {  	[smem:$0x3FB0] =	sst s8  }
0x11: {  	[smem:$0x3FB1] =	sst s9;
	s0 =	simm.s32 @!p0 $0x0  }
0x12: {  	s1 =	sld [smem:$0x3F97];
	s0 =	simm.s32 @p0 $0x1  }
0x13: {  	[smem:$0x3FB2] =	sst s0;
	s0 =	simm.s32 @!p1 $0x0  }
0x14: {  	s2 =	sld [smem:$0x3F96];
	s0 =	simm.s32 @p1 $0x1  }
0x15: {  	[smem:$0x3FB3] =	sst s0;
	s0 =	simm.s32 @!p2 $0x0  }
0x16: {  	s3 =	sld [smem:$0x3FDB];
	s0 =	simm.s32 @p2 $0x1  }
0x17: {  	s4 =	simm.s32 $0x1BF5;
	[smem:$0x3FB5] =	sst s0  }
0x18: {  	s0 =	sld [smem:$0x3F98];
	_ =	swait.ge [sflag:s4], $0x0  }
0x19: {  	s7 =	sld [smem:$0x3F99]  }
0x1a: {  	s8 =	sadd.s32 $0xFFFFE003, lr  }
0x1b: {  	s9 =	sadd.s32 $0xFFFFFEF7, lr;
	s5 =	simm.s32 $0xFFFFFFFF;
	p2 =	slt.u32 s8, $0xFFFFF086  }
0x1c: {  	p1 =	slt.u32 s9, $0xF7A;
	s5 =	simm.s32 @!p2 $0x0  }
0x1d: {  	s5 =	simm.s32 @p1 $0x1;
	p0 =	seq.s32 s7, s2  }
0x1e: {  	s7 =	smul.u32 @!p0 $0xF7A, s2;
	p2 =	seq.s32 @!p0 s5, $0x0  }
0x1f: {  	s9 =	smul.u32 $0xF7A, s1;
	s8 =	simm.s32 @!p0 $0x1BF5;
	p2 =	por !p2, p0  }
0x20: {  	[sflag:s8] =	ssyncset.s32 @!p0 $0xFFFFF086;
	s6 =	sadd.s32 @!p0 s3, s7;
	s7 =	simm.s32 @!p0 $0x108  }
0x21: {  	s3 =	sadd.s32 s3, s9;
	s6 =	sadd.s32 @!p0 $0x88, s6;
	s7 =	simm.s32 @p2 $0x1082  }
0x22: {  	[simem:s7], [sflag:s8] =	dma.local @!p0 [hbm:s6], $0xF7A  }
0x23: {  	s9 =	sor.u32 $0xD0000000, s2;
	s6 =	simm.s32 $0x108;
	_ =	swait.ge @!p0 [sflag:s8], $0x0  }
0x24: {  	s3 =	sadd.s32 $0x88, s3;
	s6 =	simm.s32 @!p1 $0x1082;
	[sflag:s4] =	ssyncset.s32 $0xFFFFF086  }
0x25: {  	[simem:s6], [sflag:s4] =	dma.local [hbm:s3], $0xF7A  }
0x26: {  	[smem:$0x3F99] =	sst s1;
	(tag) =	ssettag s2;
	_ =	strace s9  }
0x27: {  	s1 =	sld [smem:$0x3FA9]  }
0x28: {  	s2 =	sld [smem:$0x3FAA]  }
0x29: {  	s4 =	sld [smem:$0x3FAC]  }
0x2a: {  	p0 =	seq.s32 s5, $0x0;
	s5 =	sld [smem:$0x3FAD]  }
0x2b: {  	s6 =	sld [smem:$0x3FAE]  }
0x2c: {  	s7 =	sld [smem:$0x3FAF]  }
0x2d: {  	s3 =	simm.s32 $0x108;
	s8 =	sld [smem:$0x3FB0]  }
0x2e: {  	s3 =	simm.s32 @!p0 $0x1082;
	s9 =	sld [smem:$0x3FB1]  }
0x2f: {  	lr =	sadd.s32 s0, s3;
	s0 =	sld [smem:$0x3FA8]  }
0x30: {  	s3 =	sld [smem:$0x3FAB]  }
0x31: {  	[smem:$0x3FB4] =	sst s10  }
0x32: {  	s10 =	sld [smem:$0x3FB2];
	_ =	sdelay $0x3  }
0x33: {  	p0 =	seq.s32 s10, $0x1;
	s10 =	sld [smem:$0x3FB4];
	_ =	sdelay $0x3  }
0x34: {  	[smem:$0x3FB4] =	sst s10  }
0x35: {  	s10 =	sld [smem:$0x3FB3];
	_ =	sdelay $0x3  }
0x36: {  	p1 =	seq.s32 s10, $0x1;
	s10 =	sld [smem:$0x3FB4];
	_ =	sdelay $0x3  }
0x37: {  	[smem:$0x3FB4] =	sst s10  }
0x38: {  	s10 =	sld [smem:$0x3FB5]  }
0x39: {  	_ = 	snop;
	(pc) =	sbr.ind lr, $3  }
0x3a: {  	_ = 	snop  }
0x3b: {  	_ = 	snop  }
0x3c: {  	p2 =	seq.s32 s10, $0x1;
	s10 =	sld [smem:$0x3FB4]  }
0x3d: {  	_ =	shalt  }
0x3e: {  	_ =	shalt  }
0x3f: {  	_ =	shalt  }
0x40: {  	_ =	shalt  }
0x41: {  	_ =	shalt  }
0x42: {  	_ =	shalt  }
0x43: {  	_ =	shalt  }
0x44: {  	_ =	shalt  }
0x45: {  	_ =	shalt  }
0x46: {  	_ =	shalt  }
0x47: {  	_ =	shalt  }
0x48: {  	_ =	shalt  }
0x49: {  	_ =	shalt  }
0x4a: {  	_ =	shalt  }
0x4b: {  	_ =	shalt  }
0x4c: {  	_ =	shalt  }
0x4d: {  	_ =	shalt  }
0x4e: {  	_ =	shalt  }
0x4f: {  	_ =	shalt  }
0x50: {  	_ =	shalt  }
0x51: {  	_ =	shalt  }
0x52: {  	_ =	shalt  }
0x53: {  	_ =	shalt  }
0x54: {  	_ =	shalt  }
0x55: {  	_ =	shalt  }
0x56: {  	_ =	shalt  }
0x57: {  	_ =	shalt  }
0x58: {  	_ =	shalt  }
0x59: {  	_ =	shalt  }
0x5a: {  	_ =	shalt  }
0x5b: {  	_ =	shalt  }
0x5c: {  	_ =	shalt  }
0x5d: {  	_ =	shalt  }
0x5e: {  	_ =	shalt  }
0x5f: {  	_ =	shalt  }
0x60: {  	_ =	shalt  }
0x61: {  	_ =	shalt  }
0x62: {  	_ =	shalt  }
0x63: {  	_ =	shalt  }
0x64: {  	_ =	shalt  }
0x65: {  	_ =	shalt  }
0x66: {  	_ =	shalt  }
0x67: {  	_ =	shalt  }
0x68: {  	_ =	shalt  }
0x69: {  	_ =	shalt  }
0x6a: {  	_ =	shalt  }
0x6b: {  	_ =	shalt  }
0x6c: {  	_ =	shalt  }
0x6d: {  	_ =	shalt  }
0x6e: {  	_ =	shalt  }
0x6f: {  	_ =	shalt  }
0x70: {  	_ =	shalt  }
0x71: {  	_ =	shalt  }
0x72: {  	_ =	shalt  }
0x73: {  	_ =	shalt  }
0x74: {  	_ =	shalt  }
0x75: {  	_ =	shalt  }
0x76: {  	_ =	shalt  }
0x77: {  	_ =	shalt  }
0x78: {  	_ =	shalt  }
0x79: {  	_ =	shalt  }
0x7a: {  	_ =	shalt  }
0x7b: {  	_ =	shalt  }
0x7c: {  	_ =	shalt  }
0x7d: {  	_ =	shalt  }
0x7e: {  	_ =	shalt  }
0x7f: {  	_ =	shalt  }
0x80: {  	_ =	shalt  }
0x81: {  	_ =	shalt  }
0x82: {  	_ =	shalt  }
0x83: {  	_ =	shalt  }
0x84: {  	_ =	shalt  }
0x85: {  	_ =	shalt  }
0x86: {  	_ =	shalt  }
0x87: {  	_ =	shalt  }
.Lfunc_end0:
.L_simem_size_0:
called_computation_lowered:
.L_overlay_start_0:
0x88: {  	s2 =	sld [smem:$0x3FD9]  }
0x89: {  	s3 =	sld [smem:$0x3FFE];
	_ =	sdelay $0x1  }
0x8a: {  	s1 =	srdreg.scid  }
0x8b: {  	s0 =	sand.u32 $0x1, s1  }
0x8c: {  	s17 =	sshll.u32 s0, $0xA;
	s2 =	sadd.s32 s3, s2  }
0x8d: {  	s2 =	sadd.s32 s2, s17  }
0x8e: {  	[smem:$0x3FC0] =	sst s2  }
0x8f: {  	_ = 	snop  }
0x90: {  	s2 =	sld [smem:$0x3FC8]  }
0x91: {  	s18 =	sld [smem:$0x3FD0];
	(tm) =	ssettm $0x1  }
0x92: {  	s4 =	sld [smem:$0x3FFB];
	_ =	sdelay $0x3  }
0x93: {  	_ =	strace s4  }
0x94: {  	s4 =	sld [smem:$0x3FFC];
	_ =	sdelay $0x3  }
0x95: {  	_ =	strace s4  }
0x96: {  	s4 =	sld [smem:$0x3FFD];
	_ =	sdelay $0x3  }
0x97: {  	_ =	strace s4  }
0x98: {  	_ =	strace $0x8FFFFFFF  }
0x99: {  	s19 =	sld [smem:$0x3FDB];
	_ =	sdelay $0x1  }
0x9a: {  	s5 =	simm.s32 $_scs_section_size  }
0x9b: {  	s6 =	simm.s32 $_size__tile_overlayer_lowered;
	s7 =	simm.s32 $_tile_overlayer_lowered  }
0x9c: {  	s22 =	simm.s32 $0x1BFF;
	s21 =	sshll.u32 s7, $0x1;
	s4 =	sadd.s32 s5, s19  }
0x9d: {  	s8 =	simm.s32 $0x0;
	s20 =	sshll.u32 s6, $0x1;
	s6 =	sadd.s32 s21, s4  }
0x9e: {  	[timem:s8], [sflag:s22] =	dma.local [hbm:s6], s20  }
0x9f: {  	_ =	swait.ge [sflag:s22], s20  }
0xa0: {  	s5 =	ssub.s32 $0x0, s20;
	[sflag:s22] =	ssyncset.done $0x0  }
0xa1: {  	[sflag:s22] =	ssyncadd.s32 s5;
	_ =	sdelay $0x1  }
0xa2: {  	s23 =	simm.s32 $0x1B8B  }
0xa3: {  	_ =	swait.ge [sflag:s23], $0x1  }
0xa4: {  	[sflag:s23] =	ssyncset.done $0x0  }
0xa5: {  	s25 =	simm.s32 $0x1B8E;
	s24 =	sld [smem:$0x3FFE];
	[sflag:s23] =	ssyncadd.s32 $0xFFFFFFFF  }
0xa6: {  	s26 =	simm.s32 $execute0_lowered;
	[smem:$0x3FD2] =	sst s25  }
0xa7: {  	s6 =	sshll.u32 s26, $0x1;
	_ =	strace $0x80000046;
	[dreg:$0x1] =	wrdreg $0xFFFFFFFF  }
0xa8: {  	s28 =	simm.s32 $_size_execute0_lowered;
	s4 =	sadd.s32 s4, s6;
	[dreg:$0x0] =	wrdreg $0x0  }
0xa9: {  	s6 =	sshll.u32 s28, $0x1;
	[dreg:$0x2] =	wrdreg s4  }
0xaa: {  	[dreg:$0x3] =	wrdreg s6  }
0xab: {  	[dreg:$0x4] =	wrdreg $0xC0  }
0xac: {  	_ =	task [dreg:s8], $0x5FFFF  }
0xad: {  	[dreg:$0x1] =	wrdreg $0xFFFFFFFF  }
0xae: {  	[dreg:$0x0] =	wrdreg $0x60  }
0xaf: {  	[dreg:$0x2] =	wrdreg s2  }
0xb0: {  	[dreg:$0x3] =	wrdreg s18  }
0xb1: {  	[dreg:$0x4] =	wrdreg s24  }
0xb2: {  	[dreg:$0x5] =	wrdreg $0xC800  }
0xb3: {  	[dreg:$0x6] =	wrdreg $0x9  }
0xb4: {  	_ =	task.clear_ibuf [dreg:s8], $0x7FFFF;
	_ =	strace $0x90000046  }
0xb5: {  	s29 =	simm.s32 $0x9;
	_ =	strace $0x80000048  }
0xb6: {  	_ =	swait.ge [sflag:s29], $0x1  }
0xb7: {  	[sflag:s29] =	ssyncadd.s32 $0xFFFFFFFF  }
0xb8: {  	_ =	strace $0x90000048  }
0xb9: {  	_ =	sfence  }
0xba: {  	s30 =	sld [smem:$0x0];
	_ =	sdelay $0x2  }
0xbb: {  	s31 =	sshll.u32 s1, $0xD;
	s1 =	sshrl.u32 s1, $0x2  }
0xbc: {  	s3 =	sand.u32 $0x4000, s31;
	s1 =	sadd.s32 s1, s30  }
0xbd: {  	s0 =	sor.u32 s3, s0;
	s1 =	sshll.u32 s1, $0x11  }
0xbe: {  	s0 =	sor.u32 s1, s0  }
0xbf: {  	s0 =	sadd.s32 $0x8F2B, s0  }
0xc0: {  	[sflag:s0] =	ssyncadd.remote.s32 $0x1  }
0xc1: {  	_ =	sfence.sel $0xFFFF  }
0xc2: {  	[dreg:$0x0] =	wrdreg $0xFFFFFFFF;
	(pc) =	sbr.abs _section_cstart, $3  }
0xc3: {  	[dreg:$0x1] =	wrdreg $0xFFFFFFFF  }
0xc4: {  	_ =	task.clear_ibuf [dreg:s8], $0x2FFFF;
	_ =	strace $0x9FFFFFFF  }
0xc5: {  	(tm) =	ssettm $0x7FFFFFFF  }
tec
execute0_lowered:
.L_overlay_start_1:
0x0: {  	(tag) =	ssettag $0x1  }
0x1: {  	s0 =	rddreg [dreg:$0x0]  }
0x2: {  	s1 =	srdreg.scid;
	s2 =	rddreg [dreg:$0x2]  }
0x3: {  	s10 =	stileid.u32;
	s3 =	rddreg [dreg:$0x3]  }
0x4: {  	s4 =	simm.s32 $0x0;
	s18 =	simm.s32 $0x13;
	s28 =	simm.s32 $0x10  }
0x5: {  	s29 =	simm.s32 $0x11;
	s30 =	simm.s32 $0x12;
	s31 =	simm.s32 $0x1  }
0x6: {  	s1 =	sand.u32 $0x1, s1;
	s5 =	smul.u32 $0x500, s10;
	[smem:$0x7FF] =	sst s4  }
0x7: {  	s7 =	smul.u32 $0xA00, s10;
	s26 =	sshll.u32 s10, $0x6;
	s11 =	sshll.u32 s10, $0x8  }
0x8: {  	s6 =	sshll.u32 s1, $0x7;
	_ =	strace $0x80000047;
	s23 =	sshll.u32 s1, $0x4  }
0x9: {  	s24 =	ssub.s32 $0x2, s1;
	s1 =	sshll.u32 s1, $0xC;
	s5 =	sor.u32 s6, s5  }
0xa: {  	s8 =	sor.u32 s10, s23;
	s9 =	sshrl.u32 s24, $0x1;
	s25 =	sshrl.u32 s7, $0x2  }
0xb: {  	s6 =	simm.s32 $0x4E;
	s7 =	sor.u32 $0x1C13, s26;
	s1 =	sor.u32 s11, s1  }
0xc: {  	s26 =	simm.s32 $0xF;
	s5 =	sshrl.u32 s5, $0x3;
	p0 =	slt.u32 s8, $0x4  }
0xd: {  	s15 =	ssub.s32 s24, s9;
	s16 =	sadd.s32 s25, s3;
	s8 =	sshll.u32 s8, $0x5  }
0xe: {  	s1 =	sor.u32 $0xC000, s1;
	s24 =	simm.s32 $0xD;
	s25 =	simm.s32 $0xE  }
0xf: {  	s2 =	sadd.s32 s5, s2;
	s5 =	simm.s32 $0x4F;
	s6 =	simm.s32 @!p0 $0x4D  }
.Ltmp0:
0x10: {  	s8 =	sadd.s32 s0, s8;
	s1 =	sshrl.u32 s1, $0x3;
	(pc) =	sbr.rel .LBB2_1-.Ltmp0, $4  }
0x11: {  	s15 =	smax.u32 s15, $0x1;
	s17 =	sshrl.u32 s16, $0x3;
	s5 =	simm.s32 @!p0 $0x4E  }
0x12: {  	s9 =	sadd.s32 $0x400, s8;
	s10 =	sadd.s32 $0x800, s8;
	s11 =	sadd.s32 $0xC00, s8  }
0x13: {  	s12 =	sadd.s32 $0x1000, s8;
	s13 =	sadd.s32 $0x1400, s8;
	s14 =	sadd.s32 $0x2400, s2  }
0x14: {  	v0 =	vimm.f32 $1.000000000e+00;
	s1 =	sadd.s32 s1, s0;
	s2 =	simm.s32 $0x20;
	s0 =	simm.s32 $0x0  }
.LBB2_10:
0x15: {  	_ =	swait.ge [sflag:s24], $0x80  }
0x16: {  	[sflag:s24] =	ssyncset.done $0x0  }
0x17: {  	[sflag:s24] =	ssyncadd.s32 $0xFFFFFF80  }
0x18: {  	_ =	swait.ge [sflag:s25], $0x80  }
0x19: {  	[sflag:s25] =	ssyncset.done $0x0  }
0x1a: {  	[sflag:s25] =	ssyncadd.s32 $0xFFFFFF80  }
0x1b: {  	_ =	swait.ge [sflag:s26], $0x80  }
0x1c: {  	[sflag:s26] =	ssyncset.done $0x0  }
0x1d: {  	[sflag:s26] =	ssyncadd.s32 $0xFFFFFF80  }
0x1e: {  	_ =	swait.ge [sflag:s28], $0x80  }
0x1f: {  	[sflag:s28] =	ssyncset.done $0x0  }
0x20: {  	[sflag:s28] =	ssyncadd.s32 $0xFFFFFF80  }
0x21: {  	_ =	swait.ge [sflag:s29], $0x80  }
0x22: {  	[sflag:s29] =	ssyncset.done $0x0  }
0x23: {  	[sflag:s29] =	ssyncadd.s32 $0xFFFFFF80  }
0x24: {  	_ =	swait.ge [sflag:s30], $0x80  }
0x25: {  	s0 =	sadd.s32 $0x1, s0;
	[sflag:s30] =	ssyncset.done $0x0  }
0x26: {  	p0 =	sne.s32 s0, s15;
	[sflag:s30] =	ssyncadd.s32 $0xFFFFFF80  }
.Ltmp1:
0x27: {  	[bflag:$0x0] =	sbarrier.arrive $0xFFFF;
	(pc) =	sbr.rel @!p0 .LBB2_11-.Ltmp1, $4  }
0x28: {  	[hbm:s14@s2], [sflag:s7] =	dma.strided [spmem:s17@s28], $0x50, s31, $0x10   }
0x29: {  	_ =	swait.ge [sflag:s18], $0x50  }
0x2a: {  	[sflag:s18] =	ssyncset.done $0x0  }
0x2b: {  	[sflag:s18] =	ssyncadd.s32 $0xFFFFFFB0  }
.LBB2_1:
0x2c: {  	s16 =	rddreg [dreg:$0x1]  }
0x2d: {  	[spmem:s17], [sflag:s7] =	dma.local [hbm:s16], $0x50  }
0x2e: {  	_ =	swait.ge [sflag:s18], $0x50  }
0x2f: {  	[sflag:s18] =	ssyncset.done $0x0  }
0x30: {  	[sflag:s18] =	ssyncadd.s32 $0xFFFFFFB0  }
0x31: {  	[tilespmem:$0xC00] =	vst v0  }
0x32: {  	[tilespmem:$0xC10] =	vst v0  }
0x33: {  	[tilespmem:$0xC20] =	vst v0  }
0x34: {  	[tilespmem:$0xC30] =	vst v0  }
0x35: {  	[tilespmem:$0xC40] =	vst v0  }
0x36: {  	[tilespmem:$0xC50] =	vst v0  }
0x37: {  	[tilespmem:$0xC60] =	vst v0  }
0x38: {  	[tilespmem:$0xC70] =	vst v0  }
0x39: {  	[bflag:$0x0] =	sbarrier.arrive $0xFFFF  }
0x3a: {  	[tilespmem:s4], [sflag:$0x1] =	stream.linear.gather [hbm4b:s8+s4], $0x100, $0x38;
	[tilespmem:$0xF00] =	vst v63  }
0x3b: {  	s19 =	simm.s32 $0x100  }
0x3c: {  	[tilespmem:s19], [sflag:$0x2] =	stream.linear.gather [hbm4b:s9+s4], $0x100, $0x38;
	[tilespmem:$0xF00] =	vst v63  }
0x3d: {  	s20 =	simm.s32 $0x200  }
0x3e: {  	[tilespmem:s20], [sflag:$0x3] =	stream.linear.gather [hbm4b:s10+s4], $0x100, $0x38;
	[tilespmem:$0xF00] =	vst v63  }
0x3f: {  	s21 =	simm.s32 $0x300  }
0x40: {  	[tilespmem:s21], [sflag:$0x4] =	stream.linear.gather [hbm4b:s11+s4], $0x100, $0x38;
	[tilespmem:$0xF00] =	vst v63  }
.Ltmp2:
0x41: {  	_ = 	snop;
	(pc) =	sbr.rel .LBB2_2-.Ltmp2, $4  }
0x42: {  	s22 =	simm.s32 $0x400  }
0x43: {  	[tilespmem:s22], [sflag:$0x5] =	stream.linear.gather [hbm4b:s12+s4], $0x100, $0x38;
	[tilespmem:$0xF00] =	vst v63  }
0x44: {  	s23 =	simm.s32 $0x500;
	s16 =	smov.u32 s1;
	s19 =	simm.s32 $0x0  }
0x45: {  	[tilespmem:s23], [sflag:$0x6] =	stream.linear.gather [hbm4b:s13+s4], $0x100, $0x38;
	[tilespmem:$0xF00] =	vst v63  }
.LBB2_8:
0x46: {  	p0 =	seq.s32 s20, $0x9  }
0x47: {  	s21 =	simm.s32 @p0 $0x10;
	s22 =	sadd.s32 @p0 $0x6, s19  }
0x48: {  	_ =	swait.ge @p0 [sflag:s21], $0x80;
	p1 =	sgt.u32 @p0 s22, s6  }
0x49: {  	[sflag:s21] =	ssyncset.done @p0 $0x0;
	p1 =	por p1, !p0  }
0x4a: {  	[sflag:s21] =	ssyncadd.s32 @p0 $0xFFFFFF80;
	s21 =	simm.s32 @!p1 $0x0;
	s22 =	simm.s32 @!p1 $0x300  }
0x4b: {  	[tilespmem:s22], [sflag:$0x4] =	stream.linear.gather @!p1 [hbm4b:s16+s21], $0x100, $0x38;
	[tilespmem:$0xF00] =	vst v63  }
0x4c: {  	s21 =	simm.s32 @p0 $0xA  }
0x4d: {  	s23 =	simm.s32 @p0 $0xC00;
	p1 =	seq.s32 @!p0 s20, $0xA;
	_ =	swait.ge @p0 [sflag:s21], $0x100  }
0x4e: {  	s22 =	simm.s32 @p0 $0x980;
	p2 =	por !p1, p0;
	[sflag:s21] =	ssyncset.done @p0 $0x0  }
0x4f: {  	s20 =	sadd.s32 @!p2 $0x6, s19;
	[sflag:s21] =	ssyncadd.s32 @p0 $0xFFFFFF00;
	s21 =	simm.s32 @p0 $0x80  }
0x50: {  	[spmem:s3] =	stream.indirect.scatter.add.f32 @p0 [tilespmem:s23], [sflag:$0x10], $0x1, s22, s21, $0xb8;
	[tilespmem:$0xF00] =	vst v63  }
0x51: {  	p3 =	sgt.u32 @!p2 s20, s6;
	s21 =	simm.s32 @!p2 $0x11  }
0x52: {  	p3 =	por @!p0 p3, !p1;
	_ =	swait.ge @!p2 [sflag:s21], $0x80  }
0x53: {  	p3 =	por p3, p0;
	[sflag:s21] =	ssyncset.done @!p2 $0x0  }
0x54: {  	s20 =	simm.s32 @!p3 $0x0;
	[sflag:s21] =	ssyncadd.s32 @!p2 $0xFFFFFF80;
	s21 =	simm.s32 @!p3 $0x400  }
0x55: {  	[tilespmem:s21], [sflag:$0x5] =	stream.linear.gather @!p3 [hbm4b:s16+s20], $0x100, $0x38;
	[tilespmem:$0xF00] =	vst v63  }
0x56: {  	s20 =	simm.s32 @!p2 $0xB  }
0x57: {  	_ =	swait.ge @!p2 [sflag:s20], $0x100  }
0x58: {  	s22 =	simm.s32 @!p2 $0xC00;
	[sflag:s20] =	ssyncset.done @!p2 $0x0  }
0x59: {  	s21 =	simm.s32 @!p2 $0xA80;
	[sflag:s20] =	ssyncadd.s32 @!p2 $0xFFFFFF00;
	s20 =	simm.s32 @!p2 $0x80  }
0x5a: {  	[spmem:s3] =	stream.indirect.scatter.add.f32 @!p2 [tilespmem:s22], [sflag:$0x11], $0x1, s21, s20, $0xb8;
	[tilespmem:$0xF00] =	vst v63  }
0x5b: {  	p2 =	por p1, p0  }
0x5c: {  	s20 =	sadd.s32 @!p2 $0x6, s19  }
0x5d: {  	s21 =	simm.s32 @!p2 $0x12;
	p3 =	sgt.u32 @!p2 s20, s6  }
0x5e: {  	_ =	swait.ge @!p2 [sflag:s21], $0x80;
	p1 =	por @!p0 p3, p1  }
0x5f: {  	[sflag:s21] =	ssyncset.done @!p2 $0x0;
	p0 =	por p1, p0  }
0x60: {  	[sflag:s21] =	ssyncadd.s32 @!p2 $0xFFFFFF80;
	s20 =	simm.s32 @!p0 $0x0;
	s21 =	simm.s32 @!p0 $0x500  }
0x61: {  	[tilespmem:s21], [sflag:$0x6] =	stream.linear.gather @!p0 [hbm4b:s16+s20], $0x100, $0x38;
	[tilespmem:$0xF00] =	vst v63  }
0x62: {  	s20 =	simm.s32 @!p2 $0xC  }
0x63: {  	_ =	swait.ge @!p2 [sflag:s20], $0x100  }
0x64: {  	s22 =	simm.s32 @!p2 $0xC00;
	[sflag:s20] =	ssyncset.done @!p2 $0x0  }
0x65: {  	s21 =	simm.s32 @!p2 $0xB80;
	[sflag:s20] =	ssyncadd.s32 @!p2 $0xFFFFFF00;
	s20 =	simm.s32 @!p2 $0x80  }
0x66: {  	[spmem:s3] =	stream.indirect.scatter.add.f32 @!p2 [tilespmem:s22], [sflag:$0x12], $0x1, s21, s20, $0xb8;
	[tilespmem:$0xF00] =	vst v63  }
.LBB2_9:
0x67: {  	s19 =	sadd.s32 $0x1, s19  }
0x68: {  	p0 =	sne.s32 s5, s19  }
.Ltmp3:
0x69: {  	_ = 	snop;
	(pc) =	sbr.rel @!p0 .LBB2_10-.Ltmp3, $2  }
0x6a: {  	_ =	sdelay $0x2  }
0x6b: {  	s16 =	sadd.s32 $0x400, s16  }
.LBB2_2:
0x6c: {  	s20 =	smulhi.u32 $0xAAAAAAAB, s19;
	_ =	sdelay $0x1  }
0x6d: {  	s20 =	sshrl.u32 s20, $0x3  }
0x6e: {  	s20 =	smul.u32 $0xFFFFFFF4, s20;
	_ =	sdelay $0x1  }
0x6f: {  	s20 =	sadd.s32 s20, s19  }
0x70: {  	p0 =	sgt.s32 s20, $0x5  }
.Ltmp4:
0x71: {  	_ = 	snop;
	(pc) =	sbr.rel @p0 .LBB2_6-.Ltmp4, $1  }
0x72: {  	_ =	sdelay $0x3  }
0x73: {  	p0 =	sgt.s32 s20, $0x2  }
.Ltmp5:
0x74: {  	_ = 	snop;
	(pc) =	sbr.rel @p0 .LBB2_5-.Ltmp5, $1  }
0x75: {  	_ =	sdelay $0x3  }
0x76: {  	p0 =	seq.s32 s20, $0x0  }
0x77: {  	p1 =	slt.u32 @p0 s19, $0x6  }
0x78: {  	s22 =	sadd.s32 @p0 $0x6, s19;
	p1 =	por p1, !p0  }
0x79: {  	p2 =	sgt.u32 @p0 s22, s6;
	s21 =	simm.s32 @!p1 $0xD  }
0x7a: {  	p2 =	por p2, !p0;
	_ =	swait.ge @!p1 [sflag:s21], $0x80  }
0x7b: {  	s22 =	simm.s32 @!p2 $0x600;
	[sflag:s21] =	ssyncset.done @!p1 $0x0  }
0x7c: {  	[sflag:s21] =	ssyncadd.s32 @!p1 $0xFFFFFF80;
	s21 =	simm.s32 @!p2 $0x0;
	p1 =	seq.s32 @!p0 s20, $0x1  }
0x7d: {  	[tilespmem:s22], [sflag:$0x7] =	stream.linear.gather @!p2 [hbm4b:s16+s21], $0x100, $0x38;
	[tilespmem:$0xF00] =	vst v63  }
0x7e: {  	s21 =	simm.s32 @p0 $0x1;
	p2 =	por !p1, p0  }
0x7f: {  	s22 =	simm.s32 @p0 $0xC00;
	_ =	swait.ge @p0 [sflag:s21], $0x100;
	p3 =	slt.u32 @!p2 s19, $0x6  }
0x80: {  	s20 =	sadd.s32 @!p2 $0x6, s19;
	[sflag:s21] =	ssyncset.done @p0 $0x0;
	p3 =	por @!p0 p3, !p1  }
0x81: {  	[sflag:s21] =	ssyncadd.s32 @p0 $0xFFFFFF00;
	s21 =	simm.s32 @p0 $0x80;
	p3 =	por p3, p0  }
0x82: {  	[spmem:s3] =	stream.indirect.scatter.add.f32 @p0 [tilespmem:s22], [sflag:$0xD], $0x1, s21, s21, $0xb8;
	[tilespmem:$0xF00] =	vst v63  }
0x83: {  	p4 =	sgt.u32 @!p2 s20, s6;
	s21 =	simm.s32 @!p3 $0xE  }
0x84: {  	p4 =	por @!p0 p4, !p1;
	_ =	swait.ge @!p3 [sflag:s21], $0x80  }
0x85: {  	p4 =	por p4, p0;
	[sflag:s21] =	ssyncset.done @!p3 $0x0  }
0x86: {  	s20 =	simm.s32 @!p4 $0x0;
	[sflag:s21] =	ssyncadd.s32 @!p3 $0xFFFFFF80;
	s21 =	simm.s32 @!p4 $0x700  }
0x87: {  	[tilespmem:s21], [sflag:$0x8] =	stream.linear.gather @!p4 [hbm4b:s16+s20], $0x100, $0x38;
	[tilespmem:$0xF00] =	vst v63  }
0x88: {  	s20 =	simm.s32 @!p2 $0x2  }
0x89: {  	_ =	swait.ge @!p2 [sflag:s20], $0x100  }
0x8a: {  	s22 =	simm.s32 @!p2 $0xC00;
	[sflag:s20] =	ssyncset.done @!p2 $0x0  }
0x8b: {  	s21 =	simm.s32 @!p2 $0x180;
	[sflag:s20] =	ssyncadd.s32 @!p2 $0xFFFFFF00;
	s20 =	simm.s32 @!p2 $0x80  }
0x8c: {  	[spmem:s3] =	stream.indirect.scatter.add.f32 @!p2 [tilespmem:s22], [sflag:$0xE], $0x1, s21, s20, $0xb8;
	[tilespmem:$0xF00] =	vst v63  }
0x8d: {  	p2 =	por p1, p0  }
0x8e: {  	p3 =	slt.u32 @!p2 s19, $0x6  }
0x8f: {  	p3 =	por @!p0 p3, p1  }
0x90: {  	s20 =	sadd.s32 @!p2 $0x6, s19;
	p3 =	por p3, p0  }
0x91: {  	p4 =	sgt.u32 @!p2 s20, s6;
	s21 =	simm.s32 @!p3 $0xF  }
0x92: {  	p1 =	por @!p0 p4, p1;
	_ =	swait.ge @!p3 [sflag:s21], $0x80  }
0x93: {  	p0 =	por p1, p0;
	[sflag:s21] =	ssyncset.done @!p3 $0x0  }
0x94: {  	s20 =	simm.s32 @!p0 $0x0;
	[sflag:s21] =	ssyncadd.s32 @!p3 $0xFFFFFF80;
	s21 =	simm.s32 @!p0 $0x800  }
0x95: {  	[tilespmem:s21], [sflag:$0x9] =	stream.linear.gather @!p0 [hbm4b:s16+s20], $0x100, $0x38;
	[tilespmem:$0xF00] =	vst v63  }
.Ltmp6:
0x96: {  	s20 =	simm.s32 @!p2 $0x3;
	(pc) =	sbr.rel .LBB2_9-.Ltmp6, $4  }
0x97: {  	_ =	swait.ge @!p2 [sflag:s20], $0x100  }
0x98: {  	s22 =	simm.s32 @!p2 $0xC00;
	[sflag:s20] =	ssyncset.done @!p2 $0x0  }
0x99: {  	s21 =	simm.s32 @!p2 $0x280;
	[sflag:s20] =	ssyncadd.s32 @!p2 $0xFFFFFF00;
	s20 =	simm.s32 @!p2 $0x80  }
0x9a: {  	[spmem:s3] =	stream.indirect.scatter.add.f32 @!p2 [tilespmem:s22], [sflag:$0xF], $0x1, s21, s20, $0xb8;
	[tilespmem:$0xF00] =	vst v63  }
.LBB2_6:
0x9b: {  	p0 =	sgt.s32 s20, $0x8  }
.Ltmp7:
0x9c: {  	_ = 	snop;
	(pc) =	sbr.rel @p0 .LBB2_8-.Ltmp7, $1  }
0x9d: {  	_ =	sdelay $0x3  }
0x9e: {  	p0 =	seq.s32 s20, $0x6  }
0x9f: {  	s21 =	simm.s32 @p0 $0xD;
	s22 =	sadd.s32 @p0 $0x6, s19  }
0xa0: {  	_ =	swait.ge @p0 [sflag:s21], $0x80;
	p1 =	sgt.u32 @p0 s22, s6  }
0xa1: {  	[sflag:s21] =	ssyncset.done @p0 $0x0;
	p1 =	por p1, !p0  }
0xa2: {  	[sflag:s21] =	ssyncadd.s32 @p0 $0xFFFFFF80;
	s21 =	simm.s32 @!p1 $0x0  }
0xa3: {  	[tilespmem:s21], [sflag:$0x1] =	stream.linear.gather @!p1 [hbm4b:s16+s21], $0x100, $0x38;
	[tilespmem:$0xF00] =	vst v63  }
0xa4: {  	s21 =	simm.s32 @p0 $0x7  }
0xa5: {  	s23 =	simm.s32 @p0 $0xC00;
	p1 =	seq.s32 @!p0 s20, $0x7;
	_ =	swait.ge @p0 [sflag:s21], $0x100  }
0xa6: {  	s22 =	simm.s32 @p0 $0x680;
	p2 =	por !p1, p0;
	[sflag:s21] =	ssyncset.done @p0 $0x0  }
0xa7: {  	s20 =	sadd.s32 @!p2 $0x6, s19;
	[sflag:s21] =	ssyncadd.s32 @p0 $0xFFFFFF00;
	s21 =	simm.s32 @p0 $0x80  }
0xa8: {  	[spmem:s3] =	stream.indirect.scatter.add.f32 @p0 [tilespmem:s23], [sflag:$0xD], $0x1, s22, s21, $0xb8;
	[tilespmem:$0xF00] =	vst v63  }
0xa9: {  	p3 =	sgt.u32 @!p2 s20, s6;
	s21 =	simm.s32 @!p2 $0xE  }
0xaa: {  	p3 =	por @!p0 p3, !p1;
	_ =	swait.ge @!p2 [sflag:s21], $0x80  }
0xab: {  	p3 =	por p3, p0;
	[sflag:s21] =	ssyncset.done @!p2 $0x0  }
0xac: {  	s20 =	simm.s32 @!p3 $0x0;
	[sflag:s21] =	ssyncadd.s32 @!p2 $0xFFFFFF80;
	s21 =	simm.s32 @!p3 $0x100  }
0xad: {  	[tilespmem:s21], [sflag:$0x2] =	stream.linear.gather @!p3 [hbm4b:s16+s20], $0x100, $0x38;
	[tilespmem:$0xF00] =	vst v63  }
0xae: {  	s20 =	simm.s32 @!p2 $0x8  }
0xaf: {  	_ =	swait.ge @!p2 [sflag:s20], $0x100  }
0xb0: {  	s22 =	simm.s32 @!p2 $0xC00;
	[sflag:s20] =	ssyncset.done @!p2 $0x0  }
0xb1: {  	s21 =	simm.s32 @!p2 $0x780;
	[sflag:s20] =	ssyncadd.s32 @!p2 $0xFFFFFF00;
	s20 =	simm.s32 @!p2 $0x80  }
0xb2: {  	[spmem:s3] =	stream.indirect.scatter.add.f32 @!p2 [tilespmem:s22], [sflag:$0xE], $0x1, s21, s20, $0xb8;
	[tilespmem:$0xF00] =	vst v63  }
0xb3: {  	p2 =	por p1, p0  }
0xb4: {  	s20 =	sadd.s32 @!p2 $0x6, s19  }
0xb5: {  	s21 =	simm.s32 @!p2 $0xF;
	p3 =	sgt.u32 @!p2 s20, s6  }
0xb6: {  	_ =	swait.ge @!p2 [sflag:s21], $0x80;
	p1 =	por @!p0 p3, p1  }
0xb7: {  	[sflag:s21] =	ssyncset.done @!p2 $0x0;
	p0 =	por p1, p0  }
0xb8: {  	[sflag:s21] =	ssyncadd.s32 @!p2 $0xFFFFFF80;
	s20 =	simm.s32 @!p0 $0x0;
	s21 =	simm.s32 @!p0 $0x200  }
0xb9: {  	[tilespmem:s21], [sflag:$0x3] =	stream.linear.gather @!p0 [hbm4b:s16+s20], $0x100, $0x38;
	[tilespmem:$0xF00] =	vst v63  }
.Ltmp8:
0xba: {  	s20 =	simm.s32 @!p2 $0x9;
	(pc) =	sbr.rel .LBB2_9-.Ltmp8, $4  }
0xbb: {  	_ =	swait.ge @!p2 [sflag:s20], $0x100  }
0xbc: {  	s22 =	simm.s32 @!p2 $0xC00;
	[sflag:s20] =	ssyncset.done @!p2 $0x0  }
0xbd: {  	s21 =	simm.s32 @!p2 $0x880;
	[sflag:s20] =	ssyncadd.s32 @!p2 $0xFFFFFF00;
	s20 =	simm.s32 @!p2 $0x80  }
0xbe: {  	[spmem:s3] =	stream.indirect.scatter.add.f32 @!p2 [tilespmem:s22], [sflag:$0xF], $0x1, s21, s20, $0xb8;
	[tilespmem:$0xF00] =	vst v63  }
.LBB2_5:
0xbf: {  	p0 =	seq.s32 s20, $0x3  }
0xc0: {  	p1 =	slt.u32 @p0 s19, $0x6  }
0xc1: {  	s22 =	sadd.s32 @p0 $0x6, s19;
	p1 =	por p1, !p0  }
0xc2: {  	p2 =	sgt.u32 @p0 s22, s6;
	s21 =	simm.s32 @!p1 $0x10  }
0xc3: {  	p2 =	por p2, !p0;
	_ =	swait.ge @!p1 [sflag:s21], $0x80  }
0xc4: {  	s22 =	simm.s32 @!p2 $0x900;
	[sflag:s21] =	ssyncset.done @!p1 $0x0  }
0xc5: {  	[sflag:s21] =	ssyncadd.s32 @!p1 $0xFFFFFF80;
	s21 =	simm.s32 @!p2 $0x0;
	p1 =	seq.s32 @!p0 s20, $0x4  }
0xc6: {  	[tilespmem:s22], [sflag:$0xA] =	stream.linear.gather @!p2 [hbm4b:s16+s21], $0x100, $0x38;
	[tilespmem:$0xF00] =	vst v63  }
0xc7: {  	s23 =	simm.s32 @p0 $0xC00;
	s21 =	simm.s32 @p0 $0x4;
	p2 =	por !p1, p0  }
0xc8: {  	s22 =	simm.s32 @p0 $0x380;
	_ =	swait.ge @p0 [sflag:s21], $0x100;
	p3 =	slt.u32 @!p2 s19, $0x6  }
0xc9: {  	s20 =	sadd.s32 @!p2 $0x6, s19;
	[sflag:s21] =	ssyncset.done @p0 $0x0;
	p3 =	por @!p0 p3, !p1  }
0xca: {  	[sflag:s21] =	ssyncadd.s32 @p0 $0xFFFFFF00;
	s21 =	simm.s32 @p0 $0x80;
	p3 =	por p3, p0  }
0xcb: {  	[spmem:s3] =	stream.indirect.scatter.add.f32 @p0 [tilespmem:s23], [sflag:$0x10], $0x1, s22, s21, $0xb8;
	[tilespmem:$0xF00] =	vst v63  }
0xcc: {  	p4 =	sgt.u32 @!p2 s20, s6;
	s21 =	simm.s32 @!p3 $0x11  }
0xcd: {  	p4 =	por @!p0 p4, !p1;
	_ =	swait.ge @!p3 [sflag:s21], $0x80  }
0xce: {  	p4 =	por p4, p0;
	[sflag:s21] =	ssyncset.done @!p3 $0x0  }
0xcf: {  	s20 =	simm.s32 @!p4 $0x0;
	[sflag:s21] =	ssyncadd.s32 @!p3 $0xFFFFFF80;
	s21 =	simm.s32 @!p4 $0xA00  }
0xd0: {  	[tilespmem:s21], [sflag:$0xB] =	stream.linear.gather @!p4 [hbm4b:s16+s20], $0x100, $0x38;
	[tilespmem:$0xF00] =	vst v63  }
0xd1: {  	s20 =	simm.s32 @!p2 $0x5  }
0xd2: {  	_ =	swait.ge @!p2 [sflag:s20], $0x100  }
0xd3: {  	s22 =	simm.s32 @!p2 $0xC00;
	[sflag:s20] =	ssyncset.done @!p2 $0x0  }
0xd4: {  	s21 =	simm.s32 @!p2 $0x480;
	[sflag:s20] =	ssyncadd.s32 @!p2 $0xFFFFFF00;
	s20 =	simm.s32 @!p2 $0x80  }
0xd5: {  	[spmem:s3] =	stream.indirect.scatter.add.f32 @!p2 [tilespmem:s22], [sflag:$0x11], $0x1, s21, s20, $0xb8;
	[tilespmem:$0xF00] =	vst v63  }
0xd6: {  	p2 =	por p1, p0  }
0xd7: {  	p3 =	slt.u32 @!p2 s19, $0x6  }
0xd8: {  	p3 =	por @!p0 p3, p1  }
0xd9: {  	s20 =	sadd.s32 @!p2 $0x6, s19;
	p3 =	por p3, p0  }
0xda: {  	p4 =	sgt.u32 @!p2 s20, s6;
	s21 =	simm.s32 @!p3 $0x12  }
0xdb: {  	p1 =	por @!p0 p4, p1;
	_ =	swait.ge @!p3 [sflag:s21], $0x80  }
0xdc: {  	p0 =	por p1, p0;
	[sflag:s21] =	ssyncset.done @!p3 $0x0  }
0xdd: {  	s20 =	simm.s32 @!p0 $0x0;
	[sflag:s21] =	ssyncadd.s32 @!p3 $0xFFFFFF80;
	s21 =	simm.s32 @!p0 $0xB00  }
0xde: {  	[tilespmem:s21], [sflag:$0xC] =	stream.linear.gather @!p0 [hbm4b:s16+s20], $0x100, $0x38;
	[tilespmem:$0xF00] =	vst v63  }
.Ltmp9:
0xdf: {  	s20 =	simm.s32 @!p2 $0x6;
	(pc) =	sbr.rel .LBB2_9-.Ltmp9, $4  }
0xe0: {  	_ =	swait.ge @!p2 [sflag:s20], $0x100  }
0xe1: {  	s22 =	simm.s32 @!p2 $0xC00;
	[sflag:s20] =	ssyncset.done @!p2 $0x0  }
0xe2: {  	s21 =	simm.s32 @!p2 $0x580;
	[sflag:s20] =	ssyncadd.s32 @!p2 $0xFFFFFF00;
	s20 =	simm.s32 @!p2 $0x80  }
0xe3: {  	[spmem:s3] =	stream.indirect.scatter.add.f32 @!p2 [tilespmem:s22], [sflag:$0x12], $0x1, s21, s20, $0xb8;
	[tilespmem:$0xF00] =	vst v63  }
.LBB2_11:
0xe4: {  	_ =	sfence.sel $0x180000  }
0xe5: {  	[bflag:$0x0] =	sbarrier.arrive $0xFFFF  }
0xe6: {  	_ =	strace $0x90000047  }
0xe7: {  	s0 =	stileid.u32;
	[bflag:$0x2] =	sbarrier.arrive $0xFFFF  }
0xe8: {  	p0 =	sne.s32 s0, $0x0;
	s0 =	rddreg [dreg:$0x4]  }
0xe9: {  	s0 =	sadd.s32 @!p0 $0x100000, s0  }
0xea: {  	[sflag:s0] =	ssyncadd.tile.s32 @!p0 $0x1;
	_ =	shalt  }
.Lfunc_end2:
_tile_overlayer_lowered:
.L_overlay_start_2:
0xeb: {  	(tag) =	ssettag $0x2  }
0xec: {  	s0 =	rddreg [dreg:$0x0];
	s2 =	stileid.u32  }
0xed: {  	s1 =	rddreg [dreg:$0x1];
	p0 =	sne.s32 s2, $0x0  }
0xee: {  	s3 =	rddreg [dreg:$0x2];
	[bflag:$0x3] =	sbarrier.arrive $0xFFFF;
	s2 =	simm.s32 @!p0 $0x1C13  }
0xef: {  	[timem:s3], [sflag:s2] =	dma.local @!p0 [hbm:s0], s1  }
0xf0: {  	s0 =	simm.s32 @!p0 $0x13  }
0xf1: {  	_ =	swait.ge @!p0 [sflag:s0], s1  }
0xf2: {  	s1 =	ssub.s32 @!p0 $0x0, s1;
	[sflag:s0] =	ssyncset.done @!p0 $0x0  }
0xf3: {  	[sflag:s0] =	ssyncadd.s32 @!p0 s1  }
0xf4: {  	[bflag:$0x3] =	sbarrier.arrive $0xFFFF  }
0xf5: {  	_ =	shalt  }

</sc_bundles>
